<compile_context>
chip_gen: v7x
topology: tpu7x:2x2x1
jax: 0.10.2.dev20260603
libtpu: 0.0.44.dev20260713+nightly
codegen_flags: <defaults>
</compile_context>

<pallas_src>
import functools

import jax
import jax.numpy as jnp
from jax import lax
from jax.experimental import pallas as pl
from jax.experimental.pallas import tpu as pltpu
from jax.experimental.pallas import tpu_sc as plsc

_B = 16384
_F = 26
_V = 100000
_D = 64
_H1 = 256
_H2 = 128

_NC = 2
_NS = 16
_NW = _NC * _NS
_RPW = _B // _NW
_CB = 16
_MB = 128
_NMACRO = _RPW // _MB
_NMICRO = _MB // _CB
_OB = 64
_LANES = 16
_DV = _D // _LANES


def _sc_bi_interaction(xt, tables):
    mesh = plsc.VectorSubcoreMesh(core_axis_name="c", subcore_axis_name="s")

    @functools.partial(
        pl.kernel,
        out_type=jax.ShapeDtypeStruct((_B, _D), jnp.float32),
        mesh=mesh,
        compiler_params=pltpu.CompilerParams(use_tc_tiling_on_sc=True),
        scratch_types=[
            pltpu.VMEM((_F, _MB), jnp.int32),
            pltpu.VMEM((2, _F * _CB, _D), jnp.float32),
            pltpu.VMEM((_OB, _D), jnp.float32),
            pltpu.SemaphoreType.DMA,
        ],
    )
    def body(xt_hbm, tab_hbm, bi_hbm, idx_v, rows_v, bi_v, sem):
        wid = lax.axis_index("s") * _NC + lax.axis_index("c")
        row0 = wid * _RPW

        def issue(bb, mm):
            def issue_field(f, carry):
                ivec = idx_v[f, pl.ds(mm * _CB, _LANES)]
                for k in range(_LANES):
                    v = pl.multiple_of(ivec[k], 8)
                    pltpu.async_copy(
                        tab_hbm.at[v],
                        rows_v.at[bb, f * _CB + k],
                        sem,
                    )
                return carry

            lax.fori_loop(0, _F, issue_field, 0)

        def macro_body(g, carry):
            m0 = row0 + g * _MB
            pltpu.sync_copy(xt_hbm.at[:, pl.ds(m0, _MB)], idx_v)
            issue(0, 0)

            def micro_body(m, carry1):
                bb = m & 1
                pltpu.make_async_copy(
                    tab_hbm.at[pl.ds(0, _F * _CB)], rows_v.at[bb], sem
                ).wait()

                @pl.when(m < _NMICRO - 1)
                def _():
                    issue(1 - bb, m + 1)

                for k in range(_LANES):
                    zeros = jnp.zeros((_LANES,), jnp.float32)

                    def f_body(f, accs, k=k):
                        base = f * _CB + k
                        vs = [
                            rows_v[bb, base, pl.ds(d * _LANES, _LANES)]
                            for d in range(_DV)
                        ]
                        s = tuple(accs[d] + vs[d] for d in range(_DV))
                        q = tuple(
                            accs[_DV + d] + vs[d] * vs[d] for d in range(_DV)
                        )
                        return s + q

                    accs = lax.fori_loop(
                        0, _F, f_body, (zeros,) * (2 * _DV), unroll=2
                    )
                    rr = (m % (_OB // _CB)) * _CB + k
                    for d in range(_DV):
                        bi_v[rr, pl.ds(d * _LANES, _LANES)] = 0.5 * (
                            accs[d] * accs[d] - accs[_DV + d]
                        )

                @pl.when(m % (_OB // _CB) == (_OB // _CB) - 1)
                def _():
                    ob = m0 + (m // (_OB // _CB)) * _OB
                    pltpu.sync_copy(bi_v, bi_hbm.at[pl.ds(ob, _OB)])

                return carry1

            lax.fori_loop(0, _NMICRO, micro_body, 0)
            return carry

        lax.fori_loop(0, _NMACRO, macro_body, 0)

    return body(xt, tables)


def _tc_head(bi, x, W1, b1, W2, b2, W3t, b3, Wlt, bl):
    BT = 2048
    grid = (_B // BT,)

    def body(bi_ref, x_ref, W1_ref, b1_ref, W2_ref, b2_ref, W3_ref, b3_ref,
             Wl_ref, bl_ref, out_ref):
        h = jnp.dot(bi_ref[...], W1_ref[...],
                    preferred_element_type=jnp.float32)
        h = jnp.maximum(h + b1_ref[...], 0.0)
        h = jnp.dot(h, W2_ref[...],
                    preferred_element_type=jnp.float32)
        h = jnp.maximum(h + b2_ref[...], 0.0)
        deep = jnp.sum(h * W3_ref[...], axis=1, keepdims=True) + b3_ref[...]
        xf = x_ref[...].astype(jnp.float32)
        xb = xf.astype(jnp.bfloat16).astype(jnp.float32)
        wb = Wl_ref[...].astype(jnp.bfloat16).astype(jnp.float32)
        lin = jnp.sum(xb * wb, axis=1, keepdims=True) + bl_ref[...]
        out_ref[...] = jax.nn.sigmoid(lin + deep)

    full = lambda shape: pl.BlockSpec(shape, lambda i: (0, 0))
    return pl.pallas_call(
        body,
        grid=grid,
        in_specs=[
            pl.BlockSpec((BT, _D), lambda i: (i, 0)),
            pl.BlockSpec((BT, _F), lambda i: (i, 0)),
            full((_D, _H1)),
            full((1, _H1)),
            full((_H1, _H2)),
            full((1, _H2)),
            full((1, _H2)),
            full((1, 1)),
            full((1, _F)),
            full((1, 1)),
        ],
        out_specs=pl.BlockSpec((BT, 1), lambda i: (i, 0)),
        out_shape=jax.ShapeDtypeStruct((_B, 1), jnp.float32),
    )(bi, x, W1, b1, W2, b2, W3t, b3, Wlt, bl)


def kernel(x, tables, Wl, bl, W1, b1, W2, b2, W3, b3):
    x = x.astype(jnp.int32)
    xt = jnp.transpose(x) + (jnp.arange(_F, dtype=jnp.int32) * _V)[:, None]

    bi = _sc_bi_interaction(xt, tables.reshape(_F * _V, _D))

    out = _tc_head(
        bi, x,
        W1, b1.reshape(1, _H1),
        W2, b2.reshape(1, _H2),
        W3.reshape(1, _H2), b3.reshape(1, 1),
        Wl.reshape(1, _F), bl.reshape(1, 1),
    )
    return out

# --- scband reference (transcript-rebuilt; emitter-appended) ---
"""Pipeline reference for scband-neural-factorization-machine-9552007266584 (READ-ONLY COPY).

The authoritative reference and input builder live on the scoring server;
editing this copy changes nothing except your own understanding.
"""

import jax, jax.numpy as jnp
import numpy as np

B = 16384
F = 26
V = 100000
D = 64
H1 = 256
H2 = 128

def setup_inputs(seed: int = 0) -> dict:
    key = jax.random.key(seed)
    ks = jax.random.split(key, 10)
    x = jax.random.randint(ks[0], (B, F), 0, V, dtype=jnp.int64) if jax.config.jax_enable_x64 else jax.random.randint(ks[0], (B, F), 0, V, dtype=jnp.int32)
    tables = jax.random.normal(ks[1], (F, V, D), dtype=jnp.float32) * 0.01
    tables = tables.at[:, 0, :].set(0.0)  # padding_idx=0 rows are zero
    Wl = jax.random.normal(ks[2], (F, 1), dtype=jnp.float32) * 0.05
    bl = jnp.zeros((1,), dtype=jnp.float32)
    W1 = jax.random.normal(ks[3], (D, H1), dtype=jnp.float32) * (1.0 / np.sqrt(D))
    b1 = jnp.zeros((H1,), dtype=jnp.float32)
    W2 = jax.random.normal(ks[4], (H1, H2), dtype=jnp.float32) * (1.0 / np.sqrt(H1))
    b2 = jnp.zeros((H2,), dtype=jnp.float32)
    W3 = jax.random.normal(ks[5], (H2, 1), dtype=jnp.float32) * (1.0 / np.sqrt(H2))
    b3 = jnp.zeros((1,), dtype=jnp.float32)
    return {"x": x, "tables": tables, "Wl": Wl, "bl": bl, "W1": W1, "b1": b1, "W2": W2, "b2": b2, "W3": W3, "b3": b3}

def reference(x, tables, Wl, bl, W1, b1, W2, b2, W3, b3):
    # per-field embedding lookup: tables[f, x[:, f]] for all fields
    field_idx = jnp.arange(F)[None, :]               # [1, F]
    embed_x = tables[field_idx, x]                   # [B, F, D] gather
    # FM bi-interaction
    summed = jnp.sum(embed_x, axis=1)                # [B, D]
    summed_square = jnp.sum(embed_x ** 2, axis=1)    # [B, D]
    bi_interaction = 0.5 * (summed ** 2 - summed_square)
    # deep MLP (dropout is identity in eval mode)
    h = jax.nn.relu(bi_interaction @ W1 + b1)
    h = jax.nn.relu(h @ W2 + b2)
    deep_output = h @ W3 + b3                        # [B, 1]
    # linear part on raw (float-cast) ids, matching the torch module
    linear_output = x.astype(jnp.float32) @ Wl + bl  # [B, 1]
    return jax.nn.sigmoid(linear_output + deep_output)

if __name__ == "__main__":
    import jax
    _d = setup_inputs()
    print(jax.jit(kernel)(*tuple(_d.values())))

</pallas_src>

<mosaic_0001>
#map = affine_map<(d0, d1) -> (0, 0)>
module attributes {stable_mosaic.version = 14 : i64} {
  func.func @body(%arg0: i32, %arg1: i32, %arg2: memref<26x16384xi32, #tpu.memory_space<hbm>>, %arg3: memref<2600000x64xf32, #tpu.memory_space<hbm>>, %arg4: memref<16384x64xf32, #tpu.memory_space<hbm>>, %arg5: memref<26x128xi32, #tpu.memory_space<vmem>>, %arg6: memref<2x416x64xf32, #tpu.memory_space<vmem>>, %arg7: memref<64x64xf32, #tpu.memory_space<vmem>>, %arg8: memref<!tpu.dma_semaphore, #tpu.memory_space<semaphore_mem>>) attributes {dimension_semantics = [#tpu.dimension_semantics<core_parallel>, #tpu.dimension_semantics<subcore_parallel>], iteration_bounds = array<i64: 2, 16>, scalar_prefetch = 0 : i64, scratch_operands = 4 : i64, tpu.core_type = #tpu.core_type<sc_vector_subcore>, window_params = [{transform_indices = #map}, {transform_indices = #map}, {transform_indices = #map}]} {
    %mul3A = arith.constant 2 : i32
    %mul3A_0 = arith.muli %arg1, %mul3A : i32
    %add3A = arith.addi %mul3A_0, %arg0 : i32
    %mul3A_1 = arith.constant 512 : i32
    %mul3A_2 = arith.muli %add3A, %mul3A_1 : i32
    %scan3A = arith.constant 0 : i32
    %scan3A_3 = arith.constant 0 : i32
    %scan3A_4 = arith.constant 4 : i32
    %scan3A_5 = arith.addi %scan3A_3, %scan3A_4 : i32
    %scan3A_6 = arith.constant 1 : i32
    scf.for %scan3A_8 = %scan3A_3 to %scan3A_5 step %scan3A_6  : i32 {
      %mul3A_9 = arith.constant 128 : i32
      %mul3A_10 = arith.muli %scan3A_8, %mul3A_9 : i32
      %add3A_11 = arith.addi %mul3A_2, %mul3A_10 : i32
      "tpu.region"() ({
        %run_scoped3A = tpu.sem_alloc : memref<!tpu.dma_semaphore, #tpu.memory_space<semaphore_mem>>
        %dma_start3A = arith.constant 0 : i32
        %dma_start3A_24 = tpu.memref_slice %arg2[%dma_start3A, %add3A_11] : memref<26x16384xi32, #tpu.memory_space<hbm>> -> memref<26x128xi32, #tpu.memory_space<hbm>>
        %dma_start3A_25 = arith.constant 0 : i32
        %dma_start3A_26 = tpu.memref_slice %arg2[%dma_start3A_25, %add3A_11] : memref<26x16384xi32, #tpu.memory_space<hbm>> -> memref<26x128xi32, #tpu.memory_space<hbm>>
        tpu.enqueue_dma source(%dma_start3A_26 : memref<26x128xi32, #tpu.memory_space<hbm>>) target(%arg5 : memref<26x128xi32, #tpu.memory_space<vmem>>) target_semaphore(%run_scoped3A : memref<!tpu.dma_semaphore, #tpu.memory_space<semaphore_mem>>)
        %dma_wait3A = arith.constant 0 : i32
        %dma_wait3A_27 = tpu.memref_slice %arg2[%dma_wait3A, %add3A_11] : memref<26x16384xi32, #tpu.memory_space<hbm>> -> memref<26x128xi32, #tpu.memory_space<hbm>>
        %dma_wait3A_28 = arith.constant 0 : i32
        %dma_wait3A_29 = tpu.memref_slice %arg2[%dma_wait3A_28, %add3A_11] : memref<26x16384xi32, #tpu.memory_space<hbm>> -> memref<26x128xi32, #tpu.memory_space<hbm>>
        tpu.wait_dma2 semaphore(%run_scoped3A : memref<!tpu.dma_semaphore, #tpu.memory_space<semaphore_mem>>) src(%dma_wait3A_29 : memref<26x128xi32, #tpu.memory_space<hbm>>) dst(%arg5 : memref<26x128xi32, #tpu.memory_space<vmem>>)
        tpu.yield
      }) : () -> ()
      %scan3A_12 = arith.constant 0 : i32
      %scan3A_13 = arith.constant 0 : i32
      %scan3A_14 = arith.constant 26 : i32
      %scan3A_15 = arith.addi %scan3A_13, %scan3A_14 : i32
      %scan3A_16 = arith.constant 1 : i32
      scf.for %scan3A_24 = %scan3A_13 to %scan3A_15 step %scan3A_16  : i32 {
        %get3A = arith.index_cast %scan3A_24 : i32 to index
        %get3A_25 = arith.constant 0 : index
        %get3A_26 = tpu.vector_load %arg5[%get3A, %get3A_25] {strides = array<i32>} : memref<26x128xi32, #tpu.memory_space<vmem>>, vector<1x16xi32>,
        %get3A_27 = vector.shape_cast %get3A_26 : vector<1x16xi32> to vector<16xi32>
        %slice3A = vector.extract_strided_slice %get3A_27 {offsets = [0], sizes = [1], strides = [1]} : vector<16xi32> to vector<1xi32>
        %squeeze3A = vector.extract %slice3A[0] : i32 from vector<1xi32>
        %multiple_of3A = tpu.assume_multiple %squeeze3A, 8 : i32
        %mul3A_28 = arith.constant 16 : i32
        %mul3A_29 = arith.muli %scan3A_24, %mul3A_28 : i32
        %add3A_30 = arith.constant 0 : i32
        %add3A_31 = arith.addi %mul3A_29, %add3A_30 : i32
        %dma_start3A = arith.constant 0 : i32
        %dma_start3A_32 = arith.constant 0 : i32
        %dma_start3A_33 = tpu.memref_slice %arg6[%dma_start3A, %add3A_31, %dma_start3A_32] : memref<2x416x64xf32, #tpu.memory_space<vmem>> -> memref<1x1x64xf32, #tpu.memory_space<vmem>>
        %dma_start3A_34 = tpu.memref_squeeze %dma_start3A_33 : memref<1x1x64xf32, #tpu.memory_space<vmem>> -> memref<64xf32, #tpu.memory_space<vmem>>
        %dma_start3A_35 = arith.constant 0 : i32
        %dma_start3A_36 = tpu.memref_slice %arg3[%multiple_of3A, %dma_start3A_35] : memref<2600000x64xf32, #tpu.memory_space<hbm>> -> memref<1x64xf32, #tpu.memory_space<hbm>>
        %dma_start3A_37 = tpu.memref_squeeze %dma_start3A_36 : memref<1x64xf32, #tpu.memory_space<hbm>> -> memref<64xf32, #tpu.memory_space<hbm>>
        %dma_start3A_38 = arith.constant 0 : i32
        %dma_start3A_39 = tpu.memref_slice %arg6[%dma_start3A, %add3A_31, %dma_start3A_38] : memref<2x416x64xf32, #tpu.memory_space<vmem>> -> memref<1x1x64xf32, #tpu.memory_space<vmem>>
        %dma_start3A_40 = tpu.memref_squeeze %dma_start3A_39 : memref<1x1x64xf32, #tpu.memory_space<vmem>> -> memref<64xf32, #tpu.memory_space<vmem>>
        %dma_start3A_41 = arith.constant 0 : i32
        %dma_start3A_42 = tpu.memref_slice %arg3[%multiple_of3A, %dma_start3A_41] : memref<2600000x64xf32, #tpu.memory_space<hbm>> -> memref<1x64xf32, #tpu.memory_space<hbm>>
        %dma_start3A_43 = tpu.memref_squeeze %dma_start3A_42 : memref<1x64xf32, #tpu.memory_space<hbm>> -> memref<64xf32, #tpu.memory_space<hbm>>
        tpu.enqueue_dma source(%dma_start3A_43 : memref<64xf32, #tpu.memory_space<hbm>>) target(%dma_start3A_40 : memref<64xf32, #tpu.memory_space<vmem>>) target_semaphore(%arg8 : memref<!tpu.dma_semaphore, #tpu.memory_space<semaphore_mem>>)
        %slice3A_44 = vector.extract_strided_slice %get3A_27 {offsets = [1], sizes = [1], strides = [1]} : vector<16xi32> to vector<1xi32>
        %squeeze3A_45 = vector.extract %slice3A_44[0] : i32 from vector<1xi32>
        %multiple_of3A_46 = tpu.assume_multiple %squeeze3A_45, 8 : i32
        %mul3A_47 = arith.constant 16 : i32
        %mul3A_48 = arith.muli %scan3A_24, %mul3A_47 : i32
        %add3A_49 = arith.constant 1 : i32
        %add3A_50 = arith.addi %mul3A_48, %add3A_49 : i32
        %dma_start3A_51 = arith.constant 0 : i32
        %dma_start3A_52 = arith.constant 0 : i32
        %dma_start3A_53 = tpu.memref_slice %arg6[%dma_start3A_51, %add3A_50, %dma_start3A_52] : memref<2x416x64xf32, #tpu.memory_space<vmem>> -> memref<1x1x64xf32, #tpu.memory_space<vmem>>
        %dma_start3A_54 = tpu.memref_squeeze %dma_start3A_53 : memref<1x1x64xf32, #tpu.memory_space<vmem>> -> memref<64xf32, #tpu.memory_space<vmem>>
        %dma_start3A_55 = arith.constant 0 : i32
        %dma_start3A_56 = tpu.memref_slice %arg3[%multiple_of3A_46, %dma_start3A_55] : memref<2600000x64xf32, #tpu.memory_space<hbm>> -> memref<1x64xf32, #tpu.memory_space<hbm>>
        %dma_start3A_57 = tpu.memref_squeeze %dma_start3A_56 : memref<1x64xf32, #tpu.memory_space<hbm>> -> memref<64xf32, #tpu.memory_space<hbm>>
        %dma_start3A_58 = arith.constant 0 : i32
        %dma_start3A_59 = tpu.memref_slice %arg6[%dma_start3A_51, %add3A_50, %dma_start3A_58] : memref<2x416x64xf32, #tpu.memory_space<vmem>> -> memref<1x1x64xf32, #tpu.memory_space<vmem>>
        %dma_start3A_60 = tpu.memref_squeeze %dma_start3A_59 : memref<1x1x64xf32, #tpu.memory_space<vmem>> -> memref<64xf32, #tpu.memory_space<vmem>>
        %dma_start3A_61 = arith.constant 0 : i32
        %dma_start3A_62 = tpu.memref_slice %arg3[%multiple_of3A_46, %dma_start3A_61] : memref<2600000x64xf32, #tpu.memory_space<hbm>> -> memref<1x64xf32, #tpu.memory_space<hbm>>
        %dma_start3A_63 = tpu.memref_squeeze %dma_start3A_62 : memref<1x64xf32, #tpu.memory_space<hbm>> -> memref<64xf32, #tpu.memory_space<hbm>>
        tpu.enqueue_dma source(%dma_start3A_63 : memref<64xf32, #tpu.memory_space<hbm>>) target(%dma_start3A_60 : memref<64xf32, #tpu.memory_space<vmem>>) target_semaphore(%arg8 : memref<!tpu.dma_semaphore, #tpu.memory_space<semaphore_mem>>)
        %slice3A_64 = vector.extract_strided_slice %get3A_27 {offsets = [2], sizes = [1], strides = [1]} : vector<16xi32> to vector<1xi32>
        %squeeze3A_65 = vector.extract %slice3A_64[0] : i32 from vector<1xi32>
        %multiple_of3A_66 = tpu.assume_multiple %squeeze3A_65, 8 : i32
        %mul3A_67 = arith.constant 16 : i32
        %mul3A_68 = arith.muli %scan3A_24, %mul3A_67 : i32
        %add3A_69 = arith.constant 2 : i32
        %add3A_70 = arith.addi %mul3A_68, %add3A_69 : i32
        %dma_start3A_71 = arith.constant 0 : i32
        %dma_start3A_72 = arith.constant 0 : i32
        %dma_start3A_73 = tpu.memref_slice %arg6[%dma_start3A_71, %add3A_70, %dma_start3A_72] : memref<2x416x64xf32, #tpu.memory_space<vmem>> -> memref<1x1x64xf32, #tpu.memory_space<vmem>>
        %dma_start3A_74 = tpu.memref_squeeze %dma_start3A_73 : memref<1x1x64xf32, #tpu.memory_space<vmem>> -> memref<64xf32, #tpu.memory_space<vmem>>
        %dma_start3A_75 = arith.constant 0 : i32
        %dma_start3A_76 = tpu.memref_slice %arg3[%multiple_of3A_66, %dma_start3A_75] : memref<2600000x64xf32, #tpu.memory_space<hbm>> -> memref<1x64xf32, #tpu.memory_space<hbm>>
        %dma_start3A_77 = tpu.memref_squeeze %dma_start3A_76 : memref<1x64xf32, #tpu.memory_space<hbm>> -> memref<64xf32, #tpu.memory_space<hbm>>
        %dma_start3A_78 = arith.constant 0 : i32
        %dma_start3A_79 = tpu.memref_slice %arg6[%dma_start3A_71, %add3A_70, %dma_start3A_78] : memref<2x416x64xf32, #tpu.memory_space<vmem>> -> memref<1x1x64xf32, #tpu.memory_space<vmem>>
        %dma_start3A_80 = tpu.memref_squeeze %dma_start3A_79 : memref<1x1x64xf32, #tpu.memory_space<vmem>> -> memref<64xf32, #tpu.memory_space<vmem>>
        %dma_start3A_81 = arith.constant 0 : i32
        %dma_start3A_82 = tpu.memref_slice %arg3[%multiple_of3A_66, %dma_start3A_81] : memref<2600000x64xf32, #tpu.memory_space<hbm>> -> memref<1x64xf32, #tpu.memory_space<hbm>>
        %dma_start3A_83 = tpu.memref_squeeze %dma_start3A_82 : memref<1x64xf32, #tpu.memory_space<hbm>> -> memref<64xf32, #tpu.memory_space<hbm>>
        tpu.enqueue_dma source(%dma_start3A_83 : memref<64xf32, #tpu.memory_space<hbm>>) target(%dma_start3A_80 : memref<64xf32, #tpu.memory_space<vmem>>) target_semaphore(%arg8 : memref<!tpu.dma_semaphore, #tpu.memory_space<semaphore_mem>>)
        %slice3A_84 = vector.extract_strided_slice %get3A_27 {offsets = [3], sizes = [1], strides = [1]} : vector<16xi32> to vector<1xi32>
        %squeeze3A_85 = vector.extract %slice3A_84[0] : i32 from vector<1xi32>
        %multiple_of3A_86 = tpu.assume_multiple %squeeze3A_85, 8 : i32
        %mul3A_87 = arith.constant 16 : i32
        %mul3A_88 = arith.muli %scan3A_24, %mul3A_87 : i32
        %add3A_89 = arith.constant 3 : i32
        %add3A_90 = arith.addi %mul3A_88, %add3A_89 : i32
        %dma_start3A_91 = arith.constant 0 : i32
        %dma_start3A_92 = arith.constant 0 : i32
        %dma_start3A_93 = tpu.memref_slice %arg6[%dma_start3A_91, %add3A_90, %dma_start3A_92] : memref<2x416x64xf32, #tpu.memory_space<vmem>> -> memref<1x1x64xf32, #tpu.memory_space<vmem>>
        %dma_start3A_94 = tpu.memref_squeeze %dma_start3A_93 : memref<1x1x64xf32, #tpu.memory_space<vmem>> -> memref<64xf32, #tpu.memory_space<vmem>>
        %dma_start3A_95 = arith.constant 0 : i32
        %dma_start3A_96 = tpu.memref_slice %arg3[%multiple_of3A_86, %dma_start3A_95] : memref<2600000x64xf32, #tpu.memory_space<hbm>> -> memref<1x64xf32, #tpu.memory_space<hbm>>
        %dma_start3A_97 = tpu.memref_squeeze %dma_start3A_96 : memref<1x64xf32, #tpu.memory_space<hbm>> -> memref<64xf32, #tpu.memory_space<hbm>>
        %dma_start3A_98 = arith.constant 0 : i32
        %dma_start3A_99 = tpu.memref_slice %arg6[%dma_start3A_91, %add3A_90, %dma_start3A_98] : memref<2x416x64xf32, #tpu.memory_space<vmem>> -> memref<1x1x64xf32, #tpu.memory_space<vmem>>
        %dma_start3A_100 = tpu.memref_squeeze %dma_start3A_99 : memref<1x1x64xf32, #tpu.memory_space<vmem>> -> memref<64xf32, #tpu.memory_space<vmem>>
        %dma_start3A_101 = arith.constant 0 : i32
        %dma_start3A_102 = tpu.memref_slice %arg3[%multiple_of3A_86, %dma_start3A_101] : memref<2600000x64xf32, #tpu.memory_space<hbm>> -> memref<1x64xf32, #tpu.memory_space<hbm>>
        %dma_start3A_103 = tpu.memref_squeeze %dma_start3A_102 : memref<1x64xf32, #tpu.memory_space<hbm>> -> memref<64xf32, #tpu.memory_space<hbm>>
        tpu.enqueue_dma source(%dma_start3A_103 : memref<64xf32, #tpu.memory_space<hbm>>) target(%dma_start3A_100 : memref<64xf32, #tpu.memory_space<vmem>>) target_semaphore(%arg8 : memref<!tpu.dma_semaphore, #tpu.memory_space<semaphore_mem>>)
        %slice3A_104 = vector.extract_strided_slice %get3A_27 {offsets = [4], sizes = [1], strides = [1]} : vector<16xi32> to vector<1xi32>
        %squeeze3A_105 = vector.extract %slice3A_104[0] : i32 from vector<1xi32>
        %multiple_of3A_106 = tpu.assume_multiple %squeeze3A_105, 8 : i32
        %mul3A_107 = arith.constant 16 : i32
        %mul3A_108 = arith.muli %scan3A_24, %mul3A_107 : i32
        %add3A_109 = arith.constant 4 : i32
        %add3A_110 = arith.addi %mul3A_108, %add3A_109 : i32
        %dma_start3A_111 = arith.constant 0 : i32
        %dma_start3A_112 = arith.constant 0 : i32
        %dma_start3A_113 = tpu.memref_slice %arg6[%dma_start3A_111, %add3A_110, %dma_start3A_112] : memref<2x416x64xf32, #tpu.memory_space<vmem>> -> memref<1x1x64xf32, #tpu.memory_space<vmem>>
        %dma_start3A_114 = tpu.memref_squeeze %dma_start3A_113 : memref<1x1x64xf32, #tpu.memory_space<vmem>> -> memref<64xf32, #tpu.memory_space<vmem>>
        %dma_start3A_115 = arith.constant 0 : i32
        %dma_start3A_116 = tpu.memref_slice %arg3[%multiple_of3A_106, %dma_start3A_115] : memref<2600000x64xf32, #tpu.memory_space<hbm>> -> memref<1x64xf32, #tpu.memory_space<hbm>>
        %dma_start3A_117 = tpu.memref_squeeze %dma_start3A_116 : memref<1x64xf32, #tpu.memory_space<hbm>> -> memref<64xf32, #tpu.memory_space<hbm>>
        %dma_start3A_118 = arith.constant 0 : i32
        %dma_start3A_119 = tpu.memref_slice %arg6[%dma_start3A_111, %add3A_110, %dma_start3A_118] : memref<2x416x64xf32, #tpu.memory_space<vmem>> -> memref<1x1x64xf32, #tpu.memory_space<vmem>>
        %dma_start3A_120 = tpu.memref_squeeze %dma_start3A_119 : memref<1x1x64xf32, #tpu.memory_space<vmem>> -> memref<64xf32, #tpu.memory_space<vmem>>
        %dma_start3A_121 = arith.constant 0 : i32
        %dma_start3A_122 = tpu.memref_slice %arg3[%multiple_of3A_106, %dma_start3A_121] : memref<2600000x64xf32, #tpu.memory_space<hbm>> -> memref<1x64xf32, #tpu.memory_space<hbm>>
        %dma_start3A_123 = tpu.memref_squeeze %dma_start3A_122 : memref<1x64xf32, #tpu.memory_space<hbm>> -> memref<64xf32, #tpu.memory_space<hbm>>
        tpu.enqueue_dma source(%dma_start3A_123 : memref<64xf32, #tpu.memory_space<hbm>>) target(%dma_start3A_120 : memref<64xf32, #tpu.memory_space<vmem>>) target_semaphore(%arg8 : memref<!tpu.dma_semaphore, #tpu.memory_space<semaphore_mem>>)
        %slice3A_124 = vector.extract_strided_slice %get3A_27 {offsets = [5], sizes = [1], strides = [1]} : vector<16xi32> to vector<1xi32>
        %squeeze3A_125 = vector.extract %slice3A_124[0] : i32 from vector<1xi32>
        %multiple_of3A_126 = tpu.assume_multiple %squeeze3A_125, 8 : i32
        %mul3A_127 = arith.constant 16 : i32
        %mul3A_128 = arith.muli %scan3A_24, %mul3A_127 : i32
        %add3A_129 = arith.constant 5 : i32
        %add3A_130 = arith.addi %mul3A_128, %add3A_129 : i32
        %dma_start3A_131 = arith.constant 0 : i32
        %dma_start3A_132 = arith.constant 0 : i32
        %dma_start3A_133 = tpu.memref_slice %arg6[%dma_start3A_131, %add3A_130, %dma_start3A_132] : memref<2x416x64xf32, #tpu.memory_space<vmem>> -> memref<1x1x64xf32, #tpu.memory_space<vmem>>
        %dma_start3A_134 = tpu.memref_squeeze %dma_start3A_133 : memref<1x1x64xf32, #tpu.memory_space<vmem>> -> memref<64xf32, #tpu.memory_space<vmem>>
        %dma_start3A_135 = arith.constant 0 : i32
        %dma_start3A_136 = tpu.memref_slice %arg3[%multiple_of3A_126, %dma_start3A_135] : memref<2600000x64xf32, #tpu.memory_space<hbm>> -> memref<1x64xf32, #tpu.memory_space<hbm>>
        %dma_start3A_137 = tpu.memref_squeeze %dma_start3A_136 : memref<1x64xf32, #tpu.memory_space<hbm>> -> memref<64xf32, #tpu.memory_space<hbm>>
        %dma_start3A_138 = arith.constant 0 : i32
        %dma_start3A_139 = tpu.memref_slice %arg6[%dma_start3A_131, %add3A_130, %dma_start3A_138] : memref<2x416x64xf32, #tpu.memory_space<vmem>> -> memref<1x1x64xf32, #tpu.memory_space<vmem>>
        %dma_start3A_140 = tpu.memref_squeeze %dma_start3A_139 : memref<1x1x64xf32, #tpu.memory_space<vmem>> -> memref<64xf32, #tpu.memory_space<vmem>>
        %dma_start3A_141 = arith.constant 0 : i32
        %dma_start3A_142 = tpu.memref_slice %arg3[%multiple_of3A_126, %dma_start3A_141] : memref<2600000x64xf32, #tpu.memory_space<hbm>> -> memref<1x64xf32, #tpu.memory_space<hbm>>
        %dma_start3A_143 = tpu.memref_squeeze %dma_start3A_142 : memref<1x64xf32, #tpu.memory_space<hbm>> -> memref<64xf32, #tpu.memory_space<hbm>>
        tpu.enqueue_dma source(%dma_start3A_143 : memref<64xf32, #tpu.memory_space<hbm>>) target(%dma_start3A_140 : memref<64xf32, #tpu.memory_space<vmem>>) target_semaphore(%arg8 : memref<!tpu.dma_semaphore, #tpu.memory_space<semaphore_mem>>)
        %slice3A_144 = vector.extract_strided_slice %get3A_27 {offsets = [6], sizes = [1], strides = [1]} : vector<16xi32> to vector<1xi32>
        %squeeze3A_145 = vector.extract %slice3A_144[0] : i32 from vector<1xi32>
        %multiple_of3A_146 = tpu.assume_multiple %squeeze3A_145, 8 : i32
        %mul3A_147 = arith.constant 16 : i32
        %mul3A_148 = arith.muli %scan3A_24, %mul3A_147 : i32
        %add3A_149 = arith.constant 6 : i32
        %add3A_150 = arith.addi %mul3A_148, %add3A_149 : i32
        %dma_start3A_151 = arith.constant 0 : i32
        %dma_start3A_152 = arith.constant 0 : i32
        %dma_start3A_153 = tpu.memref_slice %arg6[%dma_start3A_151, %add3A_150, %dma_start3A_152] : memref<2x416x64xf32, #tpu.memory_space<vmem>> -> memref<1x1x64xf32, #tpu.memory_space<vmem>>
        %dma_start3A_154 = tpu.memref_squeeze %dma_start3A_153 : memref<1x1x64xf32, #tpu.memory_space<vmem>> -> memref<64xf32, #tpu.memory_space<vmem>>
        %dma_start3A_155 = arith.constant 0 : i32
        %dma_start3A_156 = tpu.memref_slice %arg3[%multiple_of3A_146, %dma_start3A_155] : memref<2600000x64xf32, #tpu.memory_space<hbm>> -> memref<1x64xf32, #tpu.memory_space<hbm>>
        %dma_start3A_157 = tpu.memref_squeeze %dma_start3A_156 : memref<1x64xf32, #tpu.memory_space<hbm>> -> memref<64xf32, #tpu.memory_space<hbm>>
        %dma_start3A_158 = arith.constant 0 : i32
        %dma_start3A_159 = tpu.memref_slice %arg6[%dma_start3A_151, %add3A_150, %dma_start3A_158] : memref<2x416x64xf32, #tpu.memory_space<vmem>> -> memref<1x1x64xf32, #tpu.memory_space<vmem>>
        %dma_start3A_160 = tpu.memref_squeeze %dma_start3A_159 : memref<1x1x64xf32, #tpu.memory_space<vmem>> -> memref<64xf32, #tpu.memory_space<vmem>>
        %dma_start3A_161 = arith.constant 0 : i32
        %dma_start3A_162 = tpu.memref_slice %arg3[%multiple_of3A_146, %dma_start3A_161] : memref<2600000x64xf32, #tpu.memory_space<hbm>> -> memref<1x64xf32, #tpu.memory_space<hbm>>
        %dma_start3A_163 = tpu.memref_squeeze %dma_start3A_162 : memref<1x64xf32, #tpu.memory_space<hbm>> -> memref<64xf32, #tpu.memory_space<hbm>>
        tpu.enqueue_dma source(%dma_start3A_163 : memref<64xf32, #tpu.memory_space<hbm>>) target(%dma_start3A_160 : memref<64xf32, #tpu.memory_space<vmem>>) target_semaphore(%arg8 : memref<!tpu.dma_semaphore, #tpu.memory_space<semaphore_mem>>)
        %slice3A_164 = vector.extract_strided_slice %get3A_27 {offsets = [7], sizes = [1], strides = [1]} : vector<16xi32> to vector<1xi32>
        %squeeze3A_165 = vector.extract %slice3A_164[0] : i32 from vector<1xi32>
        %multiple_of3A_166 = tpu.assume_multiple %squeeze3A_165, 8 : i32
        %mul3A_167 = arith.constant 16 : i32
        %mul3A_168 = arith.muli %scan3A_24, %mul3A_167 : i32
        %add3A_169 = arith.constant 7 : i32
        %add3A_170 = arith.addi %mul3A_168, %add3A_169 : i32
        %dma_start3A_171 = arith.constant 0 : i32
        %dma_start3A_172 = arith.constant 0 : i32
        %dma_start3A_173 = tpu.memref_slice %arg6[%dma_start3A_171, %add3A_170, %dma_start3A_172] : memref<2x416x64xf32, #tpu.memory_space<vmem>> -> memref<1x1x64xf32, #tpu.memory_space<vmem>>
        %dma_start3A_174 = tpu.memref_squeeze %dma_start3A_173 : memref<1x1x64xf32, #tpu.memory_space<vmem>> -> memref<64xf32, #tpu.memory_space<vmem>>
        %dma_start3A_175 = arith.constant 0 : i32
        %dma_start3A_176 = tpu.memref_slice %arg3[%multiple_of3A_166, %dma_start3A_175] : memref<2600000x64xf32, #tpu.memory_space<hbm>> -> memref<1x64xf32, #tpu.memory_space<hbm>>
        %dma_start3A_177 = tpu.memref_squeeze %dma_start3A_176 : memref<1x64xf32, #tpu.memory_space<hbm>> -> memref<64xf32, #tpu.memory_space<hbm>>
        %dma_start3A_178 = arith.constant 0 : i32
        %dma_start3A_179 = tpu.memref_slice %arg6[%dma_start3A_171, %add3A_170, %dma_start3A_178] : memref<2x416x64xf32, #tpu.memory_space<vmem>> -> memref<1x1x64xf32, #tpu.memory_space<vmem>>
        %dma_start3A_180 = tpu.memref_squeeze %dma_start3A_179 : memref<1x1x64xf32, #tpu.memory_space<vmem>> -> memref<64xf32, #tpu.memory_space<vmem>>
        %dma_start3A_181 = arith.constant 0 : i32
        %dma_start3A_182 = tpu.memref_slice %arg3[%multiple_of3A_166, %dma_start3A_181] : memref<2600000x64xf32, #tpu.memory_space<hbm>> -> memref<1x64xf32, #tpu.memory_space<hbm>>
        %dma_start3A_183 = tpu.memref_squeeze %dma_start3A_182 : memref<1x64xf32, #tpu.memory_space<hbm>> -> memref<64xf32, #tpu.memory_space<hbm>>
        tpu.enqueue_dma source(%dma_start3A_183 : memref<64xf32, #tpu.memory_space<hbm>>) target(%dma_start3A_180 : memref<64xf32, #tpu.memory_space<vmem>>) target_semaphore(%arg8 : memref<!tpu.dma_semaphore, #tpu.memory_space<semaphore_mem>>)
        %slice3A_184 = vector.extract_strided_slice %get3A_27 {offsets = [8], sizes = [1], strides = [1]} : vector<16xi32> to vector<1xi32>
        %squeeze3A_185 = vector.extract %slice3A_184[0] : i32 from vector<1xi32>
        %multiple_of3A_186 = tpu.assume_multiple %squeeze3A_185, 8 : i32
        %mul3A_187 = arith.constant 16 : i32
        %mul3A_188 = arith.muli %scan3A_24, %mul3A_187 : i32
        %add3A_189 = arith.constant 8 : i32
        %add3A_190 = arith.addi %mul3A_188, %add3A_189 : i32
        %dma_start3A_191 = arith.constant 0 : i32
        %dma_start3A_192 = arith.constant 0 : i32
        %dma_start3A_193 = tpu.memref_slice %arg6[%dma_start3A_191, %add3A_190, %dma_start3A_192] : memref<2x416x64xf32, #tpu.memory_space<vmem>> -> memref<1x1x64xf32, #tpu.memory_space<vmem>>
        %dma_start3A_194 = tpu.memref_squeeze %dma_start3A_193 : memref<1x1x64xf32, #tpu.memory_space<vmem>> -> memref<64xf32, #tpu.memory_space<vmem>>
        %dma_start3A_195 = arith.constant 0 : i32
        %dma_start3A_196 = tpu.memref_slice %arg3[%multiple_of3A_186, %dma_start3A_195] : memref<2600000x64xf32, #tpu.memory_space<hbm>> -> memref<1x64xf32, #tpu.memory_space<hbm>>
        %dma_start3A_197 = tpu.memref_squeeze %dma_start3A_196 : memref<1x64xf32, #tpu.memory_space<hbm>> -> memref<64xf32, #tpu.memory_space<hbm>>
        %dma_start3A_198 = arith.constant 0 : i32
        %dma_start3A_199 = tpu.memref_slice %arg6[%dma_start3A_191, %add3A_190, %dma_start3A_198] : memref<2x416x64xf32, #tpu.memory_space<vmem>> -> memref<1x1x64xf32, #tpu.memory_space<vmem>>
        %dma_start3A_200 = tpu.memref_squeeze %dma_start3A_199 : memref<1x1x64xf32, #tpu.memory_space<vmem>> -> memref<64xf32, #tpu.memory_space<vmem>>
        %dma_start3A_201 = arith.constant 0 : i32
        %dma_start3A_202 = tpu.memref_slice %arg3[%multiple_of3A_186, %dma_start3A_201] : memref<2600000x64xf32, #tpu.memory_space<hbm>> -> memref<1x64xf32, #tpu.memory_space<hbm>>
        %dma_start3A_203 = tpu.memref_squeeze %dma_start3A_202 : memref<1x64xf32, #tpu.memory_space<hbm>> -> memref<64xf32, #tpu.memory_space<hbm>>
        tpu.enqueue_dma source(%dma_start3A_203 : memref<64xf32, #tpu.memory_space<hbm>>) target(%dma_start3A_200 : memref<64xf32, #tpu.memory_space<vmem>>) target_semaphore(%arg8 : memref<!tpu.dma_semaphore, #tpu.memory_space<semaphore_mem>>)
        %slice3A_204 = vector.extract_strided_slice %get3A_27 {offsets = [9], sizes = [1], strides = [1]} : vector<16xi32> to vector<1xi32>
        %squeeze3A_205 = vector.extract %slice3A_204[0] : i32 from vector<1xi32>
        %multiple_of3A_206 = tpu.assume_multiple %squeeze3A_205, 8 : i32
        %mul3A_207 = arith.constant 16 : i32
        %mul3A_208 = arith.muli %scan3A_24, %mul3A_207 : i32
        %add3A_209 = arith.constant 9 : i32
        %add3A_210 = arith.addi %mul3A_208, %add3A_209 : i32
        %dma_start3A_211 = arith.constant 0 : i32
        %dma_start3A_212 = arith.constant 0 : i32
        %dma_start3A_213 = tpu.memref_slice %arg6[%dma_start3A_211, %add3A_210, %dma_start3A_212] : memref<2x416x64xf32, #tpu.memory_space<vmem>> -> memref<1x1x64xf32, #tpu.memory_space<vmem>>
        %dma_start3A_214 = tpu.memref_squeeze %dma_start3A_213 : memref<1x1x64xf32, #tpu.memory_space<vmem>> -> memref<64xf32, #tpu.memory_space<vmem>>
        %dma_start3A_215 = arith.constant 0 : i32
        %dma_start3A_216 = tpu.memref_slice %arg3[%multiple_of3A_206, %dma_start3A_215] : memref<2600000x64xf32, #tpu.memory_space<hbm>> -> memref<1x64xf32, #tpu.memory_space<hbm>>
        %dma_start3A_217 = tpu.memref_squeeze %dma_start3A_216 : memref<1x64xf32, #tpu.memory_space<hbm>> -> memref<64xf32, #tpu.memory_space<hbm>>
        %dma_start3A_218 = arith.constant 0 : i32
        %dma_start3A_219 = tpu.memref_slice %arg6[%dma_start3A_211, %add3A_210, %dma_start3A_218] : memref<2x416x64xf32, #tpu.memory_space<vmem>> -> memref<1x1x64xf32, #tpu.memory_space<vmem>>
        %dma_start3A_220 = tpu.memref_squeeze %dma_start3A_219 : memref<1x1x64xf32, #tpu.memory_space<vmem>> -> memref<64xf32, #tpu.memory_space<vmem>>
        %dma_start3A_221 = arith.constant 0 : i32
        %dma_start3A_222 = tpu.memref_slice %arg3[%multiple_of3A_206, %dma_start3A_221] : memref<2600000x64xf32, #tpu.memory_space<hbm>> -> memref<1x64xf32, #tpu.memory_space<hbm>>
        %dma_start3A_223 = tpu.memref_squeeze %dma_start3A_222 : memref<1x64xf32, #tpu.memory_space<hbm>> -> memref<64xf32, #tpu.memory_space<hbm>>
        tpu.enqueue_dma source(%dma_start3A_223 : memref<64xf32, #tpu.memory_space<hbm>>) target(%dma_start3A_220 : memref<64xf32, #tpu.memory_space<vmem>>) target_semaphore(%arg8 : memref<!tpu.dma_semaphore, #tpu.memory_space<semaphore_mem>>)
        %slice3A_224 = vector.extract_strided_slice %get3A_27 {offsets = [10], sizes = [1], strides = [1]} : vector<16xi32> to vector<1xi32>
        %squeeze3A_225 = vector.extract %slice3A_224[0] : i32 from vector<1xi32>
        %multiple_of3A_226 = tpu.assume_multiple %squeeze3A_225, 8 : i32
        %mul3A_227 = arith.constant 16 : i32
        %mul3A_228 = arith.muli %scan3A_24, %mul3A_227 : i32
        %add3A_229 = arith.constant 10 : i32
        %add3A_230 = arith.addi %mul3A_228, %add3A_229 : i32
        %dma_start3A_231 = arith.constant 0 : i32
        %dma_start3A_232 = arith.constant 0 : i32
        %dma_start3A_233 = tpu.memref_slice %arg6[%dma_start3A_231, %add3A_230, %dma_start3A_232] : memref<2x416x64xf32, #tpu.memory_space<vmem>> -> memref<1x1x64xf32, #tpu.memory_space<vmem>>
        %dma_start3A_234 = tpu.memref_squeeze %dma_start3A_233 : memref<1x1x64xf32, #tpu.memory_space<vmem>> -> memref<64xf32, #tpu.memory_space<vmem>>
        %dma_start3A_235 = arith.constant 0 : i32
        %dma_start3A_236 = tpu.memref_slice %arg3[%multiple_of3A_226, %dma_start3A_235] : memref<2600000x64xf32, #tpu.memory_space<hbm>> -> memref<1x64xf32, #tpu.memory_space<hbm>>
        %dma_start3A_237 = tpu.memref_squeeze %dma_start3A_236 : memref<1x64xf32, #tpu.memory_space<hbm>> -> memref<64xf32, #tpu.memory_space<hbm>>
        %dma_start3A_238 = arith.constant 0 : i32
        %dma_start3A_239 = tpu.memref_slice %arg6[%dma_start3A_231, %add3A_230, %dma_start3A_238] : memref<2x416x64xf32, #tpu.memory_space<vmem>> -> memref<1x1x64xf32, #tpu.memory_space<vmem>>
        %dma_start3A_240 = tpu.memref_squeeze %dma_start3A_239 : memref<1x1x64xf32, #tpu.memory_space<vmem>> -> memref<64xf32, #tpu.memory_space<vmem>>
        %dma_start3A_241 = arith.constant 0 : i32
        %dma_start3A_242 = tpu.memref_slice %arg3[%multiple_of3A_226, %dma_start3A_241] : memref<2600000x64xf32, #tpu.memory_space<hbm>> -> memref<1x64xf32, #tpu.memory_space<hbm>>
        %dma_start3A_243 = tpu.memref_squeeze %dma_start3A_242 : memref<1x64xf32, #tpu.memory_space<hbm>> -> memref<64xf32, #tpu.memory_space<hbm>>
        tpu.enqueue_dma source(%dma_start3A_243 : memref<64xf32, #tpu.memory_space<hbm>>) target(%dma_start3A_240 : memref<64xf32, #tpu.memory_space<vmem>>) target_semaphore(%arg8 : memref<!tpu.dma_semaphore, #tpu.memory_space<semaphore_mem>>)
        %slice3A_244 = vector.extract_strided_slice %get3A_27 {offsets = [11], sizes = [1], strides = [1]} : vector<16xi32> to vector<1xi32>
        %squeeze3A_245 = vector.extract %slice3A_244[0] : i32 from vector<1xi32>
        %multiple_of3A_246 = tpu.assume_multiple %squeeze3A_245, 8 : i32
        %mul3A_247 = arith.constant 16 : i32
        %mul3A_248 = arith.muli %scan3A_24, %mul3A_247 : i32
        %add3A_249 = arith.constant 11 : i32
        %add3A_250 = arith.addi %mul3A_248, %add3A_249 : i32
        %dma_start3A_251 = arith.constant 0 : i32
        %dma_start3A_252 = arith.constant 0 : i32
        %dma_start3A_253 = tpu.memref_slice %arg6[%dma_start3A_251, %add3A_250, %dma_start3A_252] : memref<2x416x64xf32, #tpu.memory_space<vmem>> -> memref<1x1x64xf32, #tpu.memory_space<vmem>>
        %dma_start3A_254 = tpu.memref_squeeze %dma_start3A_253 : memref<1x1x64xf32, #tpu.memory_space<vmem>> -> memref<64xf32, #tpu.memory_space<vmem>>
        %dma_start3A_255 = arith.constant 0 : i32
        %dma_start3A_256 = tpu.memref_slice %arg3[%multiple_of3A_246, %dma_start3A_255] : memref<2600000x64xf32, #tpu.memory_space<hbm>> -> memref<1x64xf32, #tpu.memory_space<hbm>>
        %dma_start3A_257 = tpu.memref_squeeze %dma_start3A_256 : memref<1x64xf32, #tpu.memory_space<hbm>> -> memref<64xf32, #tpu.memory_space<hbm>>
        %dma_start3A_258 = arith.constant 0 : i32
        %dma_start3A_259 = tpu.memref_slice %arg6[%dma_start3A_251, %add3A_250, %dma_start3A_258] : memref<2x416x64xf32, #tpu.memory_space<vmem>> -> memref<1x1x64xf32, #tpu.memory_space<vmem>>
        %dma_start3A_260 = tpu.memref_squeeze %dma_start3A_259 : memref<1x1x64xf32, #tpu.memory_space<vmem>> -> memref<64xf32, #tpu.memory_space<vmem>>
        %dma_start3A_261 = arith.constant 0 : i32
        %dma_start3A_262 = tpu.memref_slice %arg3[%multiple_of3A_246, %dma_start3A_261] : memref<2600000x64xf32, #tpu.memory_space<hbm>> -> memref<1x64xf32, #tpu.memory_space<hbm>>
        %dma_start3A_263 = tpu.memref_squeeze %dma_start3A_262 : memref<1x64xf32, #tpu.memory_space<hbm>> -> memref<64xf32, #tpu.memory_space<hbm>>
        tpu.enqueue_dma source(%dma_start3A_263 : memref<64xf32, #tpu.memory_space<hbm>>) target(%dma_start3A_260 : memref<64xf32, #tpu.memory_space<vmem>>) target_semaphore(%arg8 : memref<!tpu.dma_semaphore, #tpu.memory_space<semaphore_mem>>)
        %slice3A_264 = vector.extract_strided_slice %get3A_27 {offsets = [12], sizes = [1], strides = [1]} : vector<16xi32> to vector<1xi32>
        %squeeze3A_265 = vector.extract %slice3A_264[0] : i32 from vector<1xi32>
        %multiple_of3A_266 = tpu.assume_multiple %squeeze3A_265, 8 : i32
        %mul3A_267 = arith.constant 16 : i32
        %mul3A_268 = arith.muli %scan3A_24, %mul3A_267 : i32
        %add3A_269 = arith.constant 12 : i32
        %add3A_270 = arith.addi %mul3A_268, %add3A_269 : i32
        %dma_start3A_271 = arith.constant 0 : i32
        %dma_start3A_272 = arith.constant 0 : i32
        %dma_start3A_273 = tpu.memref_slice %arg6[%dma_start3A_271, %add3A_270, %dma_start3A_272] : memref<2x416x64xf32, #tpu.memory_space<vmem>> -> memref<1x1x64xf32, #tpu.memory_space<vmem>>
        %dma_start3A_274 = tpu.memref_squeeze %dma_start3A_273 : memref<1x1x64xf32, #tpu.memory_space<vmem>> -> memref<64xf32, #tpu.memory_space<vmem>>
        %dma_start3A_275 = arith.constant 0 : i32
        %dma_start3A_276 = tpu.memref_slice %arg3[%multiple_of3A_266, %dma_start3A_275] : memref<2600000x64xf32, #tpu.memory_space<hbm>> -> memref<1x64xf32, #tpu.memory_space<hbm>>
        %dma_start3A_277 = tpu.memref_squeeze %dma_start3A_276 : memref<1x64xf32, #tpu.memory_space<hbm>> -> memref<64xf32, #tpu.memory_space<hbm>>
        %dma_start3A_278 = arith.constant 0 : i32
        %dma_start3A_279 = tpu.memref_slice %arg6[%dma_start3A_271, %add3A_270, %dma_start3A_278] : memref<2x416x64xf32, #tpu.memory_space<vmem>> -> memref<1x1x64xf32, #tpu.memory_space<vmem>>
        %dma_start3A_280 = tpu.memref_squeeze %dma_start3A_279 : memref<1x1x64xf32, #tpu.memory_space<vmem>> -> memref<64xf32, #tpu.memory_space<vmem>>
        %dma_start3A_281 = arith.constant 0 : i32
        %dma_start3A_282 = tpu.memref_slice %arg3[%multiple_of3A_266, %dma_start3A_281] : memref<2600000x64xf32, #tpu.memory_space<hbm>> -> memref<1x64xf32, #tpu.memory_space<hbm>>
        %dma_start3A_283 = tpu.memref_squeeze %dma_start3A_282 : memref<1x64xf32, #tpu.memory_space<hbm>> -> memref<64xf32, #tpu.memory_space<hbm>>
        tpu.enqueue_dma source(%dma_start3A_283 : memref<64xf32, #tpu.memory_space<hbm>>) target(%dma_start3A_280 : memref<64xf32, #tpu.memory_space<vmem>>) target_semaphore(%arg8 : memref<!tpu.dma_semaphore, #tpu.memory_space<semaphore_mem>>)
        %slice3A_284 = vector.extract_strided_slice %get3A_27 {offsets = [13], sizes = [1], strides = [1]} : vector<16xi32> to vector<1xi32>
        %squeeze3A_285 = vector.extract %slice3A_284[0] : i32 from vector<1xi32>
        %multiple_of3A_286 = tpu.assume_multiple %squeeze3A_285, 8 : i32
        %mul3A_287 = arith.constant 16 : i32
        %mul3A_288 = arith.muli %scan3A_24, %mul3A_287 : i32
        %add3A_289 = arith.constant 13 : i32
        %add3A_290 = arith.addi %mul3A_288, %add3A_289 : i32
        %dma_start3A_291 = arith.constant 0 : i32
        %dma_start3A_292 = arith.constant 0 : i32
        %dma_start3A_293 = tpu.memref_slice %arg6[%dma_start3A_291, %add3A_290, %dma_start3A_292] : memref<2x416x64xf32, #tpu.memory_space<vmem>> -> memref<1x1x64xf32, #tpu.memory_space<vmem>>
        %dma_start3A_294 = tpu.memref_squeeze %dma_start3A_293 : memref<1x1x64xf32, #tpu.memory_space<vmem>> -> memref<64xf32, #tpu.memory_space<vmem>>
        %dma_start3A_295 = arith.constant 0 : i32
        %dma_start3A_296 = tpu.memref_slice %arg3[%multiple_of3A_286, %dma_start3A_295] : memref<2600000x64xf32, #tpu.memory_space<hbm>> -> memref<1x64xf32, #tpu.memory_space<hbm>>
        %dma_start3A_297 = tpu.memref_squeeze %dma_start3A_296 : memref<1x64xf32, #tpu.memory_space<hbm>> -> memref<64xf32, #tpu.memory_space<hbm>>
        %dma_start3A_298 = arith.constant 0 : i32
        %dma_start3A_299 = tpu.memref_slice %arg6[%dma_start3A_291, %add3A_290, %dma_start3A_298] : memref<2x416x64xf32, #tpu.memory_space<vmem>> -> memref<1x1x64xf32, #tpu.memory_space<vmem>>
        %dma_start3A_300 = tpu.memref_squeeze %dma_start3A_299 : memref<1x1x64xf32, #tpu.memory_space<vmem>> -> memref<64xf32, #tpu.memory_space<vmem>>
        %dma_start3A_301 = arith.constant 0 : i32
        %dma_start3A_302 = tpu.memref_slice %arg3[%multiple_of3A_286, %dma_start3A_301] : memref<2600000x64xf32, #tpu.memory_space<hbm>> -> memref<1x64xf32, #tpu.memory_space<hbm>>
        %dma_start3A_303 = tpu.memref_squeeze %dma_start3A_302 : memref<1x64xf32, #tpu.memory_space<hbm>> -> memref<64xf32, #tpu.memory_space<hbm>>
        tpu.enqueue_dma source(%dma_start3A_303 : memref<64xf32, #tpu.memory_space<hbm>>) target(%dma_start3A_300 : memref<64xf32, #tpu.memory_space<vmem>>) target_semaphore(%arg8 : memref<!tpu.dma_semaphore, #tpu.memory_space<semaphore_mem>>)
        %slice3A_304 = vector.extract_strided_slice %get3A_27 {offsets = [14], sizes = [1], strides = [1]} : vector<16xi32> to vector<1xi32>
        %squeeze3A_305 = vector.extract %slice3A_304[0] : i32 from vector<1xi32>
        %multiple_of3A_306 = tpu.assume_multiple %squeeze3A_305, 8 : i32
        %mul3A_307 = arith.constant 16 : i32
        %mul3A_308 = arith.muli %scan3A_24, %mul3A_307 : i32
        %add3A_309 = arith.constant 14 : i32
        %add3A_310 = arith.addi %mul3A_308, %add3A_309 : i32
        %dma_start3A_311 = arith.constant 0 : i32
        %dma_start3A_312 = arith.constant 0 : i32
        %dma_start3A_313 = tpu.memref_slice %arg6[%dma_start3A_311, %add3A_310, %dma_start3A_312] : memref<2x416x64xf32, #tpu.memory_space<vmem>> -> memref<1x1x64xf32, #tpu.memory_space<vmem>>
        %dma_start3A_314 = tpu.memref_squeeze %dma_start3A_313 : memref<1x1x64xf32, #tpu.memory_space<vmem>> -> memref<64xf32, #tpu.memory_space<vmem>>
        %dma_start3A_315 = arith.constant 0 : i32
        %dma_start3A_316 = tpu.memref_slice %arg3[%multiple_of3A_306, %dma_start3A_315] : memref<2600000x64xf32, #tpu.memory_space<hbm>> -> memref<1x64xf32, #tpu.memory_space<hbm>>
        %dma_start3A_317 = tpu.memref_squeeze %dma_start3A_316 : memref<1x64xf32, #tpu.memory_space<hbm>> -> memref<64xf32, #tpu.memory_space<hbm>>
        %dma_start3A_318 = arith.constant 0 : i32
        %dma_start3A_319 = tpu.memref_slice %arg6[%dma_start3A_311, %add3A_310, %dma_start3A_318] : memref<2x416x64xf32, #tpu.memory_space<vmem>> -> memref<1x1x64xf32, #tpu.memory_space<vmem>>
        %dma_start3A_320 = tpu.memref_squeeze %dma_start3A_319 : memref<1x1x64xf32, #tpu.memory_space<vmem>> -> memref<64xf32, #tpu.memory_space<vmem>>
        %dma_start3A_321 = arith.constant 0 : i32
        %dma_start3A_322 = tpu.memref_slice %arg3[%multiple_of3A_306, %dma_start3A_321] : memref<2600000x64xf32, #tpu.memory_space<hbm>> -> memref<1x64xf32, #tpu.memory_space<hbm>>
        %dma_start3A_323 = tpu.memref_squeeze %dma_start3A_322 : memref<1x64xf32, #tpu.memory_space<hbm>> -> memref<64xf32, #tpu.memory_space<hbm>>
        tpu.enqueue_dma source(%dma_start3A_323 : memref<64xf32, #tpu.memory_space<hbm>>) target(%dma_start3A_320 : memref<64xf32, #tpu.memory_space<vmem>>) target_semaphore(%arg8 : memref<!tpu.dma_semaphore, #tpu.memory_space<semaphore_mem>>)
        %slice3A_324 = vector.extract_strided_slice %get3A_27 {offsets = [15], sizes = [1], strides = [1]} : vector<16xi32> to vector<1xi32>
        %squeeze3A_325 = vector.extract %slice3A_324[0] : i32 from vector<1xi32>
        %multiple_of3A_326 = tpu.assume_multiple %squeeze3A_325, 8 : i32
        %mul3A_327 = arith.constant 16 : i32
        %mul3A_328 = arith.muli %scan3A_24, %mul3A_327 : i32
        %add3A_329 = arith.constant 15 : i32
        %add3A_330 = arith.addi %mul3A_328, %add3A_329 : i32
        %dma_start3A_331 = arith.constant 0 : i32
        %dma_start3A_332 = arith.constant 0 : i32
        %dma_start3A_333 = tpu.memref_slice %arg6[%dma_start3A_331, %add3A_330, %dma_start3A_332] : memref<2x416x64xf32, #tpu.memory_space<vmem>> -> memref<1x1x64xf32, #tpu.memory_space<vmem>>
        %dma_start3A_334 = tpu.memref_squeeze %dma_start3A_333 : memref<1x1x64xf32, #tpu.memory_space<vmem>> -> memref<64xf32, #tpu.memory_space<vmem>>
        %dma_start3A_335 = arith.constant 0 : i32
        %dma_start3A_336 = tpu.memref_slice %arg3[%multiple_of3A_326, %dma_start3A_335] : memref<2600000x64xf32, #tpu.memory_space<hbm>> -> memref<1x64xf32, #tpu.memory_space<hbm>>
        %dma_start3A_337 = tpu.memref_squeeze %dma_start3A_336 : memref<1x64xf32, #tpu.memory_space<hbm>> -> memref<64xf32, #tpu.memory_space<hbm>>
        %dma_start3A_338 = arith.constant 0 : i32
        %dma_start3A_339 = tpu.memref_slice %arg6[%dma_start3A_331, %add3A_330, %dma_start3A_338] : memref<2x416x64xf32, #tpu.memory_space<vmem>> -> memref<1x1x64xf32, #tpu.memory_space<vmem>>
        %dma_start3A_340 = tpu.memref_squeeze %dma_start3A_339 : memref<1x1x64xf32, #tpu.memory_space<vmem>> -> memref<64xf32, #tpu.memory_space<vmem>>
        %dma_start3A_341 = arith.constant 0 : i32
        %dma_start3A_342 = tpu.memref_slice %arg3[%multiple_of3A_326, %dma_start3A_341] : memref<2600000x64xf32, #tpu.memory_space<hbm>> -> memref<1x64xf32, #tpu.memory_space<hbm>>
        %dma_start3A_343 = tpu.memref_squeeze %dma_start3A_342 : memref<1x64xf32, #tpu.memory_space<hbm>> -> memref<64xf32, #tpu.memory_space<hbm>>
        tpu.enqueue_dma source(%dma_start3A_343 : memref<64xf32, #tpu.memory_space<hbm>>) target(%dma_start3A_340 : memref<64xf32, #tpu.memory_space<vmem>>) target_semaphore(%arg8 : memref<!tpu.dma_semaphore, #tpu.memory_space<semaphore_mem>>)
      }
      %scan3A_17 = arith.constant 26 : i32
      %scan3A_18 = arith.constant 0 : i32
      %scan3A_19 = arith.constant 0 : i32
      %scan3A_20 = arith.constant 8 : i32
      %scan3A_21 = arith.addi %scan3A_19, %scan3A_20 : i32
      %scan3A_22 = arith.constant 1 : i32
      scf.for %scan3A_24 = %scan3A_19 to %scan3A_21 step %scan3A_22  : i32 {
        %and3A = arith.constant 1 : i32
        %and3A_25 = arith.andi %scan3A_24, %and3A : i32
        %dma_wait3A = arith.constant 0 : i32
        %dma_wait3A_26 = arith.constant 0 : i32
        %dma_wait3A_27 = tpu.memref_slice %arg6[%and3A_25, %dma_wait3A, %dma_wait3A_26] : memref<2x416x64xf32, #tpu.memory_space<vmem>> -> memref<1x416x64xf32, #tpu.memory_space<vmem>>
        %dma_wait3A_28 = tpu.memref_squeeze %dma_wait3A_27 : memref<1x416x64xf32, #tpu.memory_space<vmem>> -> memref<416x64xf32, #tpu.memory_space<vmem>>
        %dma_wait3A_29 = arith.constant 0 : i32
        %dma_wait3A_30 = arith.constant 0 : i32
        %dma_wait3A_31 = tpu.memref_slice %arg3[%dma_wait3A_29, %dma_wait3A_30] : memref<2600000x64xf32, #tpu.memory_space<hbm>> -> memref<416x64xf32, #tpu.memory_space<hbm>>
        %dma_wait3A_32 = arith.constant 0 : i32
        %dma_wait3A_33 = arith.constant 0 : i32
        %dma_wait3A_34 = tpu.memref_slice %arg6[%and3A_25, %dma_wait3A_32, %dma_wait3A_33] : memref<2x416x64xf32, #tpu.memory_space<vmem>> -> memref<1x416x64xf32, #tpu.memory_space<vmem>>
        %dma_wait3A_35 = tpu.memref_squeeze %dma_wait3A_34 : memref<1x416x64xf32, #tpu.memory_space<vmem>> -> memref<416x64xf32, #tpu.memory_space<vmem>>
        %dma_wait3A_36 = arith.constant 0 : i32
        %dma_wait3A_37 = arith.constant 0 : i32
        %dma_wait3A_38 = tpu.memref_slice %arg3[%dma_wait3A_36, %dma_wait3A_37] : memref<2600000x64xf32, #tpu.memory_space<hbm>> -> memref<416x64xf32, #tpu.memory_space<hbm>>
        tpu.wait_dma2 semaphore(%arg8 : memref<!tpu.dma_semaphore, #tpu.memory_space<semaphore_mem>>) src(%dma_wait3A_38 : memref<416x64xf32, #tpu.memory_space<hbm>>) dst(%dma_wait3A_35 : memref<416x64xf32, #tpu.memory_space<vmem>>)
        %lt3A = arith.constant 7 : i32
        %lt3A_39 = arith.cmpi slt, %scan3A_24, %lt3A : i32
        %convert_element_type3A = arith.extui %lt3A_39 : i1 to i32
        %cond3A = arith.constant 0 : i32
        %cond3A_40 = arith.cmpi ne, %convert_element_type3A, %cond3A : i32
        scf.if %cond3A_40 {
          %sub3A_1142 = arith.constant 1 : i32
          %sub3A_1143 = arith.subi %sub3A_1142, %and3A_25 : i32
          %add3A_1144 = arith.constant 1 : i32
          %add3A_1145 = arith.addi %scan3A_24, %add3A_1144 : i32
          %scan3A_1146 = arith.constant 0 : i32
          %scan3A_1147 = arith.constant 0 : i32
          %scan3A_1148 = arith.constant 26 : i32
          %scan3A_1149 = arith.addi %scan3A_1147, %scan3A_1148 : i32
          %scan3A_1150 = arith.constant 1 : i32
          scf.for %scan3A_1152 = %scan3A_1147 to %scan3A_1149 step %scan3A_1150  : i32 {
            %mul3A_1153 = arith.constant 16 : i32
            %mul3A_1154 = arith.muli %add3A_1145, %mul3A_1153 : i32
            %get3A = arith.index_cast %scan3A_1152 : i32 to index
            %get3A_1155 = arith.index_cast %mul3A_1154 : i32 to index
            %get3A_1156 = tpu.vector_load %arg5[%get3A, %get3A_1155] {strides = array<i32>} : memref<26x128xi32, #tpu.memory_space<vmem>>, vector<1x16xi32>,
            %get3A_1157 = vector.shape_cast %get3A_1156 : vector<1x16xi32> to vector<16xi32>
            %slice3A = vector.extract_strided_slice %get3A_1157 {offsets = [0], sizes = [1], strides = [1]} : vector<16xi32> to vector<1xi32>
            %squeeze3A = vector.extract %slice3A[0] : i32 from vector<1xi32>
            %multiple_of3A = tpu.assume_multiple %squeeze3A, 8 : i32
            %mul3A_1158 = arith.constant 16 : i32
            %mul3A_1159 = arith.muli %scan3A_1152, %mul3A_1158 : i32
            %add3A_1160 = arith.constant 0 : i32
            %add3A_1161 = arith.addi %mul3A_1159, %add3A_1160 : i32
            %dma_start3A = arith.constant 0 : i32
            %dma_start3A_1162 = tpu.memref_slice %arg6[%sub3A_1143, %add3A_1161, %dma_start3A] : memref<2x416x64xf32, #tpu.memory_space<vmem>> -> memref<1x1x64xf32, #tpu.memory_space<vmem>>
            %dma_start3A_1163 = tpu.memref_squeeze %dma_start3A_1162 : memref<1x1x64xf32, #tpu.memory_space<vmem>> -> memref<64xf32, #tpu.memory_space<vmem>>
            %dma_start3A_1164 = arith.constant 0 : i32
            %dma_start3A_1165 = tpu.memref_slice %arg3[%multiple_of3A, %dma_start3A_1164] : memref<2600000x64xf32, #tpu.memory_space<hbm>> -> memref<1x64xf32, #tpu.memory_space<hbm>>
            %dma_start3A_1166 = tpu.memref_squeeze %dma_start3A_1165 : memref<1x64xf32, #tpu.memory_space<hbm>> -> memref<64xf32, #tpu.memory_space<hbm>>
            %dma_start3A_1167 = arith.constant 0 : i32
            %dma_start3A_1168 = tpu.memref_slice %arg6[%sub3A_1143, %add3A_1161, %dma_start3A_1167] : memref<2x416x64xf32, #tpu.memory_space<vmem>> -> memref<1x1x64xf32, #tpu.memory_space<vmem>>
            %dma_start3A_1169 = tpu.memref_squeeze %dma_start3A_1168 : memref<1x1x64xf32, #tpu.memory_space<vmem>> -> memref<64xf32, #tpu.memory_space<vmem>>
            %dma_start3A_1170 = arith.constant 0 : i32
            %dma_start3A_1171 = tpu.memref_slice %arg3[%multiple_of3A, %dma_start3A_1170] : memref<2600000x64xf32, #tpu.memory_space<hbm>> -> memref<1x64xf32, #tpu.memory_space<hbm>>
            %dma_start3A_1172 = tpu.memref_squeeze %dma_start3A_1171 : memref<1x64xf32, #tpu.memory_space<hbm>> -> memref<64xf32, #tpu.memory_space<hbm>>
            tpu.enqueue_dma source(%dma_start3A_1172 : memref<64xf32, #tpu.memory_space<hbm>>) target(%dma_start3A_1169 : memref<64xf32, #tpu.memory_space<vmem>>) target_semaphore(%arg8 : memref<!tpu.dma_semaphore, #tpu.memory_space<semaphore_mem>>)
            %slice3A_1173 = vector.extract_strided_slice %get3A_1157 {offsets = [1], sizes = [1], strides = [1]} : vector<16xi32> to vector<1xi32>
            %squeeze3A_1174 = vector.extract %slice3A_1173[0] : i32 from vector<1xi32>
            %multiple_of3A_1175 = tpu.assume_multiple %squeeze3A_1174, 8 : i32
            %mul3A_1176 = arith.constant 16 : i32
            %mul3A_1177 = arith.muli %scan3A_1152, %mul3A_1176 : i32
            %add3A_1178 = arith.constant 1 : i32
            %add3A_1179 = arith.addi %mul3A_1177, %add3A_1178 : i32
            %dma_start3A_1180 = arith.constant 0 : i32
            %dma_start3A_1181 = tpu.memref_slice %arg6[%sub3A_1143, %add3A_1179, %dma_start3A_1180] : memref<2x416x64xf32, #tpu.memory_space<vmem>> -> memref<1x1x64xf32, #tpu.memory_space<vmem>>
            %dma_start3A_1182 = tpu.memref_squeeze %dma_start3A_1181 : memref<1x1x64xf32, #tpu.memory_space<vmem>> -> memref<64xf32, #tpu.memory_space<vmem>>
            %dma_start3A_1183 = arith.constant 0 : i32
            %dma_start3A_1184 = tpu.memref_slice %arg3[%multiple_of3A_1175, %dma_start3A_1183] : memref<2600000x64xf32, #tpu.memory_space<hbm>> -> memref<1x64xf32, #tpu.memory_space<hbm>>
            %dma_start3A_1185 = tpu.memref_squeeze %dma_start3A_1184 : memref<1x64xf32, #tpu.memory_space<hbm>> -> memref<64xf32, #tpu.memory_space<hbm>>
            %dma_start3A_1186 = arith.constant 0 : i32
            %dma_start3A_1187 = tpu.memref_slice %arg6[%sub3A_1143, %add3A_1179, %dma_start3A_1186] : memref<2x416x64xf32, #tpu.memory_space<vmem>> -> memref<1x1x64xf32, #tpu.memory_space<vmem>>
            %dma_start3A_1188 = tpu.memref_squeeze %dma_start3A_1187 : memref<1x1x64xf32, #tpu.memory_space<vmem>> -> memref<64xf32, #tpu.memory_space<vmem>>
            %dma_start3A_1189 = arith.constant 0 : i32
            %dma_start3A_1190 = tpu.memref_slice %arg3[%multiple_of3A_1175, %dma_start3A_1189] : memref<2600000x64xf32, #tpu.memory_space<hbm>> -> memref<1x64xf32, #tpu.memory_space<hbm>>
            %dma_start3A_1191 = tpu.memref_squeeze %dma_start3A_1190 : memref<1x64xf32, #tpu.memory_space<hbm>> -> memref<64xf32, #tpu.memory_space<hbm>>
            tpu.enqueue_dma source(%dma_start3A_1191 : memref<64xf32, #tpu.memory_space<hbm>>) target(%dma_start3A_1188 : memref<64xf32, #tpu.memory_space<vmem>>) target_semaphore(%arg8 : memref<!tpu.dma_semaphore, #tpu.memory_space<semaphore_mem>>)
            %slice3A_1192 = vector.extract_strided_slice %get3A_1157 {offsets = [2], sizes = [1], strides = [1]} : vector<16xi32> to vector<1xi32>
            %squeeze3A_1193 = vector.extract %slice3A_1192[0] : i32 from vector<1xi32>
            %multiple_of3A_1194 = tpu.assume_multiple %squeeze3A_1193, 8 : i32
            %mul3A_1195 = arith.constant 16 : i32
            %mul3A_1196 = arith.muli %scan3A_1152, %mul3A_1195 : i32
            %add3A_1197 = arith.constant 2 : i32
            %add3A_1198 = arith.addi %mul3A_1196, %add3A_1197 : i32
            %dma_start3A_1199 = arith.constant 0 : i32
            %dma_start3A_1200 = tpu.memref_slice %arg6[%sub3A_1143, %add3A_1198, %dma_start3A_1199] : memref<2x416x64xf32, #tpu.memory_space<vmem>> -> memref<1x1x64xf32, #tpu.memory_space<vmem>>
            %dma_start3A_1201 = tpu.memref_squeeze %dma_start3A_1200 : memref<1x1x64xf32, #tpu.memory_space<vmem>> -> memref<64xf32, #tpu.memory_space<vmem>>
            %dma_start3A_1202 = arith.constant 0 : i32
            %dma_start3A_1203 = tpu.memref_slice %arg3[%multiple_of3A_1194, %dma_start3A_1202] : memref<2600000x64xf32, #tpu.memory_space<hbm>> -> memref<1x64xf32, #tpu.memory_space<hbm>>
            %dma_start3A_1204 = tpu.memref_squeeze %dma_start3A_1203 : memref<1x64xf32, #tpu.memory_space<hbm>> -> memref<64xf32, #tpu.memory_space<hbm>>
            %dma_start3A_1205 = arith.constant 0 : i32
            %dma_start3A_1206 = tpu.memref_slice %arg6[%sub3A_1143, %add3A_1198, %dma_start3A_1205] : memref<2x416x64xf32, #tpu.memory_space<vmem>> -> memref<1x1x64xf32, #tpu.memory_space<vmem>>
            %dma_start3A_1207 = tpu.memref_squeeze %dma_start3A_1206 : memref<1x1x64xf32, #tpu.memory_space<vmem>> -> memref<64xf32, #tpu.memory_space<vmem>>
            %dma_start3A_1208 = arith.constant 0 : i32
            %dma_start3A_1209 = tpu.memref_slice %arg3[%multiple_of3A_1194, %dma_start3A_1208] : memref<2600000x64xf32, #tpu.memory_space<hbm>> -> memref<1x64xf32, #tpu.memory_space<hbm>>
            %dma_start3A_1210 = tpu.memref_squeeze %dma_start3A_1209 : memref<1x64xf32, #tpu.memory_space<hbm>> -> memref<64xf32, #tpu.memory_space<hbm>>
            tpu.enqueue_dma source(%dma_start3A_1210 : memref<64xf32, #tpu.memory_space<hbm>>) target(%dma_start3A_1207 : memref<64xf32, #tpu.memory_space<vmem>>) target_semaphore(%arg8 : memref<!tpu.dma_semaphore, #tpu.memory_space<semaphore_mem>>)
            %slice3A_1211 = vector.extract_strided_slice %get3A_1157 {offsets = [3], sizes = [1], strides = [1]} : vector<16xi32> to vector<1xi32>
            %squeeze3A_1212 = vector.extract %slice3A_1211[0] : i32 from vector<1xi32>
            %multiple_of3A_1213 = tpu.assume_multiple %squeeze3A_1212, 8 : i32
            %mul3A_1214 = arith.constant 16 : i32
            %mul3A_1215 = arith.muli %scan3A_1152, %mul3A_1214 : i32
            %add3A_1216 = arith.constant 3 : i32
            %add3A_1217 = arith.addi %mul3A_1215, %add3A_1216 : i32
            %dma_start3A_1218 = arith.constant 0 : i32
            %dma_start3A_1219 = tpu.memref_slice %arg6[%sub3A_1143, %add3A_1217, %dma_start3A_1218] : memref<2x416x64xf32, #tpu.memory_space<vmem>> -> memref<1x1x64xf32, #tpu.memory_space<vmem>>
            %dma_start3A_1220 = tpu.memref_squeeze %dma_start3A_1219 : memref<1x1x64xf32, #tpu.memory_space<vmem>> -> memref<64xf32, #tpu.memory_space<vmem>>
            %dma_start3A_1221 = arith.constant 0 : i32
            %dma_start3A_1222 = tpu.memref_slice %arg3[%multiple_of3A_1213, %dma_start3A_1221] : memref<2600000x64xf32, #tpu.memory_space<hbm>> -> memref<1x64xf32, #tpu.memory_space<hbm>>
            %dma_start3A_1223 = tpu.memref_squeeze %dma_start3A_1222 : memref<1x64xf32, #tpu.memory_space<hbm>> -> memref<64xf32, #tpu.memory_space<hbm>>
            %dma_start3A_1224 = arith.constant 0 : i32
            %dma_start3A_1225 = tpu.memref_slice %arg6[%sub3A_1143, %add3A_1217, %dma_start3A_1224] : memref<2x416x64xf32, #tpu.memory_space<vmem>> -> memref<1x1x64xf32, #tpu.memory_space<vmem>>
            %dma_start3A_1226 = tpu.memref_squeeze %dma_start3A_1225 : memref<1x1x64xf32, #tpu.memory_space<vmem>> -> memref<64xf32, #tpu.memory_space<vmem>>
            %dma_start3A_1227 = arith.constant 0 : i32
            %dma_start3A_1228 = tpu.memref_slice %arg3[%multiple_of3A_1213, %dma_start3A_1227] : memref<2600000x64xf32, #tpu.memory_space<hbm>> -> memref<1x64xf32, #tpu.memory_space<hbm>>
            %dma_start3A_1229 = tpu.memref_squeeze %dma_start3A_1228 : memref<1x64xf32, #tpu.memory_space<hbm>> -> memref<64xf32, #tpu.memory_space<hbm>>
            tpu.enqueue_dma source(%dma_start3A_1229 : memref<64xf32, #tpu.memory_space<hbm>>) target(%dma_start3A_1226 : memref<64xf32, #tpu.memory_space<vmem>>) target_semaphore(%arg8 : memref<!tpu.dma_semaphore, #tpu.memory_space<semaphore_mem>>)
            %slice3A_1230 = vector.extract_strided_slice %get3A_1157 {offsets = [4], sizes = [1], strides = [1]} : vector<16xi32> to vector<1xi32>
            %squeeze3A_1231 = vector.extract %slice3A_1230[0] : i32 from vector<1xi32>
            %multiple_of3A_1232 = tpu.assume_multiple %squeeze3A_1231, 8 : i32
            %mul3A_1233 = arith.constant 16 : i32
            %mul3A_1234 = arith.muli %scan3A_1152, %mul3A_1233 : i32
            %add3A_1235 = arith.constant 4 : i32
            %add3A_1236 = arith.addi %mul3A_1234, %add3A_1235 : i32
            %dma_start3A_1237 = arith.constant 0 : i32
            %dma_start3A_1238 = tpu.memref_slice %arg6[%sub3A_1143, %add3A_1236, %dma_start3A_1237] : memref<2x416x64xf32, #tpu.memory_space<vmem>> -> memref<1x1x64xf32, #tpu.memory_space<vmem>>
            %dma_start3A_1239 = tpu.memref_squeeze %dma_start3A_1238 : memref<1x1x64xf32, #tpu.memory_space<vmem>> -> memref<64xf32, #tpu.memory_space<vmem>>
            %dma_start3A_1240 = arith.constant 0 : i32
            %dma_start3A_1241 = tpu.memref_slice %arg3[%multiple_of3A_1232, %dma_start3A_1240] : memref<2600000x64xf32, #tpu.memory_space<hbm>> -> memref<1x64xf32, #tpu.memory_space<hbm>>
            %dma_start3A_1242 = tpu.memref_squeeze %dma_start3A_1241 : memref<1x64xf32, #tpu.memory_space<hbm>> -> memref<64xf32, #tpu.memory_space<hbm>>
            %dma_start3A_1243 = arith.constant 0 : i32
            %dma_start3A_1244 = tpu.memref_slice %arg6[%sub3A_1143, %add3A_1236, %dma_start3A_1243] : memref<2x416x64xf32, #tpu.memory_space<vmem>> -> memref<1x1x64xf32, #tpu.memory_space<vmem>>
            %dma_start3A_1245 = tpu.memref_squeeze %dma_start3A_1244 : memref<1x1x64xf32, #tpu.memory_space<vmem>> -> memref<64xf32, #tpu.memory_space<vmem>>
            %dma_start3A_1246 = arith.constant 0 : i32
            %dma_start3A_1247 = tpu.memref_slice %arg3[%multiple_of3A_1232, %dma_start3A_1246] : memref<2600000x64xf32, #tpu.memory_space<hbm>> -> memref<1x64xf32, #tpu.memory_space<hbm>>
            %dma_start3A_1248 = tpu.memref_squeeze %dma_start3A_1247 : memref<1x64xf32, #tpu.memory_space<hbm>> -> memref<64xf32, #tpu.memory_space<hbm>>
            tpu.enqueue_dma source(%dma_start3A_1248 : memref<64xf32, #tpu.memory_space<hbm>>) target(%dma_start3A_1245 : memref<64xf32, #tpu.memory_space<vmem>>) target_semaphore(%arg8 : memref<!tpu.dma_semaphore, #tpu.memory_space<semaphore_mem>>)
            %slice3A_1249 = vector.extract_strided_slice %get3A_1157 {offsets = [5], sizes = [1], strides = [1]} : vector<16xi32> to vector<1xi32>
            %squeeze3A_1250 = vector.extract %slice3A_1249[0] : i32 from vector<1xi32>
            %multiple_of3A_1251 = tpu.assume_multiple %squeeze3A_1250, 8 : i32
            %mul3A_1252 = arith.constant 16 : i32
            %mul3A_1253 = arith.muli %scan3A_1152, %mul3A_1252 : i32
            %add3A_1254 = arith.constant 5 : i32
            %add3A_1255 = arith.addi %mul3A_1253, %add3A_1254 : i32
            %dma_start3A_1256 = arith.constant 0 : i32
            %dma_start3A_1257 = tpu.memref_slice %arg6[%sub3A_1143, %add3A_1255, %dma_start3A_1256] : memref<2x416x64xf32, #tpu.memory_space<vmem>> -> memref<1x1x64xf32, #tpu.memory_space<vmem>>
            %dma_start3A_1258 = tpu.memref_squeeze %dma_start3A_1257 : memref<1x1x64xf32, #tpu.memory_space<vmem>> -> memref<64xf32, #tpu.memory_space<vmem>>
            %dma_start3A_1259 = arith.constant 0 : i32
            %dma_start3A_1260 = tpu.memref_slice %arg3[%multiple_of3A_1251, %dma_start3A_1259] : memref<2600000x64xf32, #tpu.memory_space<hbm>> -> memref<1x64xf32, #tpu.memory_space<hbm>>
            %dma_start3A_1261 = tpu.memref_squeeze %dma_start3A_1260 : memref<1x64xf32, #tpu.memory_space<hbm>> -> memref<64xf32, #tpu.memory_space<hbm>>
            %dma_start3A_1262 = arith.constant 0 : i32
            %dma_start3A_1263 = tpu.memref_slice %arg6[%sub3A_1143, %add3A_1255, %dma_start3A_1262] : memref<2x416x64xf32, #tpu.memory_space<vmem>> -> memref<1x1x64xf32, #tpu.memory_space<vmem>>
            %dma_start3A_1264 = tpu.memref_squeeze %dma_start3A_1263 : memref<1x1x64xf32, #tpu.memory_space<vmem>> -> memref<64xf32, #tpu.memory_space<vmem>>
            %dma_start3A_1265 = arith.constant 0 : i32
            %dma_start3A_1266 = tpu.memref_slice %arg3[%multiple_of3A_1251, %dma_start3A_1265] : memref<2600000x64xf32, #tpu.memory_space<hbm>> -> memref<1x64xf32, #tpu.memory_space<hbm>>
            %dma_start3A_1267 = tpu.memref_squeeze %dma_start3A_1266 : memref<1x64xf32, #tpu.memory_space<hbm>> -> memref<64xf32, #tpu.memory_space<hbm>>
            tpu.enqueue_dma source(%dma_start3A_1267 : memref<64xf32, #tpu.memory_space<hbm>>) target(%dma_start3A_1264 : memref<64xf32, #tpu.memory_space<vmem>>) target_semaphore(%arg8 : memref<!tpu.dma_semaphore, #tpu.memory_space<semaphore_mem>>)
            %slice3A_1268 = vector.extract_strided_slice %get3A_1157 {offsets = [6], sizes = [1], strides = [1]} : vector<16xi32> to vector<1xi32>
            %squeeze3A_1269 = vector.extract %slice3A_1268[0] : i32 from vector<1xi32>
            %multiple_of3A_1270 = tpu.assume_multiple %squeeze3A_1269, 8 : i32
            %mul3A_1271 = arith.constant 16 : i32
            %mul3A_1272 = arith.muli %scan3A_1152, %mul3A_1271 : i32
            %add3A_1273 = arith.constant 6 : i32
            %add3A_1274 = arith.addi %mul3A_1272, %add3A_1273 : i32
            %dma_start3A_1275 = arith.constant 0 : i32
            %dma_start3A_1276 = tpu.memref_slice %arg6[%sub3A_1143, %add3A_1274, %dma_start3A_1275] : memref<2x416x64xf32, #tpu.memory_space<vmem>> -> memref<1x1x64xf32, #tpu.memory_space<vmem>>
            %dma_start3A_1277 = tpu.memref_squeeze %dma_start3A_1276 : memref<1x1x64xf32, #tpu.memory_space<vmem>> -> memref<64xf32, #tpu.memory_space<vmem>>
            %dma_start3A_1278 = arith.constant 0 : i32
            %dma_start3A_1279 = tpu.memref_slice %arg3[%multiple_of3A_1270, %dma_start3A_1278] : memref<2600000x64xf32, #tpu.memory_space<hbm>> -> memref<1x64xf32, #tpu.memory_space<hbm>>
            %dma_start3A_1280 = tpu.memref_squeeze %dma_start3A_1279 : memref<1x64xf32, #tpu.memory_space<hbm>> -> memref<64xf32, #tpu.memory_space<hbm>>
            %dma_start3A_1281 = arith.constant 0 : i32
            %dma_start3A_1282 = tpu.memref_slice %arg6[%sub3A_1143, %add3A_1274, %dma_start3A_1281] : memref<2x416x64xf32, #tpu.memory_space<vmem>> -> memref<1x1x64xf32, #tpu.memory_space<vmem>>
            %dma_start3A_1283 = tpu.memref_squeeze %dma_start3A_1282 : memref<1x1x64xf32, #tpu.memory_space<vmem>> -> memref<64xf32, #tpu.memory_space<vmem>>
            %dma_start3A_1284 = arith.constant 0 : i32
            %dma_start3A_1285 = tpu.memref_slice %arg3[%multiple_of3A_1270, %dma_start3A_1284] : memref<2600000x64xf32, #tpu.memory_space<hbm>> -> memref<1x64xf32, #tpu.memory_space<hbm>>
            %dma_start3A_1286 = tpu.memref_squeeze %dma_start3A_1285 : memref<1x64xf32, #tpu.memory_space<hbm>> -> memref<64xf32, #tpu.memory_space<hbm>>
            tpu.enqueue_dma source(%dma_start3A_1286 : memref<64xf32, #tpu.memory_space<hbm>>) target(%dma_start3A_1283 : memref<64xf32, #tpu.memory_space<vmem>>) target_semaphore(%arg8 : memref<!tpu.dma_semaphore, #tpu.memory_space<semaphore_mem>>)
            %slice3A_1287 = vector.extract_strided_slice %get3A_1157 {offsets = [7], sizes = [1], strides = [1]} : vector<16xi32> to vector<1xi32>
            %squeeze3A_1288 = vector.extract %slice3A_1287[0] : i32 from vector<1xi32>
            %multiple_of3A_1289 = tpu.assume_multiple %squeeze3A_1288, 8 : i32
            %mul3A_1290 = arith.constant 16 : i32
            %mul3A_1291 = arith.muli %scan3A_1152, %mul3A_1290 : i32
            %add3A_1292 = arith.constant 7 : i32
            %add3A_1293 = arith.addi %mul3A_1291, %add3A_1292 : i32
            %dma_start3A_1294 = arith.constant 0 : i32
            %dma_start3A_1295 = tpu.memref_slice %arg6[%sub3A_1143, %add3A_1293, %dma_start3A_1294] : memref<2x416x64xf32, #tpu.memory_space<vmem>> -> memref<1x1x64xf32, #tpu.memory_space<vmem>>
            %dma_start3A_1296 = tpu.memref_squeeze %dma_start3A_1295 : memref<1x1x64xf32, #tpu.memory_space<vmem>> -> memref<64xf32, #tpu.memory_space<vmem>>
            %dma_start3A_1297 = arith.constant 0 : i32
            %dma_start3A_1298 = tpu.memref_slice %arg3[%multiple_of3A_1289, %dma_start3A_1297] : memref<2600000x64xf32, #tpu.memory_space<hbm>> -> memref<1x64xf32, #tpu.memory_space<hbm>>
            %dma_start3A_1299 = tpu.memref_squeeze %dma_start3A_1298 : memref<1x64xf32, #tpu.memory_space<hbm>> -> memref<64xf32, #tpu.memory_space<hbm>>
            %dma_start3A_1300 = arith.constant 0 : i32
            %dma_start3A_1301 = tpu.memref_slice %arg6[%sub3A_1143, %add3A_1293, %dma_start3A_1300] : memref<2x416x64xf32, #tpu.memory_space<vmem>> -> memref<1x1x64xf32, #tpu.memory_space<vmem>>
            %dma_start3A_1302 = tpu.memref_squeeze %dma_start3A_1301 : memref<1x1x64xf32, #tpu.memory_space<vmem>> -> memref<64xf32, #tpu.memory_space<vmem>>
            %dma_start3A_1303 = arith.constant 0 : i32
            %dma_start3A_1304 = tpu.memref_slice %arg3[%multiple_of3A_1289, %dma_start3A_1303] : memref<2600000x64xf32, #tpu.memory_space<hbm>> -> memref<1x64xf32, #tpu.memory_space<hbm>>
            %dma_start3A_1305 = tpu.memref_squeeze %dma_start3A_1304 : memref<1x64xf32, #tpu.memory_space<hbm>> -> memref<64xf32, #tpu.memory_space<hbm>>
            tpu.enqueue_dma source(%dma_start3A_1305 : memref<64xf32, #tpu.memory_space<hbm>>) target(%dma_start3A_1302 : memref<64xf32, #tpu.memory_space<vmem>>) target_semaphore(%arg8 : memref<!tpu.dma_semaphore, #tpu.memory_space<semaphore_mem>>)
            %slice3A_1306 = vector.extract_strided_slice %get3A_1157 {offsets = [8], sizes = [1], strides = [1]} : vector<16xi32> to vector<1xi32>
            %squeeze3A_1307 = vector.extract %slice3A_1306[0] : i32 from vector<1xi32>
            %multiple_of3A_1308 = tpu.assume_multiple %squeeze3A_1307, 8 : i32
            %mul3A_1309 = arith.constant 16 : i32
            %mul3A_1310 = arith.muli %scan3A_1152, %mul3A_1309 : i32
            %add3A_1311 = arith.constant 8 : i32
            %add3A_1312 = arith.addi %mul3A_1310, %add3A_1311 : i32
            %dma_start3A_1313 = arith.constant 0 : i32
            %dma_start3A_1314 = tpu.memref_slice %arg6[%sub3A_1143, %add3A_1312, %dma_start3A_1313] : memref<2x416x64xf32, #tpu.memory_space<vmem>> -> memref<1x1x64xf32, #tpu.memory_space<vmem>>
            %dma_start3A_1315 = tpu.memref_squeeze %dma_start3A_1314 : memref<1x1x64xf32, #tpu.memory_space<vmem>> -> memref<64xf32, #tpu.memory_space<vmem>>
            %dma_start3A_1316 = arith.constant 0 : i32
            %dma_start3A_1317 = tpu.memref_slice %arg3[%multiple_of3A_1308, %dma_start3A_1316] : memref<2600000x64xf32, #tpu.memory_space<hbm>> -> memref<1x64xf32, #tpu.memory_space<hbm>>
            %dma_start3A_1318 = tpu.memref_squeeze %dma_start3A_1317 : memref<1x64xf32, #tpu.memory_space<hbm>> -> memref<64xf32, #tpu.memory_space<hbm>>
            %dma_start3A_1319 = arith.constant 0 : i32
            %dma_start3A_1320 = tpu.memref_slice %arg6[%sub3A_1143, %add3A_1312, %dma_start3A_1319] : memref<2x416x64xf32, #tpu.memory_space<vmem>> -> memref<1x1x64xf32, #tpu.memory_space<vmem>>
            %dma_start3A_1321 = tpu.memref_squeeze %dma_start3A_1320 : memref<1x1x64xf32, #tpu.memory_space<vmem>> -> memref<64xf32, #tpu.memory_space<vmem>>
            %dma_start3A_1322 = arith.constant 0 : i32
            %dma_start3A_1323 = tpu.memref_slice %arg3[%multiple_of3A_1308, %dma_start3A_1322] : memref<2600000x64xf32, #tpu.memory_space<hbm>> -> memref<1x64xf32, #tpu.memory_space<hbm>>
            %dma_start3A_1324 = tpu.memref_squeeze %dma_start3A_1323 : memref<1x64xf32, #tpu.memory_space<hbm>> -> memref<64xf32, #tpu.memory_space<hbm>>
            tpu.enqueue_dma source(%dma_start3A_1324 : memref<64xf32, #tpu.memory_space<hbm>>) target(%dma_start3A_1321 : memref<64xf32, #tpu.memory_space<vmem>>) target_semaphore(%arg8 : memref<!tpu.dma_semaphore, #tpu.memory_space<semaphore_mem>>)
            %slice3A_1325 = vector.extract_strided_slice %get3A_1157 {offsets = [9], sizes = [1], strides = [1]} : vector<16xi32> to vector<1xi32>
            %squeeze3A_1326 = vector.extract %slice3A_1325[0] : i32 from vector<1xi32>
            %multiple_of3A_1327 = tpu.assume_multiple %squeeze3A_1326, 8 : i32
            %mul3A_1328 = arith.constant 16 : i32
            %mul3A_1329 = arith.muli %scan3A_1152, %mul3A_1328 : i32
            %add3A_1330 = arith.constant 9 : i32
            %add3A_1331 = arith.addi %mul3A_1329, %add3A_1330 : i32
            %dma_start3A_1332 = arith.constant 0 : i32
            %dma_start3A_1333 = tpu.memref_slice %arg6[%sub3A_1143, %add3A_1331, %dma_start3A_1332] : memref<2x416x64xf32, #tpu.memory_space<vmem>> -> memref<1x1x64xf32, #tpu.memory_space<vmem>>
            %dma_start3A_1334 = tpu.memref_squeeze %dma_start3A_1333 : memref<1x1x64xf32, #tpu.memory_space<vmem>> -> memref<64xf32, #tpu.memory_space<vmem>>
            %dma_start3A_1335 = arith.constant 0 : i32
            %dma_start3A_1336 = tpu.memref_slice %arg3[%multiple_of3A_1327, %dma_start3A_1335] : memref<2600000x64xf32, #tpu.memory_space<hbm>> -> memref<1x64xf32, #tpu.memory_space<hbm>>
            %dma_start3A_1337 = tpu.memref_squeeze %dma_start3A_1336 : memref<1x64xf32, #tpu.memory_space<hbm>> -> memref<64xf32, #tpu.memory_space<hbm>>
            %dma_start3A_1338 = arith.constant 0 : i32
            %dma_start3A_1339 = tpu.memref_slice %arg6[%sub3A_1143, %add3A_1331, %dma_start3A_1338] : memref<2x416x64xf32, #tpu.memory_space<vmem>> -> memref<1x1x64xf32, #tpu.memory_space<vmem>>
            %dma_start3A_1340 = tpu.memref_squeeze %dma_start3A_1339 : memref<1x1x64xf32, #tpu.memory_space<vmem>> -> memref<64xf32, #tpu.memory_space<vmem>>
            %dma_start3A_1341 = arith.constant 0 : i32
            %dma_start3A_1342 = tpu.memref_slice %arg3[%multiple_of3A_1327, %dma_start3A_1341] : memref<2600000x64xf32, #tpu.memory_space<hbm>> -> memref<1x64xf32, #tpu.memory_space<hbm>>
            %dma_start3A_1343 = tpu.memref_squeeze %dma_start3A_1342 : memref<1x64xf32, #tpu.memory_space<hbm>> -> memref<64xf32, #tpu.memory_space<hbm>>
            tpu.enqueue_dma source(%dma_start3A_1343 : memref<64xf32, #tpu.memory_space<hbm>>) target(%dma_start3A_1340 : memref<64xf32, #tpu.memory_space<vmem>>) target_semaphore(%arg8 : memref<!tpu.dma_semaphore, #tpu.memory_space<semaphore_mem>>)
            %slice3A_1344 = vector.extract_strided_slice %get3A_1157 {offsets = [10], sizes = [1], strides = [1]} : vector<16xi32> to vector<1xi32>
            %squeeze3A_1345 = vector.extract %slice3A_1344[0] : i32 from vector<1xi32>
            %multiple_of3A_1346 = tpu.assume_multiple %squeeze3A_1345, 8 : i32
            %mul3A_1347 = arith.constant 16 : i32
            %mul3A_1348 = arith.muli %scan3A_1152, %mul3A_1347 : i32
            %add3A_1349 = arith.constant 10 : i32
            %add3A_1350 = arith.addi %mul3A_1348, %add3A_1349 : i32
            %dma_start3A_1351 = arith.constant 0 : i32
            %dma_start3A_1352 = tpu.memref_slice %arg6[%sub3A_1143, %add3A_1350, %dma_start3A_1351] : memref<2x416x64xf32, #tpu.memory_space<vmem>> -> memref<1x1x64xf32, #tpu.memory_space<vmem>>
            %dma_start3A_1353 = tpu.memref_squeeze %dma_start3A_1352 : memref<1x1x64xf32, #tpu.memory_space<vmem>> -> memref<64xf32, #tpu.memory_space<vmem>>
            %dma_start3A_1354 = arith.constant 0 : i32
            %dma_start3A_1355 = tpu.memref_slice %arg3[%multiple_of3A_1346, %dma_start3A_1354] : memref<2600000x64xf32, #tpu.memory_space<hbm>> -> memref<1x64xf32, #tpu.memory_space<hbm>>
            %dma_start3A_1356 = tpu.memref_squeeze %dma_start3A_1355 : memref<1x64xf32, #tpu.memory_space<hbm>> -> memref<64xf32, #tpu.memory_space<hbm>>
            %dma_start3A_1357 = arith.constant 0 : i32
            %dma_start3A_1358 = tpu.memref_slice %arg6[%sub3A_1143, %add3A_1350, %dma_start3A_1357] : memref<2x416x64xf32, #tpu.memory_space<vmem>> -> memref<1x1x64xf32, #tpu.memory_space<vmem>>
            %dma_start3A_1359 = tpu.memref_squeeze %dma_start3A_1358 : memref<1x1x64xf32, #tpu.memory_space<vmem>> -> memref<64xf32, #tpu.memory_space<vmem>>
            %dma_start3A_1360 = arith.constant 0 : i32
            %dma_start3A_1361 = tpu.memref_slice %arg3[%multiple_of3A_1346, %dma_start3A_1360] : memref<2600000x64xf32, #tpu.memory_space<hbm>> -> memref<1x64xf32, #tpu.memory_space<hbm>>
            %dma_start3A_1362 = tpu.memref_squeeze %dma_start3A_1361 : memref<1x64xf32, #tpu.memory_space<hbm>> -> memref<64xf32, #tpu.memory_space<hbm>>
            tpu.enqueue_dma source(%dma_start3A_1362 : memref<64xf32, #tpu.memory_space<hbm>>) target(%dma_start3A_1359 : memref<64xf32, #tpu.memory_space<vmem>>) target_semaphore(%arg8 : memref<!tpu.dma_semaphore, #tpu.memory_space<semaphore_mem>>)
            %slice3A_1363 = vector.extract_strided_slice %get3A_1157 {offsets = [11], sizes = [1], strides = [1]} : vector<16xi32> to vector<1xi32>
            %squeeze3A_1364 = vector.extract %slice3A_1363[0] : i32 from vector<1xi32>
            %multiple_of3A_1365 = tpu.assume_multiple %squeeze3A_1364, 8 : i32
            %mul3A_1366 = arith.constant 16 : i32
            %mul3A_1367 = arith.muli %scan3A_1152, %mul3A_1366 : i32
            %add3A_1368 = arith.constant 11 : i32
            %add3A_1369 = arith.addi %mul3A_1367, %add3A_1368 : i32
            %dma_start3A_1370 = arith.constant 0 : i32
            %dma_start3A_1371 = tpu.memref_slice %arg6[%sub3A_1143, %add3A_1369, %dma_start3A_1370] : memref<2x416x64xf32, #tpu.memory_space<vmem>> -> memref<1x1x64xf32, #tpu.memory_space<vmem>>
            %dma_start3A_1372 = tpu.memref_squeeze %dma_start3A_1371 : memref<1x1x64xf32, #tpu.memory_space<vmem>> -> memref<64xf32, #tpu.memory_space<vmem>>
            %dma_start3A_1373 = arith.constant 0 : i32
            %dma_start3A_1374 = tpu.memref_slice %arg3[%multiple_of3A_1365, %dma_start3A_1373] : memref<2600000x64xf32, #tpu.memory_space<hbm>> -> memref<1x64xf32, #tpu.memory_space<hbm>>
            %dma_start3A_1375 = tpu.memref_squeeze %dma_start3A_1374 : memref<1x64xf32, #tpu.memory_space<hbm>> -> memref<64xf32, #tpu.memory_space<hbm>>
            %dma_start3A_1376 = arith.constant 0 : i32
            %dma_start3A_1377 = tpu.memref_slice %arg6[%sub3A_1143, %add3A_1369, %dma_start3A_1376] : memref<2x416x64xf32, #tpu.memory_space<vmem>> -> memref<1x1x64xf32, #tpu.memory_space<vmem>>
            %dma_start3A_1378 = tpu.memref_squeeze %dma_start3A_1377 : memref<1x1x64xf32, #tpu.memory_space<vmem>> -> memref<64xf32, #tpu.memory_space<vmem>>
            %dma_start3A_1379 = arith.constant 0 : i32
            %dma_start3A_1380 = tpu.memref_slice %arg3[%multiple_of3A_1365, %dma_start3A_1379] : memref<2600000x64xf32, #tpu.memory_space<hbm>> -> memref<1x64xf32, #tpu.memory_space<hbm>>
            %dma_start3A_1381 = tpu.memref_squeeze %dma_start3A_1380 : memref<1x64xf32, #tpu.memory_space<hbm>> -> memref<64xf32, #tpu.memory_space<hbm>>
            tpu.enqueue_dma source(%dma_start3A_1381 : memref<64xf32, #tpu.memory_space<hbm>>) target(%dma_start3A_1378 : memref<64xf32, #tpu.memory_space<vmem>>) target_semaphore(%arg8 : memref<!tpu.dma_semaphore, #tpu.memory_space<semaphore_mem>>)
            %slice3A_1382 = vector.extract_strided_slice %get3A_1157 {offsets = [12], sizes = [1], strides = [1]} : vector<16xi32> to vector<1xi32>
            %squeeze3A_1383 = vector.extract %slice3A_1382[0] : i32 from vector<1xi32>
            %multiple_of3A_1384 = tpu.assume_multiple %squeeze3A_1383, 8 : i32
            %mul3A_1385 = arith.constant 16 : i32
            %mul3A_1386 = arith.muli %scan3A_1152, %mul3A_1385 : i32
            %add3A_1387 = arith.constant 12 : i32
            %add3A_1388 = arith.addi %mul3A_1386, %add3A_1387 : i32
            %dma_start3A_1389 = arith.constant 0 : i32
            %dma_start3A_1390 = tpu.memref_slice %arg6[%sub3A_1143, %add3A_1388, %dma_start3A_1389] : memref<2x416x64xf32, #tpu.memory_space<vmem>> -> memref<1x1x64xf32, #tpu.memory_space<vmem>>
            %dma_start3A_1391 = tpu.memref_squeeze %dma_start3A_1390 : memref<1x1x64xf32, #tpu.memory_space<vmem>> -> memref<64xf32, #tpu.memory_space<vmem>>
            %dma_start3A_1392 = arith.constant 0 : i32
            %dma_start3A_1393 = tpu.memref_slice %arg3[%multiple_of3A_1384, %dma_start3A_1392] : memref<2600000x64xf32, #tpu.memory_space<hbm>> -> memref<1x64xf32, #tpu.memory_space<hbm>>
            %dma_start3A_1394 = tpu.memref_squeeze %dma_start3A_1393 : memref<1x64xf32, #tpu.memory_space<hbm>> -> memref<64xf32, #tpu.memory_space<hbm>>
            %dma_start3A_1395 = arith.constant 0 : i32
            %dma_start3A_1396 = tpu.memref_slice %arg6[%sub3A_1143, %add3A_1388, %dma_start3A_1395] : memref<2x416x64xf32, #tpu.memory_space<vmem>> -> memref<1x1x64xf32, #tpu.memory_space<vmem>>
            %dma_start3A_1397 = tpu.memref_squeeze %dma_start3A_1396 : memref<1x1x64xf32, #tpu.memory_space<vmem>> -> memref<64xf32, #tpu.memory_space<vmem>>
            %dma_start3A_1398 = arith.constant 0 : i32
            %dma_start3A_1399 = tpu.memref_slice %arg3[%multiple_of3A_1384, %dma_start3A_1398] : memref<2600000x64xf32, #tpu.memory_space<hbm>> -> memref<1x64xf32, #tpu.memory_space<hbm>>
            %dma_start3A_1400 = tpu.memref_squeeze %dma_start3A_1399 : memref<1x64xf32, #tpu.memory_space<hbm>> -> memref<64xf32, #tpu.memory_space<hbm>>
            tpu.enqueue_dma source(%dma_start3A_1400 : memref<64xf32, #tpu.memory_space<hbm>>) target(%dma_start3A_1397 : memref<64xf32, #tpu.memory_space<vmem>>) target_semaphore(%arg8 : memref<!tpu.dma_semaphore, #tpu.memory_space<semaphore_mem>>)
            %slice3A_1401 = vector.extract_strided_slice %get3A_1157 {offsets = [13], sizes = [1], strides = [1]} : vector<16xi32> to vector<1xi32>
            %squeeze3A_1402 = vector.extract %slice3A_1401[0] : i32 from vector<1xi32>
            %multiple_of3A_1403 = tpu.assume_multiple %squeeze3A_1402, 8 : i32
            %mul3A_1404 = arith.constant 16 : i32
            %mul3A_1405 = arith.muli %scan3A_1152, %mul3A_1404 : i32
            %add3A_1406 = arith.constant 13 : i32
            %add3A_1407 = arith.addi %mul3A_1405, %add3A_1406 : i32
            %dma_start3A_1408 = arith.constant 0 : i32
            %dma_start3A_1409 = tpu.memref_slice %arg6[%sub3A_1143, %add3A_1407, %dma_start3A_1408] : memref<2x416x64xf32, #tpu.memory_space<vmem>> -> memref<1x1x64xf32, #tpu.memory_space<vmem>>
            %dma_start3A_1410 = tpu.memref_squeeze %dma_start3A_1409 : memref<1x1x64xf32, #tpu.memory_space<vmem>> -> memref<64xf32, #tpu.memory_space<vmem>>
            %dma_start3A_1411 = arith.constant 0 : i32
            %dma_start3A_1412 = tpu.memref_slice %arg3[%multiple_of3A_1403, %dma_start3A_1411] : memref<2600000x64xf32, #tpu.memory_space<hbm>> -> memref<1x64xf32, #tpu.memory_space<hbm>>
            %dma_start3A_1413 = tpu.memref_squeeze %dma_start3A_1412 : memref<1x64xf32, #tpu.memory_space<hbm>> -> memref<64xf32, #tpu.memory_space<hbm>>
            %dma_start3A_1414 = arith.constant 0 : i32
            %dma_start3A_1415 = tpu.memref_slice %arg6[%sub3A_1143, %add3A_1407, %dma_start3A_1414] : memref<2x416x64xf32, #tpu.memory_space<vmem>> -> memref<1x1x64xf32, #tpu.memory_space<vmem>>
            %dma_start3A_1416 = tpu.memref_squeeze %dma_start3A_1415 : memref<1x1x64xf32, #tpu.memory_space<vmem>> -> memref<64xf32, #tpu.memory_space<vmem>>
            %dma_start3A_1417 = arith.constant 0 : i32
            %dma_start3A_1418 = tpu.memref_slice %arg3[%multiple_of3A_1403, %dma_start3A_1417] : memref<2600000x64xf32, #tpu.memory_space<hbm>> -> memref<1x64xf32, #tpu.memory_space<hbm>>
            %dma_start3A_1419 = tpu.memref_squeeze %dma_start3A_1418 : memref<1x64xf32, #tpu.memory_space<hbm>> -> memref<64xf32, #tpu.memory_space<hbm>>
            tpu.enqueue_dma source(%dma_start3A_1419 : memref<64xf32, #tpu.memory_space<hbm>>) target(%dma_start3A_1416 : memref<64xf32, #tpu.memory_space<vmem>>) target_semaphore(%arg8 : memref<!tpu.dma_semaphore, #tpu.memory_space<semaphore_mem>>)
            %slice3A_1420 = vector.extract_strided_slice %get3A_1157 {offsets = [14], sizes = [1], strides = [1]} : vector<16xi32> to vector<1xi32>
            %squeeze3A_1421 = vector.extract %slice3A_1420[0] : i32 from vector<1xi32>
            %multiple_of3A_1422 = tpu.assume_multiple %squeeze3A_1421, 8 : i32
            %mul3A_1423 = arith.constant 16 : i32
            %mul3A_1424 = arith.muli %scan3A_1152, %mul3A_1423 : i32
            %add3A_1425 = arith.constant 14 : i32
            %add3A_1426 = arith.addi %mul3A_1424, %add3A_1425 : i32
            %dma_start3A_1427 = arith.constant 0 : i32
            %dma_start3A_1428 = tpu.memref_slice %arg6[%sub3A_1143, %add3A_1426, %dma_start3A_1427] : memref<2x416x64xf32, #tpu.memory_space<vmem>> -> memref<1x1x64xf32, #tpu.memory_space<vmem>>
            %dma_start3A_1429 = tpu.memref_squeeze %dma_start3A_1428 : memref<1x1x64xf32, #tpu.memory_space<vmem>> -> memref<64xf32, #tpu.memory_space<vmem>>
            %dma_start3A_1430 = arith.constant 0 : i32
            %dma_start3A_1431 = tpu.memref_slice %arg3[%multiple_of3A_1422, %dma_start3A_1430] : memref<2600000x64xf32, #tpu.memory_space<hbm>> -> memref<1x64xf32, #tpu.memory_space<hbm>>
            %dma_start3A_1432 = tpu.memref_squeeze %dma_start3A_1431 : memref<1x64xf32, #tpu.memory_space<hbm>> -> memref<64xf32, #tpu.memory_space<hbm>>
            %dma_start3A_1433 = arith.constant 0 : i32
            %dma_start3A_1434 = tpu.memref_slice %arg6[%sub3A_1143, %add3A_1426, %dma_start3A_1433] : memref<2x416x64xf32, #tpu.memory_space<vmem>> -> memref<1x1x64xf32, #tpu.memory_space<vmem>>
            %dma_start3A_1435 = tpu.memref_squeeze %dma_start3A_1434 : memref<1x1x64xf32, #tpu.memory_space<vmem>> -> memref<64xf32, #tpu.memory_space<vmem>>
            %dma_start3A_1436 = arith.constant 0 : i32
            %dma_start3A_1437 = tpu.memref_slice %arg3[%multiple_of3A_1422, %dma_start3A_1436] : memref<2600000x64xf32, #tpu.memory_space<hbm>> -> memref<1x64xf32, #tpu.memory_space<hbm>>
            %dma_start3A_1438 = tpu.memref_squeeze %dma_start3A_1437 : memref<1x64xf32, #tpu.memory_space<hbm>> -> memref<64xf32, #tpu.memory_space<hbm>>
            tpu.enqueue_dma source(%dma_start3A_1438 : memref<64xf32, #tpu.memory_space<hbm>>) target(%dma_start3A_1435 : memref<64xf32, #tpu.memory_space<vmem>>) target_semaphore(%arg8 : memref<!tpu.dma_semaphore, #tpu.memory_space<semaphore_mem>>)
            %slice3A_1439 = vector.extract_strided_slice %get3A_1157 {offsets = [15], sizes = [1], strides = [1]} : vector<16xi32> to vector<1xi32>
            %squeeze3A_1440 = vector.extract %slice3A_1439[0] : i32 from vector<1xi32>
            %multiple_of3A_1441 = tpu.assume_multiple %squeeze3A_1440, 8 : i32
            %mul3A_1442 = arith.constant 16 : i32
            %mul3A_1443 = arith.muli %scan3A_1152, %mul3A_1442 : i32
            %add3A_1444 = arith.constant 15 : i32
            %add3A_1445 = arith.addi %mul3A_1443, %add3A_1444 : i32
            %dma_start3A_1446 = arith.constant 0 : i32
            %dma_start3A_1447 = tpu.memref_slice %arg6[%sub3A_1143, %add3A_1445, %dma_start3A_1446] : memref<2x416x64xf32, #tpu.memory_space<vmem>> -> memref<1x1x64xf32, #tpu.memory_space<vmem>>
            %dma_start3A_1448 = tpu.memref_squeeze %dma_start3A_1447 : memref<1x1x64xf32, #tpu.memory_space<vmem>> -> memref<64xf32, #tpu.memory_space<vmem>>
            %dma_start3A_1449 = arith.constant 0 : i32
            %dma_start3A_1450 = tpu.memref_slice %arg3[%multiple_of3A_1441, %dma_start3A_1449] : memref<2600000x64xf32, #tpu.memory_space<hbm>> -> memref<1x64xf32, #tpu.memory_space<hbm>>
            %dma_start3A_1451 = tpu.memref_squeeze %dma_start3A_1450 : memref<1x64xf32, #tpu.memory_space<hbm>> -> memref<64xf32, #tpu.memory_space<hbm>>
            %dma_start3A_1452 = arith.constant 0 : i32
            %dma_start3A_1453 = tpu.memref_slice %arg6[%sub3A_1143, %add3A_1445, %dma_start3A_1452] : memref<2x416x64xf32, #tpu.memory_space<vmem>> -> memref<1x1x64xf32, #tpu.memory_space<vmem>>
            %dma_start3A_1454 = tpu.memref_squeeze %dma_start3A_1453 : memref<1x1x64xf32, #tpu.memory_space<vmem>> -> memref<64xf32, #tpu.memory_space<vmem>>
            %dma_start3A_1455 = arith.constant 0 : i32
            %dma_start3A_1456 = tpu.memref_slice %arg3[%multiple_of3A_1441, %dma_start3A_1455] : memref<2600000x64xf32, #tpu.memory_space<hbm>> -> memref<1x64xf32, #tpu.memory_space<hbm>>
            %dma_start3A_1457 = tpu.memref_squeeze %dma_start3A_1456 : memref<1x64xf32, #tpu.memory_space<hbm>> -> memref<64xf32, #tpu.memory_space<hbm>>
            tpu.enqueue_dma source(%dma_start3A_1457 : memref<64xf32, #tpu.memory_space<hbm>>) target(%dma_start3A_1454 : memref<64xf32, #tpu.memory_space<vmem>>) target_semaphore(%arg8 : memref<!tpu.dma_semaphore, #tpu.memory_space<semaphore_mem>>)
          }
          %scan3A_1151 = arith.constant 26 : i32
        } else {
        }
        %broadcast_in_dim3A = arith.constant 0.000000e+00 : f32
        %broadcast_in_dim3A_41 = vector.broadcast %broadcast_in_dim3A : f32 to vector<16xf32>
        %scan3A_42 = arith.constant 0 : i32
        %scan3A_43 = arith.constant 26 : i32
        %scan3A_44 = arith.addi %scan3A_42, %scan3A_43 : i32
        %scan3A_45 = arith.constant 2 : i32
        %scan3A_46:8 = scf.for %scan3A_1142 = %scan3A_42 to %scan3A_44 step %scan3A_45 iter_args(%scan3A_1143 = %broadcast_in_dim3A_41, %scan3A_1144 = %broadcast_in_dim3A_41, %scan3A_1145 = %broadcast_in_dim3A_41, %scan3A_1146 = %broadcast_in_dim3A_41, %scan3A_1147 = %broadcast_in_dim3A_41, %scan3A_1148 = %broadcast_in_dim3A_41, %scan3A_1149 = %broadcast_in_dim3A_41, %scan3A_1150 = %broadcast_in_dim3A_41) -> (vector<16xf32>, vector<16xf32>, vector<16xf32>, vector<16xf32>, vector<16xf32>, vector<16xf32>, vector<16xf32>, vector<16xf32>)  : i32 {
          %mul3A_1151 = arith.constant 16 : i32
          %mul3A_1152 = arith.muli %scan3A_1142, %mul3A_1151 : i32
          %add3A_1153 = arith.constant 0 : i32
          %add3A_1154 = arith.addi %mul3A_1152, %add3A_1153 : i32
          %get3A = arith.index_cast %and3A_25 : i32 to index
          %get3A_1155 = arith.index_cast %add3A_1154 : i32 to index
          %get3A_1156 = arith.constant 0 : index
          %get3A_1157 = tpu.vector_load %arg6[%get3A, %get3A_1155, %get3A_1156] {strides = array<i32>} : memref<2x416x64xf32, #tpu.memory_space<vmem>>, vector<1x1x16xf32>,
          %get3A_1158 = vector.shape_cast %get3A_1157 : vector<1x1x16xf32> to vector<16xf32>
          %get3A_1159 = arith.index_cast %and3A_25 : i32 to index
          %get3A_1160 = arith.index_cast %add3A_1154 : i32 to index
          %get3A_1161 = arith.constant 16 : index
          %get3A_1162 = tpu.vector_load %arg6[%get3A_1159, %get3A_1160, %get3A_1161] {strides = array<i32>} : memref<2x416x64xf32, #tpu.memory_space<vmem>>, vector<1x1x16xf32>,
          %get3A_1163 = vector.shape_cast %get3A_1162 : vector<1x1x16xf32> to vector<16xf32>
          %get3A_1164 = arith.index_cast %and3A_25 : i32 to index
          %get3A_1165 = arith.index_cast %add3A_1154 : i32 to index
          %get3A_1166 = arith.constant 32 : index
          %get3A_1167 = tpu.vector_load %arg6[%get3A_1164, %get3A_1165, %get3A_1166] {strides = array<i32>} : memref<2x416x64xf32, #tpu.memory_space<vmem>>, vector<1x1x16xf32>,
          %get3A_1168 = vector.shape_cast %get3A_1167 : vector<1x1x16xf32> to vector<16xf32>
          %get3A_1169 = arith.index_cast %and3A_25 : i32 to index
          %get3A_1170 = arith.index_cast %add3A_1154 : i32 to index
          %get3A_1171 = arith.constant 48 : index
          %get3A_1172 = tpu.vector_load %arg6[%get3A_1169, %get3A_1170, %get3A_1171] {strides = array<i32>} : memref<2x416x64xf32, #tpu.memory_space<vmem>>, vector<1x1x16xf32>,
          %get3A_1173 = vector.shape_cast %get3A_1172 : vector<1x1x16xf32> to vector<16xf32>
          %add3A_1174 = arith.addf %scan3A_1143, %get3A_1158 : vector<16xf32>
          %add3A_1175 = arith.addf %scan3A_1144, %get3A_1163 : vector<16xf32>
          %add3A_1176 = arith.addf %scan3A_1145, %get3A_1168 : vector<16xf32>
          %add3A_1177 = arith.addf %scan3A_1146, %get3A_1173 : vector<16xf32>
          %mul3A_1178 = arith.mulf %get3A_1158, %get3A_1158 : vector<16xf32>
          %add3A_1179 = arith.addf %scan3A_1147, %mul3A_1178 : vector<16xf32>
          %mul3A_1180 = arith.mulf %get3A_1163, %get3A_1163 : vector<16xf32>
          %add3A_1181 = arith.addf %scan3A_1148, %mul3A_1180 : vector<16xf32>
          %mul3A_1182 = arith.mulf %get3A_1168, %get3A_1168 : vector<16xf32>
          %add3A_1183 = arith.addf %scan3A_1149, %mul3A_1182 : vector<16xf32>
          %mul3A_1184 = arith.mulf %get3A_1173, %get3A_1173 : vector<16xf32>
          %add3A_1185 = arith.addf %scan3A_1150, %mul3A_1184 : vector<16xf32>
          %scan3A_1186 = arith.constant 1 : i32
          %scan3A_1187 = arith.addi %scan3A_1142, %scan3A_1186 : i32
          %mul3A_1188 = arith.constant 16 : i32
          %mul3A_1189 = arith.muli %scan3A_1187, %mul3A_1188 : i32
          %add3A_1190 = arith.constant 0 : i32
          %add3A_1191 = arith.addi %mul3A_1189, %add3A_1190 : i32
          %get3A_1192 = arith.index_cast %and3A_25 : i32 to index
          %get3A_1193 = arith.index_cast %add3A_1191 : i32 to index
          %get3A_1194 = arith.constant 0 : index
          %get3A_1195 = tpu.vector_load %arg6[%get3A_1192, %get3A_1193, %get3A_1194] {strides = array<i32>} : memref<2x416x64xf32, #tpu.memory_space<vmem>>, vector<1x1x16xf32>,
          %get3A_1196 = vector.shape_cast %get3A_1195 : vector<1x1x16xf32> to vector<16xf32>
          %get3A_1197 = arith.index_cast %and3A_25 : i32 to index
          %get3A_1198 = arith.index_cast %add3A_1191 : i32 to index
          %get3A_1199 = arith.constant 16 : index
          %get3A_1200 = tpu.vector_load %arg6[%get3A_1197, %get3A_1198, %get3A_1199] {strides = array<i32>} : memref<2x416x64xf32, #tpu.memory_space<vmem>>, vector<1x1x16xf32>,
          %get3A_1201 = vector.shape_cast %get3A_1200 : vector<1x1x16xf32> to vector<16xf32>
          %get3A_1202 = arith.index_cast %and3A_25 : i32 to index
          %get3A_1203 = arith.index_cast %add3A_1191 : i32 to index
          %get3A_1204 = arith.constant 32 : index
          %get3A_1205 = tpu.vector_load %arg6[%get3A_1202, %get3A_1203, %get3A_1204] {strides = array<i32>} : memref<2x416x64xf32, #tpu.memory_space<vmem>>, vector<1x1x16xf32>,
          %get3A_1206 = vector.shape_cast %get3A_1205 : vector<1x1x16xf32> to vector<16xf32>
          %get3A_1207 = arith.index_cast %and3A_25 : i32 to index
          %get3A_1208 = arith.index_cast %add3A_1191 : i32 to index
          %get3A_1209 = arith.constant 48 : index
          %get3A_1210 = tpu.vector_load %arg6[%get3A_1207, %get3A_1208, %get3A_1209] {strides = array<i32>} : memref<2x416x64xf32, #tpu.memory_space<vmem>>, vector<1x1x16xf32>,
          %get3A_1211 = vector.shape_cast %get3A_1210 : vector<1x1x16xf32> to vector<16xf32>
          %add3A_1212 = arith.addf %add3A_1174, %get3A_1196 : vector<16xf32>
          %add3A_1213 = arith.addf %add3A_1175, %get3A_1201 : vector<16xf32>
          %add3A_1214 = arith.addf %add3A_1176, %get3A_1206 : vector<16xf32>
          %add3A_1215 = arith.addf %add3A_1177, %get3A_1211 : vector<16xf32>
          %mul3A_1216 = arith.mulf %get3A_1196, %get3A_1196 : vector<16xf32>
          %add3A_1217 = arith.addf %add3A_1179, %mul3A_1216 : vector<16xf32>
          %mul3A_1218 = arith.mulf %get3A_1201, %get3A_1201 : vector<16xf32>
          %add3A_1219 = arith.addf %add3A_1181, %mul3A_1218 : vector<16xf32>
          %mul3A_1220 = arith.mulf %get3A_1206, %get3A_1206 : vector<16xf32>
          %add3A_1221 = arith.addf %add3A_1183, %mul3A_1220 : vector<16xf32>
          %mul3A_1222 = arith.mulf %get3A_1211, %get3A_1211 : vector<16xf32>
          %add3A_1223 = arith.addf %add3A_1185, %mul3A_1222 : vector<16xf32>
          scf.yield %add3A_1212, %add3A_1213, %add3A_1214, %add3A_1215, %add3A_1217, %add3A_1219, %add3A_1221, %add3A_1223 : vector<16xf32>, vector<16xf32>, vector<16xf32>, vector<16xf32>, vector<16xf32>, vector<16xf32>, vector<16xf32>, vector<16xf32>
        }
        %scan3A_47 = arith.constant 26 : i32
        %jit3A = arith.constant 4 : i32
        %eq3A = arith.constant 0 : i32
        %eq3A_48 = arith.cmpi eq, %jit3A, %eq3A : i32
        %jit3A_49 = arith.constant 1 : i32
        %select_n3A = arith.select %eq3A_48, %jit3A_49, %jit3A : i32
        %rem3A = arith.remsi %scan3A_24, %select_n3A : i32
        %ne3A = arith.constant 0 : i32
        %ne3A_50 = arith.cmpi ne, %rem3A, %ne3A : i32
        %lt3A_51 = arith.constant 0 : i32
        %lt3A_52 = arith.cmpi slt, %rem3A, %lt3A_51 : i32
        %lt3A_53 = arith.constant 0 : i32
        %lt3A_54 = arith.cmpi slt, %select_n3A, %lt3A_53 : i32
        %ne3A_55 = arith.xori %lt3A_52, %lt3A_54 : i1
        %and3A_56 = arith.andi %ne3A_55, %ne3A_50 : i1
        %add3A_57 = arith.addi %rem3A, %select_n3A : i32
        %select_n3A_58 = arith.select %and3A_56, %add3A_57, %rem3A : i32
        %mul3A_59 = arith.constant 16 : i32
        %mul3A_60 = arith.muli %select_n3A_58, %mul3A_59 : i32
        %add3A_61 = arith.constant 0 : i32
        %add3A_62 = arith.addi %mul3A_60, %add3A_61 : i32
        %mul3A_63 = arith.mulf %scan3A_46#0, %scan3A_46#0 : vector<16xf32>
        %sub3A = arith.subf %mul3A_63, %scan3A_46#4 : vector<16xf32>
        %mul3A_64 = arith.constant 5.000000e-01 : f32
        %mul3A_65 = vector.broadcast %mul3A_64 : f32 to vector<16xf32>
        %mul3A_66 = arith.mulf %mul3A_65, %sub3A : vector<16xf32>
        %swap3A = arith.index_cast %add3A_62 : i32 to index
        %swap3A_67 = arith.constant 0 : index
        %swap3A_68 = tpu.vector_load %arg7[%swap3A, %swap3A_67] {strides = array<i32>} : memref<64x64xf32, #tpu.memory_space<vmem>>, vector<1x16xf32>,
        %swap3A_69 = vector.shape_cast %swap3A_68 : vector<1x16xf32> to vector<16xf32>
        %swap3A_70 = vector.shape_cast %mul3A_66 : vector<16xf32> to vector<1x16xf32>
        tpu.vector_store %arg7[%swap3A, %swap3A_67], %swap3A_70 {strides = array<i32>} : memref<64x64xf32, #tpu.memory_space<vmem>>, vector<1x16xf32>,
        %mul3A_71 = arith.mulf %scan3A_46#1, %scan3A_46#1 : vector<16xf32>
        %sub3A_72 = arith.subf %mul3A_71, %scan3A_46#5 : vector<16xf32>
        %mul3A_73 = arith.constant 5.000000e-01 : f32
        %mul3A_74 = vector.broadcast %mul3A_73 : f32 to vector<16xf32>
        %mul3A_75 = arith.mulf %mul3A_74, %sub3A_72 : vector<16xf32>
        %swap3A_76 = arith.index_cast %add3A_62 : i32 to index
        %swap3A_77 = arith.constant 16 : index
        %swap3A_78 = tpu.vector_load %arg7[%swap3A_76, %swap3A_77] {strides = array<i32>} : memref<64x64xf32, #tpu.memory_space<vmem>>, vector<1x16xf32>,
        %swap3A_79 = vector.shape_cast %swap3A_78 : vector<1x16xf32> to vector<16xf32>
        %swap3A_80 = vector.shape_cast %mul3A_75 : vector<16xf32> to vector<1x16xf32>
        tpu.vector_store %arg7[%swap3A_76, %swap3A_77], %swap3A_80 {strides = array<i32>} : memref<64x64xf32, #tpu.memory_space<vmem>>, vector<1x16xf32>,
        %mul3A_81 = arith.mulf %scan3A_46#2, %scan3A_46#2 : vector<16xf32>
        %sub3A_82 = arith.subf %mul3A_81, %scan3A_46#6 : vector<16xf32>
        %mul3A_83 = arith.constant 5.000000e-01 : f32
        %mul3A_84 = vector.broadcast %mul3A_83 : f32 to vector<16xf32>
        %mul3A_85 = arith.mulf %mul3A_84, %sub3A_82 : vector<16xf32>
        %swap3A_86 = arith.index_cast %add3A_62 : i32 to index
        %swap3A_87 = arith.constant 32 : index
        %swap3A_88 = tpu.vector_load %arg7[%swap3A_86, %swap3A_87] {strides = array<i32>} : memref<64x64xf32, #tpu.memory_space<vmem>>, vector<1x16xf32>,
        %swap3A_89 = vector.shape_cast %swap3A_88 : vector<1x16xf32> to vector<16xf32>
        %swap3A_90 = vector.shape_cast %mul3A_85 : vector<16xf32> to vector<1x16xf32>
        tpu.vector_store %arg7[%swap3A_86, %swap3A_87], %swap3A_90 {strides = array<i32>} : memref<64x64xf32, #tpu.memory_space<vmem>>, vector<1x16xf32>,
        %mul3A_91 = arith.mulf %scan3A_46#3, %scan3A_46#3 : vector<16xf32>
        %sub3A_92 = arith.subf %mul3A_91, %scan3A_46#7 : vector<16xf32>
        %mul3A_93 = arith.constant 5.000000e-01 : f32
        %mul3A_94 = vector.broadcast %mul3A_93 : f32 to vector<16xf32>
        %mul3A_95 = arith.mulf %mul3A_94, %sub3A_92 : vector<16xf32>
        %swap3A_96 = arith.index_cast %add3A_62 : i32 to index
        %swap3A_97 = arith.constant 48 : index
        %swap3A_98 = tpu.vector_load %arg7[%swap3A_96, %swap3A_97] {strides = array<i32>} : memref<64x64xf32, #tpu.memory_space<vmem>>, vector<1x16xf32>,
        %swap3A_99 = vector.shape_cast %swap3A_98 : vector<1x16xf32> to vector<16xf32>
        %swap3A_100 = vector.shape_cast %mul3A_95 : vector<16xf32> to vector<1x16xf32>
        tpu.vector_store %arg7[%swap3A_96, %swap3A_97], %swap3A_100 {strides = array<i32>} : memref<64x64xf32, #tpu.memory_space<vmem>>, vector<1x16xf32>,
        %broadcast_in_dim3A_101 = arith.constant 0.000000e+00 : f32
        %broadcast_in_dim3A_102 = vector.broadcast %broadcast_in_dim3A_101 : f32 to vector<16xf32>
        %scan3A_103 = arith.constant 0 : i32
        %scan3A_104 = arith.constant 26 : i32
        %scan3A_105 = arith.addi %scan3A_103, %scan3A_104 : i32
        %scan3A_106 = arith.constant 2 : i32
        %scan3A_107:8 = scf.for %scan3A_1142 = %scan3A_103 to %scan3A_105 step %scan3A_106 iter_args(%scan3A_1143 = %broadcast_in_dim3A_102, %scan3A_1144 = %broadcast_in_dim3A_102, %scan3A_1145 = %broadcast_in_dim3A_102, %scan3A_1146 = %broadcast_in_dim3A_102, %scan3A_1147 = %broadcast_in_dim3A_102, %scan3A_1148 = %broadcast_in_dim3A_102, %scan3A_1149 = %broadcast_in_dim3A_102, %scan3A_1150 = %broadcast_in_dim3A_102) -> (vector<16xf32>, vector<16xf32>, vector<16xf32>, vector<16xf32>, vector<16xf32>, vector<16xf32>, vector<16xf32>, vector<16xf32>)  : i32 {
          %mul3A_1151 = arith.constant 16 : i32
          %mul3A_1152 = arith.muli %scan3A_1142, %mul3A_1151 : i32
          %add3A_1153 = arith.constant 1 : i32
          %add3A_1154 = arith.addi %mul3A_1152, %add3A_1153 : i32
          %get3A = arith.index_cast %and3A_25 : i32 to index
          %get3A_1155 = arith.index_cast %add3A_1154 : i32 to index
          %get3A_1156 = arith.constant 0 : index
          %get3A_1157 = tpu.vector_load %arg6[%get3A, %get3A_1155, %get3A_1156] {strides = array<i32>} : memref<2x416x64xf32, #tpu.memory_space<vmem>>, vector<1x1x16xf32>,
          %get3A_1158 = vector.shape_cast %get3A_1157 : vector<1x1x16xf32> to vector<16xf32>
          %get3A_1159 = arith.index_cast %and3A_25 : i32 to index
          %get3A_1160 = arith.index_cast %add3A_1154 : i32 to index
          %get3A_1161 = arith.constant 16 : index
          %get3A_1162 = tpu.vector_load %arg6[%get3A_1159, %get3A_1160, %get3A_1161] {strides = array<i32>} : memref<2x416x64xf32, #tpu.memory_space<vmem>>, vector<1x1x16xf32>,
          %get3A_1163 = vector.shape_cast %get3A_1162 : vector<1x1x16xf32> to vector<16xf32>
          %get3A_1164 = arith.index_cast %and3A_25 : i32 to index
          %get3A_1165 = arith.index_cast %add3A_1154 : i32 to index
          %get3A_1166 = arith.constant 32 : index
          %get3A_1167 = tpu.vector_load %arg6[%get3A_1164, %get3A_1165, %get3A_1166] {strides = array<i32>} : memref<2x416x64xf32, #tpu.memory_space<vmem>>, vector<1x1x16xf32>,
          %get3A_1168 = vector.shape_cast %get3A_1167 : vector<1x1x16xf32> to vector<16xf32>
          %get3A_1169 = arith.index_cast %and3A_25 : i32 to index
          %get3A_1170 = arith.index_cast %add3A_1154 : i32 to index
          %get3A_1171 = arith.constant 48 : index
          %get3A_1172 = tpu.vector_load %arg6[%get3A_1169, %get3A_1170, %get3A_1171] {strides = array<i32>} : memref<2x416x64xf32, #tpu.memory_space<vmem>>, vector<1x1x16xf32>,
          %get3A_1173 = vector.shape_cast %get3A_1172 : vector<1x1x16xf32> to vector<16xf32>
          %add3A_1174 = arith.addf %scan3A_1143, %get3A_1158 : vector<16xf32>
          %add3A_1175 = arith.addf %scan3A_1144, %get3A_1163 : vector<16xf32>
          %add3A_1176 = arith.addf %scan3A_1145, %get3A_1168 : vector<16xf32>
          %add3A_1177 = arith.addf %scan3A_1146, %get3A_1173 : vector<16xf32>
          %mul3A_1178 = arith.mulf %get3A_1158, %get3A_1158 : vector<16xf32>
          %add3A_1179 = arith.addf %scan3A_1147, %mul3A_1178 : vector<16xf32>
          %mul3A_1180 = arith.mulf %get3A_1163, %get3A_1163 : vector<16xf32>
          %add3A_1181 = arith.addf %scan3A_1148, %mul3A_1180 : vector<16xf32>
          %mul3A_1182 = arith.mulf %get3A_1168, %get3A_1168 : vector<16xf32>
          %add3A_1183 = arith.addf %scan3A_1149, %mul3A_1182 : vector<16xf32>
          %mul3A_1184 = arith.mulf %get3A_1173, %get3A_1173 : vector<16xf32>
          %add3A_1185 = arith.addf %scan3A_1150, %mul3A_1184 : vector<16xf32>
          %scan3A_1186 = arith.constant 1 : i32
          %scan3A_1187 = arith.addi %scan3A_1142, %scan3A_1186 : i32
          %mul3A_1188 = arith.constant 16 : i32
          %mul3A_1189 = arith.muli %scan3A_1187, %mul3A_1188 : i32
          %add3A_1190 = arith.constant 1 : i32
          %add3A_1191 = arith.addi %mul3A_1189, %add3A_1190 : i32
          %get3A_1192 = arith.index_cast %and3A_25 : i32 to index
          %get3A_1193 = arith.index_cast %add3A_1191 : i32 to index
          %get3A_1194 = arith.constant 0 : index
          %get3A_1195 = tpu.vector_load %arg6[%get3A_1192, %get3A_1193, %get3A_1194] {strides = array<i32>} : memref<2x416x64xf32, #tpu.memory_space<vmem>>, vector<1x1x16xf32>,
          %get3A_1196 = vector.shape_cast %get3A_1195 : vector<1x1x16xf32> to vector<16xf32>
          %get3A_1197 = arith.index_cast %and3A_25 : i32 to index
          %get3A_1198 = arith.index_cast %add3A_1191 : i32 to index
          %get3A_1199 = arith.constant 16 : index
          %get3A_1200 = tpu.vector_load %arg6[%get3A_1197, %get3A_1198, %get3A_1199] {strides = array<i32>} : memref<2x416x64xf32, #tpu.memory_space<vmem>>, vector<1x1x16xf32>,
          %get3A_1201 = vector.shape_cast %get3A_1200 : vector<1x1x16xf32> to vector<16xf32>
          %get3A_1202 = arith.index_cast %and3A_25 : i32 to index
          %get3A_1203 = arith.index_cast %add3A_1191 : i32 to index
          %get3A_1204 = arith.constant 32 : index
          %get3A_1205 = tpu.vector_load %arg6[%get3A_1202, %get3A_1203, %get3A_1204] {strides = array<i32>} : memref<2x416x64xf32, #tpu.memory_space<vmem>>, vector<1x1x16xf32>,
          %get3A_1206 = vector.shape_cast %get3A_1205 : vector<1x1x16xf32> to vector<16xf32>
          %get3A_1207 = arith.index_cast %and3A_25 : i32 to index
          %get3A_1208 = arith.index_cast %add3A_1191 : i32 to index
          %get3A_1209 = arith.constant 48 : index
          %get3A_1210 = tpu.vector_load %arg6[%get3A_1207, %get3A_1208, %get3A_1209] {strides = array<i32>} : memref<2x416x64xf32, #tpu.memory_space<vmem>>, vector<1x1x16xf32>,
          %get3A_1211 = vector.shape_cast %get3A_1210 : vector<1x1x16xf32> to vector<16xf32>
          %add3A_1212 = arith.addf %add3A_1174, %get3A_1196 : vector<16xf32>
          %add3A_1213 = arith.addf %add3A_1175, %get3A_1201 : vector<16xf32>
          %add3A_1214 = arith.addf %add3A_1176, %get3A_1206 : vector<16xf32>
          %add3A_1215 = arith.addf %add3A_1177, %get3A_1211 : vector<16xf32>
          %mul3A_1216 = arith.mulf %get3A_1196, %get3A_1196 : vector<16xf32>
          %add3A_1217 = arith.addf %add3A_1179, %mul3A_1216 : vector<16xf32>
          %mul3A_1218 = arith.mulf %get3A_1201, %get3A_1201 : vector<16xf32>
          %add3A_1219 = arith.addf %add3A_1181, %mul3A_1218 : vector<16xf32>
          %mul3A_1220 = arith.mulf %get3A_1206, %get3A_1206 : vector<16xf32>
          %add3A_1221 = arith.addf %add3A_1183, %mul3A_1220 : vector<16xf32>
          %mul3A_1222 = arith.mulf %get3A_1211, %get3A_1211 : vector<16xf32>
          %add3A_1223 = arith.addf %add3A_1185, %mul3A_1222 : vector<16xf32>
          scf.yield %add3A_1212, %add3A_1213, %add3A_1214, %add3A_1215, %add3A_1217, %add3A_1219, %add3A_1221, %add3A_1223 : vector<16xf32>, vector<16xf32>, vector<16xf32>, vector<16xf32>, vector<16xf32>, vector<16xf32>, vector<16xf32>, vector<16xf32>
        }
        %scan3A_108 = arith.constant 26 : i32
        %jit3A_109 = arith.constant 4 : i32
        %eq3A_110 = arith.constant 0 : i32
        %eq3A_111 = arith.cmpi eq, %jit3A_109, %eq3A_110 : i32
        %jit3A_112 = arith.constant 1 : i32
        %select_n3A_113 = arith.select %eq3A_111, %jit3A_112, %jit3A_109 : i32
        %rem3A_114 = arith.remsi %scan3A_24, %select_n3A_113 : i32
        %ne3A_115 = arith.constant 0 : i32
        %ne3A_116 = arith.cmpi ne, %rem3A_114, %ne3A_115 : i32
        %lt3A_117 = arith.constant 0 : i32
        %lt3A_118 = arith.cmpi slt, %rem3A_114, %lt3A_117 : i32
        %lt3A_119 = arith.constant 0 : i32
        %lt3A_120 = arith.cmpi slt, %select_n3A_113, %lt3A_119 : i32
        %ne3A_121 = arith.xori %lt3A_118, %lt3A_120 : i1
        %and3A_122 = arith.andi %ne3A_121, %ne3A_116 : i1
        %add3A_123 = arith.addi %rem3A_114, %select_n3A_113 : i32
        %select_n3A_124 = arith.select %and3A_122, %add3A_123, %rem3A_114 : i32
        %mul3A_125 = arith.constant 16 : i32
        %mul3A_126 = arith.muli %select_n3A_124, %mul3A_125 : i32
        %add3A_127 = arith.constant 1 : i32
        %add3A_128 = arith.addi %mul3A_126, %add3A_127 : i32
        %mul3A_129 = arith.mulf %scan3A_107#0, %scan3A_107#0 : vector<16xf32>
        %sub3A_130 = arith.subf %mul3A_129, %scan3A_107#4 : vector<16xf32>
        %mul3A_131 = arith.constant 5.000000e-01 : f32
        %mul3A_132 = vector.broadcast %mul3A_131 : f32 to vector<16xf32>
        %mul3A_133 = arith.mulf %mul3A_132, %sub3A_130 : vector<16xf32>
        %swap3A_134 = arith.index_cast %add3A_128 : i32 to index
        %swap3A_135 = arith.constant 0 : index
        %swap3A_136 = tpu.vector_load %arg7[%swap3A_134, %swap3A_135] {strides = array<i32>} : memref<64x64xf32, #tpu.memory_space<vmem>>, vector<1x16xf32>,
        %swap3A_137 = vector.shape_cast %swap3A_136 : vector<1x16xf32> to vector<16xf32>
        %swap3A_138 = vector.shape_cast %mul3A_133 : vector<16xf32> to vector<1x16xf32>
        tpu.vector_store %arg7[%swap3A_134, %swap3A_135], %swap3A_138 {strides = array<i32>} : memref<64x64xf32, #tpu.memory_space<vmem>>, vector<1x16xf32>,
        %mul3A_139 = arith.mulf %scan3A_107#1, %scan3A_107#1 : vector<16xf32>
        %sub3A_140 = arith.subf %mul3A_139, %scan3A_107#5 : vector<16xf32>
        %mul3A_141 = arith.constant 5.000000e-01 : f32
        %mul3A_142 = vector.broadcast %mul3A_141 : f32 to vector<16xf32>
        %mul3A_143 = arith.mulf %mul3A_142, %sub3A_140 : vector<16xf32>
        %swap3A_144 = arith.index_cast %add3A_128 : i32 to index
        %swap3A_145 = arith.constant 16 : index
        %swap3A_146 = tpu.vector_load %arg7[%swap3A_144, %swap3A_145] {strides = array<i32>} : memref<64x64xf32, #tpu.memory_space<vmem>>, vector<1x16xf32>,
        %swap3A_147 = vector.shape_cast %swap3A_146 : vector<1x16xf32> to vector<16xf32>
        %swap3A_148 = vector.shape_cast %mul3A_143 : vector<16xf32> to vector<1x16xf32>
        tpu.vector_store %arg7[%swap3A_144, %swap3A_145], %swap3A_148 {strides = array<i32>} : memref<64x64xf32, #tpu.memory_space<vmem>>, vector<1x16xf32>,
        %mul3A_149 = arith.mulf %scan3A_107#2, %scan3A_107#2 : vector<16xf32>
        %sub3A_150 = arith.subf %mul3A_149, %scan3A_107#6 : vector<16xf32>
        %mul3A_151 = arith.constant 5.000000e-01 : f32
        %mul3A_152 = vector.broadcast %mul3A_151 : f32 to vector<16xf32>
        %mul3A_153 = arith.mulf %mul3A_152, %sub3A_150 : vector<16xf32>
        %swap3A_154 = arith.index_cast %add3A_128 : i32 to index
        %swap3A_155 = arith.constant 32 : index
        %swap3A_156 = tpu.vector_load %arg7[%swap3A_154, %swap3A_155] {strides = array<i32>} : memref<64x64xf32, #tpu.memory_space<vmem>>, vector<1x16xf32>,
        %swap3A_157 = vector.shape_cast %swap3A_156 : vector<1x16xf32> to vector<16xf32>
        %swap3A_158 = vector.shape_cast %mul3A_153 : vector<16xf32> to vector<1x16xf32>
        tpu.vector_store %arg7[%swap3A_154, %swap3A_155], %swap3A_158 {strides = array<i32>} : memref<64x64xf32, #tpu.memory_space<vmem>>, vector<1x16xf32>,
        %mul3A_159 = arith.mulf %scan3A_107#3, %scan3A_107#3 : vector<16xf32>
        %sub3A_160 = arith.subf %mul3A_159, %scan3A_107#7 : vector<16xf32>
        %mul3A_161 = arith.constant 5.000000e-01 : f32
        %mul3A_162 = vector.broadcast %mul3A_161 : f32 to vector<16xf32>
        %mul3A_163 = arith.mulf %mul3A_162, %sub3A_160 : vector<16xf32>
        %swap3A_164 = arith.index_cast %add3A_128 : i32 to index
        %swap3A_165 = arith.constant 48 : index
        %swap3A_166 = tpu.vector_load %arg7[%swap3A_164, %swap3A_165] {strides = array<i32>} : memref<64x64xf32, #tpu.memory_space<vmem>>, vector<1x16xf32>,
        %swap3A_167 = vector.shape_cast %swap3A_166 : vector<1x16xf32> to vector<16xf32>
        %swap3A_168 = vector.shape_cast %mul3A_163 : vector<16xf32> to vector<1x16xf32>
        tpu.vector_store %arg7[%swap3A_164, %swap3A_165], %swap3A_168 {strides = array<i32>} : memref<64x64xf32, #tpu.memory_space<vmem>>, vector<1x16xf32>,
        %broadcast_in_dim3A_169 = arith.constant 0.000000e+00 : f32
        %broadcast_in_dim3A_170 = vector.broadcast %broadcast_in_dim3A_169 : f32 to vector<16xf32>
        %scan3A_171 = arith.constant 0 : i32
        %scan3A_172 = arith.constant 26 : i32
        %scan3A_173 = arith.addi %scan3A_171, %scan3A_172 : i32
        %scan3A_174 = arith.constant 2 : i32
        %scan3A_175:8 = scf.for %scan3A_1142 = %scan3A_171 to %scan3A_173 step %scan3A_174 iter_args(%scan3A_1143 = %broadcast_in_dim3A_170, %scan3A_1144 = %broadcast_in_dim3A_170, %scan3A_1145 = %broadcast_in_dim3A_170, %scan3A_1146 = %broadcast_in_dim3A_170, %scan3A_1147 = %broadcast_in_dim3A_170, %scan3A_1148 = %broadcast_in_dim3A_170, %scan3A_1149 = %broadcast_in_dim3A_170, %scan3A_1150 = %broadcast_in_dim3A_170) -> (vector<16xf32>, vector<16xf32>, vector<16xf32>, vector<16xf32>, vector<16xf32>, vector<16xf32>, vector<16xf32>, vector<16xf32>)  : i32 {
          %mul3A_1151 = arith.constant 16 : i32
          %mul3A_1152 = arith.muli %scan3A_1142, %mul3A_1151 : i32
          %add3A_1153 = arith.constant 2 : i32
          %add3A_1154 = arith.addi %mul3A_1152, %add3A_1153 : i32
          %get3A = arith.index_cast %and3A_25 : i32 to index
          %get3A_1155 = arith.index_cast %add3A_1154 : i32 to index
          %get3A_1156 = arith.constant 0 : index
          %get3A_1157 = tpu.vector_load %arg6[%get3A, %get3A_1155, %get3A_1156] {strides = array<i32>} : memref<2x416x64xf32, #tpu.memory_space<vmem>>, vector<1x1x16xf32>,
          %get3A_1158 = vector.shape_cast %get3A_1157 : vector<1x1x16xf32> to vector<16xf32>
          %get3A_1159 = arith.index_cast %and3A_25 : i32 to index
          %get3A_1160 = arith.index_cast %add3A_1154 : i32 to index
          %get3A_1161 = arith.constant 16 : index
          %get3A_1162 = tpu.vector_load %arg6[%get3A_1159, %get3A_1160, %get3A_1161] {strides = array<i32>} : memref<2x416x64xf32, #tpu.memory_space<vmem>>, vector<1x1x16xf32>,
          %get3A_1163 = vector.shape_cast %get3A_1162 : vector<1x1x16xf32> to vector<16xf32>
          %get3A_1164 = arith.index_cast %and3A_25 : i32 to index
          %get3A_1165 = arith.index_cast %add3A_1154 : i32 to index
          %get3A_1166 = arith.constant 32 : index
          %get3A_1167 = tpu.vector_load %arg6[%get3A_1164, %get3A_1165, %get3A_1166] {strides = array<i32>} : memref<2x416x64xf32, #tpu.memory_space<vmem>>, vector<1x1x16xf32>,
          %get3A_1168 = vector.shape_cast %get3A_1167 : vector<1x1x16xf32> to vector<16xf32>
          %get3A_1169 = arith.index_cast %and3A_25 : i32 to index
          %get3A_1170 = arith.index_cast %add3A_1154 : i32 to index
          %get3A_1171 = arith.constant 48 : index
          %get3A_1172 = tpu.vector_load %arg6[%get3A_1169, %get3A_1170, %get3A_1171] {strides = array<i32>} : memref<2x416x64xf32, #tpu.memory_space<vmem>>, vector<1x1x16xf32>,
          %get3A_1173 = vector.shape_cast %get3A_1172 : vector<1x1x16xf32> to vector<16xf32>
          %add3A_1174 = arith.addf %scan3A_1143, %get3A_1158 : vector<16xf32>
          %add3A_1175 = arith.addf %scan3A_1144, %get3A_1163 : vector<16xf32>
          %add3A_1176 = arith.addf %scan3A_1145, %get3A_1168 : vector<16xf32>
          %add3A_1177 = arith.addf %scan3A_1146, %get3A_1173 : vector<16xf32>
          %mul3A_1178 = arith.mulf %get3A_1158, %get3A_1158 : vector<16xf32>
          %add3A_1179 = arith.addf %scan3A_1147, %mul3A_1178 : vector<16xf32>
          %mul3A_1180 = arith.mulf %get3A_1163, %get3A_1163 : vector<16xf32>
          %add3A_1181 = arith.addf %scan3A_1148, %mul3A_1180 : vector<16xf32>
          %mul3A_1182 = arith.mulf %get3A_1168, %get3A_1168 : vector<16xf32>
          %add3A_1183 = arith.addf %scan3A_1149, %mul3A_1182 : vector<16xf32>
          %mul3A_1184 = arith.mulf %get3A_1173, %get3A_1173 : vector<16xf32>
          %add3A_1185 = arith.addf %scan3A_1150, %mul3A_1184 : vector<16xf32>
          %scan3A_1186 = arith.constant 1 : i32
          %scan3A_1187 = arith.addi %scan3A_1142, %scan3A_1186 : i32
          %mul3A_1188 = arith.constant 16 : i32
          %mul3A_1189 = arith.muli %scan3A_1187, %mul3A_1188 : i32
          %add3A_1190 = arith.constant 2 : i32
          %add3A_1191 = arith.addi %mul3A_1189, %add3A_1190 : i32
          %get3A_1192 = arith.index_cast %and3A_25 : i32 to index
          %get3A_1193 = arith.index_cast %add3A_1191 : i32 to index
          %get3A_1194 = arith.constant 0 : index
          %get3A_1195 = tpu.vector_load %arg6[%get3A_1192, %get3A_1193, %get3A_1194] {strides = array<i32>} : memref<2x416x64xf32, #tpu.memory_space<vmem>>, vector<1x1x16xf32>,
          %get3A_1196 = vector.shape_cast %get3A_1195 : vector<1x1x16xf32> to vector<16xf32>
          %get3A_1197 = arith.index_cast %and3A_25 : i32 to index
          %get3A_1198 = arith.index_cast %add3A_1191 : i32 to index
          %get3A_1199 = arith.constant 16 : index
          %get3A_1200 = tpu.vector_load %arg6[%get3A_1197, %get3A_1198, %get3A_1199] {strides = array<i32>} : memref<2x416x64xf32, #tpu.memory_space<vmem>>, vector<1x1x16xf32>,
          %get3A_1201 = vector.shape_cast %get3A_1200 : vector<1x1x16xf32> to vector<16xf32>
          %get3A_1202 = arith.index_cast %and3A_25 : i32 to index
          %get3A_1203 = arith.index_cast %add3A_1191 : i32 to index
          %get3A_1204 = arith.constant 32 : index
          %get3A_1205 = tpu.vector_load %arg6[%get3A_1202, %get3A_1203, %get3A_1204] {strides = array<i32>} : memref<2x416x64xf32, #tpu.memory_space<vmem>>, vector<1x1x16xf32>,
          %get3A_1206 = vector.shape_cast %get3A_1205 : vector<1x1x16xf32> to vector<16xf32>
          %get3A_1207 = arith.index_cast %and3A_25 : i32 to index
          %get3A_1208 = arith.index_cast %add3A_1191 : i32 to index
          %get3A_1209 = arith.constant 48 : index
          %get3A_1210 = tpu.vector_load %arg6[%get3A_1207, %get3A_1208, %get3A_1209] {strides = array<i32>} : memref<2x416x64xf32, #tpu.memory_space<vmem>>, vector<1x1x16xf32>,
          %get3A_1211 = vector.shape_cast %get3A_1210 : vector<1x1x16xf32> to vector<16xf32>
          %add3A_1212 = arith.addf %add3A_1174, %get3A_1196 : vector<16xf32>
          %add3A_1213 = arith.addf %add3A_1175, %get3A_1201 : vector<16xf32>
          %add3A_1214 = arith.addf %add3A_1176, %get3A_1206 : vector<16xf32>
          %add3A_1215 = arith.addf %add3A_1177, %get3A_1211 : vector<16xf32>
          %mul3A_1216 = arith.mulf %get3A_1196, %get3A_1196 : vector<16xf32>
          %add3A_1217 = arith.addf %add3A_1179, %mul3A_1216 : vector<16xf32>
          %mul3A_1218 = arith.mulf %get3A_1201, %get3A_1201 : vector<16xf32>
          %add3A_1219 = arith.addf %add3A_1181, %mul3A_1218 : vector<16xf32>
          %mul3A_1220 = arith.mulf %get3A_1206, %get3A_1206 : vector<16xf32>
          %add3A_1221 = arith.addf %add3A_1183, %mul3A_1220 : vector<16xf32>
          %mul3A_1222 = arith.mulf %get3A_1211, %get3A_1211 : vector<16xf32>
          %add3A_1223 = arith.addf %add3A_1185, %mul3A_1222 : vector<16xf32>
          scf.yield %add3A_1212, %add3A_1213, %add3A_1214, %add3A_1215, %add3A_1217, %add3A_1219, %add3A_1221, %add3A_1223 : vector<16xf32>, vector<16xf32>, vector<16xf32>, vector<16xf32>, vector<16xf32>, vector<16xf32>, vector<16xf32>, vector<16xf32>
        }
        %scan3A_176 = arith.constant 26 : i32
        %jit3A_177 = arith.constant 4 : i32
        %eq3A_178 = arith.constant 0 : i32
        %eq3A_179 = arith.cmpi eq, %jit3A_177, %eq3A_178 : i32
        %jit3A_180 = arith.constant 1 : i32
        %select_n3A_181 = arith.select %eq3A_179, %jit3A_180, %jit3A_177 : i32
        %rem3A_182 = arith.remsi %scan3A_24, %select_n3A_181 : i32
        %ne3A_183 = arith.constant 0 : i32
        %ne3A_184 = arith.cmpi ne, %rem3A_182, %ne3A_183 : i32
        %lt3A_185 = arith.constant 0 : i32
        %lt3A_186 = arith.cmpi slt, %rem3A_182, %lt3A_185 : i32
        %lt3A_187 = arith.constant 0 : i32
        %lt3A_188 = arith.cmpi slt, %select_n3A_181, %lt3A_187 : i32
        %ne3A_189 = arith.xori %lt3A_186, %lt3A_188 : i1
        %and3A_190 = arith.andi %ne3A_189, %ne3A_184 : i1
        %add3A_191 = arith.addi %rem3A_182, %select_n3A_181 : i32
        %select_n3A_192 = arith.select %and3A_190, %add3A_191, %rem3A_182 : i32
        %mul3A_193 = arith.constant 16 : i32
        %mul3A_194 = arith.muli %select_n3A_192, %mul3A_193 : i32
        %add3A_195 = arith.constant 2 : i32
        %add3A_196 = arith.addi %mul3A_194, %add3A_195 : i32
        %mul3A_197 = arith.mulf %scan3A_175#0, %scan3A_175#0 : vector<16xf32>
        %sub3A_198 = arith.subf %mul3A_197, %scan3A_175#4 : vector<16xf32>
        %mul3A_199 = arith.constant 5.000000e-01 : f32
        %mul3A_200 = vector.broadcast %mul3A_199 : f32 to vector<16xf32>
        %mul3A_201 = arith.mulf %mul3A_200, %sub3A_198 : vector<16xf32>
        %swap3A_202 = arith.index_cast %add3A_196 : i32 to index
        %swap3A_203 = arith.constant 0 : index
        %swap3A_204 = tpu.vector_load %arg7[%swap3A_202, %swap3A_203] {strides = array<i32>} : memref<64x64xf32, #tpu.memory_space<vmem>>, vector<1x16xf32>,
        %swap3A_205 = vector.shape_cast %swap3A_204 : vector<1x16xf32> to vector<16xf32>
        %swap3A_206 = vector.shape_cast %mul3A_201 : vector<16xf32> to vector<1x16xf32>
        tpu.vector_store %arg7[%swap3A_202, %swap3A_203], %swap3A_206 {strides = array<i32>} : memref<64x64xf32, #tpu.memory_space<vmem>>, vector<1x16xf32>,
        %mul3A_207 = arith.mulf %scan3A_175#1, %scan3A_175#1 : vector<16xf32>
        %sub3A_208 = arith.subf %mul3A_207, %scan3A_175#5 : vector<16xf32>
        %mul3A_209 = arith.constant 5.000000e-01 : f32
        %mul3A_210 = vector.broadcast %mul3A_209 : f32 to vector<16xf32>
        %mul3A_211 = arith.mulf %mul3A_210, %sub3A_208 : vector<16xf32>
        %swap3A_212 = arith.index_cast %add3A_196 : i32 to index
        %swap3A_213 = arith.constant 16 : index
        %swap3A_214 = tpu.vector_load %arg7[%swap3A_212, %swap3A_213] {strides = array<i32>} : memref<64x64xf32, #tpu.memory_space<vmem>>, vector<1x16xf32>,
        %swap3A_215 = vector.shape_cast %swap3A_214 : vector<1x16xf32> to vector<16xf32>
        %swap3A_216 = vector.shape_cast %mul3A_211 : vector<16xf32> to vector<1x16xf32>
        tpu.vector_store %arg7[%swap3A_212, %swap3A_213], %swap3A_216 {strides = array<i32>} : memref<64x64xf32, #tpu.memory_space<vmem>>, vector<1x16xf32>,
        %mul3A_217 = arith.mulf %scan3A_175#2, %scan3A_175#2 : vector<16xf32>
        %sub3A_218 = arith.subf %mul3A_217, %scan3A_175#6 : vector<16xf32>
        %mul3A_219 = arith.constant 5.000000e-01 : f32
        %mul3A_220 = vector.broadcast %mul3A_219 : f32 to vector<16xf32>
        %mul3A_221 = arith.mulf %mul3A_220, %sub3A_218 : vector<16xf32>
        %swap3A_222 = arith.index_cast %add3A_196 : i32 to index
        %swap3A_223 = arith.constant 32 : index
        %swap3A_224 = tpu.vector_load %arg7[%swap3A_222, %swap3A_223] {strides = array<i32>} : memref<64x64xf32, #tpu.memory_space<vmem>>, vector<1x16xf32>,
        %swap3A_225 = vector.shape_cast %swap3A_224 : vector<1x16xf32> to vector<16xf32>
        %swap3A_226 = vector.shape_cast %mul3A_221 : vector<16xf32> to vector<1x16xf32>
        tpu.vector_store %arg7[%swap3A_222, %swap3A_223], %swap3A_226 {strides = array<i32>} : memref<64x64xf32, #tpu.memory_space<vmem>>, vector<1x16xf32>,
        %mul3A_227 = arith.mulf %scan3A_175#3, %scan3A_175#3 : vector<16xf32>
        %sub3A_228 = arith.subf %mul3A_227, %scan3A_175#7 : vector<16xf32>
        %mul3A_229 = arith.constant 5.000000e-01 : f32
        %mul3A_230 = vector.broadcast %mul3A_229 : f32 to vector<16xf32>
        %mul3A_231 = arith.mulf %mul3A_230, %sub3A_228 : vector<16xf32>
        %swap3A_232 = arith.index_cast %add3A_196 : i32 to index
        %swap3A_233 = arith.constant 48 : index
        %swap3A_234 = tpu.vector_load %arg7[%swap3A_232, %swap3A_233] {strides = array<i32>} : memref<64x64xf32, #tpu.memory_space<vmem>>, vector<1x16xf32>,
        %swap3A_235 = vector.shape_cast %swap3A_234 : vector<1x16xf32> to vector<16xf32>
        %swap3A_236 = vector.shape_cast %mul3A_231 : vector<16xf32> to vector<1x16xf32>
        tpu.vector_store %arg7[%swap3A_232, %swap3A_233], %swap3A_236 {strides = array<i32>} : memref<64x64xf32, #tpu.memory_space<vmem>>, vector<1x16xf32>,
        %broadcast_in_dim3A_237 = arith.constant 0.000000e+00 : f32
        %broadcast_in_dim3A_238 = vector.broadcast %broadcast_in_dim3A_237 : f32 to vector<16xf32>
        %scan3A_239 = arith.constant 0 : i32
        %scan3A_240 = arith.constant 26 : i32
        %scan3A_241 = arith.addi %scan3A_239, %scan3A_240 : i32
        %scan3A_242 = arith.constant 2 : i32
        %scan3A_243:8 = scf.for %scan3A_1142 = %scan3A_239 to %scan3A_241 step %scan3A_242 iter_args(%scan3A_1143 = %broadcast_in_dim3A_238, %scan3A_1144 = %broadcast_in_dim3A_238, %scan3A_1145 = %broadcast_in_dim3A_238, %scan3A_1146 = %broadcast_in_dim3A_238, %scan3A_1147 = %broadcast_in_dim3A_238, %scan3A_1148 = %broadcast_in_dim3A_238, %scan3A_1149 = %broadcast_in_dim3A_238, %scan3A_1150 = %broadcast_in_dim3A_238) -> (vector<16xf32>, vector<16xf32>, vector<16xf32>, vector<16xf32>, vector<16xf32>, vector<16xf32>, vector<16xf32>, vector<16xf32>)  : i32 {
          %mul3A_1151 = arith.constant 16 : i32
          %mul3A_1152 = arith.muli %scan3A_1142, %mul3A_1151 : i32
          %add3A_1153 = arith.constant 3 : i32
          %add3A_1154 = arith.addi %mul3A_1152, %add3A_1153 : i32
          %get3A = arith.index_cast %and3A_25 : i32 to index
          %get3A_1155 = arith.index_cast %add3A_1154 : i32 to index
          %get3A_1156 = arith.constant 0 : index
          %get3A_1157 = tpu.vector_load %arg6[%get3A, %get3A_1155, %get3A_1156] {strides = array<i32>} : memref<2x416x64xf32, #tpu.memory_space<vmem>>, vector<1x1x16xf32>,
          %get3A_1158 = vector.shape_cast %get3A_1157 : vector<1x1x16xf32> to vector<16xf32>
          %get3A_1159 = arith.index_cast %and3A_25 : i32 to index
          %get3A_1160 = arith.index_cast %add3A_1154 : i32 to index
          %get3A_1161 = arith.constant 16 : index
          %get3A_1162 = tpu.vector_load %arg6[%get3A_1159, %get3A_1160, %get3A_1161] {strides = array<i32>} : memref<2x416x64xf32, #tpu.memory_space<vmem>>, vector<1x1x16xf32>,
          %get3A_1163 = vector.shape_cast %get3A_1162 : vector<1x1x16xf32> to vector<16xf32>
          %get3A_1164 = arith.index_cast %and3A_25 : i32 to index
          %get3A_1165 = arith.index_cast %add3A_1154 : i32 to index
          %get3A_1166 = arith.constant 32 : index
          %get3A_1167 = tpu.vector_load %arg6[%get3A_1164, %get3A_1165, %get3A_1166] {strides = array<i32>} : memref<2x416x64xf32, #tpu.memory_space<vmem>>, vector<1x1x16xf32>,
          %get3A_1168 = vector.shape_cast %get3A_1167 : vector<1x1x16xf32> to vector<16xf32>
          %get3A_1169 = arith.index_cast %and3A_25 : i32 to index
          %get3A_1170 = arith.index_cast %add3A_1154 : i32 to index
          %get3A_1171 = arith.constant 48 : index
          %get3A_1172 = tpu.vector_load %arg6[%get3A_1169, %get3A_1170, %get3A_1171] {strides = array<i32>} : memref<2x416x64xf32, #tpu.memory_space<vmem>>, vector<1x1x16xf32>,
          %get3A_1173 = vector.shape_cast %get3A_1172 : vector<1x1x16xf32> to vector<16xf32>
          %add3A_1174 = arith.addf %scan3A_1143, %get3A_1158 : vector<16xf32>
          %add3A_1175 = arith.addf %scan3A_1144, %get3A_1163 : vector<16xf32>
          %add3A_1176 = arith.addf %scan3A_1145, %get3A_1168 : vector<16xf32>
          %add3A_1177 = arith.addf %scan3A_1146, %get3A_1173 : vector<16xf32>
          %mul3A_1178 = arith.mulf %get3A_1158, %get3A_1158 : vector<16xf32>
          %add3A_1179 = arith.addf %scan3A_1147, %mul3A_1178 : vector<16xf32>
          %mul3A_1180 = arith.mulf %get3A_1163, %get3A_1163 : vector<16xf32>
          %add3A_1181 = arith.addf %scan3A_1148, %mul3A_1180 : vector<16xf32>
          %mul3A_1182 = arith.mulf %get3A_1168, %get3A_1168 : vector<16xf32>
          %add3A_1183 = arith.addf %scan3A_1149, %mul3A_1182 : vector<16xf32>
          %mul3A_1184 = arith.mulf %get3A_1173, %get3A_1173 : vector<16xf32>
          %add3A_1185 = arith.addf %scan3A_1150, %mul3A_1184 : vector<16xf32>
          %scan3A_1186 = arith.constant 1 : i32
          %scan3A_1187 = arith.addi %scan3A_1142, %scan3A_1186 : i32
          %mul3A_1188 = arith.constant 16 : i32
          %mul3A_1189 = arith.muli %scan3A_1187, %mul3A_1188 : i32
          %add3A_1190 = arith.constant 3 : i32
          %add3A_1191 = arith.addi %mul3A_1189, %add3A_1190 : i32
          %get3A_1192 = arith.index_cast %and3A_25 : i32 to index
          %get3A_1193 = arith.index_cast %add3A_1191 : i32 to index
          %get3A_1194 = arith.constant 0 : index
          %get3A_1195 = tpu.vector_load %arg6[%get3A_1192, %get3A_1193, %get3A_1194] {strides = array<i32>} : memref<2x416x64xf32, #tpu.memory_space<vmem>>, vector<1x1x16xf32>,
          %get3A_1196 = vector.shape_cast %get3A_1195 : vector<1x1x16xf32> to vector<16xf32>
          %get3A_1197 = arith.index_cast %and3A_25 : i32 to index
          %get3A_1198 = arith.index_cast %add3A_1191 : i32 to index
          %get3A_1199 = arith.constant 16 : index
          %get3A_1200 = tpu.vector_load %arg6[%get3A_1197, %get3A_1198, %get3A_1199] {strides = array<i32>} : memref<2x416x64xf32, #tpu.memory_space<vmem>>, vector<1x1x16xf32>,
          %get3A_1201 = vector.shape_cast %get3A_1200 : vector<1x1x16xf32> to vector<16xf32>
          %get3A_1202 = arith.index_cast %and3A_25 : i32 to index
          %get3A_1203 = arith.index_cast %add3A_1191 : i32 to index
          %get3A_1204 = arith.constant 32 : index
          %get3A_1205 = tpu.vector_load %arg6[%get3A_1202, %get3A_1203, %get3A_1204] {strides = array<i32>} : memref<2x416x64xf32, #tpu.memory_space<vmem>>, vector<1x1x16xf32>,
          %get3A_1206 = vector.shape_cast %get3A_1205 : vector<1x1x16xf32> to vector<16xf32>
          %get3A_1207 = arith.index_cast %and3A_25 : i32 to index
          %get3A_1208 = arith.index_cast %add3A_1191 : i32 to index
          %get3A_1209 = arith.constant 48 : index
          %get3A_1210 = tpu.vector_load %arg6[%get3A_1207, %get3A_1208, %get3A_1209] {strides = array<i32>} : memref<2x416x64xf32, #tpu.memory_space<vmem>>, vector<1x1x16xf32>,
          %get3A_1211 = vector.shape_cast %get3A_1210 : vector<1x1x16xf32> to vector<16xf32>
          %add3A_1212 = arith.addf %add3A_1174, %get3A_1196 : vector<16xf32>
          %add3A_1213 = arith.addf %add3A_1175, %get3A_1201 : vector<16xf32>
          %add3A_1214 = arith.addf %add3A_1176, %get3A_1206 : vector<16xf32>
          %add3A_1215 = arith.addf %add3A_1177, %get3A_1211 : vector<16xf32>
          %mul3A_1216 = arith.mulf %get3A_1196, %get3A_1196 : vector<16xf32>
          %add3A_1217 = arith.addf %add3A_1179, %mul3A_1216 : vector<16xf32>
          %mul3A_1218 = arith.mulf %get3A_1201, %get3A_1201 : vector<16xf32>
          %add3A_1219 = arith.addf %add3A_1181, %mul3A_1218 : vector<16xf32>
          %mul3A_1220 = arith.mulf %get3A_1206, %get3A_1206 : vector<16xf32>
          %add3A_1221 = arith.addf %add3A_1183, %mul3A_1220 : vector<16xf32>
          %mul3A_1222 = arith.mulf %get3A_1211, %get3A_1211 : vector<16xf32>
          %add3A_1223 = arith.addf %add3A_1185, %mul3A_1222 : vector<16xf32>
          scf.yield %add3A_1212, %add3A_1213, %add3A_1214, %add3A_1215, %add3A_1217, %add3A_1219, %add3A_1221, %add3A_1223 : vector<16xf32>, vector<16xf32>, vector<16xf32>, vector<16xf32>, vector<16xf32>, vector<16xf32>, vector<16xf32>, vector<16xf32>
        }
        %scan3A_244 = arith.constant 26 : i32
        %jit3A_245 = arith.constant 4 : i32
        %eq3A_246 = arith.constant 0 : i32
        %eq3A_247 = arith.cmpi eq, %jit3A_245, %eq3A_246 : i32
        %jit3A_248 = arith.constant 1 : i32
        %select_n3A_249 = arith.select %eq3A_247, %jit3A_248, %jit3A_245 : i32
        %rem3A_250 = arith.remsi %scan3A_24, %select_n3A_249 : i32
        %ne3A_251 = arith.constant 0 : i32
        %ne3A_252 = arith.cmpi ne, %rem3A_250, %ne3A_251 : i32
        %lt3A_253 = arith.constant 0 : i32
        %lt3A_254 = arith.cmpi slt, %rem3A_250, %lt3A_253 : i32
        %lt3A_255 = arith.constant 0 : i32
        %lt3A_256 = arith.cmpi slt, %select_n3A_249, %lt3A_255 : i32
        %ne3A_257 = arith.xori %lt3A_254, %lt3A_256 : i1
        %and3A_258 = arith.andi %ne3A_257, %ne3A_252 : i1
        %add3A_259 = arith.addi %rem3A_250, %select_n3A_249 : i32
        %select_n3A_260 = arith.select %and3A_258, %add3A_259, %rem3A_250 : i32
        %mul3A_261 = arith.constant 16 : i32
        %mul3A_262 = arith.muli %select_n3A_260, %mul3A_261 : i32
        %add3A_263 = arith.constant 3 : i32
        %add3A_264 = arith.addi %mul3A_262, %add3A_263 : i32
        %mul3A_265 = arith.mulf %scan3A_243#0, %scan3A_243#0 : vector<16xf32>
        %sub3A_266 = arith.subf %mul3A_265, %scan3A_243#4 : vector<16xf32>
        %mul3A_267 = arith.constant 5.000000e-01 : f32
        %mul3A_268 = vector.broadcast %mul3A_267 : f32 to vector<16xf32>
        %mul3A_269 = arith.mulf %mul3A_268, %sub3A_266 : vector<16xf32>
        %swap3A_270 = arith.index_cast %add3A_264 : i32 to index
        %swap3A_271 = arith.constant 0 : index
        %swap3A_272 = tpu.vector_load %arg7[%swap3A_270, %swap3A_271] {strides = array<i32>} : memref<64x64xf32, #tpu.memory_space<vmem>>, vector<1x16xf32>,
        %swap3A_273 = vector.shape_cast %swap3A_272 : vector<1x16xf32> to vector<16xf32>
        %swap3A_274 = vector.shape_cast %mul3A_269 : vector<16xf32> to vector<1x16xf32>
        tpu.vector_store %arg7[%swap3A_270, %swap3A_271], %swap3A_274 {strides = array<i32>} : memref<64x64xf32, #tpu.memory_space<vmem>>, vector<1x16xf32>,
        %mul3A_275 = arith.mulf %scan3A_243#1, %scan3A_243#1 : vector<16xf32>
        %sub3A_276 = arith.subf %mul3A_275, %scan3A_243#5 : vector<16xf32>
        %mul3A_277 = arith.constant 5.000000e-01 : f32
        %mul3A_278 = vector.broadcast %mul3A_277 : f32 to vector<16xf32>
        %mul3A_279 = arith.mulf %mul3A_278, %sub3A_276 : vector<16xf32>
        %swap3A_280 = arith.index_cast %add3A_264 : i32 to index
        %swap3A_281 = arith.constant 16 : index
        %swap3A_282 = tpu.vector_load %arg7[%swap3A_280, %swap3A_281] {strides = array<i32>} : memref<64x64xf32, #tpu.memory_space<vmem>>, vector<1x16xf32>,
        %swap3A_283 = vector.shape_cast %swap3A_282 : vector<1x16xf32> to vector<16xf32>
        %swap3A_284 = vector.shape_cast %mul3A_279 : vector<16xf32> to vector<1x16xf32>
        tpu.vector_store %arg7[%swap3A_280, %swap3A_281], %swap3A_284 {strides = array<i32>} : memref<64x64xf32, #tpu.memory_space<vmem>>, vector<1x16xf32>,
        %mul3A_285 = arith.mulf %scan3A_243#2, %scan3A_243#2 : vector<16xf32>
        %sub3A_286 = arith.subf %mul3A_285, %scan3A_243#6 : vector<16xf32>
        %mul3A_287 = arith.constant 5.000000e-01 : f32
        %mul3A_288 = vector.broadcast %mul3A_287 : f32 to vector<16xf32>
        %mul3A_289 = arith.mulf %mul3A_288, %sub3A_286 : vector<16xf32>
        %swap3A_290 = arith.index_cast %add3A_264 : i32 to index
        %swap3A_291 = arith.constant 32 : index
        %swap3A_292 = tpu.vector_load %arg7[%swap3A_290, %swap3A_291] {strides = array<i32>} : memref<64x64xf32, #tpu.memory_space<vmem>>, vector<1x16xf32>,
        %swap3A_293 = vector.shape_cast %swap3A_292 : vector<1x16xf32> to vector<16xf32>
        %swap3A_294 = vector.shape_cast %mul3A_289 : vector<16xf32> to vector<1x16xf32>
        tpu.vector_store %arg7[%swap3A_290, %swap3A_291], %swap3A_294 {strides = array<i32>} : memref<64x64xf32, #tpu.memory_space<vmem>>, vector<1x16xf32>,
        %mul3A_295 = arith.mulf %scan3A_243#3, %scan3A_243#3 : vector<16xf32>
        %sub3A_296 = arith.subf %mul3A_295, %scan3A_243#7 : vector<16xf32>
        %mul3A_297 = arith.constant 5.000000e-01 : f32
        %mul3A_298 = vector.broadcast %mul3A_297 : f32 to vector<16xf32>
        %mul3A_299 = arith.mulf %mul3A_298, %sub3A_296 : vector<16xf32>
        %swap3A_300 = arith.index_cast %add3A_264 : i32 to index
        %swap3A_301 = arith.constant 48 : index
        %swap3A_302 = tpu.vector_load %arg7[%swap3A_300, %swap3A_301] {strides = array<i32>} : memref<64x64xf32, #tpu.memory_space<vmem>>, vector<1x16xf32>,
        %swap3A_303 = vector.shape_cast %swap3A_302 : vector<1x16xf32> to vector<16xf32>
        %swap3A_304 = vector.shape_cast %mul3A_299 : vector<16xf32> to vector<1x16xf32>
        tpu.vector_store %arg7[%swap3A_300, %swap3A_301], %swap3A_304 {strides = array<i32>} : memref<64x64xf32, #tpu.memory_space<vmem>>, vector<1x16xf32>,
        %broadcast_in_dim3A_305 = arith.constant 0.000000e+00 : f32
        %broadcast_in_dim3A_306 = vector.broadcast %broadcast_in_dim3A_305 : f32 to vector<16xf32>
        %scan3A_307 = arith.constant 0 : i32
        %scan3A_308 = arith.constant 26 : i32
        %scan3A_309 = arith.addi %scan3A_307, %scan3A_308 : i32
        %scan3A_310 = arith.constant 2 : i32
        %scan3A_311:8 = scf.for %scan3A_1142 = %scan3A_307 to %scan3A_309 step %scan3A_310 iter_args(%scan3A_1143 = %broadcast_in_dim3A_306, %scan3A_1144 = %broadcast_in_dim3A_306, %scan3A_1145 = %broadcast_in_dim3A_306, %scan3A_1146 = %broadcast_in_dim3A_306, %scan3A_1147 = %broadcast_in_dim3A_306, %scan3A_1148 = %broadcast_in_dim3A_306, %scan3A_1149 = %broadcast_in_dim3A_306, %scan3A_1150 = %broadcast_in_dim3A_306) -> (vector<16xf32>, vector<16xf32>, vector<16xf32>, vector<16xf32>, vector<16xf32>, vector<16xf32>, vector<16xf32>, vector<16xf32>)  : i32 {
          %mul3A_1151 = arith.constant 16 : i32
          %mul3A_1152 = arith.muli %scan3A_1142, %mul3A_1151 : i32
          %add3A_1153 = arith.constant 4 : i32
          %add3A_1154 = arith.addi %mul3A_1152, %add3A_1153 : i32
          %get3A = arith.index_cast %and3A_25 : i32 to index
          %get3A_1155 = arith.index_cast %add3A_1154 : i32 to index
          %get3A_1156 = arith.constant 0 : index
          %get3A_1157 = tpu.vector_load %arg6[%get3A, %get3A_1155, %get3A_1156] {strides = array<i32>} : memref<2x416x64xf32, #tpu.memory_space<vmem>>, vector<1x1x16xf32>,
          %get3A_1158 = vector.shape_cast %get3A_1157 : vector<1x1x16xf32> to vector<16xf32>
          %get3A_1159 = arith.index_cast %and3A_25 : i32 to index
          %get3A_1160 = arith.index_cast %add3A_1154 : i32 to index
          %get3A_1161 = arith.constant 16 : index
          %get3A_1162 = tpu.vector_load %arg6[%get3A_1159, %get3A_1160, %get3A_1161] {strides = array<i32>} : memref<2x416x64xf32, #tpu.memory_space<vmem>>, vector<1x1x16xf32>,
          %get3A_1163 = vector.shape_cast %get3A_1162 : vector<1x1x16xf32> to vector<16xf32>
          %get3A_1164 = arith.index_cast %and3A_25 : i32 to index
          %get3A_1165 = arith.index_cast %add3A_1154 : i32 to index
          %get3A_1166 = arith.constant 32 : index
          %get3A_1167 = tpu.vector_load %arg6[%get3A_1164, %get3A_1165, %get3A_1166] {strides = array<i32>} : memref<2x416x64xf32, #tpu.memory_space<vmem>>, vector<1x1x16xf32>,
          %get3A_1168 = vector.shape_cast %get3A_1167 : vector<1x1x16xf32> to vector<16xf32>
          %get3A_1169 = arith.index_cast %and3A_25 : i32 to index
          %get3A_1170 = arith.index_cast %add3A_1154 : i32 to index
          %get3A_1171 = arith.constant 48 : index
          %get3A_1172 = tpu.vector_load %arg6[%get3A_1169, %get3A_1170, %get3A_1171] {strides = array<i32>} : memref<2x416x64xf32, #tpu.memory_space<vmem>>, vector<1x1x16xf32>,
          %get3A_1173 = vector.shape_cast %get3A_1172 : vector<1x1x16xf32> to vector<16xf32>
          %add3A_1174 = arith.addf %scan3A_1143, %get3A_1158 : vector<16xf32>
          %add3A_1175 = arith.addf %scan3A_1144, %get3A_1163 : vector<16xf32>
          %add3A_1176 = arith.addf %scan3A_1145, %get3A_1168 : vector<16xf32>
          %add3A_1177 = arith.addf %scan3A_1146, %get3A_1173 : vector<16xf32>
          %mul3A_1178 = arith.mulf %get3A_1158, %get3A_1158 : vector<16xf32>
          %add3A_1179 = arith.addf %scan3A_1147, %mul3A_1178 : vector<16xf32>
          %mul3A_1180 = arith.mulf %get3A_1163, %get3A_1163 : vector<16xf32>
          %add3A_1181 = arith.addf %scan3A_1148, %mul3A_1180 : vector<16xf32>
          %mul3A_1182 = arith.mulf %get3A_1168, %get3A_1168 : vector<16xf32>
          %add3A_1183 = arith.addf %scan3A_1149, %mul3A_1182 : vector<16xf32>
          %mul3A_1184 = arith.mulf %get3A_1173, %get3A_1173 : vector<16xf32>
          %add3A_1185 = arith.addf %scan3A_1150, %mul3A_1184 : vector<16xf32>
          %scan3A_1186 = arith.constant 1 : i32
          %scan3A_1187 = arith.addi %scan3A_1142, %scan3A_1186 : i32
          %mul3A_1188 = arith.constant 16 : i32
          %mul3A_1189 = arith.muli %scan3A_1187, %mul3A_1188 : i32
          %add3A_1190 = arith.constant 4 : i32
          %add3A_1191 = arith.addi %mul3A_1189, %add3A_1190 : i32
          %get3A_1192 = arith.index_cast %and3A_25 : i32 to index
          %get3A_1193 = arith.index_cast %add3A_1191 : i32 to index
          %get3A_1194 = arith.constant 0 : index
          %get3A_1195 = tpu.vector_load %arg6[%get3A_1192, %get3A_1193, %get3A_1194] {strides = array<i32>} : memref<2x416x64xf32, #tpu.memory_space<vmem>>, vector<1x1x16xf32>,
          %get3A_1196 = vector.shape_cast %get3A_1195 : vector<1x1x16xf32> to vector<16xf32>
          %get3A_1197 = arith.index_cast %and3A_25 : i32 to index
          %get3A_1198 = arith.index_cast %add3A_1191 : i32 to index
          %get3A_1199 = arith.constant 16 : index
          %get3A_1200 = tpu.vector_load %arg6[%get3A_1197, %get3A_1198, %get3A_1199] {strides = array<i32>} : memref<2x416x64xf32, #tpu.memory_space<vmem>>, vector<1x1x16xf32>,
          %get3A_1201 = vector.shape_cast %get3A_1200 : vector<1x1x16xf32> to vector<16xf32>
          %get3A_1202 = arith.index_cast %and3A_25 : i32 to index
          %get3A_1203 = arith.index_cast %add3A_1191 : i32 to index
          %get3A_1204 = arith.constant 32 : index
          %get3A_1205 = tpu.vector_load %arg6[%get3A_1202, %get3A_1203, %get3A_1204] {strides = array<i32>} : memref<2x416x64xf32, #tpu.memory_space<vmem>>, vector<1x1x16xf32>,
          %get3A_1206 = vector.shape_cast %get3A_1205 : vector<1x1x16xf32> to vector<16xf32>
          %get3A_1207 = arith.index_cast %and3A_25 : i32 to index
          %get3A_1208 = arith.index_cast %add3A_1191 : i32 to index
          %get3A_1209 = arith.constant 48 : index
          %get3A_1210 = tpu.vector_load %arg6[%get3A_1207, %get3A_1208, %get3A_1209] {strides = array<i32>} : memref<2x416x64xf32, #tpu.memory_space<vmem>>, vector<1x1x16xf32>,
          %get3A_1211 = vector.shape_cast %get3A_1210 : vector<1x1x16xf32> to vector<16xf32>
          %add3A_1212 = arith.addf %add3A_1174, %get3A_1196 : vector<16xf32>
          %add3A_1213 = arith.addf %add3A_1175, %get3A_1201 : vector<16xf32>
          %add3A_1214 = arith.addf %add3A_1176, %get3A_1206 : vector<16xf32>
          %add3A_1215 = arith.addf %add3A_1177, %get3A_1211 : vector<16xf32>
          %mul3A_1216 = arith.mulf %get3A_1196, %get3A_1196 : vector<16xf32>
          %add3A_1217 = arith.addf %add3A_1179, %mul3A_1216 : vector<16xf32>
          %mul3A_1218 = arith.mulf %get3A_1201, %get3A_1201 : vector<16xf32>
          %add3A_1219 = arith.addf %add3A_1181, %mul3A_1218 : vector<16xf32>
          %mul3A_1220 = arith.mulf %get3A_1206, %get3A_1206 : vector<16xf32>
          %add3A_1221 = arith.addf %add3A_1183, %mul3A_1220 : vector<16xf32>
          %mul3A_1222 = arith.mulf %get3A_1211, %get3A_1211 : vector<16xf32>
          %add3A_1223 = arith.addf %add3A_1185, %mul3A_1222 : vector<16xf32>
          scf.yield %add3A_1212, %add3A_1213, %add3A_1214, %add3A_1215, %add3A_1217, %add3A_1219, %add3A_1221, %add3A_1223 : vector<16xf32>, vector<16xf32>, vector<16xf32>, vector<16xf32>, vector<16xf32>, vector<16xf32>, vector<16xf32>, vector<16xf32>
        }
        %scan3A_312 = arith.constant 26 : i32
        %jit3A_313 = arith.constant 4 : i32
        %eq3A_314 = arith.constant 0 : i32
        %eq3A_315 = arith.cmpi eq, %jit3A_313, %eq3A_314 : i32
        %jit3A_316 = arith.constant 1 : i32
        %select_n3A_317 = arith.select %eq3A_315, %jit3A_316, %jit3A_313 : i32
        %rem3A_318 = arith.remsi %scan3A_24, %select_n3A_317 : i32
        %ne3A_319 = arith.constant 0 : i32
        %ne3A_320 = arith.cmpi ne, %rem3A_318, %ne3A_319 : i32
        %lt3A_321 = arith.constant 0 : i32
        %lt3A_322 = arith.cmpi slt, %rem3A_318, %lt3A_321 : i32
        %lt3A_323 = arith.constant 0 : i32
        %lt3A_324 = arith.cmpi slt, %select_n3A_317, %lt3A_323 : i32
        %ne3A_325 = arith.xori %lt3A_322, %lt3A_324 : i1
        %and3A_326 = arith.andi %ne3A_325, %ne3A_320 : i1
        %add3A_327 = arith.addi %rem3A_318, %select_n3A_317 : i32
        %select_n3A_328 = arith.select %and3A_326, %add3A_327, %rem3A_318 : i32
        %mul3A_329 = arith.constant 16 : i32
        %mul3A_330 = arith.muli %select_n3A_328, %mul3A_329 : i32
        %add3A_331 = arith.constant 4 : i32
        %add3A_332 = arith.addi %mul3A_330, %add3A_331 : i32
        %mul3A_333 = arith.mulf %scan3A_311#0, %scan3A_311#0 : vector<16xf32>
        %sub3A_334 = arith.subf %mul3A_333, %scan3A_311#4 : vector<16xf32>
        %mul3A_335 = arith.constant 5.000000e-01 : f32
        %mul3A_336 = vector.broadcast %mul3A_335 : f32 to vector<16xf32>
        %mul3A_337 = arith.mulf %mul3A_336, %sub3A_334 : vector<16xf32>
        %swap3A_338 = arith.index_cast %add3A_332 : i32 to index
        %swap3A_339 = arith.constant 0 : index
        %swap3A_340 = tpu.vector_load %arg7[%swap3A_338, %swap3A_339] {strides = array<i32>} : memref<64x64xf32, #tpu.memory_space<vmem>>, vector<1x16xf32>,
        %swap3A_341 = vector.shape_cast %swap3A_340 : vector<1x16xf32> to vector<16xf32>
        %swap3A_342 = vector.shape_cast %mul3A_337 : vector<16xf32> to vector<1x16xf32>
        tpu.vector_store %arg7[%swap3A_338, %swap3A_339], %swap3A_342 {strides = array<i32>} : memref<64x64xf32, #tpu.memory_space<vmem>>, vector<1x16xf32>,
        %mul3A_343 = arith.mulf %scan3A_311#1, %scan3A_311#1 : vector<16xf32>
        %sub3A_344 = arith.subf %mul3A_343, %scan3A_311#5 : vector<16xf32>
        %mul3A_345 = arith.constant 5.000000e-01 : f32
        %mul3A_346 = vector.broadcast %mul3A_345 : f32 to vector<16xf32>
        %mul3A_347 = arith.mulf %mul3A_346, %sub3A_344 : vector<16xf32>
        %swap3A_348 = arith.index_cast %add3A_332 : i32 to index
        %swap3A_349 = arith.constant 16 : index
        %swap3A_350 = tpu.vector_load %arg7[%swap3A_348, %swap3A_349] {strides = array<i32>} : memref<64x64xf32, #tpu.memory_space<vmem>>, vector<1x16xf32>,
        %swap3A_351 = vector.shape_cast %swap3A_350 : vector<1x16xf32> to vector<16xf32>
        %swap3A_352 = vector.shape_cast %mul3A_347 : vector<16xf32> to vector<1x16xf32>
        tpu.vector_store %arg7[%swap3A_348, %swap3A_349], %swap3A_352 {strides = array<i32>} : memref<64x64xf32, #tpu.memory_space<vmem>>, vector<1x16xf32>,
        %mul3A_353 = arith.mulf %scan3A_311#2, %scan3A_311#2 : vector<16xf32>
        %sub3A_354 = arith.subf %mul3A_353, %scan3A_311#6 : vector<16xf32>
        %mul3A_355 = arith.constant 5.000000e-01 : f32
        %mul3A_356 = vector.broadcast %mul3A_355 : f32 to vector<16xf32>
        %mul3A_357 = arith.mulf %mul3A_356, %sub3A_354 : vector<16xf32>
        %swap3A_358 = arith.index_cast %add3A_332 : i32 to index
        %swap3A_359 = arith.constant 32 : index
        %swap3A_360 = tpu.vector_load %arg7[%swap3A_358, %swap3A_359] {strides = array<i32>} : memref<64x64xf32, #tpu.memory_space<vmem>>, vector<1x16xf32>,
        %swap3A_361 = vector.shape_cast %swap3A_360 : vector<1x16xf32> to vector<16xf32>
        %swap3A_362 = vector.shape_cast %mul3A_357 : vector<16xf32> to vector<1x16xf32>
        tpu.vector_store %arg7[%swap3A_358, %swap3A_359], %swap3A_362 {strides = array<i32>} : memref<64x64xf32, #tpu.memory_space<vmem>>, vector<1x16xf32>,
        %mul3A_363 = arith.mulf %scan3A_311#3, %scan3A_311#3 : vector<16xf32>
        %sub3A_364 = arith.subf %mul3A_363, %scan3A_311#7 : vector<16xf32>
        %mul3A_365 = arith.constant 5.000000e-01 : f32
        %mul3A_366 = vector.broadcast %mul3A_365 : f32 to vector<16xf32>
        %mul3A_367 = arith.mulf %mul3A_366, %sub3A_364 : vector<16xf32>
        %swap3A_368 = arith.index_cast %add3A_332 : i32 to index
        %swap3A_369 = arith.constant 48 : index
        %swap3A_370 = tpu.vector_load %arg7[%swap3A_368, %swap3A_369] {strides = array<i32>} : memref<64x64xf32, #tpu.memory_space<vmem>>, vector<1x16xf32>,
        %swap3A_371 = vector.shape_cast %swap3A_370 : vector<1x16xf32> to vector<16xf32>
        %swap3A_372 = vector.shape_cast %mul3A_367 : vector<16xf32> to vector<1x16xf32>
        tpu.vector_store %arg7[%swap3A_368, %swap3A_369], %swap3A_372 {strides = array<i32>} : memref<64x64xf32, #tpu.memory_space<vmem>>, vector<1x16xf32>,
        %broadcast_in_dim3A_373 = arith.constant 0.000000e+00 : f32
        %broadcast_in_dim3A_374 = vector.broadcast %broadcast_in_dim3A_373 : f32 to vector<16xf32>
        %scan3A_375 = arith.constant 0 : i32
        %scan3A_376 = arith.constant 26 : i32
        %scan3A_377 = arith.addi %scan3A_375, %scan3A_376 : i32
        %scan3A_378 = arith.constant 2 : i32
        %scan3A_379:8 = scf.for %scan3A_1142 = %scan3A_375 to %scan3A_377 step %scan3A_378 iter_args(%scan3A_1143 = %broadcast_in_dim3A_374, %scan3A_1144 = %broadcast_in_dim3A_374, %scan3A_1145 = %broadcast_in_dim3A_374, %scan3A_1146 = %broadcast_in_dim3A_374, %scan3A_1147 = %broadcast_in_dim3A_374, %scan3A_1148 = %broadcast_in_dim3A_374, %scan3A_1149 = %broadcast_in_dim3A_374, %scan3A_1150 = %broadcast_in_dim3A_374) -> (vector<16xf32>, vector<16xf32>, vector<16xf32>, vector<16xf32>, vector<16xf32>, vector<16xf32>, vector<16xf32>, vector<16xf32>)  : i32 {
          %mul3A_1151 = arith.constant 16 : i32
          %mul3A_1152 = arith.muli %scan3A_1142, %mul3A_1151 : i32
          %add3A_1153 = arith.constant 5 : i32
          %add3A_1154 = arith.addi %mul3A_1152, %add3A_1153 : i32
          %get3A = arith.index_cast %and3A_25 : i32 to index
          %get3A_1155 = arith.index_cast %add3A_1154 : i32 to index
          %get3A_1156 = arith.constant 0 : index
          %get3A_1157 = tpu.vector_load %arg6[%get3A, %get3A_1155, %get3A_1156] {strides = array<i32>} : memref<2x416x64xf32, #tpu.memory_space<vmem>>, vector<1x1x16xf32>,
          %get3A_1158 = vector.shape_cast %get3A_1157 : vector<1x1x16xf32> to vector<16xf32>
          %get3A_1159 = arith.index_cast %and3A_25 : i32 to index
          %get3A_1160 = arith.index_cast %add3A_1154 : i32 to index
          %get3A_1161 = arith.constant 16 : index
          %get3A_1162 = tpu.vector_load %arg6[%get3A_1159, %get3A_1160, %get3A_1161] {strides = array<i32>} : memref<2x416x64xf32, #tpu.memory_space<vmem>>, vector<1x1x16xf32>,
          %get3A_1163 = vector.shape_cast %get3A_1162 : vector<1x1x16xf32> to vector<16xf32>
          %get3A_1164 = arith.index_cast %and3A_25 : i32 to index
          %get3A_1165 = arith.index_cast %add3A_1154 : i32 to index
          %get3A_1166 = arith.constant 32 : index
          %get3A_1167 = tpu.vector_load %arg6[%get3A_1164, %get3A_1165, %get3A_1166] {strides = array<i32>} : memref<2x416x64xf32, #tpu.memory_space<vmem>>, vector<1x1x16xf32>,
          %get3A_1168 = vector.shape_cast %get3A_1167 : vector<1x1x16xf32> to vector<16xf32>
          %get3A_1169 = arith.index_cast %and3A_25 : i32 to index
          %get3A_1170 = arith.index_cast %add3A_1154 : i32 to index
          %get3A_1171 = arith.constant 48 : index
          %get3A_1172 = tpu.vector_load %arg6[%get3A_1169, %get3A_1170, %get3A_1171] {strides = array<i32>} : memref<2x416x64xf32, #tpu.memory_space<vmem>>, vector<1x1x16xf32>,
          %get3A_1173 = vector.shape_cast %get3A_1172 : vector<1x1x16xf32> to vector<16xf32>
          %add3A_1174 = arith.addf %scan3A_1143, %get3A_1158 : vector<16xf32>
          %add3A_1175 = arith.addf %scan3A_1144, %get3A_1163 : vector<16xf32>
          %add3A_1176 = arith.addf %scan3A_1145, %get3A_1168 : vector<16xf32>
          %add3A_1177 = arith.addf %scan3A_1146, %get3A_1173 : vector<16xf32>
          %mul3A_1178 = arith.mulf %get3A_1158, %get3A_1158 : vector<16xf32>
          %add3A_1179 = arith.addf %scan3A_1147, %mul3A_1178 : vector<16xf32>
          %mul3A_1180 = arith.mulf %get3A_1163, %get3A_1163 : vector<16xf32>
          %add3A_1181 = arith.addf %scan3A_1148, %mul3A_1180 : vector<16xf32>
          %mul3A_1182 = arith.mulf %get3A_1168, %get3A_1168 : vector<16xf32>
          %add3A_1183 = arith.addf %scan3A_1149, %mul3A_1182 : vector<16xf32>
          %mul3A_1184 = arith.mulf %get3A_1173, %get3A_1173 : vector<16xf32>
          %add3A_1185 = arith.addf %scan3A_1150, %mul3A_1184 : vector<16xf32>
          %scan3A_1186 = arith.constant 1 : i32
          %scan3A_1187 = arith.addi %scan3A_1142, %scan3A_1186 : i32
          %mul3A_1188 = arith.constant 16 : i32
          %mul3A_1189 = arith.muli %scan3A_1187, %mul3A_1188 : i32
          %add3A_1190 = arith.constant 5 : i32
          %add3A_1191 = arith.addi %mul3A_1189, %add3A_1190 : i32
          %get3A_1192 = arith.index_cast %and3A_25 : i32 to index
          %get3A_1193 = arith.index_cast %add3A_1191 : i32 to index
          %get3A_1194 = arith.constant 0 : index
          %get3A_1195 = tpu.vector_load %arg6[%get3A_1192, %get3A_1193, %get3A_1194] {strides = array<i32>} : memref<2x416x64xf32, #tpu.memory_space<vmem>>, vector<1x1x16xf32>,
          %get3A_1196 = vector.shape_cast %get3A_1195 : vector<1x1x16xf32> to vector<16xf32>
          %get3A_1197 = arith.index_cast %and3A_25 : i32 to index
          %get3A_1198 = arith.index_cast %add3A_1191 : i32 to index
          %get3A_1199 = arith.constant 16 : index
          %get3A_1200 = tpu.vector_load %arg6[%get3A_1197, %get3A_1198, %get3A_1199] {strides = array<i32>} : memref<2x416x64xf32, #tpu.memory_space<vmem>>, vector<1x1x16xf32>,
          %get3A_1201 = vector.shape_cast %get3A_1200 : vector<1x1x16xf32> to vector<16xf32>
          %get3A_1202 = arith.index_cast %and3A_25 : i32 to index
          %get3A_1203 = arith.index_cast %add3A_1191 : i32 to index
          %get3A_1204 = arith.constant 32 : index
          %get3A_1205 = tpu.vector_load %arg6[%get3A_1202, %get3A_1203, %get3A_1204] {strides = array<i32>} : memref<2x416x64xf32, #tpu.memory_space<vmem>>, vector<1x1x16xf32>,
          %get3A_1206 = vector.shape_cast %get3A_1205 : vector<1x1x16xf32> to vector<16xf32>
          %get3A_1207 = arith.index_cast %and3A_25 : i32 to index
          %get3A_1208 = arith.index_cast %add3A_1191 : i32 to index
          %get3A_1209 = arith.constant 48 : index
          %get3A_1210 = tpu.vector_load %arg6[%get3A_1207, %get3A_1208, %get3A_1209] {strides = array<i32>} : memref<2x416x64xf32, #tpu.memory_space<vmem>>, vector<1x1x16xf32>,
          %get3A_1211 = vector.shape_cast %get3A_1210 : vector<1x1x16xf32> to vector<16xf32>
          %add3A_1212 = arith.addf %add3A_1174, %get3A_1196 : vector<16xf32>
          %add3A_1213 = arith.addf %add3A_1175, %get3A_1201 : vector<16xf32>
          %add3A_1214 = arith.addf %add3A_1176, %get3A_1206 : vector<16xf32>
          %add3A_1215 = arith.addf %add3A_1177, %get3A_1211 : vector<16xf32>
          %mul3A_1216 = arith.mulf %get3A_1196, %get3A_1196 : vector<16xf32>
          %add3A_1217 = arith.addf %add3A_1179, %mul3A_1216 : vector<16xf32>
          %mul3A_1218 = arith.mulf %get3A_1201, %get3A_1201 : vector<16xf32>
          %add3A_1219 = arith.addf %add3A_1181, %mul3A_1218 : vector<16xf32>
          %mul3A_1220 = arith.mulf %get3A_1206, %get3A_1206 : vector<16xf32>
          %add3A_1221 = arith.addf %add3A_1183, %mul3A_1220 : vector<16xf32>
          %mul3A_1222 = arith.mulf %get3A_1211, %get3A_1211 : vector<16xf32>
          %add3A_1223 = arith.addf %add3A_1185, %mul3A_1222 : vector<16xf32>
          scf.yield %add3A_1212, %add3A_1213, %add3A_1214, %add3A_1215, %add3A_1217, %add3A_1219, %add3A_1221, %add3A_1223 : vector<16xf32>, vector<16xf32>, vector<16xf32>, vector<16xf32>, vector<16xf32>, vector<16xf32>, vector<16xf32>, vector<16xf32>
        }
        %scan3A_380 = arith.constant 26 : i32
        %jit3A_381 = arith.constant 4 : i32
        %eq3A_382 = arith.constant 0 : i32
        %eq3A_383 = arith.cmpi eq, %jit3A_381, %eq3A_382 : i32
        %jit3A_384 = arith.constant 1 : i32
        %select_n3A_385 = arith.select %eq3A_383, %jit3A_384, %jit3A_381 : i32
        %rem3A_386 = arith.remsi %scan3A_24, %select_n3A_385 : i32
        %ne3A_387 = arith.constant 0 : i32
        %ne3A_388 = arith.cmpi ne, %rem3A_386, %ne3A_387 : i32
        %lt3A_389 = arith.constant 0 : i32
        %lt3A_390 = arith.cmpi slt, %rem3A_386, %lt3A_389 : i32
        %lt3A_391 = arith.constant 0 : i32
        %lt3A_392 = arith.cmpi slt, %select_n3A_385, %lt3A_391 : i32
        %ne3A_393 = arith.xori %lt3A_390, %lt3A_392 : i1
        %and3A_394 = arith.andi %ne3A_393, %ne3A_388 : i1
        %add3A_395 = arith.addi %rem3A_386, %select_n3A_385 : i32
        %select_n3A_396 = arith.select %and3A_394, %add3A_395, %rem3A_386 : i32
        %mul3A_397 = arith.constant 16 : i32
        %mul3A_398 = arith.muli %select_n3A_396, %mul3A_397 : i32
        %add3A_399 = arith.constant 5 : i32
        %add3A_400 = arith.addi %mul3A_398, %add3A_399 : i32
        %mul3A_401 = arith.mulf %scan3A_379#0, %scan3A_379#0 : vector<16xf32>
        %sub3A_402 = arith.subf %mul3A_401, %scan3A_379#4 : vector<16xf32>
        %mul3A_403 = arith.constant 5.000000e-01 : f32
        %mul3A_404 = vector.broadcast %mul3A_403 : f32 to vector<16xf32>
        %mul3A_405 = arith.mulf %mul3A_404, %sub3A_402 : vector<16xf32>
        %swap3A_406 = arith.index_cast %add3A_400 : i32 to index
        %swap3A_407 = arith.constant 0 : index
        %swap3A_408 = tpu.vector_load %arg7[%swap3A_406, %swap3A_407] {strides = array<i32>} : memref<64x64xf32, #tpu.memory_space<vmem>>, vector<1x16xf32>,
        %swap3A_409 = vector.shape_cast %swap3A_408 : vector<1x16xf32> to vector<16xf32>
        %swap3A_410 = vector.shape_cast %mul3A_405 : vector<16xf32> to vector<1x16xf32>
        tpu.vector_store %arg7[%swap3A_406, %swap3A_407], %swap3A_410 {strides = array<i32>} : memref<64x64xf32, #tpu.memory_space<vmem>>, vector<1x16xf32>,
        %mul3A_411 = arith.mulf %scan3A_379#1, %scan3A_379#1 : vector<16xf32>
        %sub3A_412 = arith.subf %mul3A_411, %scan3A_379#5 : vector<16xf32>
        %mul3A_413 = arith.constant 5.000000e-01 : f32
        %mul3A_414 = vector.broadcast %mul3A_413 : f32 to vector<16xf32>
        %mul3A_415 = arith.mulf %mul3A_414, %sub3A_412 : vector<16xf32>
        %swap3A_416 = arith.index_cast %add3A_400 : i32 to index
        %swap3A_417 = arith.constant 16 : index
        %swap3A_418 = tpu.vector_load %arg7[%swap3A_416, %swap3A_417] {strides = array<i32>} : memref<64x64xf32, #tpu.memory_space<vmem>>, vector<1x16xf32>,
        %swap3A_419 = vector.shape_cast %swap3A_418 : vector<1x16xf32> to vector<16xf32>
        %swap3A_420 = vector.shape_cast %mul3A_415 : vector<16xf32> to vector<1x16xf32>
        tpu.vector_store %arg7[%swap3A_416, %swap3A_417], %swap3A_420 {strides = array<i32>} : memref<64x64xf32, #tpu.memory_space<vmem>>, vector<1x16xf32>,
        %mul3A_421 = arith.mulf %scan3A_379#2, %scan3A_379#2 : vector<16xf32>
        %sub3A_422 = arith.subf %mul3A_421, %scan3A_379#6 : vector<16xf32>
        %mul3A_423 = arith.constant 5.000000e-01 : f32
        %mul3A_424 = vector.broadcast %mul3A_423 : f32 to vector<16xf32>
        %mul3A_425 = arith.mulf %mul3A_424, %sub3A_422 : vector<16xf32>
        %swap3A_426 = arith.index_cast %add3A_400 : i32 to index
        %swap3A_427 = arith.constant 32 : index
        %swap3A_428 = tpu.vector_load %arg7[%swap3A_426, %swap3A_427] {strides = array<i32>} : memref<64x64xf32, #tpu.memory_space<vmem>>, vector<1x16xf32>,
        %swap3A_429 = vector.shape_cast %swap3A_428 : vector<1x16xf32> to vector<16xf32>
        %swap3A_430 = vector.shape_cast %mul3A_425 : vector<16xf32> to vector<1x16xf32>
        tpu.vector_store %arg7[%swap3A_426, %swap3A_427], %swap3A_430 {strides = array<i32>} : memref<64x64xf32, #tpu.memory_space<vmem>>, vector<1x16xf32>,
        %mul3A_431 = arith.mulf %scan3A_379#3, %scan3A_379#3 : vector<16xf32>
        %sub3A_432 = arith.subf %mul3A_431, %scan3A_379#7 : vector<16xf32>
        %mul3A_433 = arith.constant 5.000000e-01 : f32
        %mul3A_434 = vector.broadcast %mul3A_433 : f32 to vector<16xf32>
        %mul3A_435 = arith.mulf %mul3A_434, %sub3A_432 : vector<16xf32>
        %swap3A_436 = arith.index_cast %add3A_400 : i32 to index
        %swap3A_437 = arith.constant 48 : index
        %swap3A_438 = tpu.vector_load %arg7[%swap3A_436, %swap3A_437] {strides = array<i32>} : memref<64x64xf32, #tpu.memory_space<vmem>>, vector<1x16xf32>,
        %swap3A_439 = vector.shape_cast %swap3A_438 : vector<1x16xf32> to vector<16xf32>
        %swap3A_440 = vector.shape_cast %mul3A_435 : vector<16xf32> to vector<1x16xf32>
        tpu.vector_store %arg7[%swap3A_436, %swap3A_437], %swap3A_440 {strides = array<i32>} : memref<64x64xf32, #tpu.memory_space<vmem>>, vector<1x16xf32>,
        %broadcast_in_dim3A_441 = arith.constant 0.000000e+00 : f32
        %broadcast_in_dim3A_442 = vector.broadcast %broadcast_in_dim3A_441 : f32 to vector<16xf32>
        %scan3A_443 = arith.constant 0 : i32
        %scan3A_444 = arith.constant 26 : i32
        %scan3A_445 = arith.addi %scan3A_443, %scan3A_444 : i32
        %scan3A_446 = arith.constant 2 : i32
        %scan3A_447:8 = scf.for %scan3A_1142 = %scan3A_443 to %scan3A_445 step %scan3A_446 iter_args(%scan3A_1143 = %broadcast_in_dim3A_442, %scan3A_1144 = %broadcast_in_dim3A_442, %scan3A_1145 = %broadcast_in_dim3A_442, %scan3A_1146 = %broadcast_in_dim3A_442, %scan3A_1147 = %broadcast_in_dim3A_442, %scan3A_1148 = %broadcast_in_dim3A_442, %scan3A_1149 = %broadcast_in_dim3A_442, %scan3A_1150 = %broadcast_in_dim3A_442) -> (vector<16xf32>, vector<16xf32>, vector<16xf32>, vector<16xf32>, vector<16xf32>, vector<16xf32>, vector<16xf32>, vector<16xf32>)  : i32 {
          %mul3A_1151 = arith.constant 16 : i32
          %mul3A_1152 = arith.muli %scan3A_1142, %mul3A_1151 : i32
          %add3A_1153 = arith.constant 6 : i32
          %add3A_1154 = arith.addi %mul3A_1152, %add3A_1153 : i32
          %get3A = arith.index_cast %and3A_25 : i32 to index
          %get3A_1155 = arith.index_cast %add3A_1154 : i32 to index
          %get3A_1156 = arith.constant 0 : index
          %get3A_1157 = tpu.vector_load %arg6[%get3A, %get3A_1155, %get3A_1156] {strides = array<i32>} : memref<2x416x64xf32, #tpu.memory_space<vmem>>, vector<1x1x16xf32>,
          %get3A_1158 = vector.shape_cast %get3A_1157 : vector<1x1x16xf32> to vector<16xf32>
          %get3A_1159 = arith.index_cast %and3A_25 : i32 to index
          %get3A_1160 = arith.index_cast %add3A_1154 : i32 to index
          %get3A_1161 = arith.constant 16 : index
          %get3A_1162 = tpu.vector_load %arg6[%get3A_1159, %get3A_1160, %get3A_1161] {strides = array<i32>} : memref<2x416x64xf32, #tpu.memory_space<vmem>>, vector<1x1x16xf32>,
          %get3A_1163 = vector.shape_cast %get3A_1162 : vector<1x1x16xf32> to vector<16xf32>
          %get3A_1164 = arith.index_cast %and3A_25 : i32 to index
          %get3A_1165 = arith.index_cast %add3A_1154 : i32 to index
          %get3A_1166 = arith.constant 32 : index
          %get3A_1167 = tpu.vector_load %arg6[%get3A_1164, %get3A_1165, %get3A_1166] {strides = array<i32>} : memref<2x416x64xf32, #tpu.memory_space<vmem>>, vector<1x1x16xf32>,
          %get3A_1168 = vector.shape_cast %get3A_1167 : vector<1x1x16xf32> to vector<16xf32>
          %get3A_1169 = arith.index_cast %and3A_25 : i32 to index
          %get3A_1170 = arith.index_cast %add3A_1154 : i32 to index
          %get3A_1171 = arith.constant 48 : index
          %get3A_1172 = tpu.vector_load %arg6[%get3A_1169, %get3A_1170, %get3A_1171] {strides = array<i32>} : memref<2x416x64xf32, #tpu.memory_space<vmem>>, vector<1x1x16xf32>,
          %get3A_1173 = vector.shape_cast %get3A_1172 : vector<1x1x16xf32> to vector<16xf32>
          %add3A_1174 = arith.addf %scan3A_1143, %get3A_1158 : vector<16xf32>
          %add3A_1175 = arith.addf %scan3A_1144, %get3A_1163 : vector<16xf32>
          %add3A_1176 = arith.addf %scan3A_1145, %get3A_1168 : vector<16xf32>
          %add3A_1177 = arith.addf %scan3A_1146, %get3A_1173 : vector<16xf32>
          %mul3A_1178 = arith.mulf %get3A_1158, %get3A_1158 : vector<16xf32>
          %add3A_1179 = arith.addf %scan3A_1147, %mul3A_1178 : vector<16xf32>
          %mul3A_1180 = arith.mulf %get3A_1163, %get3A_1163 : vector<16xf32>
          %add3A_1181 = arith.addf %scan3A_1148, %mul3A_1180 : vector<16xf32>
          %mul3A_1182 = arith.mulf %get3A_1168, %get3A_1168 : vector<16xf32>
          %add3A_1183 = arith.addf %scan3A_1149, %mul3A_1182 : vector<16xf32>
          %mul3A_1184 = arith.mulf %get3A_1173, %get3A_1173 : vector<16xf32>
          %add3A_1185 = arith.addf %scan3A_1150, %mul3A_1184 : vector<16xf32>
          %scan3A_1186 = arith.constant 1 : i32
          %scan3A_1187 = arith.addi %scan3A_1142, %scan3A_1186 : i32
          %mul3A_1188 = arith.constant 16 : i32
          %mul3A_1189 = arith.muli %scan3A_1187, %mul3A_1188 : i32
          %add3A_1190 = arith.constant 6 : i32
          %add3A_1191 = arith.addi %mul3A_1189, %add3A_1190 : i32
          %get3A_1192 = arith.index_cast %and3A_25 : i32 to index
          %get3A_1193 = arith.index_cast %add3A_1191 : i32 to index
          %get3A_1194 = arith.constant 0 : index
          %get3A_1195 = tpu.vector_load %arg6[%get3A_1192, %get3A_1193, %get3A_1194] {strides = array<i32>} : memref<2x416x64xf32, #tpu.memory_space<vmem>>, vector<1x1x16xf32>,
          %get3A_1196 = vector.shape_cast %get3A_1195 : vector<1x1x16xf32> to vector<16xf32>
          %get3A_1197 = arith.index_cast %and3A_25 : i32 to index
          %get3A_1198 = arith.index_cast %add3A_1191 : i32 to index
          %get3A_1199 = arith.constant 16 : index
          %get3A_1200 = tpu.vector_load %arg6[%get3A_1197, %get3A_1198, %get3A_1199] {strides = array<i32>} : memref<2x416x64xf32, #tpu.memory_space<vmem>>, vector<1x1x16xf32>,
          %get3A_1201 = vector.shape_cast %get3A_1200 : vector<1x1x16xf32> to vector<16xf32>
          %get3A_1202 = arith.index_cast %and3A_25 : i32 to index
          %get3A_1203 = arith.index_cast %add3A_1191 : i32 to index
          %get3A_1204 = arith.constant 32 : index
          %get3A_1205 = tpu.vector_load %arg6[%get3A_1202, %get3A_1203, %get3A_1204] {strides = array<i32>} : memref<2x416x64xf32, #tpu.memory_space<vmem>>, vector<1x1x16xf32>,
          %get3A_1206 = vector.shape_cast %get3A_1205 : vector<1x1x16xf32> to vector<16xf32>
          %get3A_1207 = arith.index_cast %and3A_25 : i32 to index
          %get3A_1208 = arith.index_cast %add3A_1191 : i32 to index
          %get3A_1209 = arith.constant 48 : index
          %get3A_1210 = tpu.vector_load %arg6[%get3A_1207, %get3A_1208, %get3A_1209] {strides = array<i32>} : memref<2x416x64xf32, #tpu.memory_space<vmem>>, vector<1x1x16xf32>,
          %get3A_1211 = vector.shape_cast %get3A_1210 : vector<1x1x16xf32> to vector<16xf32>
          %add3A_1212 = arith.addf %add3A_1174, %get3A_1196 : vector<16xf32>
          %add3A_1213 = arith.addf %add3A_1175, %get3A_1201 : vector<16xf32>
          %add3A_1214 = arith.addf %add3A_1176, %get3A_1206 : vector<16xf32>
          %add3A_1215 = arith.addf %add3A_1177, %get3A_1211 : vector<16xf32>
          %mul3A_1216 = arith.mulf %get3A_1196, %get3A_1196 : vector<16xf32>
          %add3A_1217 = arith.addf %add3A_1179, %mul3A_1216 : vector<16xf32>
          %mul3A_1218 = arith.mulf %get3A_1201, %get3A_1201 : vector<16xf32>
          %add3A_1219 = arith.addf %add3A_1181, %mul3A_1218 : vector<16xf32>
          %mul3A_1220 = arith.mulf %get3A_1206, %get3A_1206 : vector<16xf32>
          %add3A_1221 = arith.addf %add3A_1183, %mul3A_1220 : vector<16xf32>
          %mul3A_1222 = arith.mulf %get3A_1211, %get3A_1211 : vector<16xf32>
          %add3A_1223 = arith.addf %add3A_1185, %mul3A_1222 : vector<16xf32>
          scf.yield %add3A_1212, %add3A_1213, %add3A_1214, %add3A_1215, %add3A_1217, %add3A_1219, %add3A_1221, %add3A_1223 : vector<16xf32>, vector<16xf32>, vector<16xf32>, vector<16xf32>, vector<16xf32>, vector<16xf32>, vector<16xf32>, vector<16xf32>
        }
        %scan3A_448 = arith.constant 26 : i32
        %jit3A_449 = arith.constant 4 : i32
        %eq3A_450 = arith.constant 0 : i32
        %eq3A_451 = arith.cmpi eq, %jit3A_449, %eq3A_450 : i32
        %jit3A_452 = arith.constant 1 : i32
        %select_n3A_453 = arith.select %eq3A_451, %jit3A_452, %jit3A_449 : i32
        %rem3A_454 = arith.remsi %scan3A_24, %select_n3A_453 : i32
        %ne3A_455 = arith.constant 0 : i32
        %ne3A_456 = arith.cmpi ne, %rem3A_454, %ne3A_455 : i32
        %lt3A_457 = arith.constant 0 : i32
        %lt3A_458 = arith.cmpi slt, %rem3A_454, %lt3A_457 : i32
        %lt3A_459 = arith.constant 0 : i32
        %lt3A_460 = arith.cmpi slt, %select_n3A_453, %lt3A_459 : i32
        %ne3A_461 = arith.xori %lt3A_458, %lt3A_460 : i1
        %and3A_462 = arith.andi %ne3A_461, %ne3A_456 : i1
        %add3A_463 = arith.addi %rem3A_454, %select_n3A_453 : i32
        %select_n3A_464 = arith.select %and3A_462, %add3A_463, %rem3A_454 : i32
        %mul3A_465 = arith.constant 16 : i32
        %mul3A_466 = arith.muli %select_n3A_464, %mul3A_465 : i32
        %add3A_467 = arith.constant 6 : i32
        %add3A_468 = arith.addi %mul3A_466, %add3A_467 : i32
        %mul3A_469 = arith.mulf %scan3A_447#0, %scan3A_447#0 : vector<16xf32>
        %sub3A_470 = arith.subf %mul3A_469, %scan3A_447#4 : vector<16xf32>
        %mul3A_471 = arith.constant 5.000000e-01 : f32
        %mul3A_472 = vector.broadcast %mul3A_471 : f32 to vector<16xf32>
        %mul3A_473 = arith.mulf %mul3A_472, %sub3A_470 : vector<16xf32>
        %swap3A_474 = arith.index_cast %add3A_468 : i32 to index
        %swap3A_475 = arith.constant 0 : index
        %swap3A_476 = tpu.vector_load %arg7[%swap3A_474, %swap3A_475] {strides = array<i32>} : memref<64x64xf32, #tpu.memory_space<vmem>>, vector<1x16xf32>,
        %swap3A_477 = vector.shape_cast %swap3A_476 : vector<1x16xf32> to vector<16xf32>
        %swap3A_478 = vector.shape_cast %mul3A_473 : vector<16xf32> to vector<1x16xf32>
        tpu.vector_store %arg7[%swap3A_474, %swap3A_475], %swap3A_478 {strides = array<i32>} : memref<64x64xf32, #tpu.memory_space<vmem>>, vector<1x16xf32>,
        %mul3A_479 = arith.mulf %scan3A_447#1, %scan3A_447#1 : vector<16xf32>
        %sub3A_480 = arith.subf %mul3A_479, %scan3A_447#5 : vector<16xf32>
        %mul3A_481 = arith.constant 5.000000e-01 : f32
        %mul3A_482 = vector.broadcast %mul3A_481 : f32 to vector<16xf32>
        %mul3A_483 = arith.mulf %mul3A_482, %sub3A_480 : vector<16xf32>
        %swap3A_484 = arith.index_cast %add3A_468 : i32 to index
        %swap3A_485 = arith.constant 16 : index
        %swap3A_486 = tpu.vector_load %arg7[%swap3A_484, %swap3A_485] {strides = array<i32>} : memref<64x64xf32, #tpu.memory_space<vmem>>, vector<1x16xf32>,
        %swap3A_487 = vector.shape_cast %swap3A_486 : vector<1x16xf32> to vector<16xf32>
        %swap3A_488 = vector.shape_cast %mul3A_483 : vector<16xf32> to vector<1x16xf32>
        tpu.vector_store %arg7[%swap3A_484, %swap3A_485], %swap3A_488 {strides = array<i32>} : memref<64x64xf32, #tpu.memory_space<vmem>>, vector<1x16xf32>,
        %mul3A_489 = arith.mulf %scan3A_447#2, %scan3A_447#2 : vector<16xf32>
        %sub3A_490 = arith.subf %mul3A_489, %scan3A_447#6 : vector<16xf32>
        %mul3A_491 = arith.constant 5.000000e-01 : f32
        %mul3A_492 = vector.broadcast %mul3A_491 : f32 to vector<16xf32>
        %mul3A_493 = arith.mulf %mul3A_492, %sub3A_490 : vector<16xf32>
        %swap3A_494 = arith.index_cast %add3A_468 : i32 to index
        %swap3A_495 = arith.constant 32 : index
        %swap3A_496 = tpu.vector_load %arg7[%swap3A_494, %swap3A_495] {strides = array<i32>} : memref<64x64xf32, #tpu.memory_space<vmem>>, vector<1x16xf32>,
        %swap3A_497 = vector.shape_cast %swap3A_496 : vector<1x16xf32> to vector<16xf32>
        %swap3A_498 = vector.shape_cast %mul3A_493 : vector<16xf32> to vector<1x16xf32>
        tpu.vector_store %arg7[%swap3A_494, %swap3A_495], %swap3A_498 {strides = array<i32>} : memref<64x64xf32, #tpu.memory_space<vmem>>, vector<1x16xf32>,
        %mul3A_499 = arith.mulf %scan3A_447#3, %scan3A_447#3 : vector<16xf32>
        %sub3A_500 = arith.subf %mul3A_499, %scan3A_447#7 : vector<16xf32>
        %mul3A_501 = arith.constant 5.000000e-01 : f32
        %mul3A_502 = vector.broadcast %mul3A_501 : f32 to vector<16xf32>
        %mul3A_503 = arith.mulf %mul3A_502, %sub3A_500 : vector<16xf32>
        %swap3A_504 = arith.index_cast %add3A_468 : i32 to index
        %swap3A_505 = arith.constant 48 : index
        %swap3A_506 = tpu.vector_load %arg7[%swap3A_504, %swap3A_505] {strides = array<i32>} : memref<64x64xf32, #tpu.memory_space<vmem>>, vector<1x16xf32>,
        %swap3A_507 = vector.shape_cast %swap3A_506 : vector<1x16xf32> to vector<16xf32>
        %swap3A_508 = vector.shape_cast %mul3A_503 : vector<16xf32> to vector<1x16xf32>
        tpu.vector_store %arg7[%swap3A_504, %swap3A_505], %swap3A_508 {strides = array<i32>} : memref<64x64xf32, #tpu.memory_space<vmem>>, vector<1x16xf32>,
        %broadcast_in_dim3A_509 = arith.constant 0.000000e+00 : f32
        %broadcast_in_dim3A_510 = vector.broadcast %broadcast_in_dim3A_509 : f32 to vector<16xf32>
        %scan3A_511 = arith.constant 0 : i32
        %scan3A_512 = arith.constant 26 : i32
        %scan3A_513 = arith.addi %scan3A_511, %scan3A_512 : i32
        %scan3A_514 = arith.constant 2 : i32
        %scan3A_515:8 = scf.for %scan3A_1142 = %scan3A_511 to %scan3A_513 step %scan3A_514 iter_args(%scan3A_1143 = %broadcast_in_dim3A_510, %scan3A_1144 = %broadcast_in_dim3A_510, %scan3A_1145 = %broadcast_in_dim3A_510, %scan3A_1146 = %broadcast_in_dim3A_510, %scan3A_1147 = %broadcast_in_dim3A_510, %scan3A_1148 = %broadcast_in_dim3A_510, %scan3A_1149 = %broadcast_in_dim3A_510, %scan3A_1150 = %broadcast_in_dim3A_510) -> (vector<16xf32>, vector<16xf32>, vector<16xf32>, vector<16xf32>, vector<16xf32>, vector<16xf32>, vector<16xf32>, vector<16xf32>)  : i32 {
          %mul3A_1151 = arith.constant 16 : i32
          %mul3A_1152 = arith.muli %scan3A_1142, %mul3A_1151 : i32
          %add3A_1153 = arith.constant 7 : i32
          %add3A_1154 = arith.addi %mul3A_1152, %add3A_1153 : i32
          %get3A = arith.index_cast %and3A_25 : i32 to index
          %get3A_1155 = arith.index_cast %add3A_1154 : i32 to index
          %get3A_1156 = arith.constant 0 : index
          %get3A_1157 = tpu.vector_load %arg6[%get3A, %get3A_1155, %get3A_1156] {strides = array<i32>} : memref<2x416x64xf32, #tpu.memory_space<vmem>>, vector<1x1x16xf32>,
          %get3A_1158 = vector.shape_cast %get3A_1157 : vector<1x1x16xf32> to vector<16xf32>
          %get3A_1159 = arith.index_cast %and3A_25 : i32 to index
          %get3A_1160 = arith.index_cast %add3A_1154 : i32 to index
          %get3A_1161 = arith.constant 16 : index
          %get3A_1162 = tpu.vector_load %arg6[%get3A_1159, %get3A_1160, %get3A_1161] {strides = array<i32>} : memref<2x416x64xf32, #tpu.memory_space<vmem>>, vector<1x1x16xf32>,
          %get3A_1163 = vector.shape_cast %get3A_1162 : vector<1x1x16xf32> to vector<16xf32>
          %get3A_1164 = arith.index_cast %and3A_25 : i32 to index
          %get3A_1165 = arith.index_cast %add3A_1154 : i32 to index
          %get3A_1166 = arith.constant 32 : index
          %get3A_1167 = tpu.vector_load %arg6[%get3A_1164, %get3A_1165, %get3A_1166] {strides = array<i32>} : memref<2x416x64xf32, #tpu.memory_space<vmem>>, vector<1x1x16xf32>,
          %get3A_1168 = vector.shape_cast %get3A_1167 : vector<1x1x16xf32> to vector<16xf32>
          %get3A_1169 = arith.index_cast %and3A_25 : i32 to index
          %get3A_1170 = arith.index_cast %add3A_1154 : i32 to index
          %get3A_1171 = arith.constant 48 : index
          %get3A_1172 = tpu.vector_load %arg6[%get3A_1169, %get3A_1170, %get3A_1171] {strides = array<i32>} : memref<2x416x64xf32, #tpu.memory_space<vmem>>, vector<1x1x16xf32>,
          %get3A_1173 = vector.shape_cast %get3A_1172 : vector<1x1x16xf32> to vector<16xf32>
          %add3A_1174 = arith.addf %scan3A_1143, %get3A_1158 : vector<16xf32>
          %add3A_1175 = arith.addf %scan3A_1144, %get3A_1163 : vector<16xf32>
          %add3A_1176 = arith.addf %scan3A_1145, %get3A_1168 : vector<16xf32>
          %add3A_1177 = arith.addf %scan3A_1146, %get3A_1173 : vector<16xf32>
          %mul3A_1178 = arith.mulf %get3A_1158, %get3A_1158 : vector<16xf32>
          %add3A_1179 = arith.addf %scan3A_1147, %mul3A_1178 : vector<16xf32>
          %mul3A_1180 = arith.mulf %get3A_1163, %get3A_1163 : vector<16xf32>
          %add3A_1181 = arith.addf %scan3A_1148, %mul3A_1180 : vector<16xf32>
          %mul3A_1182 = arith.mulf %get3A_1168, %get3A_1168 : vector<16xf32>
          %add3A_1183 = arith.addf %scan3A_1149, %mul3A_1182 : vector<16xf32>
          %mul3A_1184 = arith.mulf %get3A_1173, %get3A_1173 : vector<16xf32>
          %add3A_1185 = arith.addf %scan3A_1150, %mul3A_1184 : vector<16xf32>
          %scan3A_1186 = arith.constant 1 : i32
          %scan3A_1187 = arith.addi %scan3A_1142, %scan3A_1186 : i32
          %mul3A_1188 = arith.constant 16 : i32
          %mul3A_1189 = arith.muli %scan3A_1187, %mul3A_1188 : i32
          %add3A_1190 = arith.constant 7 : i32
          %add3A_1191 = arith.addi %mul3A_1189, %add3A_1190 : i32
          %get3A_1192 = arith.index_cast %and3A_25 : i32 to index
          %get3A_1193 = arith.index_cast %add3A_1191 : i32 to index
          %get3A_1194 = arith.constant 0 : index
          %get3A_1195 = tpu.vector_load %arg6[%get3A_1192, %get3A_1193, %get3A_1194] {strides = array<i32>} : memref<2x416x64xf32, #tpu.memory_space<vmem>>, vector<1x1x16xf32>,
          %get3A_1196 = vector.shape_cast %get3A_1195 : vector<1x1x16xf32> to vector<16xf32>
          %get3A_1197 = arith.index_cast %and3A_25 : i32 to index
          %get3A_1198 = arith.index_cast %add3A_1191 : i32 to index
          %get3A_1199 = arith.constant 16 : index
          %get3A_1200 = tpu.vector_load %arg6[%get3A_1197, %get3A_1198, %get3A_1199] {strides = array<i32>} : memref<2x416x64xf32, #tpu.memory_space<vmem>>, vector<1x1x16xf32>,
          %get3A_1201 = vector.shape_cast %get3A_1200 : vector<1x1x16xf32> to vector<16xf32>
          %get3A_1202 = arith.index_cast %and3A_25 : i32 to index
          %get3A_1203 = arith.index_cast %add3A_1191 : i32 to index
          %get3A_1204 = arith.constant 32 : index
          %get3A_1205 = tpu.vector_load %arg6[%get3A_1202, %get3A_1203, %get3A_1204] {strides = array<i32>} : memref<2x416x64xf32, #tpu.memory_space<vmem>>, vector<1x1x16xf32>,
          %get3A_1206 = vector.shape_cast %get3A_1205 : vector<1x1x16xf32> to vector<16xf32>
          %get3A_1207 = arith.index_cast %and3A_25 : i32 to index
          %get3A_1208 = arith.index_cast %add3A_1191 : i32 to index
          %get3A_1209 = arith.constant 48 : index
          %get3A_1210 = tpu.vector_load %arg6[%get3A_1207, %get3A_1208, %get3A_1209] {strides = array<i32>} : memref<2x416x64xf32, #tpu.memory_space<vmem>>, vector<1x1x16xf32>,
          %get3A_1211 = vector.shape_cast %get3A_1210 : vector<1x1x16xf32> to vector<16xf32>
          %add3A_1212 = arith.addf %add3A_1174, %get3A_1196 : vector<16xf32>
          %add3A_1213 = arith.addf %add3A_1175, %get3A_1201 : vector<16xf32>
          %add3A_1214 = arith.addf %add3A_1176, %get3A_1206 : vector<16xf32>
          %add3A_1215 = arith.addf %add3A_1177, %get3A_1211 : vector<16xf32>
          %mul3A_1216 = arith.mulf %get3A_1196, %get3A_1196 : vector<16xf32>
          %add3A_1217 = arith.addf %add3A_1179, %mul3A_1216 : vector<16xf32>
          %mul3A_1218 = arith.mulf %get3A_1201, %get3A_1201 : vector<16xf32>
          %add3A_1219 = arith.addf %add3A_1181, %mul3A_1218 : vector<16xf32>
          %mul3A_1220 = arith.mulf %get3A_1206, %get3A_1206 : vector<16xf32>
          %add3A_1221 = arith.addf %add3A_1183, %mul3A_1220 : vector<16xf32>
          %mul3A_1222 = arith.mulf %get3A_1211, %get3A_1211 : vector<16xf32>
          %add3A_1223 = arith.addf %add3A_1185, %mul3A_1222 : vector<16xf32>
          scf.yield %add3A_1212, %add3A_1213, %add3A_1214, %add3A_1215, %add3A_1217, %add3A_1219, %add3A_1221, %add3A_1223 : vector<16xf32>, vector<16xf32>, vector<16xf32>, vector<16xf32>, vector<16xf32>, vector<16xf32>, vector<16xf32>, vector<16xf32>
        }
        %scan3A_516 = arith.constant 26 : i32
        %jit3A_517 = arith.constant 4 : i32
        %eq3A_518 = arith.constant 0 : i32
        %eq3A_519 = arith.cmpi eq, %jit3A_517, %eq3A_518 : i32
        %jit3A_520 = arith.constant 1 : i32
        %select_n3A_521 = arith.select %eq3A_519, %jit3A_520, %jit3A_517 : i32
        %rem3A_522 = arith.remsi %scan3A_24, %select_n3A_521 : i32
        %ne3A_523 = arith.constant 0 : i32
        %ne3A_524 = arith.cmpi ne, %rem3A_522, %ne3A_523 : i32
        %lt3A_525 = arith.constant 0 : i32
        %lt3A_526 = arith.cmpi slt, %rem3A_522, %lt3A_525 : i32
        %lt3A_527 = arith.constant 0 : i32
        %lt3A_528 = arith.cmpi slt, %select_n3A_521, %lt3A_527 : i32
        %ne3A_529 = arith.xori %lt3A_526, %lt3A_528 : i1
        %and3A_530 = arith.andi %ne3A_529, %ne3A_524 : i1
        %add3A_531 = arith.addi %rem3A_522, %select_n3A_521 : i32
        %select_n3A_532 = arith.select %and3A_530, %add3A_531, %rem3A_522 : i32
        %mul3A_533 = arith.constant 16 : i32
        %mul3A_534 = arith.muli %select_n3A_532, %mul3A_533 : i32
        %add3A_535 = arith.constant 7 : i32
        %add3A_536 = arith.addi %mul3A_534, %add3A_535 : i32
        %mul3A_537 = arith.mulf %scan3A_515#0, %scan3A_515#0 : vector<16xf32>
        %sub3A_538 = arith.subf %mul3A_537, %scan3A_515#4 : vector<16xf32>
        %mul3A_539 = arith.constant 5.000000e-01 : f32
        %mul3A_540 = vector.broadcast %mul3A_539 : f32 to vector<16xf32>
        %mul3A_541 = arith.mulf %mul3A_540, %sub3A_538 : vector<16xf32>
        %swap3A_542 = arith.index_cast %add3A_536 : i32 to index
        %swap3A_543 = arith.constant 0 : index
        %swap3A_544 = tpu.vector_load %arg7[%swap3A_542, %swap3A_543] {strides = array<i32>} : memref<64x64xf32, #tpu.memory_space<vmem>>, vector<1x16xf32>,
        %swap3A_545 = vector.shape_cast %swap3A_544 : vector<1x16xf32> to vector<16xf32>
        %swap3A_546 = vector.shape_cast %mul3A_541 : vector<16xf32> to vector<1x16xf32>
        tpu.vector_store %arg7[%swap3A_542, %swap3A_543], %swap3A_546 {strides = array<i32>} : memref<64x64xf32, #tpu.memory_space<vmem>>, vector<1x16xf32>,
        %mul3A_547 = arith.mulf %scan3A_515#1, %scan3A_515#1 : vector<16xf32>
        %sub3A_548 = arith.subf %mul3A_547, %scan3A_515#5 : vector<16xf32>
        %mul3A_549 = arith.constant 5.000000e-01 : f32
        %mul3A_550 = vector.broadcast %mul3A_549 : f32 to vector<16xf32>
        %mul3A_551 = arith.mulf %mul3A_550, %sub3A_548 : vector<16xf32>
        %swap3A_552 = arith.index_cast %add3A_536 : i32 to index
        %swap3A_553 = arith.constant 16 : index
        %swap3A_554 = tpu.vector_load %arg7[%swap3A_552, %swap3A_553] {strides = array<i32>} : memref<64x64xf32, #tpu.memory_space<vmem>>, vector<1x16xf32>,
        %swap3A_555 = vector.shape_cast %swap3A_554 : vector<1x16xf32> to vector<16xf32>
        %swap3A_556 = vector.shape_cast %mul3A_551 : vector<16xf32> to vector<1x16xf32>
        tpu.vector_store %arg7[%swap3A_552, %swap3A_553], %swap3A_556 {strides = array<i32>} : memref<64x64xf32, #tpu.memory_space<vmem>>, vector<1x16xf32>,
        %mul3A_557 = arith.mulf %scan3A_515#2, %scan3A_515#2 : vector<16xf32>
        %sub3A_558 = arith.subf %mul3A_557, %scan3A_515#6 : vector<16xf32>
        %mul3A_559 = arith.constant 5.000000e-01 : f32
        %mul3A_560 = vector.broadcast %mul3A_559 : f32 to vector<16xf32>
        %mul3A_561 = arith.mulf %mul3A_560, %sub3A_558 : vector<16xf32>
        %swap3A_562 = arith.index_cast %add3A_536 : i32 to index
        %swap3A_563 = arith.constant 32 : index
        %swap3A_564 = tpu.vector_load %arg7[%swap3A_562, %swap3A_563] {strides = array<i32>} : memref<64x64xf32, #tpu.memory_space<vmem>>, vector<1x16xf32>,
        %swap3A_565 = vector.shape_cast %swap3A_564 : vector<1x16xf32> to vector<16xf32>
        %swap3A_566 = vector.shape_cast %mul3A_561 : vector<16xf32> to vector<1x16xf32>
        tpu.vector_store %arg7[%swap3A_562, %swap3A_563], %swap3A_566 {strides = array<i32>} : memref<64x64xf32, #tpu.memory_space<vmem>>, vector<1x16xf32>,
        %mul3A_567 = arith.mulf %scan3A_515#3, %scan3A_515#3 : vector<16xf32>
        %sub3A_568 = arith.subf %mul3A_567, %scan3A_515#7 : vector<16xf32>
        %mul3A_569 = arith.constant 5.000000e-01 : f32
        %mul3A_570 = vector.broadcast %mul3A_569 : f32 to vector<16xf32>
        %mul3A_571 = arith.mulf %mul3A_570, %sub3A_568 : vector<16xf32>
        %swap3A_572 = arith.index_cast %add3A_536 : i32 to index
        %swap3A_573 = arith.constant 48 : index
        %swap3A_574 = tpu.vector_load %arg7[%swap3A_572, %swap3A_573] {strides = array<i32>} : memref<64x64xf32, #tpu.memory_space<vmem>>, vector<1x16xf32>,
        %swap3A_575 = vector.shape_cast %swap3A_574 : vector<1x16xf32> to vector<16xf32>
        %swap3A_576 = vector.shape_cast %mul3A_571 : vector<16xf32> to vector<1x16xf32>
        tpu.vector_store %arg7[%swap3A_572, %swap3A_573], %swap3A_576 {strides = array<i32>} : memref<64x64xf32, #tpu.memory_space<vmem>>, vector<1x16xf32>,
        %broadcast_in_dim3A_577 = arith.constant 0.000000e+00 : f32
        %broadcast_in_dim3A_578 = vector.broadcast %broadcast_in_dim3A_577 : f32 to vector<16xf32>
        %scan3A_579 = arith.constant 0 : i32
        %scan3A_580 = arith.constant 26 : i32
        %scan3A_581 = arith.addi %scan3A_579, %scan3A_580 : i32
        %scan3A_582 = arith.constant 2 : i32
        %scan3A_583:8 = scf.for %scan3A_1142 = %scan3A_579 to %scan3A_581 step %scan3A_582 iter_args(%scan3A_1143 = %broadcast_in_dim3A_578, %scan3A_1144 = %broadcast_in_dim3A_578, %scan3A_1145 = %broadcast_in_dim3A_578, %scan3A_1146 = %broadcast_in_dim3A_578, %scan3A_1147 = %broadcast_in_dim3A_578, %scan3A_1148 = %broadcast_in_dim3A_578, %scan3A_1149 = %broadcast_in_dim3A_578, %scan3A_1150 = %broadcast_in_dim3A_578) -> (vector<16xf32>, vector<16xf32>, vector<16xf32>, vector<16xf32>, vector<16xf32>, vector<16xf32>, vector<16xf32>, vector<16xf32>)  : i32 {
          %mul3A_1151 = arith.constant 16 : i32
          %mul3A_1152 = arith.muli %scan3A_1142, %mul3A_1151 : i32
          %add3A_1153 = arith.constant 8 : i32
          %add3A_1154 = arith.addi %mul3A_1152, %add3A_1153 : i32
          %get3A = arith.index_cast %and3A_25 : i32 to index
          %get3A_1155 = arith.index_cast %add3A_1154 : i32 to index
          %get3A_1156 = arith.constant 0 : index
          %get3A_1157 = tpu.vector_load %arg6[%get3A, %get3A_1155, %get3A_1156] {strides = array<i32>} : memref<2x416x64xf32, #tpu.memory_space<vmem>>, vector<1x1x16xf32>,
          %get3A_1158 = vector.shape_cast %get3A_1157 : vector<1x1x16xf32> to vector<16xf32>
          %get3A_1159 = arith.index_cast %and3A_25 : i32 to index
          %get3A_1160 = arith.index_cast %add3A_1154 : i32 to index
          %get3A_1161 = arith.constant 16 : index
          %get3A_1162 = tpu.vector_load %arg6[%get3A_1159, %get3A_1160, %get3A_1161] {strides = array<i32>} : memref<2x416x64xf32, #tpu.memory_space<vmem>>, vector<1x1x16xf32>,
          %get3A_1163 = vector.shape_cast %get3A_1162 : vector<1x1x16xf32> to vector<16xf32>
          %get3A_1164 = arith.index_cast %and3A_25 : i32 to index
          %get3A_1165 = arith.index_cast %add3A_1154 : i32 to index
          %get3A_1166 = arith.constant 32 : index
          %get3A_1167 = tpu.vector_load %arg6[%get3A_1164, %get3A_1165, %get3A_1166] {strides = array<i32>} : memref<2x416x64xf32, #tpu.memory_space<vmem>>, vector<1x1x16xf32>,
          %get3A_1168 = vector.shape_cast %get3A_1167 : vector<1x1x16xf32> to vector<16xf32>
          %get3A_1169 = arith.index_cast %and3A_25 : i32 to index
          %get3A_1170 = arith.index_cast %add3A_1154 : i32 to index
          %get3A_1171 = arith.constant 48 : index
          %get3A_1172 = tpu.vector_load %arg6[%get3A_1169, %get3A_1170, %get3A_1171] {strides = array<i32>} : memref<2x416x64xf32, #tpu.memory_space<vmem>>, vector<1x1x16xf32>,
          %get3A_1173 = vector.shape_cast %get3A_1172 : vector<1x1x16xf32> to vector<16xf32>
          %add3A_1174 = arith.addf %scan3A_1143, %get3A_1158 : vector<16xf32>
          %add3A_1175 = arith.addf %scan3A_1144, %get3A_1163 : vector<16xf32>
          %add3A_1176 = arith.addf %scan3A_1145, %get3A_1168 : vector<16xf32>
          %add3A_1177 = arith.addf %scan3A_1146, %get3A_1173 : vector<16xf32>
          %mul3A_1178 = arith.mulf %get3A_1158, %get3A_1158 : vector<16xf32>
          %add3A_1179 = arith.addf %scan3A_1147, %mul3A_1178 : vector<16xf32>
          %mul3A_1180 = arith.mulf %get3A_1163, %get3A_1163 : vector<16xf32>
          %add3A_1181 = arith.addf %scan3A_1148, %mul3A_1180 : vector<16xf32>
          %mul3A_1182 = arith.mulf %get3A_1168, %get3A_1168 : vector<16xf32>
          %add3A_1183 = arith.addf %scan3A_1149, %mul3A_1182 : vector<16xf32>
          %mul3A_1184 = arith.mulf %get3A_1173, %get3A_1173 : vector<16xf32>
          %add3A_1185 = arith.addf %scan3A_1150, %mul3A_1184 : vector<16xf32>
          %scan3A_1186 = arith.constant 1 : i32
          %scan3A_1187 = arith.addi %scan3A_1142, %scan3A_1186 : i32
          %mul3A_1188 = arith.constant 16 : i32
          %mul3A_1189 = arith.muli %scan3A_1187, %mul3A_1188 : i32
          %add3A_1190 = arith.constant 8 : i32
          %add3A_1191 = arith.addi %mul3A_1189, %add3A_1190 : i32
          %get3A_1192 = arith.index_cast %and3A_25 : i32 to index
          %get3A_1193 = arith.index_cast %add3A_1191 : i32 to index
          %get3A_1194 = arith.constant 0 : index
          %get3A_1195 = tpu.vector_load %arg6[%get3A_1192, %get3A_1193, %get3A_1194] {strides = array<i32>} : memref<2x416x64xf32, #tpu.memory_space<vmem>>, vector<1x1x16xf32>,
          %get3A_1196 = vector.shape_cast %get3A_1195 : vector<1x1x16xf32> to vector<16xf32>
          %get3A_1197 = arith.index_cast %and3A_25 : i32 to index
          %get3A_1198 = arith.index_cast %add3A_1191 : i32 to index
          %get3A_1199 = arith.constant 16 : index
          %get3A_1200 = tpu.vector_load %arg6[%get3A_1197, %get3A_1198, %get3A_1199] {strides = array<i32>} : memref<2x416x64xf32, #tpu.memory_space<vmem>>, vector<1x1x16xf32>,
          %get3A_1201 = vector.shape_cast %get3A_1200 : vector<1x1x16xf32> to vector<16xf32>
          %get3A_1202 = arith.index_cast %and3A_25 : i32 to index
          %get3A_1203 = arith.index_cast %add3A_1191 : i32 to index
          %get3A_1204 = arith.constant 32 : index
          %get3A_1205 = tpu.vector_load %arg6[%get3A_1202, %get3A_1203, %get3A_1204] {strides = array<i32>} : memref<2x416x64xf32, #tpu.memory_space<vmem>>, vector<1x1x16xf32>,
          %get3A_1206 = vector.shape_cast %get3A_1205 : vector<1x1x16xf32> to vector<16xf32>
          %get3A_1207 = arith.index_cast %and3A_25 : i32 to index
          %get3A_1208 = arith.index_cast %add3A_1191 : i32 to index
          %get3A_1209 = arith.constant 48 : index
          %get3A_1210 = tpu.vector_load %arg6[%get3A_1207, %get3A_1208, %get3A_1209] {strides = array<i32>} : memref<2x416x64xf32, #tpu.memory_space<vmem>>, vector<1x1x16xf32>,
          %get3A_1211 = vector.shape_cast %get3A_1210 : vector<1x1x16xf32> to vector<16xf32>
          %add3A_1212 = arith.addf %add3A_1174, %get3A_1196 : vector<16xf32>
          %add3A_1213 = arith.addf %add3A_1175, %get3A_1201 : vector<16xf32>
          %add3A_1214 = arith.addf %add3A_1176, %get3A_1206 : vector<16xf32>
          %add3A_1215 = arith.addf %add3A_1177, %get3A_1211 : vector<16xf32>
          %mul3A_1216 = arith.mulf %get3A_1196, %get3A_1196 : vector<16xf32>
          %add3A_1217 = arith.addf %add3A_1179, %mul3A_1216 : vector<16xf32>
          %mul3A_1218 = arith.mulf %get3A_1201, %get3A_1201 : vector<16xf32>
          %add3A_1219 = arith.addf %add3A_1181, %mul3A_1218 : vector<16xf32>
          %mul3A_1220 = arith.mulf %get3A_1206, %get3A_1206 : vector<16xf32>
          %add3A_1221 = arith.addf %add3A_1183, %mul3A_1220 : vector<16xf32>
          %mul3A_1222 = arith.mulf %get3A_1211, %get3A_1211 : vector<16xf32>
          %add3A_1223 = arith.addf %add3A_1185, %mul3A_1222 : vector<16xf32>
          scf.yield %add3A_1212, %add3A_1213, %add3A_1214, %add3A_1215, %add3A_1217, %add3A_1219, %add3A_1221, %add3A_1223 : vector<16xf32>, vector<16xf32>, vector<16xf32>, vector<16xf32>, vector<16xf32>, vector<16xf32>, vector<16xf32>, vector<16xf32>
        }
        %scan3A_584 = arith.constant 26 : i32
        %jit3A_585 = arith.constant 4 : i32
        %eq3A_586 = arith.constant 0 : i32
        %eq3A_587 = arith.cmpi eq, %jit3A_585, %eq3A_586 : i32
        %jit3A_588 = arith.constant 1 : i32
        %select_n3A_589 = arith.select %eq3A_587, %jit3A_588, %jit3A_585 : i32
        %rem3A_590 = arith.remsi %scan3A_24, %select_n3A_589 : i32
        %ne3A_591 = arith.constant 0 : i32
        %ne3A_592 = arith.cmpi ne, %rem3A_590, %ne3A_591 : i32
        %lt3A_593 = arith.constant 0 : i32
        %lt3A_594 = arith.cmpi slt, %rem3A_590, %lt3A_593 : i32
        %lt3A_595 = arith.constant 0 : i32
        %lt3A_596 = arith.cmpi slt, %select_n3A_589, %lt3A_595 : i32
        %ne3A_597 = arith.xori %lt3A_594, %lt3A_596 : i1
        %and3A_598 = arith.andi %ne3A_597, %ne3A_592 : i1
        %add3A_599 = arith.addi %rem3A_590, %select_n3A_589 : i32
        %select_n3A_600 = arith.select %and3A_598, %add3A_599, %rem3A_590 : i32
        %mul3A_601 = arith.constant 16 : i32
        %mul3A_602 = arith.muli %select_n3A_600, %mul3A_601 : i32
        %add3A_603 = arith.constant 8 : i32
        %add3A_604 = arith.addi %mul3A_602, %add3A_603 : i32
        %mul3A_605 = arith.mulf %scan3A_583#0, %scan3A_583#0 : vector<16xf32>
        %sub3A_606 = arith.subf %mul3A_605, %scan3A_583#4 : vector<16xf32>
        %mul3A_607 = arith.constant 5.000000e-01 : f32
        %mul3A_608 = vector.broadcast %mul3A_607 : f32 to vector<16xf32>
        %mul3A_609 = arith.mulf %mul3A_608, %sub3A_606 : vector<16xf32>
        %swap3A_610 = arith.index_cast %add3A_604 : i32 to index
        %swap3A_611 = arith.constant 0 : index
        %swap3A_612 = tpu.vector_load %arg7[%swap3A_610, %swap3A_611] {strides = array<i32>} : memref<64x64xf32, #tpu.memory_space<vmem>>, vector<1x16xf32>,
        %swap3A_613 = vector.shape_cast %swap3A_612 : vector<1x16xf32> to vector<16xf32>
        %swap3A_614 = vector.shape_cast %mul3A_609 : vector<16xf32> to vector<1x16xf32>
        tpu.vector_store %arg7[%swap3A_610, %swap3A_611], %swap3A_614 {strides = array<i32>} : memref<64x64xf32, #tpu.memory_space<vmem>>, vector<1x16xf32>,
        %mul3A_615 = arith.mulf %scan3A_583#1, %scan3A_583#1 : vector<16xf32>
        %sub3A_616 = arith.subf %mul3A_615, %scan3A_583#5 : vector<16xf32>
        %mul3A_617 = arith.constant 5.000000e-01 : f32
        %mul3A_618 = vector.broadcast %mul3A_617 : f32 to vector<16xf32>
        %mul3A_619 = arith.mulf %mul3A_618, %sub3A_616 : vector<16xf32>
        %swap3A_620 = arith.index_cast %add3A_604 : i32 to index
        %swap3A_621 = arith.constant 16 : index
        %swap3A_622 = tpu.vector_load %arg7[%swap3A_620, %swap3A_621] {strides = array<i32>} : memref<64x64xf32, #tpu.memory_space<vmem>>, vector<1x16xf32>,
        %swap3A_623 = vector.shape_cast %swap3A_622 : vector<1x16xf32> to vector<16xf32>
        %swap3A_624 = vector.shape_cast %mul3A_619 : vector<16xf32> to vector<1x16xf32>
        tpu.vector_store %arg7[%swap3A_620, %swap3A_621], %swap3A_624 {strides = array<i32>} : memref<64x64xf32, #tpu.memory_space<vmem>>, vector<1x16xf32>,
        %mul3A_625 = arith.mulf %scan3A_583#2, %scan3A_583#2 : vector<16xf32>
        %sub3A_626 = arith.subf %mul3A_625, %scan3A_583#6 : vector<16xf32>
        %mul3A_627 = arith.constant 5.000000e-01 : f32
        %mul3A_628 = vector.broadcast %mul3A_627 : f32 to vector<16xf32>
        %mul3A_629 = arith.mulf %mul3A_628, %sub3A_626 : vector<16xf32>
        %swap3A_630 = arith.index_cast %add3A_604 : i32 to index
        %swap3A_631 = arith.constant 32 : index
        %swap3A_632 = tpu.vector_load %arg7[%swap3A_630, %swap3A_631] {strides = array<i32>} : memref<64x64xf32, #tpu.memory_space<vmem>>, vector<1x16xf32>,
        %swap3A_633 = vector.shape_cast %swap3A_632 : vector<1x16xf32> to vector<16xf32>
        %swap3A_634 = vector.shape_cast %mul3A_629 : vector<16xf32> to vector<1x16xf32>
        tpu.vector_store %arg7[%swap3A_630, %swap3A_631], %swap3A_634 {strides = array<i32>} : memref<64x64xf32, #tpu.memory_space<vmem>>, vector<1x16xf32>,
        %mul3A_635 = arith.mulf %scan3A_583#3, %scan3A_583#3 : vector<16xf32>
        %sub3A_636 = arith.subf %mul3A_635, %scan3A_583#7 : vector<16xf32>
        %mul3A_637 = arith.constant 5.000000e-01 : f32
        %mul3A_638 = vector.broadcast %mul3A_637 : f32 to vector<16xf32>
        %mul3A_639 = arith.mulf %mul3A_638, %sub3A_636 : vector<16xf32>
        %swap3A_640 = arith.index_cast %add3A_604 : i32 to index
        %swap3A_641 = arith.constant 48 : index
        %swap3A_642 = tpu.vector_load %arg7[%swap3A_640, %swap3A_641] {strides = array<i32>} : memref<64x64xf32, #tpu.memory_space<vmem>>, vector<1x16xf32>,
        %swap3A_643 = vector.shape_cast %swap3A_642 : vector<1x16xf32> to vector<16xf32>
        %swap3A_644 = vector.shape_cast %mul3A_639 : vector<16xf32> to vector<1x16xf32>
        tpu.vector_store %arg7[%swap3A_640, %swap3A_641], %swap3A_644 {strides = array<i32>} : memref<64x64xf32, #tpu.memory_space<vmem>>, vector<1x16xf32>,
        %broadcast_in_dim3A_645 = arith.constant 0.000000e+00 : f32
        %broadcast_in_dim3A_646 = vector.broadcast %broadcast_in_dim3A_645 : f32 to vector<16xf32>
        %scan3A_647 = arith.constant 0 : i32
        %scan3A_648 = arith.constant 26 : i32
        %scan3A_649 = arith.addi %scan3A_647, %scan3A_648 : i32
        %scan3A_650 = arith.constant 2 : i32
        %scan3A_651:8 = scf.for %scan3A_1142 = %scan3A_647 to %scan3A_649 step %scan3A_650 iter_args(%scan3A_1143 = %broadcast_in_dim3A_646, %scan3A_1144 = %broadcast_in_dim3A_646, %scan3A_1145 = %broadcast_in_dim3A_646, %scan3A_1146 = %broadcast_in_dim3A_646, %scan3A_1147 = %broadcast_in_dim3A_646, %scan3A_1148 = %broadcast_in_dim3A_646, %scan3A_1149 = %broadcast_in_dim3A_646, %scan3A_1150 = %broadcast_in_dim3A_646) -> (vector<16xf32>, vector<16xf32>, vector<16xf32>, vector<16xf32>, vector<16xf32>, vector<16xf32>, vector<16xf32>, vector<16xf32>)  : i32 {
          %mul3A_1151 = arith.constant 16 : i32
          %mul3A_1152 = arith.muli %scan3A_1142, %mul3A_1151 : i32
          %add3A_1153 = arith.constant 9 : i32
          %add3A_1154 = arith.addi %mul3A_1152, %add3A_1153 : i32
          %get3A = arith.index_cast %and3A_25 : i32 to index
          %get3A_1155 = arith.index_cast %add3A_1154 : i32 to index
          %get3A_1156 = arith.constant 0 : index
          %get3A_1157 = tpu.vector_load %arg6[%get3A, %get3A_1155, %get3A_1156] {strides = array<i32>} : memref<2x416x64xf32, #tpu.memory_space<vmem>>, vector<1x1x16xf32>,
          %get3A_1158 = vector.shape_cast %get3A_1157 : vector<1x1x16xf32> to vector<16xf32>
          %get3A_1159 = arith.index_cast %and3A_25 : i32 to index
          %get3A_1160 = arith.index_cast %add3A_1154 : i32 to index
          %get3A_1161 = arith.constant 16 : index
          %get3A_1162 = tpu.vector_load %arg6[%get3A_1159, %get3A_1160, %get3A_1161] {strides = array<i32>} : memref<2x416x64xf32, #tpu.memory_space<vmem>>, vector<1x1x16xf32>,
          %get3A_1163 = vector.shape_cast %get3A_1162 : vector<1x1x16xf32> to vector<16xf32>
          %get3A_1164 = arith.index_cast %and3A_25 : i32 to index
          %get3A_1165 = arith.index_cast %add3A_1154 : i32 to index
          %get3A_1166 = arith.constant 32 : index
          %get3A_1167 = tpu.vector_load %arg6[%get3A_1164, %get3A_1165, %get3A_1166] {strides = array<i32>} : memref<2x416x64xf32, #tpu.memory_space<vmem>>, vector<1x1x16xf32>,
          %get3A_1168 = vector.shape_cast %get3A_1167 : vector<1x1x16xf32> to vector<16xf32>
          %get3A_1169 = arith.index_cast %and3A_25 : i32 to index
          %get3A_1170 = arith.index_cast %add3A_1154 : i32 to index
          %get3A_1171 = arith.constant 48 : index
          %get3A_1172 = tpu.vector_load %arg6[%get3A_1169, %get3A_1170, %get3A_1171] {strides = array<i32>} : memref<2x416x64xf32, #tpu.memory_space<vmem>>, vector<1x1x16xf32>,
          %get3A_1173 = vector.shape_cast %get3A_1172 : vector<1x1x16xf32> to vector<16xf32>
          %add3A_1174 = arith.addf %scan3A_1143, %get3A_1158 : vector<16xf32>
          %add3A_1175 = arith.addf %scan3A_1144, %get3A_1163 : vector<16xf32>
          %add3A_1176 = arith.addf %scan3A_1145, %get3A_1168 : vector<16xf32>
          %add3A_1177 = arith.addf %scan3A_1146, %get3A_1173 : vector<16xf32>
          %mul3A_1178 = arith.mulf %get3A_1158, %get3A_1158 : vector<16xf32>
          %add3A_1179 = arith.addf %scan3A_1147, %mul3A_1178 : vector<16xf32>
          %mul3A_1180 = arith.mulf %get3A_1163, %get3A_1163 : vector<16xf32>
          %add3A_1181 = arith.addf %scan3A_1148, %mul3A_1180 : vector<16xf32>
          %mul3A_1182 = arith.mulf %get3A_1168, %get3A_1168 : vector<16xf32>
          %add3A_1183 = arith.addf %scan3A_1149, %mul3A_1182 : vector<16xf32>
          %mul3A_1184 = arith.mulf %get3A_1173, %get3A_1173 : vector<16xf32>
          %add3A_1185 = arith.addf %scan3A_1150, %mul3A_1184 : vector<16xf32>
          %scan3A_1186 = arith.constant 1 : i32
          %scan3A_1187 = arith.addi %scan3A_1142, %scan3A_1186 : i32
          %mul3A_1188 = arith.constant 16 : i32
          %mul3A_1189 = arith.muli %scan3A_1187, %mul3A_1188 : i32
          %add3A_1190 = arith.constant 9 : i32
          %add3A_1191 = arith.addi %mul3A_1189, %add3A_1190 : i32
          %get3A_1192 = arith.index_cast %and3A_25 : i32 to index
          %get3A_1193 = arith.index_cast %add3A_1191 : i32 to index
          %get3A_1194 = arith.constant 0 : index
          %get3A_1195 = tpu.vector_load %arg6[%get3A_1192, %get3A_1193, %get3A_1194] {strides = array<i32>} : memref<2x416x64xf32, #tpu.memory_space<vmem>>, vector<1x1x16xf32>,
          %get3A_1196 = vector.shape_cast %get3A_1195 : vector<1x1x16xf32> to vector<16xf32>
          %get3A_1197 = arith.index_cast %and3A_25 : i32 to index
          %get3A_1198 = arith.index_cast %add3A_1191 : i32 to index
          %get3A_1199 = arith.constant 16 : index
          %get3A_1200 = tpu.vector_load %arg6[%get3A_1197, %get3A_1198, %get3A_1199] {strides = array<i32>} : memref<2x416x64xf32, #tpu.memory_space<vmem>>, vector<1x1x16xf32>,
          %get3A_1201 = vector.shape_cast %get3A_1200 : vector<1x1x16xf32> to vector<16xf32>
          %get3A_1202 = arith.index_cast %and3A_25 : i32 to index
          %get3A_1203 = arith.index_cast %add3A_1191 : i32 to index
          %get3A_1204 = arith.constant 32 : index
          %get3A_1205 = tpu.vector_load %arg6[%get3A_1202, %get3A_1203, %get3A_1204] {strides = array<i32>} : memref<2x416x64xf32, #tpu.memory_space<vmem>>, vector<1x1x16xf32>,
          %get3A_1206 = vector.shape_cast %get3A_1205 : vector<1x1x16xf32> to vector<16xf32>
          %get3A_1207 = arith.index_cast %and3A_25 : i32 to index
          %get3A_1208 = arith.index_cast %add3A_1191 : i32 to index
          %get3A_1209 = arith.constant 48 : index
          %get3A_1210 = tpu.vector_load %arg6[%get3A_1207, %get3A_1208, %get3A_1209] {strides = array<i32>} : memref<2x416x64xf32, #tpu.memory_space<vmem>>, vector<1x1x16xf32>,
          %get3A_1211 = vector.shape_cast %get3A_1210 : vector<1x1x16xf32> to vector<16xf32>
          %add3A_1212 = arith.addf %add3A_1174, %get3A_1196 : vector<16xf32>
          %add3A_1213 = arith.addf %add3A_1175, %get3A_1201 : vector<16xf32>
          %add3A_1214 = arith.addf %add3A_1176, %get3A_1206 : vector<16xf32>
          %add3A_1215 = arith.addf %add3A_1177, %get3A_1211 : vector<16xf32>
          %mul3A_1216 = arith.mulf %get3A_1196, %get3A_1196 : vector<16xf32>
          %add3A_1217 = arith.addf %add3A_1179, %mul3A_1216 : vector<16xf32>
          %mul3A_1218 = arith.mulf %get3A_1201, %get3A_1201 : vector<16xf32>
          %add3A_1219 = arith.addf %add3A_1181, %mul3A_1218 : vector<16xf32>
          %mul3A_1220 = arith.mulf %get3A_1206, %get3A_1206 : vector<16xf32>
          %add3A_1221 = arith.addf %add3A_1183, %mul3A_1220 : vector<16xf32>
          %mul3A_1222 = arith.mulf %get3A_1211, %get3A_1211 : vector<16xf32>
          %add3A_1223 = arith.addf %add3A_1185, %mul3A_1222 : vector<16xf32>
          scf.yield %add3A_1212, %add3A_1213, %add3A_1214, %add3A_1215, %add3A_1217, %add3A_1219, %add3A_1221, %add3A_1223 : vector<16xf32>, vector<16xf32>, vector<16xf32>, vector<16xf32>, vector<16xf32>, vector<16xf32>, vector<16xf32>, vector<16xf32>
        }
        %scan3A_652 = arith.constant 26 : i32
        %jit3A_653 = arith.constant 4 : i32
        %eq3A_654 = arith.constant 0 : i32
        %eq3A_655 = arith.cmpi eq, %jit3A_653, %eq3A_654 : i32
        %jit3A_656 = arith.constant 1 : i32
        %select_n3A_657 = arith.select %eq3A_655, %jit3A_656, %jit3A_653 : i32
        %rem3A_658 = arith.remsi %scan3A_24, %select_n3A_657 : i32
        %ne3A_659 = arith.constant 0 : i32
        %ne3A_660 = arith.cmpi ne, %rem3A_658, %ne3A_659 : i32
        %lt3A_661 = arith.constant 0 : i32
        %lt3A_662 = arith.cmpi slt, %rem3A_658, %lt3A_661 : i32
        %lt3A_663 = arith.constant 0 : i32
        %lt3A_664 = arith.cmpi slt, %select_n3A_657, %lt3A_663 : i32
        %ne3A_665 = arith.xori %lt3A_662, %lt3A_664 : i1
        %and3A_666 = arith.andi %ne3A_665, %ne3A_660 : i1
        %add3A_667 = arith.addi %rem3A_658, %select_n3A_657 : i32
        %select_n3A_668 = arith.select %and3A_666, %add3A_667, %rem3A_658 : i32
        %mul3A_669 = arith.constant 16 : i32
        %mul3A_670 = arith.muli %select_n3A_668, %mul3A_669 : i32
        %add3A_671 = arith.constant 9 : i32
        %add3A_672 = arith.addi %mul3A_670, %add3A_671 : i32
        %mul3A_673 = arith.mulf %scan3A_651#0, %scan3A_651#0 : vector<16xf32>
        %sub3A_674 = arith.subf %mul3A_673, %scan3A_651#4 : vector<16xf32>
        %mul3A_675 = arith.constant 5.000000e-01 : f32
        %mul3A_676 = vector.broadcast %mul3A_675 : f32 to vector<16xf32>
        %mul3A_677 = arith.mulf %mul3A_676, %sub3A_674 : vector<16xf32>
        %swap3A_678 = arith.index_cast %add3A_672 : i32 to index
        %swap3A_679 = arith.constant 0 : index
        %swap3A_680 = tpu.vector_load %arg7[%swap3A_678, %swap3A_679] {strides = array<i32>} : memref<64x64xf32, #tpu.memory_space<vmem>>, vector<1x16xf32>,
        %swap3A_681 = vector.shape_cast %swap3A_680 : vector<1x16xf32> to vector<16xf32>
        %swap3A_682 = vector.shape_cast %mul3A_677 : vector<16xf32> to vector<1x16xf32>
        tpu.vector_store %arg7[%swap3A_678, %swap3A_679], %swap3A_682 {strides = array<i32>} : memref<64x64xf32, #tpu.memory_space<vmem>>, vector<1x16xf32>,
        %mul3A_683 = arith.mulf %scan3A_651#1, %scan3A_651#1 : vector<16xf32>
        %sub3A_684 = arith.subf %mul3A_683, %scan3A_651#5 : vector<16xf32>
        %mul3A_685 = arith.constant 5.000000e-01 : f32
        %mul3A_686 = vector.broadcast %mul3A_685 : f32 to vector<16xf32>
        %mul3A_687 = arith.mulf %mul3A_686, %sub3A_684 : vector<16xf32>
        %swap3A_688 = arith.index_cast %add3A_672 : i32 to index
        %swap3A_689 = arith.constant 16 : index
        %swap3A_690 = tpu.vector_load %arg7[%swap3A_688, %swap3A_689] {strides = array<i32>} : memref<64x64xf32, #tpu.memory_space<vmem>>, vector<1x16xf32>,
        %swap3A_691 = vector.shape_cast %swap3A_690 : vector<1x16xf32> to vector<16xf32>
        %swap3A_692 = vector.shape_cast %mul3A_687 : vector<16xf32> to vector<1x16xf32>
        tpu.vector_store %arg7[%swap3A_688, %swap3A_689], %swap3A_692 {strides = array<i32>} : memref<64x64xf32, #tpu.memory_space<vmem>>, vector<1x16xf32>,
        %mul3A_693 = arith.mulf %scan3A_651#2, %scan3A_651#2 : vector<16xf32>
        %sub3A_694 = arith.subf %mul3A_693, %scan3A_651#6 : vector<16xf32>
        %mul3A_695 = arith.constant 5.000000e-01 : f32
        %mul3A_696 = vector.broadcast %mul3A_695 : f32 to vector<16xf32>
        %mul3A_697 = arith.mulf %mul3A_696, %sub3A_694 : vector<16xf32>
        %swap3A_698 = arith.index_cast %add3A_672 : i32 to index
        %swap3A_699 = arith.constant 32 : index
        %swap3A_700 = tpu.vector_load %arg7[%swap3A_698, %swap3A_699] {strides = array<i32>} : memref<64x64xf32, #tpu.memory_space<vmem>>, vector<1x16xf32>,
        %swap3A_701 = vector.shape_cast %swap3A_700 : vector<1x16xf32> to vector<16xf32>
        %swap3A_702 = vector.shape_cast %mul3A_697 : vector<16xf32> to vector<1x16xf32>
        tpu.vector_store %arg7[%swap3A_698, %swap3A_699], %swap3A_702 {strides = array<i32>} : memref<64x64xf32, #tpu.memory_space<vmem>>, vector<1x16xf32>,
        %mul3A_703 = arith.mulf %scan3A_651#3, %scan3A_651#3 : vector<16xf32>
        %sub3A_704 = arith.subf %mul3A_703, %scan3A_651#7 : vector<16xf32>
        %mul3A_705 = arith.constant 5.000000e-01 : f32
        %mul3A_706 = vector.broadcast %mul3A_705 : f32 to vector<16xf32>
        %mul3A_707 = arith.mulf %mul3A_706, %sub3A_704 : vector<16xf32>
        %swap3A_708 = arith.index_cast %add3A_672 : i32 to index
        %swap3A_709 = arith.constant 48 : index
        %swap3A_710 = tpu.vector_load %arg7[%swap3A_708, %swap3A_709] {strides = array<i32>} : memref<64x64xf32, #tpu.memory_space<vmem>>, vector<1x16xf32>,
        %swap3A_711 = vector.shape_cast %swap3A_710 : vector<1x16xf32> to vector<16xf32>
        %swap3A_712 = vector.shape_cast %mul3A_707 : vector<16xf32> to vector<1x16xf32>
        tpu.vector_store %arg7[%swap3A_708, %swap3A_709], %swap3A_712 {strides = array<i32>} : memref<64x64xf32, #tpu.memory_space<vmem>>, vector<1x16xf32>,
        %broadcast_in_dim3A_713 = arith.constant 0.000000e+00 : f32
        %broadcast_in_dim3A_714 = vector.broadcast %broadcast_in_dim3A_713 : f32 to vector<16xf32>
        %scan3A_715 = arith.constant 0 : i32
        %scan3A_716 = arith.constant 26 : i32
        %scan3A_717 = arith.addi %scan3A_715, %scan3A_716 : i32
        %scan3A_718 = arith.constant 2 : i32
        %scan3A_719:8 = scf.for %scan3A_1142 = %scan3A_715 to %scan3A_717 step %scan3A_718 iter_args(%scan3A_1143 = %broadcast_in_dim3A_714, %scan3A_1144 = %broadcast_in_dim3A_714, %scan3A_1145 = %broadcast_in_dim3A_714, %scan3A_1146 = %broadcast_in_dim3A_714, %scan3A_1147 = %broadcast_in_dim3A_714, %scan3A_1148 = %broadcast_in_dim3A_714, %scan3A_1149 = %broadcast_in_dim3A_714, %scan3A_1150 = %broadcast_in_dim3A_714) -> (vector<16xf32>, vector<16xf32>, vector<16xf32>, vector<16xf32>, vector<16xf32>, vector<16xf32>, vector<16xf32>, vector<16xf32>)  : i32 {
          %mul3A_1151 = arith.constant 16 : i32
          %mul3A_1152 = arith.muli %scan3A_1142, %mul3A_1151 : i32
          %add3A_1153 = arith.constant 10 : i32
          %add3A_1154 = arith.addi %mul3A_1152, %add3A_1153 : i32
          %get3A = arith.index_cast %and3A_25 : i32 to index
          %get3A_1155 = arith.index_cast %add3A_1154 : i32 to index
          %get3A_1156 = arith.constant 0 : index
          %get3A_1157 = tpu.vector_load %arg6[%get3A, %get3A_1155, %get3A_1156] {strides = array<i32>} : memref<2x416x64xf32, #tpu.memory_space<vmem>>, vector<1x1x16xf32>,
          %get3A_1158 = vector.shape_cast %get3A_1157 : vector<1x1x16xf32> to vector<16xf32>
          %get3A_1159 = arith.index_cast %and3A_25 : i32 to index
          %get3A_1160 = arith.index_cast %add3A_1154 : i32 to index
          %get3A_1161 = arith.constant 16 : index
          %get3A_1162 = tpu.vector_load %arg6[%get3A_1159, %get3A_1160, %get3A_1161] {strides = array<i32>} : memref<2x416x64xf32, #tpu.memory_space<vmem>>, vector<1x1x16xf32>,
          %get3A_1163 = vector.shape_cast %get3A_1162 : vector<1x1x16xf32> to vector<16xf32>
          %get3A_1164 = arith.index_cast %and3A_25 : i32 to index
          %get3A_1165 = arith.index_cast %add3A_1154 : i32 to index
          %get3A_1166 = arith.constant 32 : index
          %get3A_1167 = tpu.vector_load %arg6[%get3A_1164, %get3A_1165, %get3A_1166] {strides = array<i32>} : memref<2x416x64xf32, #tpu.memory_space<vmem>>, vector<1x1x16xf32>,
          %get3A_1168 = vector.shape_cast %get3A_1167 : vector<1x1x16xf32> to vector<16xf32>
          %get3A_1169 = arith.index_cast %and3A_25 : i32 to index
          %get3A_1170 = arith.index_cast %add3A_1154 : i32 to index
          %get3A_1171 = arith.constant 48 : index
          %get3A_1172 = tpu.vector_load %arg6[%get3A_1169, %get3A_1170, %get3A_1171] {strides = array<i32>} : memref<2x416x64xf32, #tpu.memory_space<vmem>>, vector<1x1x16xf32>,
          %get3A_1173 = vector.shape_cast %get3A_1172 : vector<1x1x16xf32> to vector<16xf32>
          %add3A_1174 = arith.addf %scan3A_1143, %get3A_1158 : vector<16xf32>
          %add3A_1175 = arith.addf %scan3A_1144, %get3A_1163 : vector<16xf32>
          %add3A_1176 = arith.addf %scan3A_1145, %get3A_1168 : vector<16xf32>
          %add3A_1177 = arith.addf %scan3A_1146, %get3A_1173 : vector<16xf32>
          %mul3A_1178 = arith.mulf %get3A_1158, %get3A_1158 : vector<16xf32>
          %add3A_1179 = arith.addf %scan3A_1147, %mul3A_1178 : vector<16xf32>
          %mul3A_1180 = arith.mulf %get3A_1163, %get3A_1163 : vector<16xf32>
          %add3A_1181 = arith.addf %scan3A_1148, %mul3A_1180 : vector<16xf32>
          %mul3A_1182 = arith.mulf %get3A_1168, %get3A_1168 : vector<16xf32>
          %add3A_1183 = arith.addf %scan3A_1149, %mul3A_1182 : vector<16xf32>
          %mul3A_1184 = arith.mulf %get3A_1173, %get3A_1173 : vector<16xf32>
          %add3A_1185 = arith.addf %scan3A_1150, %mul3A_1184 : vector<16xf32>
          %scan3A_1186 = arith.constant 1 : i32
          %scan3A_1187 = arith.addi %scan3A_1142, %scan3A_1186 : i32
          %mul3A_1188 = arith.constant 16 : i32
          %mul3A_1189 = arith.muli %scan3A_1187, %mul3A_1188 : i32
          %add3A_1190 = arith.constant 10 : i32
          %add3A_1191 = arith.addi %mul3A_1189, %add3A_1190 : i32
          %get3A_1192 = arith.index_cast %and3A_25 : i32 to index
          %get3A_1193 = arith.index_cast %add3A_1191 : i32 to index
          %get3A_1194 = arith.constant 0 : index
          %get3A_1195 = tpu.vector_load %arg6[%get3A_1192, %get3A_1193, %get3A_1194] {strides = array<i32>} : memref<2x416x64xf32, #tpu.memory_space<vmem>>, vector<1x1x16xf32>,
          %get3A_1196 = vector.shape_cast %get3A_1195 : vector<1x1x16xf32> to vector<16xf32>
          %get3A_1197 = arith.index_cast %and3A_25 : i32 to index
          %get3A_1198 = arith.index_cast %add3A_1191 : i32 to index
          %get3A_1199 = arith.constant 16 : index
          %get3A_1200 = tpu.vector_load %arg6[%get3A_1197, %get3A_1198, %get3A_1199] {strides = array<i32>} : memref<2x416x64xf32, #tpu.memory_space<vmem>>, vector<1x1x16xf32>,
          %get3A_1201 = vector.shape_cast %get3A_1200 : vector<1x1x16xf32> to vector<16xf32>
          %get3A_1202 = arith.index_cast %and3A_25 : i32 to index
          %get3A_1203 = arith.index_cast %add3A_1191 : i32 to index
          %get3A_1204 = arith.constant 32 : index
          %get3A_1205 = tpu.vector_load %arg6[%get3A_1202, %get3A_1203, %get3A_1204] {strides = array<i32>} : memref<2x416x64xf32, #tpu.memory_space<vmem>>, vector<1x1x16xf32>,
          %get3A_1206 = vector.shape_cast %get3A_1205 : vector<1x1x16xf32> to vector<16xf32>
          %get3A_1207 = arith.index_cast %and3A_25 : i32 to index
          %get3A_1208 = arith.index_cast %add3A_1191 : i32 to index
          %get3A_1209 = arith.constant 48 : index
          %get3A_1210 = tpu.vector_load %arg6[%get3A_1207, %get3A_1208, %get3A_1209] {strides = array<i32>} : memref<2x416x64xf32, #tpu.memory_space<vmem>>, vector<1x1x16xf32>,
          %get3A_1211 = vector.shape_cast %get3A_1210 : vector<1x1x16xf32> to vector<16xf32>
          %add3A_1212 = arith.addf %add3A_1174, %get3A_1196 : vector<16xf32>
          %add3A_1213 = arith.addf %add3A_1175, %get3A_1201 : vector<16xf32>
          %add3A_1214 = arith.addf %add3A_1176, %get3A_1206 : vector<16xf32>
          %add3A_1215 = arith.addf %add3A_1177, %get3A_1211 : vector<16xf32>
          %mul3A_1216 = arith.mulf %get3A_1196, %get3A_1196 : vector<16xf32>
          %add3A_1217 = arith.addf %add3A_1179, %mul3A_1216 : vector<16xf32>
          %mul3A_1218 = arith.mulf %get3A_1201, %get3A_1201 : vector<16xf32>
          %add3A_1219 = arith.addf %add3A_1181, %mul3A_1218 : vector<16xf32>
          %mul3A_1220 = arith.mulf %get3A_1206, %get3A_1206 : vector<16xf32>
          %add3A_1221 = arith.addf %add3A_1183, %mul3A_1220 : vector<16xf32>
          %mul3A_1222 = arith.mulf %get3A_1211, %get3A_1211 : vector<16xf32>
          %add3A_1223 = arith.addf %add3A_1185, %mul3A_1222 : vector<16xf32>
          scf.yield %add3A_1212, %add3A_1213, %add3A_1214, %add3A_1215, %add3A_1217, %add3A_1219, %add3A_1221, %add3A_1223 : vector<16xf32>, vector<16xf32>, vector<16xf32>, vector<16xf32>, vector<16xf32>, vector<16xf32>, vector<16xf32>, vector<16xf32>
        }
        %scan3A_720 = arith.constant 26 : i32
        %jit3A_721 = arith.constant 4 : i32
        %eq3A_722 = arith.constant 0 : i32
        %eq3A_723 = arith.cmpi eq, %jit3A_721, %eq3A_722 : i32
        %jit3A_724 = arith.constant 1 : i32
        %select_n3A_725 = arith.select %eq3A_723, %jit3A_724, %jit3A_721 : i32
        %rem3A_726 = arith.remsi %scan3A_24, %select_n3A_725 : i32
        %ne3A_727 = arith.constant 0 : i32
        %ne3A_728 = arith.cmpi ne, %rem3A_726, %ne3A_727 : i32
        %lt3A_729 = arith.constant 0 : i32
        %lt3A_730 = arith.cmpi slt, %rem3A_726, %lt3A_729 : i32
        %lt3A_731 = arith.constant 0 : i32
        %lt3A_732 = arith.cmpi slt, %select_n3A_725, %lt3A_731 : i32
        %ne3A_733 = arith.xori %lt3A_730, %lt3A_732 : i1
        %and3A_734 = arith.andi %ne3A_733, %ne3A_728 : i1
        %add3A_735 = arith.addi %rem3A_726, %select_n3A_725 : i32
        %select_n3A_736 = arith.select %and3A_734, %add3A_735, %rem3A_726 : i32
        %mul3A_737 = arith.constant 16 : i32
        %mul3A_738 = arith.muli %select_n3A_736, %mul3A_737 : i32
        %add3A_739 = arith.constant 10 : i32
        %add3A_740 = arith.addi %mul3A_738, %add3A_739 : i32
        %mul3A_741 = arith.mulf %scan3A_719#0, %scan3A_719#0 : vector<16xf32>
        %sub3A_742 = arith.subf %mul3A_741, %scan3A_719#4 : vector<16xf32>
        %mul3A_743 = arith.constant 5.000000e-01 : f32
        %mul3A_744 = vector.broadcast %mul3A_743 : f32 to vector<16xf32>
        %mul3A_745 = arith.mulf %mul3A_744, %sub3A_742 : vector<16xf32>
        %swap3A_746 = arith.index_cast %add3A_740 : i32 to index
        %swap3A_747 = arith.constant 0 : index
        %swap3A_748 = tpu.vector_load %arg7[%swap3A_746, %swap3A_747] {strides = array<i32>} : memref<64x64xf32, #tpu.memory_space<vmem>>, vector<1x16xf32>,
        %swap3A_749 = vector.shape_cast %swap3A_748 : vector<1x16xf32> to vector<16xf32>
        %swap3A_750 = vector.shape_cast %mul3A_745 : vector<16xf32> to vector<1x16xf32>
        tpu.vector_store %arg7[%swap3A_746, %swap3A_747], %swap3A_750 {strides = array<i32>} : memref<64x64xf32, #tpu.memory_space<vmem>>, vector<1x16xf32>,
        %mul3A_751 = arith.mulf %scan3A_719#1, %scan3A_719#1 : vector<16xf32>
        %sub3A_752 = arith.subf %mul3A_751, %scan3A_719#5 : vector<16xf32>
        %mul3A_753 = arith.constant 5.000000e-01 : f32
        %mul3A_754 = vector.broadcast %mul3A_753 : f32 to vector<16xf32>
        %mul3A_755 = arith.mulf %mul3A_754, %sub3A_752 : vector<16xf32>
        %swap3A_756 = arith.index_cast %add3A_740 : i32 to index
        %swap3A_757 = arith.constant 16 : index
        %swap3A_758 = tpu.vector_load %arg7[%swap3A_756, %swap3A_757] {strides = array<i32>} : memref<64x64xf32, #tpu.memory_space<vmem>>, vector<1x16xf32>,
        %swap3A_759 = vector.shape_cast %swap3A_758 : vector<1x16xf32> to vector<16xf32>
        %swap3A_760 = vector.shape_cast %mul3A_755 : vector<16xf32> to vector<1x16xf32>
        tpu.vector_store %arg7[%swap3A_756, %swap3A_757], %swap3A_760 {strides = array<i32>} : memref<64x64xf32, #tpu.memory_space<vmem>>, vector<1x16xf32>,
        %mul3A_761 = arith.mulf %scan3A_719#2, %scan3A_719#2 : vector<16xf32>
        %sub3A_762 = arith.subf %mul3A_761, %scan3A_719#6 : vector<16xf32>
        %mul3A_763 = arith.constant 5.000000e-01 : f32
        %mul3A_764 = vector.broadcast %mul3A_763 : f32 to vector<16xf32>
        %mul3A_765 = arith.mulf %mul3A_764, %sub3A_762 : vector<16xf32>
        %swap3A_766 = arith.index_cast %add3A_740 : i32 to index
        %swap3A_767 = arith.constant 32 : index
        %swap3A_768 = tpu.vector_load %arg7[%swap3A_766, %swap3A_767] {strides = array<i32>} : memref<64x64xf32, #tpu.memory_space<vmem>>, vector<1x16xf32>,
        %swap3A_769 = vector.shape_cast %swap3A_768 : vector<1x16xf32> to vector<16xf32>
        %swap3A_770 = vector.shape_cast %mul3A_765 : vector<16xf32> to vector<1x16xf32>
        tpu.vector_store %arg7[%swap3A_766, %swap3A_767], %swap3A_770 {strides = array<i32>} : memref<64x64xf32, #tpu.memory_space<vmem>>, vector<1x16xf32>,
        %mul3A_771 = arith.mulf %scan3A_719#3, %scan3A_719#3 : vector<16xf32>
        %sub3A_772 = arith.subf %mul3A_771, %scan3A_719#7 : vector<16xf32>
        %mul3A_773 = arith.constant 5.000000e-01 : f32
        %mul3A_774 = vector.broadcast %mul3A_773 : f32 to vector<16xf32>
        %mul3A_775 = arith.mulf %mul3A_774, %sub3A_772 : vector<16xf32>
        %swap3A_776 = arith.index_cast %add3A_740 : i32 to index
        %swap3A_777 = arith.constant 48 : index
        %swap3A_778 = tpu.vector_load %arg7[%swap3A_776, %swap3A_777] {strides = array<i32>} : memref<64x64xf32, #tpu.memory_space<vmem>>, vector<1x16xf32>,
        %swap3A_779 = vector.shape_cast %swap3A_778 : vector<1x16xf32> to vector<16xf32>
        %swap3A_780 = vector.shape_cast %mul3A_775 : vector<16xf32> to vector<1x16xf32>
        tpu.vector_store %arg7[%swap3A_776, %swap3A_777], %swap3A_780 {strides = array<i32>} : memref<64x64xf32, #tpu.memory_space<vmem>>, vector<1x16xf32>,
        %broadcast_in_dim3A_781 = arith.constant 0.000000e+00 : f32
        %broadcast_in_dim3A_782 = vector.broadcast %broadcast_in_dim3A_781 : f32 to vector<16xf32>
        %scan3A_783 = arith.constant 0 : i32
        %scan3A_784 = arith.constant 26 : i32
        %scan3A_785 = arith.addi %scan3A_783, %scan3A_784 : i32
        %scan3A_786 = arith.constant 2 : i32
        %scan3A_787:8 = scf.for %scan3A_1142 = %scan3A_783 to %scan3A_785 step %scan3A_786 iter_args(%scan3A_1143 = %broadcast_in_dim3A_782, %scan3A_1144 = %broadcast_in_dim3A_782, %scan3A_1145 = %broadcast_in_dim3A_782, %scan3A_1146 = %broadcast_in_dim3A_782, %scan3A_1147 = %broadcast_in_dim3A_782, %scan3A_1148 = %broadcast_in_dim3A_782, %scan3A_1149 = %broadcast_in_dim3A_782, %scan3A_1150 = %broadcast_in_dim3A_782) -> (vector<16xf32>, vector<16xf32>, vector<16xf32>, vector<16xf32>, vector<16xf32>, vector<16xf32>, vector<16xf32>, vector<16xf32>)  : i32 {
          %mul3A_1151 = arith.constant 16 : i32
          %mul3A_1152 = arith.muli %scan3A_1142, %mul3A_1151 : i32
          %add3A_1153 = arith.constant 11 : i32
          %add3A_1154 = arith.addi %mul3A_1152, %add3A_1153 : i32
          %get3A = arith.index_cast %and3A_25 : i32 to index
          %get3A_1155 = arith.index_cast %add3A_1154 : i32 to index
          %get3A_1156 = arith.constant 0 : index
          %get3A_1157 = tpu.vector_load %arg6[%get3A, %get3A_1155, %get3A_1156] {strides = array<i32>} : memref<2x416x64xf32, #tpu.memory_space<vmem>>, vector<1x1x16xf32>,
          %get3A_1158 = vector.shape_cast %get3A_1157 : vector<1x1x16xf32> to vector<16xf32>
          %get3A_1159 = arith.index_cast %and3A_25 : i32 to index
          %get3A_1160 = arith.index_cast %add3A_1154 : i32 to index
          %get3A_1161 = arith.constant 16 : index
          %get3A_1162 = tpu.vector_load %arg6[%get3A_1159, %get3A_1160, %get3A_1161] {strides = array<i32>} : memref<2x416x64xf32, #tpu.memory_space<vmem>>, vector<1x1x16xf32>,
          %get3A_1163 = vector.shape_cast %get3A_1162 : vector<1x1x16xf32> to vector<16xf32>
          %get3A_1164 = arith.index_cast %and3A_25 : i32 to index
          %get3A_1165 = arith.index_cast %add3A_1154 : i32 to index
          %get3A_1166 = arith.constant 32 : index
          %get3A_1167 = tpu.vector_load %arg6[%get3A_1164, %get3A_1165, %get3A_1166] {strides = array<i32>} : memref<2x416x64xf32, #tpu.memory_space<vmem>>, vector<1x1x16xf32>,
          %get3A_1168 = vector.shape_cast %get3A_1167 : vector<1x1x16xf32> to vector<16xf32>
          %get3A_1169 = arith.index_cast %and3A_25 : i32 to index
          %get3A_1170 = arith.index_cast %add3A_1154 : i32 to index
          %get3A_1171 = arith.constant 48 : index
          %get3A_1172 = tpu.vector_load %arg6[%get3A_1169, %get3A_1170, %get3A_1171] {strides = array<i32>} : memref<2x416x64xf32, #tpu.memory_space<vmem>>, vector<1x1x16xf32>,
          %get3A_1173 = vector.shape_cast %get3A_1172 : vector<1x1x16xf32> to vector<16xf32>
          %add3A_1174 = arith.addf %scan3A_1143, %get3A_1158 : vector<16xf32>
          %add3A_1175 = arith.addf %scan3A_1144, %get3A_1163 : vector<16xf32>
          %add3A_1176 = arith.addf %scan3A_1145, %get3A_1168 : vector<16xf32>
          %add3A_1177 = arith.addf %scan3A_1146, %get3A_1173 : vector<16xf32>
          %mul3A_1178 = arith.mulf %get3A_1158, %get3A_1158 : vector<16xf32>
          %add3A_1179 = arith.addf %scan3A_1147, %mul3A_1178 : vector<16xf32>
          %mul3A_1180 = arith.mulf %get3A_1163, %get3A_1163 : vector<16xf32>
          %add3A_1181 = arith.addf %scan3A_1148, %mul3A_1180 : vector<16xf32>
          %mul3A_1182 = arith.mulf %get3A_1168, %get3A_1168 : vector<16xf32>
          %add3A_1183 = arith.addf %scan3A_1149, %mul3A_1182 : vector<16xf32>
          %mul3A_1184 = arith.mulf %get3A_1173, %get3A_1173 : vector<16xf32>
          %add3A_1185 = arith.addf %scan3A_1150, %mul3A_1184 : vector<16xf32>
          %scan3A_1186 = arith.constant 1 : i32
          %scan3A_1187 = arith.addi %scan3A_1142, %scan3A_1186 : i32
          %mul3A_1188 = arith.constant 16 : i32
          %mul3A_1189 = arith.muli %scan3A_1187, %mul3A_1188 : i32
          %add3A_1190 = arith.constant 11 : i32
          %add3A_1191 = arith.addi %mul3A_1189, %add3A_1190 : i32
          %get3A_1192 = arith.index_cast %and3A_25 : i32 to index
          %get3A_1193 = arith.index_cast %add3A_1191 : i32 to index
          %get3A_1194 = arith.constant 0 : index
          %get3A_1195 = tpu.vector_load %arg6[%get3A_1192, %get3A_1193, %get3A_1194] {strides = array<i32>} : memref<2x416x64xf32, #tpu.memory_space<vmem>>, vector<1x1x16xf32>,
          %get3A_1196 = vector.shape_cast %get3A_1195 : vector<1x1x16xf32> to vector<16xf32>
          %get3A_1197 = arith.index_cast %and3A_25 : i32 to index
          %get3A_1198 = arith.index_cast %add3A_1191 : i32 to index
          %get3A_1199 = arith.constant 16 : index
          %get3A_1200 = tpu.vector_load %arg6[%get3A_1197, %get3A_1198, %get3A_1199] {strides = array<i32>} : memref<2x416x64xf32, #tpu.memory_space<vmem>>, vector<1x1x16xf32>,
          %get3A_1201 = vector.shape_cast %get3A_1200 : vector<1x1x16xf32> to vector<16xf32>
          %get3A_1202 = arith.index_cast %and3A_25 : i32 to index
          %get3A_1203 = arith.index_cast %add3A_1191 : i32 to index
          %get3A_1204 = arith.constant 32 : index
          %get3A_1205 = tpu.vector_load %arg6[%get3A_1202, %get3A_1203, %get3A_1204] {strides = array<i32>} : memref<2x416x64xf32, #tpu.memory_space<vmem>>, vector<1x1x16xf32>,
          %get3A_1206 = vector.shape_cast %get3A_1205 : vector<1x1x16xf32> to vector<16xf32>
          %get3A_1207 = arith.index_cast %and3A_25 : i32 to index
          %get3A_1208 = arith.index_cast %add3A_1191 : i32 to index
          %get3A_1209 = arith.constant 48 : index
          %get3A_1210 = tpu.vector_load %arg6[%get3A_1207, %get3A_1208, %get3A_1209] {strides = array<i32>} : memref<2x416x64xf32, #tpu.memory_space<vmem>>, vector<1x1x16xf32>,
          %get3A_1211 = vector.shape_cast %get3A_1210 : vector<1x1x16xf32> to vector<16xf32>
          %add3A_1212 = arith.addf %add3A_1174, %get3A_1196 : vector<16xf32>
          %add3A_1213 = arith.addf %add3A_1175, %get3A_1201 : vector<16xf32>
          %add3A_1214 = arith.addf %add3A_1176, %get3A_1206 : vector<16xf32>
          %add3A_1215 = arith.addf %add3A_1177, %get3A_1211 : vector<16xf32>
          %mul3A_1216 = arith.mulf %get3A_1196, %get3A_1196 : vector<16xf32>
          %add3A_1217 = arith.addf %add3A_1179, %mul3A_1216 : vector<16xf32>
          %mul3A_1218 = arith.mulf %get3A_1201, %get3A_1201 : vector<16xf32>
          %add3A_1219 = arith.addf %add3A_1181, %mul3A_1218 : vector<16xf32>
          %mul3A_1220 = arith.mulf %get3A_1206, %get3A_1206 : vector<16xf32>
          %add3A_1221 = arith.addf %add3A_1183, %mul3A_1220 : vector<16xf32>
          %mul3A_1222 = arith.mulf %get3A_1211, %get3A_1211 : vector<16xf32>
          %add3A_1223 = arith.addf %add3A_1185, %mul3A_1222 : vector<16xf32>
          scf.yield %add3A_1212, %add3A_1213, %add3A_1214, %add3A_1215, %add3A_1217, %add3A_1219, %add3A_1221, %add3A_1223 : vector<16xf32>, vector<16xf32>, vector<16xf32>, vector<16xf32>, vector<16xf32>, vector<16xf32>, vector<16xf32>, vector<16xf32>
        }
        %scan3A_788 = arith.constant 26 : i32
        %jit3A_789 = arith.constant 4 : i32
        %eq3A_790 = arith.constant 0 : i32
        %eq3A_791 = arith.cmpi eq, %jit3A_789, %eq3A_790 : i32
        %jit3A_792 = arith.constant 1 : i32
        %select_n3A_793 = arith.select %eq3A_791, %jit3A_792, %jit3A_789 : i32
        %rem3A_794 = arith.remsi %scan3A_24, %select_n3A_793 : i32
        %ne3A_795 = arith.constant 0 : i32
        %ne3A_796 = arith.cmpi ne, %rem3A_794, %ne3A_795 : i32
        %lt3A_797 = arith.constant 0 : i32
        %lt3A_798 = arith.cmpi slt, %rem3A_794, %lt3A_797 : i32
        %lt3A_799 = arith.constant 0 : i32
        %lt3A_800 = arith.cmpi slt, %select_n3A_793, %lt3A_799 : i32
        %ne3A_801 = arith.xori %lt3A_798, %lt3A_800 : i1
        %and3A_802 = arith.andi %ne3A_801, %ne3A_796 : i1
        %add3A_803 = arith.addi %rem3A_794, %select_n3A_793 : i32
        %select_n3A_804 = arith.select %and3A_802, %add3A_803, %rem3A_794 : i32
        %mul3A_805 = arith.constant 16 : i32
        %mul3A_806 = arith.muli %select_n3A_804, %mul3A_805 : i32
        %add3A_807 = arith.constant 11 : i32
        %add3A_808 = arith.addi %mul3A_806, %add3A_807 : i32
        %mul3A_809 = arith.mulf %scan3A_787#0, %scan3A_787#0 : vector<16xf32>
        %sub3A_810 = arith.subf %mul3A_809, %scan3A_787#4 : vector<16xf32>
        %mul3A_811 = arith.constant 5.000000e-01 : f32
        %mul3A_812 = vector.broadcast %mul3A_811 : f32 to vector<16xf32>
        %mul3A_813 = arith.mulf %mul3A_812, %sub3A_810 : vector<16xf32>
        %swap3A_814 = arith.index_cast %add3A_808 : i32 to index
        %swap3A_815 = arith.constant 0 : index
        %swap3A_816 = tpu.vector_load %arg7[%swap3A_814, %swap3A_815] {strides = array<i32>} : memref<64x64xf32, #tpu.memory_space<vmem>>, vector<1x16xf32>,
        %swap3A_817 = vector.shape_cast %swap3A_816 : vector<1x16xf32> to vector<16xf32>
        %swap3A_818 = vector.shape_cast %mul3A_813 : vector<16xf32> to vector<1x16xf32>
        tpu.vector_store %arg7[%swap3A_814, %swap3A_815], %swap3A_818 {strides = array<i32>} : memref<64x64xf32, #tpu.memory_space<vmem>>, vector<1x16xf32>,
        %mul3A_819 = arith.mulf %scan3A_787#1, %scan3A_787#1 : vector<16xf32>
        %sub3A_820 = arith.subf %mul3A_819, %scan3A_787#5 : vector<16xf32>
        %mul3A_821 = arith.constant 5.000000e-01 : f32
        %mul3A_822 = vector.broadcast %mul3A_821 : f32 to vector<16xf32>
        %mul3A_823 = arith.mulf %mul3A_822, %sub3A_820 : vector<16xf32>
        %swap3A_824 = arith.index_cast %add3A_808 : i32 to index
        %swap3A_825 = arith.constant 16 : index
        %swap3A_826 = tpu.vector_load %arg7[%swap3A_824, %swap3A_825] {strides = array<i32>} : memref<64x64xf32, #tpu.memory_space<vmem>>, vector<1x16xf32>,
        %swap3A_827 = vector.shape_cast %swap3A_826 : vector<1x16xf32> to vector<16xf32>
        %swap3A_828 = vector.shape_cast %mul3A_823 : vector<16xf32> to vector<1x16xf32>
        tpu.vector_store %arg7[%swap3A_824, %swap3A_825], %swap3A_828 {strides = array<i32>} : memref<64x64xf32, #tpu.memory_space<vmem>>, vector<1x16xf32>,
        %mul3A_829 = arith.mulf %scan3A_787#2, %scan3A_787#2 : vector<16xf32>
        %sub3A_830 = arith.subf %mul3A_829, %scan3A_787#6 : vector<16xf32>
        %mul3A_831 = arith.constant 5.000000e-01 : f32
        %mul3A_832 = vector.broadcast %mul3A_831 : f32 to vector<16xf32>
        %mul3A_833 = arith.mulf %mul3A_832, %sub3A_830 : vector<16xf32>
        %swap3A_834 = arith.index_cast %add3A_808 : i32 to index
        %swap3A_835 = arith.constant 32 : index
        %swap3A_836 = tpu.vector_load %arg7[%swap3A_834, %swap3A_835] {strides = array<i32>} : memref<64x64xf32, #tpu.memory_space<vmem>>, vector<1x16xf32>,
        %swap3A_837 = vector.shape_cast %swap3A_836 : vector<1x16xf32> to vector<16xf32>
        %swap3A_838 = vector.shape_cast %mul3A_833 : vector<16xf32> to vector<1x16xf32>
        tpu.vector_store %arg7[%swap3A_834, %swap3A_835], %swap3A_838 {strides = array<i32>} : memref<64x64xf32, #tpu.memory_space<vmem>>, vector<1x16xf32>,
        %mul3A_839 = arith.mulf %scan3A_787#3, %scan3A_787#3 : vector<16xf32>
        %sub3A_840 = arith.subf %mul3A_839, %scan3A_787#7 : vector<16xf32>
        %mul3A_841 = arith.constant 5.000000e-01 : f32
        %mul3A_842 = vector.broadcast %mul3A_841 : f32 to vector<16xf32>
        %mul3A_843 = arith.mulf %mul3A_842, %sub3A_840 : vector<16xf32>
        %swap3A_844 = arith.index_cast %add3A_808 : i32 to index
        %swap3A_845 = arith.constant 48 : index
        %swap3A_846 = tpu.vector_load %arg7[%swap3A_844, %swap3A_845] {strides = array<i32>} : memref<64x64xf32, #tpu.memory_space<vmem>>, vector<1x16xf32>,
        %swap3A_847 = vector.shape_cast %swap3A_846 : vector<1x16xf32> to vector<16xf32>
        %swap3A_848 = vector.shape_cast %mul3A_843 : vector<16xf32> to vector<1x16xf32>
        tpu.vector_store %arg7[%swap3A_844, %swap3A_845], %swap3A_848 {strides = array<i32>} : memref<64x64xf32, #tpu.memory_space<vmem>>, vector<1x16xf32>,
        %broadcast_in_dim3A_849 = arith.constant 0.000000e+00 : f32
        %broadcast_in_dim3A_850 = vector.broadcast %broadcast_in_dim3A_849 : f32 to vector<16xf32>
        %scan3A_851 = arith.constant 0 : i32
        %scan3A_852 = arith.constant 26 : i32
        %scan3A_853 = arith.addi %scan3A_851, %scan3A_852 : i32
        %scan3A_854 = arith.constant 2 : i32
        %scan3A_855:8 = scf.for %scan3A_1142 = %scan3A_851 to %scan3A_853 step %scan3A_854 iter_args(%scan3A_1143 = %broadcast_in_dim3A_850, %scan3A_1144 = %broadcast_in_dim3A_850, %scan3A_1145 = %broadcast_in_dim3A_850, %scan3A_1146 = %broadcast_in_dim3A_850, %scan3A_1147 = %broadcast_in_dim3A_850, %scan3A_1148 = %broadcast_in_dim3A_850, %scan3A_1149 = %broadcast_in_dim3A_850, %scan3A_1150 = %broadcast_in_dim3A_850) -> (vector<16xf32>, vector<16xf32>, vector<16xf32>, vector<16xf32>, vector<16xf32>, vector<16xf32>, vector<16xf32>, vector<16xf32>)  : i32 {
          %mul3A_1151 = arith.constant 16 : i32
          %mul3A_1152 = arith.muli %scan3A_1142, %mul3A_1151 : i32
          %add3A_1153 = arith.constant 12 : i32
          %add3A_1154 = arith.addi %mul3A_1152, %add3A_1153 : i32
          %get3A = arith.index_cast %and3A_25 : i32 to index
          %get3A_1155 = arith.index_cast %add3A_1154 : i32 to index
          %get3A_1156 = arith.constant 0 : index
          %get3A_1157 = tpu.vector_load %arg6[%get3A, %get3A_1155, %get3A_1156] {strides = array<i32>} : memref<2x416x64xf32, #tpu.memory_space<vmem>>, vector<1x1x16xf32>,
          %get3A_1158 = vector.shape_cast %get3A_1157 : vector<1x1x16xf32> to vector<16xf32>
          %get3A_1159 = arith.index_cast %and3A_25 : i32 to index
          %get3A_1160 = arith.index_cast %add3A_1154 : i32 to index
          %get3A_1161 = arith.constant 16 : index
          %get3A_1162 = tpu.vector_load %arg6[%get3A_1159, %get3A_1160, %get3A_1161] {strides = array<i32>} : memref<2x416x64xf32, #tpu.memory_space<vmem>>, vector<1x1x16xf32>,
          %get3A_1163 = vector.shape_cast %get3A_1162 : vector<1x1x16xf32> to vector<16xf32>
          %get3A_1164 = arith.index_cast %and3A_25 : i32 to index
          %get3A_1165 = arith.index_cast %add3A_1154 : i32 to index
          %get3A_1166 = arith.constant 32 : index
          %get3A_1167 = tpu.vector_load %arg6[%get3A_1164, %get3A_1165, %get3A_1166] {strides = array<i32>} : memref<2x416x64xf32, #tpu.memory_space<vmem>>, vector<1x1x16xf32>,
          %get3A_1168 = vector.shape_cast %get3A_1167 : vector<1x1x16xf32> to vector<16xf32>
          %get3A_1169 = arith.index_cast %and3A_25 : i32 to index
          %get3A_1170 = arith.index_cast %add3A_1154 : i32 to index
          %get3A_1171 = arith.constant 48 : index
          %get3A_1172 = tpu.vector_load %arg6[%get3A_1169, %get3A_1170, %get3A_1171] {strides = array<i32>} : memref<2x416x64xf32, #tpu.memory_space<vmem>>, vector<1x1x16xf32>,
          %get3A_1173 = vector.shape_cast %get3A_1172 : vector<1x1x16xf32> to vector<16xf32>
          %add3A_1174 = arith.addf %scan3A_1143, %get3A_1158 : vector<16xf32>
          %add3A_1175 = arith.addf %scan3A_1144, %get3A_1163 : vector<16xf32>
          %add3A_1176 = arith.addf %scan3A_1145, %get3A_1168 : vector<16xf32>
          %add3A_1177 = arith.addf %scan3A_1146, %get3A_1173 : vector<16xf32>
          %mul3A_1178 = arith.mulf %get3A_1158, %get3A_1158 : vector<16xf32>
          %add3A_1179 = arith.addf %scan3A_1147, %mul3A_1178 : vector<16xf32>
          %mul3A_1180 = arith.mulf %get3A_1163, %get3A_1163 : vector<16xf32>
          %add3A_1181 = arith.addf %scan3A_1148, %mul3A_1180 : vector<16xf32>
          %mul3A_1182 = arith.mulf %get3A_1168, %get3A_1168 : vector<16xf32>
          %add3A_1183 = arith.addf %scan3A_1149, %mul3A_1182 : vector<16xf32>
          %mul3A_1184 = arith.mulf %get3A_1173, %get3A_1173 : vector<16xf32>
          %add3A_1185 = arith.addf %scan3A_1150, %mul3A_1184 : vector<16xf32>
          %scan3A_1186 = arith.constant 1 : i32
          %scan3A_1187 = arith.addi %scan3A_1142, %scan3A_1186 : i32
          %mul3A_1188 = arith.constant 16 : i32
          %mul3A_1189 = arith.muli %scan3A_1187, %mul3A_1188 : i32
          %add3A_1190 = arith.constant 12 : i32
          %add3A_1191 = arith.addi %mul3A_1189, %add3A_1190 : i32
          %get3A_1192 = arith.index_cast %and3A_25 : i32 to index
          %get3A_1193 = arith.index_cast %add3A_1191 : i32 to index
          %get3A_1194 = arith.constant 0 : index
          %get3A_1195 = tpu.vector_load %arg6[%get3A_1192, %get3A_1193, %get3A_1194] {strides = array<i32>} : memref<2x416x64xf32, #tpu.memory_space<vmem>>, vector<1x1x16xf32>,
          %get3A_1196 = vector.shape_cast %get3A_1195 : vector<1x1x16xf32> to vector<16xf32>
          %get3A_1197 = arith.index_cast %and3A_25 : i32 to index
          %get3A_1198 = arith.index_cast %add3A_1191 : i32 to index
          %get3A_1199 = arith.constant 16 : index
          %get3A_1200 = tpu.vector_load %arg6[%get3A_1197, %get3A_1198, %get3A_1199] {strides = array<i32>} : memref<2x416x64xf32, #tpu.memory_space<vmem>>, vector<1x1x16xf32>,
          %get3A_1201 = vector.shape_cast %get3A_1200 : vector<1x1x16xf32> to vector<16xf32>
          %get3A_1202 = arith.index_cast %and3A_25 : i32 to index
          %get3A_1203 = arith.index_cast %add3A_1191 : i32 to index
          %get3A_1204 = arith.constant 32 : index
          %get3A_1205 = tpu.vector_load %arg6[%get3A_1202, %get3A_1203, %get3A_1204] {strides = array<i32>} : memref<2x416x64xf32, #tpu.memory_space<vmem>>, vector<1x1x16xf32>,
          %get3A_1206 = vector.shape_cast %get3A_1205 : vector<1x1x16xf32> to vector<16xf32>
          %get3A_1207 = arith.index_cast %and3A_25 : i32 to index
          %get3A_1208 = arith.index_cast %add3A_1191 : i32 to index
          %get3A_1209 = arith.constant 48 : index
          %get3A_1210 = tpu.vector_load %arg6[%get3A_1207, %get3A_1208, %get3A_1209] {strides = array<i32>} : memref<2x416x64xf32, #tpu.memory_space<vmem>>, vector<1x1x16xf32>,
          %get3A_1211 = vector.shape_cast %get3A_1210 : vector<1x1x16xf32> to vector<16xf32>
          %add3A_1212 = arith.addf %add3A_1174, %get3A_1196 : vector<16xf32>
          %add3A_1213 = arith.addf %add3A_1175, %get3A_1201 : vector<16xf32>
          %add3A_1214 = arith.addf %add3A_1176, %get3A_1206 : vector<16xf32>
          %add3A_1215 = arith.addf %add3A_1177, %get3A_1211 : vector<16xf32>
          %mul3A_1216 = arith.mulf %get3A_1196, %get3A_1196 : vector<16xf32>
          %add3A_1217 = arith.addf %add3A_1179, %mul3A_1216 : vector<16xf32>
          %mul3A_1218 = arith.mulf %get3A_1201, %get3A_1201 : vector<16xf32>
          %add3A_1219 = arith.addf %add3A_1181, %mul3A_1218 : vector<16xf32>
          %mul3A_1220 = arith.mulf %get3A_1206, %get3A_1206 : vector<16xf32>
          %add3A_1221 = arith.addf %add3A_1183, %mul3A_1220 : vector<16xf32>
          %mul3A_1222 = arith.mulf %get3A_1211, %get3A_1211 : vector<16xf32>
          %add3A_1223 = arith.addf %add3A_1185, %mul3A_1222 : vector<16xf32>
          scf.yield %add3A_1212, %add3A_1213, %add3A_1214, %add3A_1215, %add3A_1217, %add3A_1219, %add3A_1221, %add3A_1223 : vector<16xf32>, vector<16xf32>, vector<16xf32>, vector<16xf32>, vector<16xf32>, vector<16xf32>, vector<16xf32>, vector<16xf32>
        }
        %scan3A_856 = arith.constant 26 : i32
        %jit3A_857 = arith.constant 4 : i32
        %eq3A_858 = arith.constant 0 : i32
        %eq3A_859 = arith.cmpi eq, %jit3A_857, %eq3A_858 : i32
        %jit3A_860 = arith.constant 1 : i32
        %select_n3A_861 = arith.select %eq3A_859, %jit3A_860, %jit3A_857 : i32
        %rem3A_862 = arith.remsi %scan3A_24, %select_n3A_861 : i32
        %ne3A_863 = arith.constant 0 : i32
        %ne3A_864 = arith.cmpi ne, %rem3A_862, %ne3A_863 : i32
        %lt3A_865 = arith.constant 0 : i32
        %lt3A_866 = arith.cmpi slt, %rem3A_862, %lt3A_865 : i32
        %lt3A_867 = arith.constant 0 : i32
        %lt3A_868 = arith.cmpi slt, %select_n3A_861, %lt3A_867 : i32
        %ne3A_869 = arith.xori %lt3A_866, %lt3A_868 : i1
        %and3A_870 = arith.andi %ne3A_869, %ne3A_864 : i1
        %add3A_871 = arith.addi %rem3A_862, %select_n3A_861 : i32
        %select_n3A_872 = arith.select %and3A_870, %add3A_871, %rem3A_862 : i32
        %mul3A_873 = arith.constant 16 : i32
        %mul3A_874 = arith.muli %select_n3A_872, %mul3A_873 : i32
        %add3A_875 = arith.constant 12 : i32
        %add3A_876 = arith.addi %mul3A_874, %add3A_875 : i32
        %mul3A_877 = arith.mulf %scan3A_855#0, %scan3A_855#0 : vector<16xf32>
        %sub3A_878 = arith.subf %mul3A_877, %scan3A_855#4 : vector<16xf32>
        %mul3A_879 = arith.constant 5.000000e-01 : f32
        %mul3A_880 = vector.broadcast %mul3A_879 : f32 to vector<16xf32>
        %mul3A_881 = arith.mulf %mul3A_880, %sub3A_878 : vector<16xf32>
        %swap3A_882 = arith.index_cast %add3A_876 : i32 to index
        %swap3A_883 = arith.constant 0 : index
        %swap3A_884 = tpu.vector_load %arg7[%swap3A_882, %swap3A_883] {strides = array<i32>} : memref<64x64xf32, #tpu.memory_space<vmem>>, vector<1x16xf32>,
        %swap3A_885 = vector.shape_cast %swap3A_884 : vector<1x16xf32> to vector<16xf32>
        %swap3A_886 = vector.shape_cast %mul3A_881 : vector<16xf32> to vector<1x16xf32>
        tpu.vector_store %arg7[%swap3A_882, %swap3A_883], %swap3A_886 {strides = array<i32>} : memref<64x64xf32, #tpu.memory_space<vmem>>, vector<1x16xf32>,
        %mul3A_887 = arith.mulf %scan3A_855#1, %scan3A_855#1 : vector<16xf32>
        %sub3A_888 = arith.subf %mul3A_887, %scan3A_855#5 : vector<16xf32>
        %mul3A_889 = arith.constant 5.000000e-01 : f32
        %mul3A_890 = vector.broadcast %mul3A_889 : f32 to vector<16xf32>
        %mul3A_891 = arith.mulf %mul3A_890, %sub3A_888 : vector<16xf32>
        %swap3A_892 = arith.index_cast %add3A_876 : i32 to index
        %swap3A_893 = arith.constant 16 : index
        %swap3A_894 = tpu.vector_load %arg7[%swap3A_892, %swap3A_893] {strides = array<i32>} : memref<64x64xf32, #tpu.memory_space<vmem>>, vector<1x16xf32>,
        %swap3A_895 = vector.shape_cast %swap3A_894 : vector<1x16xf32> to vector<16xf32>
        %swap3A_896 = vector.shape_cast %mul3A_891 : vector<16xf32> to vector<1x16xf32>
        tpu.vector_store %arg7[%swap3A_892, %swap3A_893], %swap3A_896 {strides = array<i32>} : memref<64x64xf32, #tpu.memory_space<vmem>>, vector<1x16xf32>,
        %mul3A_897 = arith.mulf %scan3A_855#2, %scan3A_855#2 : vector<16xf32>
        %sub3A_898 = arith.subf %mul3A_897, %scan3A_855#6 : vector<16xf32>
        %mul3A_899 = arith.constant 5.000000e-01 : f32
        %mul3A_900 = vector.broadcast %mul3A_899 : f32 to vector<16xf32>
        %mul3A_901 = arith.mulf %mul3A_900, %sub3A_898 : vector<16xf32>
        %swap3A_902 = arith.index_cast %add3A_876 : i32 to index
        %swap3A_903 = arith.constant 32 : index
        %swap3A_904 = tpu.vector_load %arg7[%swap3A_902, %swap3A_903] {strides = array<i32>} : memref<64x64xf32, #tpu.memory_space<vmem>>, vector<1x16xf32>,
        %swap3A_905 = vector.shape_cast %swap3A_904 : vector<1x16xf32> to vector<16xf32>
        %swap3A_906 = vector.shape_cast %mul3A_901 : vector<16xf32> to vector<1x16xf32>
        tpu.vector_store %arg7[%swap3A_902, %swap3A_903], %swap3A_906 {strides = array<i32>} : memref<64x64xf32, #tpu.memory_space<vmem>>, vector<1x16xf32>,
        %mul3A_907 = arith.mulf %scan3A_855#3, %scan3A_855#3 : vector<16xf32>
        %sub3A_908 = arith.subf %mul3A_907, %scan3A_855#7 : vector<16xf32>
        %mul3A_909 = arith.constant 5.000000e-01 : f32
        %mul3A_910 = vector.broadcast %mul3A_909 : f32 to vector<16xf32>
        %mul3A_911 = arith.mulf %mul3A_910, %sub3A_908 : vector<16xf32>
        %swap3A_912 = arith.index_cast %add3A_876 : i32 to index
        %swap3A_913 = arith.constant 48 : index
        %swap3A_914 = tpu.vector_load %arg7[%swap3A_912, %swap3A_913] {strides = array<i32>} : memref<64x64xf32, #tpu.memory_space<vmem>>, vector<1x16xf32>,
        %swap3A_915 = vector.shape_cast %swap3A_914 : vector<1x16xf32> to vector<16xf32>
        %swap3A_916 = vector.shape_cast %mul3A_911 : vector<16xf32> to vector<1x16xf32>
        tpu.vector_store %arg7[%swap3A_912, %swap3A_913], %swap3A_916 {strides = array<i32>} : memref<64x64xf32, #tpu.memory_space<vmem>>, vector<1x16xf32>,
        %broadcast_in_dim3A_917 = arith.constant 0.000000e+00 : f32
        %broadcast_in_dim3A_918 = vector.broadcast %broadcast_in_dim3A_917 : f32 to vector<16xf32>
        %scan3A_919 = arith.constant 0 : i32
        %scan3A_920 = arith.constant 26 : i32
        %scan3A_921 = arith.addi %scan3A_919, %scan3A_920 : i32
        %scan3A_922 = arith.constant 2 : i32
        %scan3A_923:8 = scf.for %scan3A_1142 = %scan3A_919 to %scan3A_921 step %scan3A_922 iter_args(%scan3A_1143 = %broadcast_in_dim3A_918, %scan3A_1144 = %broadcast_in_dim3A_918, %scan3A_1145 = %broadcast_in_dim3A_918, %scan3A_1146 = %broadcast_in_dim3A_918, %scan3A_1147 = %broadcast_in_dim3A_918, %scan3A_1148 = %broadcast_in_dim3A_918, %scan3A_1149 = %broadcast_in_dim3A_918, %scan3A_1150 = %broadcast_in_dim3A_918) -> (vector<16xf32>, vector<16xf32>, vector<16xf32>, vector<16xf32>, vector<16xf32>, vector<16xf32>, vector<16xf32>, vector<16xf32>)  : i32 {
          %mul3A_1151 = arith.constant 16 : i32
          %mul3A_1152 = arith.muli %scan3A_1142, %mul3A_1151 : i32
          %add3A_1153 = arith.constant 13 : i32
          %add3A_1154 = arith.addi %mul3A_1152, %add3A_1153 : i32
          %get3A = arith.index_cast %and3A_25 : i32 to index
          %get3A_1155 = arith.index_cast %add3A_1154 : i32 to index
          %get3A_1156 = arith.constant 0 : index
          %get3A_1157 = tpu.vector_load %arg6[%get3A, %get3A_1155, %get3A_1156] {strides = array<i32>} : memref<2x416x64xf32, #tpu.memory_space<vmem>>, vector<1x1x16xf32>,
          %get3A_1158 = vector.shape_cast %get3A_1157 : vector<1x1x16xf32> to vector<16xf32>
          %get3A_1159 = arith.index_cast %and3A_25 : i32 to index
          %get3A_1160 = arith.index_cast %add3A_1154 : i32 to index
          %get3A_1161 = arith.constant 16 : index
          %get3A_1162 = tpu.vector_load %arg6[%get3A_1159, %get3A_1160, %get3A_1161] {strides = array<i32>} : memref<2x416x64xf32, #tpu.memory_space<vmem>>, vector<1x1x16xf32>,
          %get3A_1163 = vector.shape_cast %get3A_1162 : vector<1x1x16xf32> to vector<16xf32>
          %get3A_1164 = arith.index_cast %and3A_25 : i32 to index
          %get3A_1165 = arith.index_cast %add3A_1154 : i32 to index
          %get3A_1166 = arith.constant 32 : index
          %get3A_1167 = tpu.vector_load %arg6[%get3A_1164, %get3A_1165, %get3A_1166] {strides = array<i32>} : memref<2x416x64xf32, #tpu.memory_space<vmem>>, vector<1x1x16xf32>,
          %get3A_1168 = vector.shape_cast %get3A_1167 : vector<1x1x16xf32> to vector<16xf32>
          %get3A_1169 = arith.index_cast %and3A_25 : i32 to index
          %get3A_1170 = arith.index_cast %add3A_1154 : i32 to index
          %get3A_1171 = arith.constant 48 : index
          %get3A_1172 = tpu.vector_load %arg6[%get3A_1169, %get3A_1170, %get3A_1171] {strides = array<i32>} : memref<2x416x64xf32, #tpu.memory_space<vmem>>, vector<1x1x16xf32>,
          %get3A_1173 = vector.shape_cast %get3A_1172 : vector<1x1x16xf32> to vector<16xf32>
          %add3A_1174 = arith.addf %scan3A_1143, %get3A_1158 : vector<16xf32>
          %add3A_1175 = arith.addf %scan3A_1144, %get3A_1163 : vector<16xf32>
          %add3A_1176 = arith.addf %scan3A_1145, %get3A_1168 : vector<16xf32>
          %add3A_1177 = arith.addf %scan3A_1146, %get3A_1173 : vector<16xf32>
          %mul3A_1178 = arith.mulf %get3A_1158, %get3A_1158 : vector<16xf32>
          %add3A_1179 = arith.addf %scan3A_1147, %mul3A_1178 : vector<16xf32>
          %mul3A_1180 = arith.mulf %get3A_1163, %get3A_1163 : vector<16xf32>
          %add3A_1181 = arith.addf %scan3A_1148, %mul3A_1180 : vector<16xf32>
          %mul3A_1182 = arith.mulf %get3A_1168, %get3A_1168 : vector<16xf32>
          %add3A_1183 = arith.addf %scan3A_1149, %mul3A_1182 : vector<16xf32>
          %mul3A_1184 = arith.mulf %get3A_1173, %get3A_1173 : vector<16xf32>
          %add3A_1185 = arith.addf %scan3A_1150, %mul3A_1184 : vector<16xf32>
          %scan3A_1186 = arith.constant 1 : i32
          %scan3A_1187 = arith.addi %scan3A_1142, %scan3A_1186 : i32
          %mul3A_1188 = arith.constant 16 : i32
          %mul3A_1189 = arith.muli %scan3A_1187, %mul3A_1188 : i32
          %add3A_1190 = arith.constant 13 : i32
          %add3A_1191 = arith.addi %mul3A_1189, %add3A_1190 : i32
          %get3A_1192 = arith.index_cast %and3A_25 : i32 to index
          %get3A_1193 = arith.index_cast %add3A_1191 : i32 to index
          %get3A_1194 = arith.constant 0 : index
          %get3A_1195 = tpu.vector_load %arg6[%get3A_1192, %get3A_1193, %get3A_1194] {strides = array<i32>} : memref<2x416x64xf32, #tpu.memory_space<vmem>>, vector<1x1x16xf32>,
          %get3A_1196 = vector.shape_cast %get3A_1195 : vector<1x1x16xf32> to vector<16xf32>
          %get3A_1197 = arith.index_cast %and3A_25 : i32 to index
          %get3A_1198 = arith.index_cast %add3A_1191 : i32 to index
          %get3A_1199 = arith.constant 16 : index
          %get3A_1200 = tpu.vector_load %arg6[%get3A_1197, %get3A_1198, %get3A_1199] {strides = array<i32>} : memref<2x416x64xf32, #tpu.memory_space<vmem>>, vector<1x1x16xf32>,
          %get3A_1201 = vector.shape_cast %get3A_1200 : vector<1x1x16xf32> to vector<16xf32>
          %get3A_1202 = arith.index_cast %and3A_25 : i32 to index
          %get3A_1203 = arith.index_cast %add3A_1191 : i32 to index
          %get3A_1204 = arith.constant 32 : index
          %get3A_1205 = tpu.vector_load %arg6[%get3A_1202, %get3A_1203, %get3A_1204] {strides = array<i32>} : memref<2x416x64xf32, #tpu.memory_space<vmem>>, vector<1x1x16xf32>,
          %get3A_1206 = vector.shape_cast %get3A_1205 : vector<1x1x16xf32> to vector<16xf32>
          %get3A_1207 = arith.index_cast %and3A_25 : i32 to index
          %get3A_1208 = arith.index_cast %add3A_1191 : i32 to index
          %get3A_1209 = arith.constant 48 : index
          %get3A_1210 = tpu.vector_load %arg6[%get3A_1207, %get3A_1208, %get3A_1209] {strides = array<i32>} : memref<2x416x64xf32, #tpu.memory_space<vmem>>, vector<1x1x16xf32>,
          %get3A_1211 = vector.shape_cast %get3A_1210 : vector<1x1x16xf32> to vector<16xf32>
          %add3A_1212 = arith.addf %add3A_1174, %get3A_1196 : vector<16xf32>
          %add3A_1213 = arith.addf %add3A_1175, %get3A_1201 : vector<16xf32>
          %add3A_1214 = arith.addf %add3A_1176, %get3A_1206 : vector<16xf32>
          %add3A_1215 = arith.addf %add3A_1177, %get3A_1211 : vector<16xf32>
          %mul3A_1216 = arith.mulf %get3A_1196, %get3A_1196 : vector<16xf32>
          %add3A_1217 = arith.addf %add3A_1179, %mul3A_1216 : vector<16xf32>
          %mul3A_1218 = arith.mulf %get3A_1201, %get3A_1201 : vector<16xf32>
          %add3A_1219 = arith.addf %add3A_1181, %mul3A_1218 : vector<16xf32>
          %mul3A_1220 = arith.mulf %get3A_1206, %get3A_1206 : vector<16xf32>
          %add3A_1221 = arith.addf %add3A_1183, %mul3A_1220 : vector<16xf32>
          %mul3A_1222 = arith.mulf %get3A_1211, %get3A_1211 : vector<16xf32>
          %add3A_1223 = arith.addf %add3A_1185, %mul3A_1222 : vector<16xf32>
          scf.yield %add3A_1212, %add3A_1213, %add3A_1214, %add3A_1215, %add3A_1217, %add3A_1219, %add3A_1221, %add3A_1223 : vector<16xf32>, vector<16xf32>, vector<16xf32>, vector<16xf32>, vector<16xf32>, vector<16xf32>, vector<16xf32>, vector<16xf32>
        }
        %scan3A_924 = arith.constant 26 : i32
        %jit3A_925 = arith.constant 4 : i32
        %eq3A_926 = arith.constant 0 : i32
        %eq3A_927 = arith.cmpi eq, %jit3A_925, %eq3A_926 : i32
        %jit3A_928 = arith.constant 1 : i32
        %select_n3A_929 = arith.select %eq3A_927, %jit3A_928, %jit3A_925 : i32
        %rem3A_930 = arith.remsi %scan3A_24, %select_n3A_929 : i32
        %ne3A_931 = arith.constant 0 : i32
        %ne3A_932 = arith.cmpi ne, %rem3A_930, %ne3A_931 : i32
        %lt3A_933 = arith.constant 0 : i32
        %lt3A_934 = arith.cmpi slt, %rem3A_930, %lt3A_933 : i32
        %lt3A_935 = arith.constant 0 : i32
        %lt3A_936 = arith.cmpi slt, %select_n3A_929, %lt3A_935 : i32
        %ne3A_937 = arith.xori %lt3A_934, %lt3A_936 : i1
        %and3A_938 = arith.andi %ne3A_937, %ne3A_932 : i1
        %add3A_939 = arith.addi %rem3A_930, %select_n3A_929 : i32
        %select_n3A_940 = arith.select %and3A_938, %add3A_939, %rem3A_930 : i32
        %mul3A_941 = arith.constant 16 : i32
        %mul3A_942 = arith.muli %select_n3A_940, %mul3A_941 : i32
        %add3A_943 = arith.constant 13 : i32
        %add3A_944 = arith.addi %mul3A_942, %add3A_943 : i32
        %mul3A_945 = arith.mulf %scan3A_923#0, %scan3A_923#0 : vector<16xf32>
        %sub3A_946 = arith.subf %mul3A_945, %scan3A_923#4 : vector<16xf32>
        %mul3A_947 = arith.constant 5.000000e-01 : f32
        %mul3A_948 = vector.broadcast %mul3A_947 : f32 to vector<16xf32>
        %mul3A_949 = arith.mulf %mul3A_948, %sub3A_946 : vector<16xf32>
        %swap3A_950 = arith.index_cast %add3A_944 : i32 to index
        %swap3A_951 = arith.constant 0 : index
        %swap3A_952 = tpu.vector_load %arg7[%swap3A_950, %swap3A_951] {strides = array<i32>} : memref<64x64xf32, #tpu.memory_space<vmem>>, vector<1x16xf32>,
        %swap3A_953 = vector.shape_cast %swap3A_952 : vector<1x16xf32> to vector<16xf32>
        %swap3A_954 = vector.shape_cast %mul3A_949 : vector<16xf32> to vector<1x16xf32>
        tpu.vector_store %arg7[%swap3A_950, %swap3A_951], %swap3A_954 {strides = array<i32>} : memref<64x64xf32, #tpu.memory_space<vmem>>, vector<1x16xf32>,
        %mul3A_955 = arith.mulf %scan3A_923#1, %scan3A_923#1 : vector<16xf32>
        %sub3A_956 = arith.subf %mul3A_955, %scan3A_923#5 : vector<16xf32>
        %mul3A_957 = arith.constant 5.000000e-01 : f32
        %mul3A_958 = vector.broadcast %mul3A_957 : f32 to vector<16xf32>
        %mul3A_959 = arith.mulf %mul3A_958, %sub3A_956 : vector<16xf32>
        %swap3A_960 = arith.index_cast %add3A_944 : i32 to index
        %swap3A_961 = arith.constant 16 : index
        %swap3A_962 = tpu.vector_load %arg7[%swap3A_960, %swap3A_961] {strides = array<i32>} : memref<64x64xf32, #tpu.memory_space<vmem>>, vector<1x16xf32>,
        %swap3A_963 = vector.shape_cast %swap3A_962 : vector<1x16xf32> to vector<16xf32>
        %swap3A_964 = vector.shape_cast %mul3A_959 : vector<16xf32> to vector<1x16xf32>
        tpu.vector_store %arg7[%swap3A_960, %swap3A_961], %swap3A_964 {strides = array<i32>} : memref<64x64xf32, #tpu.memory_space<vmem>>, vector<1x16xf32>,
        %mul3A_965 = arith.mulf %scan3A_923#2, %scan3A_923#2 : vector<16xf32>
        %sub3A_966 = arith.subf %mul3A_965, %scan3A_923#6 : vector<16xf32>
        %mul3A_967 = arith.constant 5.000000e-01 : f32
        %mul3A_968 = vector.broadcast %mul3A_967 : f32 to vector<16xf32>
        %mul3A_969 = arith.mulf %mul3A_968, %sub3A_966 : vector<16xf32>
        %swap3A_970 = arith.index_cast %add3A_944 : i32 to index
        %swap3A_971 = arith.constant 32 : index
        %swap3A_972 = tpu.vector_load %arg7[%swap3A_970, %swap3A_971] {strides = array<i32>} : memref<64x64xf32, #tpu.memory_space<vmem>>, vector<1x16xf32>,
        %swap3A_973 = vector.shape_cast %swap3A_972 : vector<1x16xf32> to vector<16xf32>
        %swap3A_974 = vector.shape_cast %mul3A_969 : vector<16xf32> to vector<1x16xf32>
        tpu.vector_store %arg7[%swap3A_970, %swap3A_971], %swap3A_974 {strides = array<i32>} : memref<64x64xf32, #tpu.memory_space<vmem>>, vector<1x16xf32>,
        %mul3A_975 = arith.mulf %scan3A_923#3, %scan3A_923#3 : vector<16xf32>
        %sub3A_976 = arith.subf %mul3A_975, %scan3A_923#7 : vector<16xf32>
        %mul3A_977 = arith.constant 5.000000e-01 : f32
        %mul3A_978 = vector.broadcast %mul3A_977 : f32 to vector<16xf32>
        %mul3A_979 = arith.mulf %mul3A_978, %sub3A_976 : vector<16xf32>
        %swap3A_980 = arith.index_cast %add3A_944 : i32 to index
        %swap3A_981 = arith.constant 48 : index
        %swap3A_982 = tpu.vector_load %arg7[%swap3A_980, %swap3A_981] {strides = array<i32>} : memref<64x64xf32, #tpu.memory_space<vmem>>, vector<1x16xf32>,
        %swap3A_983 = vector.shape_cast %swap3A_982 : vector<1x16xf32> to vector<16xf32>
        %swap3A_984 = vector.shape_cast %mul3A_979 : vector<16xf32> to vector<1x16xf32>
        tpu.vector_store %arg7[%swap3A_980, %swap3A_981], %swap3A_984 {strides = array<i32>} : memref<64x64xf32, #tpu.memory_space<vmem>>, vector<1x16xf32>,
        %broadcast_in_dim3A_985 = arith.constant 0.000000e+00 : f32
        %broadcast_in_dim3A_986 = vector.broadcast %broadcast_in_dim3A_985 : f32 to vector<16xf32>
        %scan3A_987 = arith.constant 0 : i32
        %scan3A_988 = arith.constant 26 : i32
        %scan3A_989 = arith.addi %scan3A_987, %scan3A_988 : i32
        %scan3A_990 = arith.constant 2 : i32
        %scan3A_991:8 = scf.for %scan3A_1142 = %scan3A_987 to %scan3A_989 step %scan3A_990 iter_args(%scan3A_1143 = %broadcast_in_dim3A_986, %scan3A_1144 = %broadcast_in_dim3A_986, %scan3A_1145 = %broadcast_in_dim3A_986, %scan3A_1146 = %broadcast_in_dim3A_986, %scan3A_1147 = %broadcast_in_dim3A_986, %scan3A_1148 = %broadcast_in_dim3A_986, %scan3A_1149 = %broadcast_in_dim3A_986, %scan3A_1150 = %broadcast_in_dim3A_986) -> (vector<16xf32>, vector<16xf32>, vector<16xf32>, vector<16xf32>, vector<16xf32>, vector<16xf32>, vector<16xf32>, vector<16xf32>)  : i32 {
          %mul3A_1151 = arith.constant 16 : i32
          %mul3A_1152 = arith.muli %scan3A_1142, %mul3A_1151 : i32
          %add3A_1153 = arith.constant 14 : i32
          %add3A_1154 = arith.addi %mul3A_1152, %add3A_1153 : i32
          %get3A = arith.index_cast %and3A_25 : i32 to index
          %get3A_1155 = arith.index_cast %add3A_1154 : i32 to index
          %get3A_1156 = arith.constant 0 : index
          %get3A_1157 = tpu.vector_load %arg6[%get3A, %get3A_1155, %get3A_1156] {strides = array<i32>} : memref<2x416x64xf32, #tpu.memory_space<vmem>>, vector<1x1x16xf32>,
          %get3A_1158 = vector.shape_cast %get3A_1157 : vector<1x1x16xf32> to vector<16xf32>
          %get3A_1159 = arith.index_cast %and3A_25 : i32 to index
          %get3A_1160 = arith.index_cast %add3A_1154 : i32 to index
          %get3A_1161 = arith.constant 16 : index
          %get3A_1162 = tpu.vector_load %arg6[%get3A_1159, %get3A_1160, %get3A_1161] {strides = array<i32>} : memref<2x416x64xf32, #tpu.memory_space<vmem>>, vector<1x1x16xf32>,
          %get3A_1163 = vector.shape_cast %get3A_1162 : vector<1x1x16xf32> to vector<16xf32>
          %get3A_1164 = arith.index_cast %and3A_25 : i32 to index
          %get3A_1165 = arith.index_cast %add3A_1154 : i32 to index
          %get3A_1166 = arith.constant 32 : index
          %get3A_1167 = tpu.vector_load %arg6[%get3A_1164, %get3A_1165, %get3A_1166] {strides = array<i32>} : memref<2x416x64xf32, #tpu.memory_space<vmem>>, vector<1x1x16xf32>,
          %get3A_1168 = vector.shape_cast %get3A_1167 : vector<1x1x16xf32> to vector<16xf32>
          %get3A_1169 = arith.index_cast %and3A_25 : i32 to index
          %get3A_1170 = arith.index_cast %add3A_1154 : i32 to index
          %get3A_1171 = arith.constant 48 : index
          %get3A_1172 = tpu.vector_load %arg6[%get3A_1169, %get3A_1170, %get3A_1171] {strides = array<i32>} : memref<2x416x64xf32, #tpu.memory_space<vmem>>, vector<1x1x16xf32>,
          %get3A_1173 = vector.shape_cast %get3A_1172 : vector<1x1x16xf32> to vector<16xf32>
          %add3A_1174 = arith.addf %scan3A_1143, %get3A_1158 : vector<16xf32>
          %add3A_1175 = arith.addf %scan3A_1144, %get3A_1163 : vector<16xf32>
          %add3A_1176 = arith.addf %scan3A_1145, %get3A_1168 : vector<16xf32>
          %add3A_1177 = arith.addf %scan3A_1146, %get3A_1173 : vector<16xf32>
          %mul3A_1178 = arith.mulf %get3A_1158, %get3A_1158 : vector<16xf32>
          %add3A_1179 = arith.addf %scan3A_1147, %mul3A_1178 : vector<16xf32>
          %mul3A_1180 = arith.mulf %get3A_1163, %get3A_1163 : vector<16xf32>
          %add3A_1181 = arith.addf %scan3A_1148, %mul3A_1180 : vector<16xf32>
          %mul3A_1182 = arith.mulf %get3A_1168, %get3A_1168 : vector<16xf32>
          %add3A_1183 = arith.addf %scan3A_1149, %mul3A_1182 : vector<16xf32>
          %mul3A_1184 = arith.mulf %get3A_1173, %get3A_1173 : vector<16xf32>
          %add3A_1185 = arith.addf %scan3A_1150, %mul3A_1184 : vector<16xf32>
          %scan3A_1186 = arith.constant 1 : i32
          %scan3A_1187 = arith.addi %scan3A_1142, %scan3A_1186 : i32
          %mul3A_1188 = arith.constant 16 : i32
          %mul3A_1189 = arith.muli %scan3A_1187, %mul3A_1188 : i32
          %add3A_1190 = arith.constant 14 : i32
          %add3A_1191 = arith.addi %mul3A_1189, %add3A_1190 : i32
          %get3A_1192 = arith.index_cast %and3A_25 : i32 to index
          %get3A_1193 = arith.index_cast %add3A_1191 : i32 to index
          %get3A_1194 = arith.constant 0 : index
          %get3A_1195 = tpu.vector_load %arg6[%get3A_1192, %get3A_1193, %get3A_1194] {strides = array<i32>} : memref<2x416x64xf32, #tpu.memory_space<vmem>>, vector<1x1x16xf32>,
          %get3A_1196 = vector.shape_cast %get3A_1195 : vector<1x1x16xf32> to vector<16xf32>
          %get3A_1197 = arith.index_cast %and3A_25 : i32 to index
          %get3A_1198 = arith.index_cast %add3A_1191 : i32 to index
          %get3A_1199 = arith.constant 16 : index
          %get3A_1200 = tpu.vector_load %arg6[%get3A_1197, %get3A_1198, %get3A_1199] {strides = array<i32>} : memref<2x416x64xf32, #tpu.memory_space<vmem>>, vector<1x1x16xf32>,
          %get3A_1201 = vector.shape_cast %get3A_1200 : vector<1x1x16xf32> to vector<16xf32>
          %get3A_1202 = arith.index_cast %and3A_25 : i32 to index
          %get3A_1203 = arith.index_cast %add3A_1191 : i32 to index
          %get3A_1204 = arith.constant 32 : index
          %get3A_1205 = tpu.vector_load %arg6[%get3A_1202, %get3A_1203, %get3A_1204] {strides = array<i32>} : memref<2x416x64xf32, #tpu.memory_space<vmem>>, vector<1x1x16xf32>,
          %get3A_1206 = vector.shape_cast %get3A_1205 : vector<1x1x16xf32> to vector<16xf32>
          %get3A_1207 = arith.index_cast %and3A_25 : i32 to index
          %get3A_1208 = arith.index_cast %add3A_1191 : i32 to index
          %get3A_1209 = arith.constant 48 : index
          %get3A_1210 = tpu.vector_load %arg6[%get3A_1207, %get3A_1208, %get3A_1209] {strides = array<i32>} : memref<2x416x64xf32, #tpu.memory_space<vmem>>, vector<1x1x16xf32>,
          %get3A_1211 = vector.shape_cast %get3A_1210 : vector<1x1x16xf32> to vector<16xf32>
          %add3A_1212 = arith.addf %add3A_1174, %get3A_1196 : vector<16xf32>
          %add3A_1213 = arith.addf %add3A_1175, %get3A_1201 : vector<16xf32>
          %add3A_1214 = arith.addf %add3A_1176, %get3A_1206 : vector<16xf32>
          %add3A_1215 = arith.addf %add3A_1177, %get3A_1211 : vector<16xf32>
          %mul3A_1216 = arith.mulf %get3A_1196, %get3A_1196 : vector<16xf32>
          %add3A_1217 = arith.addf %add3A_1179, %mul3A_1216 : vector<16xf32>
          %mul3A_1218 = arith.mulf %get3A_1201, %get3A_1201 : vector<16xf32>
          %add3A_1219 = arith.addf %add3A_1181, %mul3A_1218 : vector<16xf32>
          %mul3A_1220 = arith.mulf %get3A_1206, %get3A_1206 : vector<16xf32>
          %add3A_1221 = arith.addf %add3A_1183, %mul3A_1220 : vector<16xf32>
          %mul3A_1222 = arith.mulf %get3A_1211, %get3A_1211 : vector<16xf32>
          %add3A_1223 = arith.addf %add3A_1185, %mul3A_1222 : vector<16xf32>
          scf.yield %add3A_1212, %add3A_1213, %add3A_1214, %add3A_1215, %add3A_1217, %add3A_1219, %add3A_1221, %add3A_1223 : vector<16xf32>, vector<16xf32>, vector<16xf32>, vector<16xf32>, vector<16xf32>, vector<16xf32>, vector<16xf32>, vector<16xf32>
        }
        %scan3A_992 = arith.constant 26 : i32
        %jit3A_993 = arith.constant 4 : i32
        %eq3A_994 = arith.constant 0 : i32
        %eq3A_995 = arith.cmpi eq, %jit3A_993, %eq3A_994 : i32
        %jit3A_996 = arith.constant 1 : i32
        %select_n3A_997 = arith.select %eq3A_995, %jit3A_996, %jit3A_993 : i32
        %rem3A_998 = arith.remsi %scan3A_24, %select_n3A_997 : i32
        %ne3A_999 = arith.constant 0 : i32
        %ne3A_1000 = arith.cmpi ne, %rem3A_998, %ne3A_999 : i32
        %lt3A_1001 = arith.constant 0 : i32
        %lt3A_1002 = arith.cmpi slt, %rem3A_998, %lt3A_1001 : i32
        %lt3A_1003 = arith.constant 0 : i32
        %lt3A_1004 = arith.cmpi slt, %select_n3A_997, %lt3A_1003 : i32
        %ne3A_1005 = arith.xori %lt3A_1002, %lt3A_1004 : i1
        %and3A_1006 = arith.andi %ne3A_1005, %ne3A_1000 : i1
        %add3A_1007 = arith.addi %rem3A_998, %select_n3A_997 : i32
        %select_n3A_1008 = arith.select %and3A_1006, %add3A_1007, %rem3A_998 : i32
        %mul3A_1009 = arith.constant 16 : i32
        %mul3A_1010 = arith.muli %select_n3A_1008, %mul3A_1009 : i32
        %add3A_1011 = arith.constant 14 : i32
        %add3A_1012 = arith.addi %mul3A_1010, %add3A_1011 : i32
        %mul3A_1013 = arith.mulf %scan3A_991#0, %scan3A_991#0 : vector<16xf32>
        %sub3A_1014 = arith.subf %mul3A_1013, %scan3A_991#4 : vector<16xf32>
        %mul3A_1015 = arith.constant 5.000000e-01 : f32
        %mul3A_1016 = vector.broadcast %mul3A_1015 : f32 to vector<16xf32>
        %mul3A_1017 = arith.mulf %mul3A_1016, %sub3A_1014 : vector<16xf32>
        %swap3A_1018 = arith.index_cast %add3A_1012 : i32 to index
        %swap3A_1019 = arith.constant 0 : index
        %swap3A_1020 = tpu.vector_load %arg7[%swap3A_1018, %swap3A_1019] {strides = array<i32>} : memref<64x64xf32, #tpu.memory_space<vmem>>, vector<1x16xf32>,
        %swap3A_1021 = vector.shape_cast %swap3A_1020 : vector<1x16xf32> to vector<16xf32>
        %swap3A_1022 = vector.shape_cast %mul3A_1017 : vector<16xf32> to vector<1x16xf32>
        tpu.vector_store %arg7[%swap3A_1018, %swap3A_1019], %swap3A_1022 {strides = array<i32>} : memref<64x64xf32, #tpu.memory_space<vmem>>, vector<1x16xf32>,
        %mul3A_1023 = arith.mulf %scan3A_991#1, %scan3A_991#1 : vector<16xf32>
        %sub3A_1024 = arith.subf %mul3A_1023, %scan3A_991#5 : vector<16xf32>
        %mul3A_1025 = arith.constant 5.000000e-01 : f32
        %mul3A_1026 = vector.broadcast %mul3A_1025 : f32 to vector<16xf32>
        %mul3A_1027 = arith.mulf %mul3A_1026, %sub3A_1024 : vector<16xf32>
        %swap3A_1028 = arith.index_cast %add3A_1012 : i32 to index
        %swap3A_1029 = arith.constant 16 : index
        %swap3A_1030 = tpu.vector_load %arg7[%swap3A_1028, %swap3A_1029] {strides = array<i32>} : memref<64x64xf32, #tpu.memory_space<vmem>>, vector<1x16xf32>,
        %swap3A_1031 = vector.shape_cast %swap3A_1030 : vector<1x16xf32> to vector<16xf32>
        %swap3A_1032 = vector.shape_cast %mul3A_1027 : vector<16xf32> to vector<1x16xf32>
        tpu.vector_store %arg7[%swap3A_1028, %swap3A_1029], %swap3A_1032 {strides = array<i32>} : memref<64x64xf32, #tpu.memory_space<vmem>>, vector<1x16xf32>,
        %mul3A_1033 = arith.mulf %scan3A_991#2, %scan3A_991#2 : vector<16xf32>
        %sub3A_1034 = arith.subf %mul3A_1033, %scan3A_991#6 : vector<16xf32>
        %mul3A_1035 = arith.constant 5.000000e-01 : f32
        %mul3A_1036 = vector.broadcast %mul3A_1035 : f32 to vector<16xf32>
        %mul3A_1037 = arith.mulf %mul3A_1036, %sub3A_1034 : vector<16xf32>
        %swap3A_1038 = arith.index_cast %add3A_1012 : i32 to index
        %swap3A_1039 = arith.constant 32 : index
        %swap3A_1040 = tpu.vector_load %arg7[%swap3A_1038, %swap3A_1039] {strides = array<i32>} : memref<64x64xf32, #tpu.memory_space<vmem>>, vector<1x16xf32>,
        %swap3A_1041 = vector.shape_cast %swap3A_1040 : vector<1x16xf32> to vector<16xf32>
        %swap3A_1042 = vector.shape_cast %mul3A_1037 : vector<16xf32> to vector<1x16xf32>
        tpu.vector_store %arg7[%swap3A_1038, %swap3A_1039], %swap3A_1042 {strides = array<i32>} : memref<64x64xf32, #tpu.memory_space<vmem>>, vector<1x16xf32>,
        %mul3A_1043 = arith.mulf %scan3A_991#3, %scan3A_991#3 : vector<16xf32>
        %sub3A_1044 = arith.subf %mul3A_1043, %scan3A_991#7 : vector<16xf32>
        %mul3A_1045 = arith.constant 5.000000e-01 : f32
        %mul3A_1046 = vector.broadcast %mul3A_1045 : f32 to vector<16xf32>
        %mul3A_1047 = arith.mulf %mul3A_1046, %sub3A_1044 : vector<16xf32>
        %swap3A_1048 = arith.index_cast %add3A_1012 : i32 to index
        %swap3A_1049 = arith.constant 48 : index
        %swap3A_1050 = tpu.vector_load %arg7[%swap3A_1048, %swap3A_1049] {strides = array<i32>} : memref<64x64xf32, #tpu.memory_space<vmem>>, vector<1x16xf32>,
        %swap3A_1051 = vector.shape_cast %swap3A_1050 : vector<1x16xf32> to vector<16xf32>
        %swap3A_1052 = vector.shape_cast %mul3A_1047 : vector<16xf32> to vector<1x16xf32>
        tpu.vector_store %arg7[%swap3A_1048, %swap3A_1049], %swap3A_1052 {strides = array<i32>} : memref<64x64xf32, #tpu.memory_space<vmem>>, vector<1x16xf32>,
        %broadcast_in_dim3A_1053 = arith.constant 0.000000e+00 : f32
        %broadcast_in_dim3A_1054 = vector.broadcast %broadcast_in_dim3A_1053 : f32 to vector<16xf32>
        %scan3A_1055 = arith.constant 0 : i32
        %scan3A_1056 = arith.constant 26 : i32
        %scan3A_1057 = arith.addi %scan3A_1055, %scan3A_1056 : i32
        %scan3A_1058 = arith.constant 2 : i32
        %scan3A_1059:8 = scf.for %scan3A_1142 = %scan3A_1055 to %scan3A_1057 step %scan3A_1058 iter_args(%scan3A_1143 = %broadcast_in_dim3A_1054, %scan3A_1144 = %broadcast_in_dim3A_1054, %scan3A_1145 = %broadcast_in_dim3A_1054, %scan3A_1146 = %broadcast_in_dim3A_1054, %scan3A_1147 = %broadcast_in_dim3A_1054, %scan3A_1148 = %broadcast_in_dim3A_1054, %scan3A_1149 = %broadcast_in_dim3A_1054, %scan3A_1150 = %broadcast_in_dim3A_1054) -> (vector<16xf32>, vector<16xf32>, vector<16xf32>, vector<16xf32>, vector<16xf32>, vector<16xf32>, vector<16xf32>, vector<16xf32>)  : i32 {
          %mul3A_1151 = arith.constant 16 : i32
          %mul3A_1152 = arith.muli %scan3A_1142, %mul3A_1151 : i32
          %add3A_1153 = arith.constant 15 : i32
          %add3A_1154 = arith.addi %mul3A_1152, %add3A_1153 : i32
          %get3A = arith.index_cast %and3A_25 : i32 to index
          %get3A_1155 = arith.index_cast %add3A_1154 : i32 to index
          %get3A_1156 = arith.constant 0 : index
          %get3A_1157 = tpu.vector_load %arg6[%get3A, %get3A_1155, %get3A_1156] {strides = array<i32>} : memref<2x416x64xf32, #tpu.memory_space<vmem>>, vector<1x1x16xf32>,
          %get3A_1158 = vector.shape_cast %get3A_1157 : vector<1x1x16xf32> to vector<16xf32>
          %get3A_1159 = arith.index_cast %and3A_25 : i32 to index
          %get3A_1160 = arith.index_cast %add3A_1154 : i32 to index
          %get3A_1161 = arith.constant 16 : index
          %get3A_1162 = tpu.vector_load %arg6[%get3A_1159, %get3A_1160, %get3A_1161] {strides = array<i32>} : memref<2x416x64xf32, #tpu.memory_space<vmem>>, vector<1x1x16xf32>,
          %get3A_1163 = vector.shape_cast %get3A_1162 : vector<1x1x16xf32> to vector<16xf32>
          %get3A_1164 = arith.index_cast %and3A_25 : i32 to index
          %get3A_1165 = arith.index_cast %add3A_1154 : i32 to index
          %get3A_1166 = arith.constant 32 : index
          %get3A_1167 = tpu.vector_load %arg6[%get3A_1164, %get3A_1165, %get3A_1166] {strides = array<i32>} : memref<2x416x64xf32, #tpu.memory_space<vmem>>, vector<1x1x16xf32>,
          %get3A_1168 = vector.shape_cast %get3A_1167 : vector<1x1x16xf32> to vector<16xf32>
          %get3A_1169 = arith.index_cast %and3A_25 : i32 to index
          %get3A_1170 = arith.index_cast %add3A_1154 : i32 to index
          %get3A_1171 = arith.constant 48 : index
          %get3A_1172 = tpu.vector_load %arg6[%get3A_1169, %get3A_1170, %get3A_1171] {strides = array<i32>} : memref<2x416x64xf32, #tpu.memory_space<vmem>>, vector<1x1x16xf32>,
          %get3A_1173 = vector.shape_cast %get3A_1172 : vector<1x1x16xf32> to vector<16xf32>
          %add3A_1174 = arith.addf %scan3A_1143, %get3A_1158 : vector<16xf32>
          %add3A_1175 = arith.addf %scan3A_1144, %get3A_1163 : vector<16xf32>
          %add3A_1176 = arith.addf %scan3A_1145, %get3A_1168 : vector<16xf32>
          %add3A_1177 = arith.addf %scan3A_1146, %get3A_1173 : vector<16xf32>
          %mul3A_1178 = arith.mulf %get3A_1158, %get3A_1158 : vector<16xf32>
          %add3A_1179 = arith.addf %scan3A_1147, %mul3A_1178 : vector<16xf32>
          %mul3A_1180 = arith.mulf %get3A_1163, %get3A_1163 : vector<16xf32>
          %add3A_1181 = arith.addf %scan3A_1148, %mul3A_1180 : vector<16xf32>
          %mul3A_1182 = arith.mulf %get3A_1168, %get3A_1168 : vector<16xf32>
          %add3A_1183 = arith.addf %scan3A_1149, %mul3A_1182 : vector<16xf32>
          %mul3A_1184 = arith.mulf %get3A_1173, %get3A_1173 : vector<16xf32>
          %add3A_1185 = arith.addf %scan3A_1150, %mul3A_1184 : vector<16xf32>
          %scan3A_1186 = arith.constant 1 : i32
          %scan3A_1187 = arith.addi %scan3A_1142, %scan3A_1186 : i32
          %mul3A_1188 = arith.constant 16 : i32
          %mul3A_1189 = arith.muli %scan3A_1187, %mul3A_1188 : i32
          %add3A_1190 = arith.constant 15 : i32
          %add3A_1191 = arith.addi %mul3A_1189, %add3A_1190 : i32
          %get3A_1192 = arith.index_cast %and3A_25 : i32 to index
          %get3A_1193 = arith.index_cast %add3A_1191 : i32 to index
          %get3A_1194 = arith.constant 0 : index
          %get3A_1195 = tpu.vector_load %arg6[%get3A_1192, %get3A_1193, %get3A_1194] {strides = array<i32>} : memref<2x416x64xf32, #tpu.memory_space<vmem>>, vector<1x1x16xf32>,
          %get3A_1196 = vector.shape_cast %get3A_1195 : vector<1x1x16xf32> to vector<16xf32>
          %get3A_1197 = arith.index_cast %and3A_25 : i32 to index
          %get3A_1198 = arith.index_cast %add3A_1191 : i32 to index
          %get3A_1199 = arith.constant 16 : index
          %get3A_1200 = tpu.vector_load %arg6[%get3A_1197, %get3A_1198, %get3A_1199] {strides = array<i32>} : memref<2x416x64xf32, #tpu.memory_space<vmem>>, vector<1x1x16xf32>,
          %get3A_1201 = vector.shape_cast %get3A_1200 : vector<1x1x16xf32> to vector<16xf32>
          %get3A_1202 = arith.index_cast %and3A_25 : i32 to index
          %get3A_1203 = arith.index_cast %add3A_1191 : i32 to index
          %get3A_1204 = arith.constant 32 : index
          %get3A_1205 = tpu.vector_load %arg6[%get3A_1202, %get3A_1203, %get3A_1204] {strides = array<i32>} : memref<2x416x64xf32, #tpu.memory_space<vmem>>, vector<1x1x16xf32>,
          %get3A_1206 = vector.shape_cast %get3A_1205 : vector<1x1x16xf32> to vector<16xf32>
          %get3A_1207 = arith.index_cast %and3A_25 : i32 to index
          %get3A_1208 = arith.index_cast %add3A_1191 : i32 to index
          %get3A_1209 = arith.constant 48 : index
          %get3A_1210 = tpu.vector_load %arg6[%get3A_1207, %get3A_1208, %get3A_1209] {strides = array<i32>} : memref<2x416x64xf32, #tpu.memory_space<vmem>>, vector<1x1x16xf32>,
          %get3A_1211 = vector.shape_cast %get3A_1210 : vector<1x1x16xf32> to vector<16xf32>
          %add3A_1212 = arith.addf %add3A_1174, %get3A_1196 : vector<16xf32>
          %add3A_1213 = arith.addf %add3A_1175, %get3A_1201 : vector<16xf32>
          %add3A_1214 = arith.addf %add3A_1176, %get3A_1206 : vector<16xf32>
          %add3A_1215 = arith.addf %add3A_1177, %get3A_1211 : vector<16xf32>
          %mul3A_1216 = arith.mulf %get3A_1196, %get3A_1196 : vector<16xf32>
          %add3A_1217 = arith.addf %add3A_1179, %mul3A_1216 : vector<16xf32>
          %mul3A_1218 = arith.mulf %get3A_1201, %get3A_1201 : vector<16xf32>
          %add3A_1219 = arith.addf %add3A_1181, %mul3A_1218 : vector<16xf32>
          %mul3A_1220 = arith.mulf %get3A_1206, %get3A_1206 : vector<16xf32>
          %add3A_1221 = arith.addf %add3A_1183, %mul3A_1220 : vector<16xf32>
          %mul3A_1222 = arith.mulf %get3A_1211, %get3A_1211 : vector<16xf32>
          %add3A_1223 = arith.addf %add3A_1185, %mul3A_1222 : vector<16xf32>
          scf.yield %add3A_1212, %add3A_1213, %add3A_1214, %add3A_1215, %add3A_1217, %add3A_1219, %add3A_1221, %add3A_1223 : vector<16xf32>, vector<16xf32>, vector<16xf32>, vector<16xf32>, vector<16xf32>, vector<16xf32>, vector<16xf32>, vector<16xf32>
        }
        %scan3A_1060 = arith.constant 26 : i32
        %jit3A_1061 = arith.constant 4 : i32
        %eq3A_1062 = arith.constant 0 : i32
        %eq3A_1063 = arith.cmpi eq, %jit3A_1061, %eq3A_1062 : i32
        %jit3A_1064 = arith.constant 1 : i32
        %select_n3A_1065 = arith.select %eq3A_1063, %jit3A_1064, %jit3A_1061 : i32
        %rem3A_1066 = arith.remsi %scan3A_24, %select_n3A_1065 : i32
        %ne3A_1067 = arith.constant 0 : i32
        %ne3A_1068 = arith.cmpi ne, %rem3A_1066, %ne3A_1067 : i32
        %lt3A_1069 = arith.constant 0 : i32
        %lt3A_1070 = arith.cmpi slt, %rem3A_1066, %lt3A_1069 : i32
        %lt3A_1071 = arith.constant 0 : i32
        %lt3A_1072 = arith.cmpi slt, %select_n3A_1065, %lt3A_1071 : i32
        %ne3A_1073 = arith.xori %lt3A_1070, %lt3A_1072 : i1
        %and3A_1074 = arith.andi %ne3A_1073, %ne3A_1068 : i1
        %add3A_1075 = arith.addi %rem3A_1066, %select_n3A_1065 : i32
        %select_n3A_1076 = arith.select %and3A_1074, %add3A_1075, %rem3A_1066 : i32
        %mul3A_1077 = arith.constant 16 : i32
        %mul3A_1078 = arith.muli %select_n3A_1076, %mul3A_1077 : i32
        %add3A_1079 = arith.constant 15 : i32
        %add3A_1080 = arith.addi %mul3A_1078, %add3A_1079 : i32
        %mul3A_1081 = arith.mulf %scan3A_1059#0, %scan3A_1059#0 : vector<16xf32>
        %sub3A_1082 = arith.subf %mul3A_1081, %scan3A_1059#4 : vector<16xf32>
        %mul3A_1083 = arith.constant 5.000000e-01 : f32
        %mul3A_1084 = vector.broadcast %mul3A_1083 : f32 to vector<16xf32>
        %mul3A_1085 = arith.mulf %mul3A_1084, %sub3A_1082 : vector<16xf32>
        %swap3A_1086 = arith.index_cast %add3A_1080 : i32 to index
        %swap3A_1087 = arith.constant 0 : index
        %swap3A_1088 = tpu.vector_load %arg7[%swap3A_1086, %swap3A_1087] {strides = array<i32>} : memref<64x64xf32, #tpu.memory_space<vmem>>, vector<1x16xf32>,
        %swap3A_1089 = vector.shape_cast %swap3A_1088 : vector<1x16xf32> to vector<16xf32>
        %swap3A_1090 = vector.shape_cast %mul3A_1085 : vector<16xf32> to vector<1x16xf32>
        tpu.vector_store %arg7[%swap3A_1086, %swap3A_1087], %swap3A_1090 {strides = array<i32>} : memref<64x64xf32, #tpu.memory_space<vmem>>, vector<1x16xf32>,
        %mul3A_1091 = arith.mulf %scan3A_1059#1, %scan3A_1059#1 : vector<16xf32>
        %sub3A_1092 = arith.subf %mul3A_1091, %scan3A_1059#5 : vector<16xf32>
        %mul3A_1093 = arith.constant 5.000000e-01 : f32
        %mul3A_1094 = vector.broadcast %mul3A_1093 : f32 to vector<16xf32>
        %mul3A_1095 = arith.mulf %mul3A_1094, %sub3A_1092 : vector<16xf32>
        %swap3A_1096 = arith.index_cast %add3A_1080 : i32 to index
        %swap3A_1097 = arith.constant 16 : index
        %swap3A_1098 = tpu.vector_load %arg7[%swap3A_1096, %swap3A_1097] {strides = array<i32>} : memref<64x64xf32, #tpu.memory_space<vmem>>, vector<1x16xf32>,
        %swap3A_1099 = vector.shape_cast %swap3A_1098 : vector<1x16xf32> to vector<16xf32>
        %swap3A_1100 = vector.shape_cast %mul3A_1095 : vector<16xf32> to vector<1x16xf32>
        tpu.vector_store %arg7[%swap3A_1096, %swap3A_1097], %swap3A_1100 {strides = array<i32>} : memref<64x64xf32, #tpu.memory_space<vmem>>, vector<1x16xf32>,
        %mul3A_1101 = arith.mulf %scan3A_1059#2, %scan3A_1059#2 : vector<16xf32>
        %sub3A_1102 = arith.subf %mul3A_1101, %scan3A_1059#6 : vector<16xf32>
        %mul3A_1103 = arith.constant 5.000000e-01 : f32
        %mul3A_1104 = vector.broadcast %mul3A_1103 : f32 to vector<16xf32>
        %mul3A_1105 = arith.mulf %mul3A_1104, %sub3A_1102 : vector<16xf32>
        %swap3A_1106 = arith.index_cast %add3A_1080 : i32 to index
        %swap3A_1107 = arith.constant 32 : index
        %swap3A_1108 = tpu.vector_load %arg7[%swap3A_1106, %swap3A_1107] {strides = array<i32>} : memref<64x64xf32, #tpu.memory_space<vmem>>, vector<1x16xf32>,
        %swap3A_1109 = vector.shape_cast %swap3A_1108 : vector<1x16xf32> to vector<16xf32>
        %swap3A_1110 = vector.shape_cast %mul3A_1105 : vector<16xf32> to vector<1x16xf32>
        tpu.vector_store %arg7[%swap3A_1106, %swap3A_1107], %swap3A_1110 {strides = array<i32>} : memref<64x64xf32, #tpu.memory_space<vmem>>, vector<1x16xf32>,
        %mul3A_1111 = arith.mulf %scan3A_1059#3, %scan3A_1059#3 : vector<16xf32>
        %sub3A_1112 = arith.subf %mul3A_1111, %scan3A_1059#7 : vector<16xf32>
        %mul3A_1113 = arith.constant 5.000000e-01 : f32
        %mul3A_1114 = vector.broadcast %mul3A_1113 : f32 to vector<16xf32>
        %mul3A_1115 = arith.mulf %mul3A_1114, %sub3A_1112 : vector<16xf32>
        %swap3A_1116 = arith.index_cast %add3A_1080 : i32 to index
        %swap3A_1117 = arith.constant 48 : index
        %swap3A_1118 = tpu.vector_load %arg7[%swap3A_1116, %swap3A_1117] {strides = array<i32>} : memref<64x64xf32, #tpu.memory_space<vmem>>, vector<1x16xf32>,
        %swap3A_1119 = vector.shape_cast %swap3A_1118 : vector<1x16xf32> to vector<16xf32>
        %swap3A_1120 = vector.shape_cast %mul3A_1115 : vector<16xf32> to vector<1x16xf32>
        tpu.vector_store %arg7[%swap3A_1116, %swap3A_1117], %swap3A_1120 {strides = array<i32>} : memref<64x64xf32, #tpu.memory_space<vmem>>, vector<1x16xf32>,
        %jit3A_1121 = arith.constant 4 : i32
        %eq3A_1122 = arith.constant 0 : i32
        %eq3A_1123 = arith.cmpi eq, %jit3A_1121, %eq3A_1122 : i32
        %jit3A_1124 = arith.constant 1 : i32
        %select_n3A_1125 = arith.select %eq3A_1123, %jit3A_1124, %jit3A_1121 : i32
        %rem3A_1126 = arith.remsi %scan3A_24, %select_n3A_1125 : i32
        %ne3A_1127 = arith.constant 0 : i32
        %ne3A_1128 = arith.cmpi ne, %rem3A_1126, %ne3A_1127 : i32
        %lt3A_1129 = arith.constant 0 : i32
        %lt3A_1130 = arith.cmpi slt, %rem3A_1126, %lt3A_1129 : i32
        %lt3A_1131 = arith.constant 0 : i32
        %lt3A_1132 = arith.cmpi slt, %select_n3A_1125, %lt3A_1131 : i32
        %ne3A_1133 = arith.xori %lt3A_1130, %lt3A_1132 : i1
        %and3A_1134 = arith.andi %ne3A_1133, %ne3A_1128 : i1
        %add3A_1135 = arith.addi %rem3A_1126, %select_n3A_1125 : i32
        %select_n3A_1136 = arith.select %and3A_1134, %add3A_1135, %rem3A_1126 : i32
        %eq3A_1137 = arith.constant 3 : i32
        %eq3A_1138 = arith.cmpi eq, %select_n3A_1136, %eq3A_1137 : i32
        %convert_element_type3A_1139 = arith.extui %eq3A_1138 : i1 to i32
        %cond3A_1140 = arith.constant 0 : i32
        %cond3A_1141 = arith.cmpi ne, %convert_element_type3A_1139, %cond3A_1140 : i32
        scf.if %cond3A_1141 {
          %jit3A_1142 = arith.constant 4 : i32
          %div3A = arith.divsi %scan3A_24, %jit3A_1142 : i32
          %sign3A = arith.constant 0 : i32
          %sign3A_1143 = arith.cmpi sgt, %scan3A_24, %sign3A : i32
          %sign3A_1144 = arith.extui %sign3A_1143 : i1 to i32
          %sign3A_1145 = arith.constant 0 : i32
          %sign3A_1146 = arith.cmpi slt, %scan3A_24, %sign3A_1145 : i32
          %sign3A_1147 = arith.extui %sign3A_1146 : i1 to i32
          %sign3A_1148 = arith.subi %sign3A_1144, %sign3A_1147 : i32
          %sign3A_1149 = arith.constant 0 : i32
          %sign3A_1150 = arith.cmpi sgt, %jit3A_1142, %sign3A_1149 : i32
          %sign3A_1151 = arith.extui %sign3A_1150 : i1 to i32
          %sign3A_1152 = arith.constant 0 : i32
          %sign3A_1153 = arith.cmpi slt, %jit3A_1142, %sign3A_1152 : i32
          %sign3A_1154 = arith.extui %sign3A_1153 : i1 to i32
          %sign3A_1155 = arith.subi %sign3A_1151, %sign3A_1154 : i32
          %ne3A_1156 = arith.cmpi ne, %sign3A_1148, %sign3A_1155 : i32
          %rem3A_1157 = arith.remsi %scan3A_24, %jit3A_1142 : i32
          %ne3A_1158 = arith.constant 0 : i32
          %ne3A_1159 = arith.cmpi ne, %rem3A_1157, %ne3A_1158 : i32
          %and3A_1160 = arith.andi %ne3A_1156, %ne3A_1159 : i1
          %sub3A_1161 = arith.constant 1 : i32
          %sub3A_1162 = arith.subi %div3A, %sub3A_1161 : i32
          %select_n3A_1163 = arith.select %and3A_1160, %sub3A_1162, %div3A : i32
          %mul3A_1164 = arith.constant 64 : i32
          %mul3A_1165 = arith.muli %select_n3A_1163, %mul3A_1164 : i32
          %add3A_1166 = arith.addi %add3A_11, %mul3A_1165 : i32
          "tpu.region"() ({
            %run_scoped3A = tpu.sem_alloc : memref<!tpu.dma_semaphore, #tpu.memory_space<semaphore_mem>>
            %dma_start3A = arith.constant 0 : i32
            %dma_start3A_1167 = tpu.memref_slice %arg4[%add3A_1166, %dma_start3A] : memref<16384x64xf32, #tpu.memory_space<hbm>> -> memref<64x64xf32, #tpu.memory_space<hbm>>
            %dma_start3A_1168 = arith.constant 0 : i32
            %dma_start3A_1169 = tpu.memref_slice %arg4[%add3A_1166, %dma_start3A_1168] : memref<16384x64xf32, #tpu.memory_space<hbm>> -> memref<64x64xf32, #tpu.memory_space<hbm>>
            tpu.enqueue_dma source(%arg7 : memref<64x64xf32, #tpu.memory_space<vmem>>) target(%dma_start3A_1169 : memref<64x64xf32, #tpu.memory_space<hbm>>) target_semaphore(%run_scoped3A : memref<!tpu.dma_semaphore, #tpu.memory_space<semaphore_mem>>)
            %dma_wait3A_1170 = arith.constant 0 : i32
            %dma_wait3A_1171 = tpu.memref_slice %arg4[%add3A_1166, %dma_wait3A_1170] : memref<16384x64xf32, #tpu.memory_space<hbm>> -> memref<64x64xf32, #tpu.memory_space<hbm>>
            %dma_wait3A_1172 = arith.constant 0 : i32
            %dma_wait3A_1173 = tpu.memref_slice %arg4[%add3A_1166, %dma_wait3A_1172] : memref<16384x64xf32, #tpu.memory_space<hbm>> -> memref<64x64xf32, #tpu.memory_space<hbm>>
            tpu.wait_dma2 semaphore(%run_scoped3A : memref<!tpu.dma_semaphore, #tpu.memory_space<semaphore_mem>>) src(%arg7 : memref<64x64xf32, #tpu.memory_space<vmem>>) dst(%dma_wait3A_1173 : memref<64x64xf32, #tpu.memory_space<hbm>>)
            tpu.yield
          }) : () -> ()
        } else {
        }
      }
      %scan3A_23 = arith.constant 8 : i32
    }
    %scan3A_7 = arith.constant 4 : i32
    return
  }
}

module attributes {stable_mosaic.version = 14 : i64} {
  func.func @body(%arg0: i32, %arg1: memref<2048x64xf32, #tpu.memory_space<vmem>>, %arg2: memref<2048x26xi32, #tpu.memory_space<vmem>>, %arg3: memref<64x256xf32, #tpu.memory_space<vmem>>, %arg4: memref<1x256xf32, #tpu.memory_space<vmem>>, %arg5: memref<256x128xf32, #tpu.memory_space<vmem>>, %arg6: memref<1x128xf32, #tpu.memory_space<vmem>>, %arg7: memref<1x128xf32, #tpu.memory_space<vmem>>, %arg8: memref<1x1xf32, #tpu.memory_space<vmem>>, %arg9: memref<1x26xf32, #tpu.memory_space<vmem>>, %arg10: memref<1x1xf32, #tpu.memory_space<vmem>>, %arg11: memref<2048x1xf32, #tpu.memory_space<vmem>>) attributes {dimension_semantics = [#tpu.dimension_semantics<arbitrary>], iteration_bounds = array<i64: 8>, scalar_prefetch = 0 : i64, scratch_operands = 0 : i64, tpu.core_type = #tpu.core_type<tc>, window_params = [{transform_indices = @transform_0, window_bounds = array<i64: 2048, 64>}, {transform_indices = @transform_1, window_bounds = array<i64: 2048, 26>}, {pipeline_mode = #tpu.pipeline_mode<synchronous>, transform_indices = @transform_2, window_bounds = array<i64: 64, 256>}, {pipeline_mode = #tpu.pipeline_mode<synchronous>, transform_indices = @transform_3, window_bounds = array<i64: 1, 256>}, {pipeline_mode = #tpu.pipeline_mode<synchronous>, transform_indices = @transform_4, window_bounds = array<i64: 256, 128>}, {pipeline_mode = #tpu.pipeline_mode<synchronous>, transform_indices = @transform_5, window_bounds = array<i64: 1, 128>}, {pipeline_mode = #tpu.pipeline_mode<synchronous>, transform_indices = @transform_6, window_bounds = array<i64: 1, 128>}, {pipeline_mode = #tpu.pipeline_mode<synchronous>, transform_indices = @transform_7, window_bounds = array<i64: 1, 1>}, {pipeline_mode = #tpu.pipeline_mode<synchronous>, transform_indices = @transform_8, window_bounds = array<i64: 1, 26>}, {pipeline_mode = #tpu.pipeline_mode<synchronous>, transform_indices = @transform_9, window_bounds = array<i64: 1, 1>}, {transform_indices = @transform_10, window_bounds = array<i64: 2048, 1>}]} {
    %get3A = arith.constant 0 : index
    %get3A_0 = arith.constant 0 : index
    %get3A_1 = vector.load %arg1[%get3A, %get3A_0] : memref<2048x64xf32, #tpu.memory_space<vmem>>, vector<2048x64xf32>
    %get3A_2 = arith.constant 0 : index
    %get3A_3 = arith.constant 0 : index
    %get3A_4 = vector.load %arg3[%get3A_2, %get3A_3] : memref<64x256xf32, #tpu.memory_space<vmem>>, vector<64x256xf32>
    %dot_general3A = arith.constant dense<0.000000e+00> : vector<2048x256xf32>
    %dot_general3A_5 = tpu.matmul %get3A_1, %get3A_4, %dot_general3A {dimension_numbers = #tpu.dot_dimension_numbers<[1], [0], [0], [1], [0, 0, 1, 1], [], []>, transpose_lhs_hint = false} : vector<2048x64xf32>, vector<64x256xf32>, vector<2048x256xf32> -> vector<2048x256xf32>
    %get3A_6 = arith.constant 0 : index
    %get3A_7 = arith.constant 0 : index
    %get3A_8 = vector.load %arg4[%get3A_6, %get3A_7] : memref<1x256xf32, #tpu.memory_space<vmem>>, vector<1x256xf32>
    %add3A = vector.broadcast %get3A_8 : vector<1x256xf32> to vector<2048x256xf32>
    %add3A_9 = arith.addf %dot_general3A_5, %add3A : vector<2048x256xf32>
    %max3A = arith.constant 0.000000e+00 : f32
    %max3A_10 = vector.broadcast %max3A : f32 to vector<2048x256xf32>
    %max3A_11 = arith.maximumf %add3A_9, %max3A_10 : vector<2048x256xf32>
    %get3A_12 = arith.constant 0 : index
    %get3A_13 = arith.constant 0 : index
    %get3A_14 = vector.load %arg5[%get3A_12, %get3A_13] : memref<256x128xf32, #tpu.memory_space<vmem>>, vector<256x128xf32>
    %dot_general3A_15 = arith.constant dense<0.000000e+00> : vector<2048x128xf32>
    %dot_general3A_16 = tpu.matmul %max3A_11, %get3A_14, %dot_general3A_15 {dimension_numbers = #tpu.dot_dimension_numbers<[1], [0], [0], [1], [0, 0, 1, 1], [], []>, transpose_lhs_hint = false} : vector<2048x256xf32>, vector<256x128xf32>, vector<2048x128xf32> -> vector<2048x128xf32>
    %get3A_17 = arith.constant 0 : index
    %get3A_18 = arith.constant 0 : index
    %get3A_19 = vector.load %arg6[%get3A_17, %get3A_18] : memref<1x128xf32, #tpu.memory_space<vmem>>, vector<1x128xf32>
    %add3A_20 = vector.broadcast %get3A_19 : vector<1x128xf32> to vector<2048x128xf32>
    %add3A_21 = arith.addf %dot_general3A_16, %add3A_20 : vector<2048x128xf32>
    %max3A_22 = arith.constant 0.000000e+00 : f32
    %max3A_23 = vector.broadcast %max3A_22 : f32 to vector<2048x128xf32>
    %max3A_24 = arith.maximumf %add3A_21, %max3A_23 : vector<2048x128xf32>
    %get3A_25 = arith.constant 0 : index
    %get3A_26 = arith.constant 0 : index
    %get3A_27 = vector.load %arg7[%get3A_25, %get3A_26] : memref<1x128xf32, #tpu.memory_space<vmem>>, vector<1x128xf32>
    %mul3A = vector.broadcast %get3A_27 : vector<1x128xf32> to vector<2048x128xf32>
    %mul3A_28 = arith.mulf %max3A_24, %mul3A : vector<2048x128xf32>
    %reduce_sum3A = arith.constant dense<0.000000e+00> : vector<2048xf32>
    %reduce_sum3A_29 = vector.multi_reduction <add>, %mul3A_28, %reduce_sum3A [1] : vector<2048x128xf32> to vector<2048xf32>
    %broadcast_in_dim3A = vector.shape_cast %reduce_sum3A_29 : vector<2048xf32> to vector<2048x1xf32>
    %get3A_30 = arith.constant 0 : index
    %get3A_31 = arith.constant 0 : index
    %get3A_32 = vector.load %arg8[%get3A_30, %get3A_31] : memref<1x1xf32, #tpu.memory_space<vmem>>, vector<1x1xf32>
    %add3A_33 = vector.broadcast %get3A_32 : vector<1x1xf32> to vector<2048x1xf32>
    %add3A_34 = arith.addf %broadcast_in_dim3A, %add3A_33 : vector<2048x1xf32>
    %get3A_35 = arith.constant 0 : index
    %get3A_36 = arith.constant 0 : index
    %get3A_37 = vector.load %arg2[%get3A_35, %get3A_36] : memref<2048x26xi32, #tpu.memory_space<vmem>>, vector<2048x26xi32>
    %convert_element_type3A = arith.sitofp %get3A_37 : vector<2048x26xi32> to vector<2048x26xf32>
    %convert_element_type3A_38 = arith.truncf %convert_element_type3A : vector<2048x26xf32> to vector<2048x26xbf16>
    %convert_element_type3A_39 = arith.extf %convert_element_type3A_38 : vector<2048x26xbf16> to vector<2048x26xf32>
    %get3A_40 = arith.constant 0 : index
    %get3A_41 = arith.constant 0 : index
    %get3A_42 = vector.load %arg9[%get3A_40, %get3A_41] : memref<1x26xf32, #tpu.memory_space<vmem>>, vector<1x26xf32>
    %convert_element_type3A_43 = arith.truncf %get3A_42 : vector<1x26xf32> to vector<1x26xbf16>
    %convert_element_type3A_44 = arith.extf %convert_element_type3A_43 : vector<1x26xbf16> to vector<1x26xf32>
    %mul3A_45 = vector.broadcast %convert_element_type3A_44 : vector<1x26xf32> to vector<2048x26xf32>
    %mul3A_46 = arith.mulf %convert_element_type3A_39, %mul3A_45 : vector<2048x26xf32>
    %reduce_sum3A_47 = arith.constant dense<0.000000e+00> : vector<2048xf32>
    %reduce_sum3A_48 = vector.multi_reduction <add>, %mul3A_46, %reduce_sum3A_47 [1] : vector<2048x26xf32> to vector<2048xf32>
    %broadcast_in_dim3A_49 = vector.shape_cast %reduce_sum3A_48 : vector<2048xf32> to vector<2048x1xf32>
    %get3A_50 = arith.constant 0 : index
    %get3A_51 = arith.constant 0 : index
    %get3A_52 = vector.load %arg10[%get3A_50, %get3A_51] : memref<1x1xf32, #tpu.memory_space<vmem>>, vector<1x1xf32>
    %add3A_53 = vector.broadcast %get3A_52 : vector<1x1xf32> to vector<2048x1xf32>
    %add3A_54 = arith.addf %broadcast_in_dim3A_49, %add3A_53 : vector<2048x1xf32>
    %add3A_55 = arith.addf %add3A_54, %add3A_34 : vector<2048x1xf32>
    %logistic3A = arith.negf %add3A_55 : vector<2048x1xf32>
    %logistic3A_56 = math.exp %logistic3A : vector<2048x1xf32>
    %logistic3A_57 = arith.constant 1.000000e+00 : f32
    %logistic3A_58 = vector.broadcast %logistic3A_57 : f32 to vector<2048x1xf32>
    %logistic3A_59 = arith.addf %logistic3A_58, %logistic3A_56 : vector<2048x1xf32>
    %logistic3A_60 = arith.divf %logistic3A_58, %logistic3A_59 : vector<2048x1xf32>
    %swap3A = arith.constant 0 : index
    %swap3A_61 = arith.constant 0 : index
    %swap3A_62 = vector.load %arg11[%swap3A, %swap3A_61] : memref<2048x1xf32, #tpu.memory_space<vmem>>, vector<2048x1xf32>
    tpu.vector_store %arg11[%swap3A, %swap3A_61], %logistic3A_60 {strides = array<i32>} : memref<2048x1xf32, #tpu.memory_space<vmem>>, vector<2048x1xf32>,
    return
  }
  func.func @transform_0(%arg0: i32) -> (i32, i32) {
    %c0_i32 = arith.constant 0 : i32
    %c0_i32_0 = arith.constant 0 : i32
    return %arg0, %c0_i32 : i32, i32
  }
  func.func @transform_1(%arg0: i32) -> (i32, i32) {
    %c0_i32 = arith.constant 0 : i32
    %c0_i32_0 = arith.constant 0 : i32
    return %arg0, %c0_i32 : i32, i32
  }
  func.func @transform_2(%arg0: i32) -> (i32, i32) {
    %c0_i32 = arith.constant 0 : i32
    %c0_i32_0 = arith.constant 0 : i32
    %c0_i32_1 = arith.constant 0 : i32
    return %c0_i32, %c0_i32_0 : i32, i32
  }
  func.func @transform_3(%arg0: i32) -> (i32, i32) {
    %c0_i32 = arith.constant 0 : i32
    %c0_i32_0 = arith.constant 0 : i32
    %c0_i32_1 = arith.constant 0 : i32
    return %c0_i32, %c0_i32_0 : i32, i32
  }
  func.func @transform_4(%arg0: i32) -> (i32, i32) {
    %c0_i32 = arith.constant 0 : i32
    %c0_i32_0 = arith.constant 0 : i32
    %c0_i32_1 = arith.constant 0 : i32
    return %c0_i32, %c0_i32_0 : i32, i32
  }
  func.func @transform_5(%arg0: i32) -> (i32, i32) {
    %c0_i32 = arith.constant 0 : i32
    %c0_i32_0 = arith.constant 0 : i32
    %c0_i32_1 = arith.constant 0 : i32
    return %c0_i32, %c0_i32_0 : i32, i32
  }
  func.func @transform_6(%arg0: i32) -> (i32, i32) {
    %c0_i32 = arith.constant 0 : i32
    %c0_i32_0 = arith.constant 0 : i32
    %c0_i32_1 = arith.constant 0 : i32
    return %c0_i32, %c0_i32_0 : i32, i32
  }
  func.func @transform_7(%arg0: i32) -> (i32, i32) {
    %c0_i32 = arith.constant 0 : i32
    %c0_i32_0 = arith.constant 0 : i32
    %c0_i32_1 = arith.constant 0 : i32
    return %c0_i32, %c0_i32_0 : i32, i32
  }
  func.func @transform_8(%arg0: i32) -> (i32, i32) {
    %c0_i32 = arith.constant 0 : i32
    %c0_i32_0 = arith.constant 0 : i32
    %c0_i32_1 = arith.constant 0 : i32
    return %c0_i32, %c0_i32_0 : i32, i32
  }
  func.func @transform_9(%arg0: i32) -> (i32, i32) {
    %c0_i32 = arith.constant 0 : i32
    %c0_i32_0 = arith.constant 0 : i32
    %c0_i32_1 = arith.constant 0 : i32
    return %c0_i32, %c0_i32_0 : i32, i32
  }
  func.func @transform_10(%arg0: i32) -> (i32, i32) {
    %c0_i32 = arith.constant 0 : i32
    %c0_i32_0 = arith.constant 0 : i32
    return %arg0, %c0_i32 : i32, i32
  }
}

</mosaic_0001>

<sc_bundles>
// kernel: kernel.4.cloned.1.call-start
scs
__scs_entry_jumppad:
0x0: {  	(pc) =	sbr.rel $0x88, $3  }
0x1: {  	(tag) =	ssettag $0x0;
	lr =	simm.s32 $0x1  }
0x2: {  	[smem:$0x3F97] =	sst lr;
	_ =	strace $0xD0000000  }
0x3: {  	_ = 	snop  }
0x4: {  	_ = 	snop  }
0x5: {  	_ = 	snop  }
0x6: {  	_ = 	snop  }
0x7: {  	_ = 	snop  }
__scs_overlays_trampoline_lowered:
0x8: {  	[smem:$0x3FA6] =	sst s0  }
0x9: {  	[smem:$0x3FA7] =	sst s1  }
0xa: {  	[smem:$0x3FA8] =	sst s2  }
0xb: {  	[smem:$0x3FA9] =	sst s3  }
0xc: {  	[smem:$0x3FAA] =	sst s4  }
0xd: {  	[smem:$0x3FAB] =	sst s5  }
0xe: {  	[smem:$0x3FAC] =	sst s6  }
0xf: {  	[smem:$0x3FAD] =	sst s7  }
0x10: {  	[smem:$0x3FAE] =	sst s8  }
0x11: {  	[smem:$0x3FAF] =	sst s9;
	s0 =	simm.s32 @!p0 $0x0  }
0x12: {  	s1 =	sld [smem:$0x3F95];
	s0 =	simm.s32 @p0 $0x1  }
0x13: {  	[smem:$0x3FB0] =	sst s0;
	s0 =	simm.s32 @!p1 $0x0  }
0x14: {  	s2 =	sld [smem:$0x3F94];
	s0 =	simm.s32 @p1 $0x1  }
0x15: {  	[smem:$0x3FB1] =	sst s0;
	s0 =	simm.s32 @!p2 $0x0  }
0x16: {  	s3 =	sld [smem:$0x3FDB];
	s0 =	simm.s32 @p2 $0x1  }
0x17: {  	s4 =	simm.s32 $0x1BF5;
	[smem:$0x3FB3] =	sst s0  }
0x18: {  	s0 =	sld [smem:$0x3F96];
	_ =	swait.ge [sflag:s4], $0x0  }
0x19: {  	s7 =	sld [smem:$0x3F97]  }
0x1a: {  	s8 =	sadd.s32 $0xFFFFE003, lr  }
0x1b: {  	s9 =	sadd.s32 $0xFFFFFEF7, lr;
	s5 =	simm.s32 $0xFFFFFFFF;
	p2 =	slt.u32 s8, $0xFFFFF086  }
0x1c: {  	p1 =	slt.u32 s9, $0xF7A;
	s5 =	simm.s32 @!p2 $0x0  }
0x1d: {  	s5 =	simm.s32 @p1 $0x1;
	p0 =	seq.s32 s7, s2  }
0x1e: {  	s7 =	smul.u32 @!p0 $0xF7A, s2;
	p2 =	seq.s32 @!p0 s5, $0x0  }
0x1f: {  	s9 =	smul.u32 $0xF7A, s1;
	s8 =	simm.s32 @!p0 $0x1BF5;
	p2 =	por !p2, p0  }
0x20: {  	[sflag:s8] =	ssyncset.s32 @!p0 $0xFFFFF086;
	s6 =	sadd.s32 @!p0 s3, s7;
	s7 =	simm.s32 @!p0 $0x108  }
0x21: {  	s3 =	sadd.s32 s3, s9;
	s6 =	sadd.s32 @!p0 $0x88, s6;
	s7 =	simm.s32 @p2 $0x1082  }
0x22: {  	[simem:s7], [sflag:s8] =	dma.local @!p0 [hbm:s6], $0xF7A  }
0x23: {  	s9 =	sor.u32 $0xD0000000, s2;
	s6 =	simm.s32 $0x108;
	_ =	swait.ge @!p0 [sflag:s8], $0x0  }
0x24: {  	s3 =	sadd.s32 $0x88, s3;
	s6 =	simm.s32 @!p1 $0x1082;
	[sflag:s4] =	ssyncset.s32 $0xFFFFF086  }
0x25: {  	[simem:s6], [sflag:s4] =	dma.local [hbm:s3], $0xF7A  }
0x26: {  	[smem:$0x3F97] =	sst s1;
	(tag) =	ssettag s2;
	_ =	strace s9  }
0x27: {  	s1 =	sld [smem:$0x3FA7]  }
0x28: {  	s2 =	sld [smem:$0x3FA8]  }
0x29: {  	s4 =	sld [smem:$0x3FAA]  }
0x2a: {  	p0 =	seq.s32 s5, $0x0;
	s5 =	sld [smem:$0x3FAB]  }
0x2b: {  	s6 =	sld [smem:$0x3FAC]  }
0x2c: {  	s7 =	sld [smem:$0x3FAD]  }
0x2d: {  	s3 =	simm.s32 $0x108;
	s8 =	sld [smem:$0x3FAE]  }
0x2e: {  	s3 =	simm.s32 @!p0 $0x1082;
	s9 =	sld [smem:$0x3FAF]  }
0x2f: {  	lr =	sadd.s32 s0, s3;
	s0 =	sld [smem:$0x3FA6]  }
0x30: {  	s3 =	sld [smem:$0x3FA9]  }
0x31: {  	[smem:$0x3FB2] =	sst s10  }
0x32: {  	s10 =	sld [smem:$0x3FB0];
	_ =	sdelay $0x3  }
0x33: {  	p0 =	seq.s32 s10, $0x1;
	s10 =	sld [smem:$0x3FB2];
	_ =	sdelay $0x3  }
0x34: {  	[smem:$0x3FB2] =	sst s10  }
0x35: {  	s10 =	sld [smem:$0x3FB1];
	_ =	sdelay $0x3  }
0x36: {  	p1 =	seq.s32 s10, $0x1;
	s10 =	sld [smem:$0x3FB2];
	_ =	sdelay $0x3  }
0x37: {  	[smem:$0x3FB2] =	sst s10  }
0x38: {  	s10 =	sld [smem:$0x3FB3]  }
0x39: {  	_ = 	snop;
	(pc) =	sbr.ind lr, $3  }
0x3a: {  	_ = 	snop  }
0x3b: {  	_ = 	snop  }
0x3c: {  	p2 =	seq.s32 s10, $0x1;
	s10 =	sld [smem:$0x3FB2]  }
0x3d: {  	_ =	shalt  }
0x3e: {  	_ =	shalt  }
0x3f: {  	_ =	shalt  }
0x40: {  	_ =	shalt  }
0x41: {  	_ =	shalt  }
0x42: {  	_ =	shalt  }
0x43: {  	_ =	shalt  }
0x44: {  	_ =	shalt  }
0x45: {  	_ =	shalt  }
0x46: {  	_ =	shalt  }
0x47: {  	_ =	shalt  }
0x48: {  	_ =	shalt  }
0x49: {  	_ =	shalt  }
0x4a: {  	_ =	shalt  }
0x4b: {  	_ =	shalt  }
0x4c: {  	_ =	shalt  }
0x4d: {  	_ =	shalt  }
0x4e: {  	_ =	shalt  }
0x4f: {  	_ =	shalt  }
0x50: {  	_ =	shalt  }
0x51: {  	_ =	shalt  }
0x52: {  	_ =	shalt  }
0x53: {  	_ =	shalt  }
0x54: {  	_ =	shalt  }
0x55: {  	_ =	shalt  }
0x56: {  	_ =	shalt  }
0x57: {  	_ =	shalt  }
0x58: {  	_ =	shalt  }
0x59: {  	_ =	shalt  }
0x5a: {  	_ =	shalt  }
0x5b: {  	_ =	shalt  }
0x5c: {  	_ =	shalt  }
0x5d: {  	_ =	shalt  }
0x5e: {  	_ =	shalt  }
0x5f: {  	_ =	shalt  }
0x60: {  	_ =	shalt  }
0x61: {  	_ =	shalt  }
0x62: {  	_ =	shalt  }
0x63: {  	_ =	shalt  }
0x64: {  	_ =	shalt  }
0x65: {  	_ =	shalt  }
0x66: {  	_ =	shalt  }
0x67: {  	_ =	shalt  }
0x68: {  	_ =	shalt  }
0x69: {  	_ =	shalt  }
0x6a: {  	_ =	shalt  }
0x6b: {  	_ =	shalt  }
0x6c: {  	_ =	shalt  }
0x6d: {  	_ =	shalt  }
0x6e: {  	_ =	shalt  }
0x6f: {  	_ =	shalt  }
0x70: {  	_ =	shalt  }
0x71: {  	_ =	shalt  }
0x72: {  	_ =	shalt  }
0x73: {  	_ =	shalt  }
0x74: {  	_ =	shalt  }
0x75: {  	_ =	shalt  }
0x76: {  	_ =	shalt  }
0x77: {  	_ =	shalt  }
0x78: {  	_ =	shalt  }
0x79: {  	_ =	shalt  }
0x7a: {  	_ =	shalt  }
0x7b: {  	_ =	shalt  }
0x7c: {  	_ =	shalt  }
0x7d: {  	_ =	shalt  }
0x7e: {  	_ =	shalt  }
0x7f: {  	_ =	shalt  }
0x80: {  	_ =	shalt  }
0x81: {  	_ =	shalt  }
0x82: {  	_ =	shalt  }
0x83: {  	_ =	shalt  }
0x84: {  	_ =	shalt  }
0x85: {  	_ =	shalt  }
0x86: {  	_ =	shalt  }
0x87: {  	_ =	shalt  }
.Lfunc_end0:
.L_simem_size_0:
called_computation_lowered:
.L_overlay_start_0:
0x88: {  	s2 =	sld [smem:$0x3FD9]  }
0x89: {  	s3 =	sld [smem:$0x3FFE];
	_ =	sdelay $0x1  }
0x8a: {  	s1 =	srdreg.scid  }
0x8b: {  	s0 =	sand.u32 $0x1, s1  }
0x8c: {  	s16 =	sshll.u32 s0, $0xA;
	s2 =	sadd.s32 s3, s2  }
0x8d: {  	s2 =	sadd.s32 s2, s16  }
0x8e: {  	[smem:$0x3FBE] =	sst s2  }
0x8f: {  	_ = 	snop  }
0x90: {  	(tm) =	ssettm $0x1  }
0x91: {  	s17 =	sld [smem:$0x3FFB];
	_ =	sdelay $0x3  }
0x92: {  	_ =	strace s17  }
0x93: {  	s2 =	sld [smem:$0x3FFC];
	_ =	sdelay $0x3  }
0x94: {  	_ =	strace s2  }
0x95: {  	s2 =	sld [smem:$0x3FFD];
	_ =	sdelay $0x3  }
0x96: {  	_ =	strace s2  }
0x97: {  	_ =	strace $0x8FFFFFFF  }
0x98: {  	s18 =	sld [smem:$0x3FDB];
	_ =	sdelay $0x1  }
0x99: {  	s19 =	simm.s32 $_scs_section_size  }
0x9a: {  	s4 =	simm.s32 $_size__tile_overlayer_lowered;
	s5 =	simm.s32 $_tile_overlayer_lowered  }
0x9b: {  	s22 =	simm.s32 $0x1BFF;
	s21 =	sshll.u32 s5, $0x1;
	s2 =	sadd.s32 s19, s18  }
0x9c: {  	s6 =	simm.s32 $0x0;
	s20 =	sshll.u32 s4, $0x1;
	s4 =	sadd.s32 s21, s2  }
0x9d: {  	[timem:s6], [sflag:s22] =	dma.local [hbm:s4], s20  }
0x9e: {  	_ =	swait.ge [sflag:s22], s20  }
0x9f: {  	s3 =	ssub.s32 $0x0, s20;
	[sflag:s22] =	ssyncset.done $0x0  }
0xa0: {  	[sflag:s22] =	ssyncadd.s32 s3;
	_ =	sdelay $0x1  }
0xa1: {  	s23 =	simm.s32 $0x1B8B  }
0xa2: {  	_ =	swait.ge [sflag:s23], $0x1  }
0xa3: {  	[sflag:s23] =	ssyncset.done $0x0  }
0xa4: {  	s25 =	simm.s32 $0x1B8E;
	s24 =	sld [smem:$0x3FFE];
	[sflag:s23] =	ssyncadd.s32 $0xFFFFFFFF  }
0xa5: {  	s26 =	simm.s32 $execute0_lowered;
	[smem:$0x3FD2] =	sst s25  }
0xa6: {  	s4 =	sshll.u32 s26, $0x1;
	_ =	strace $0x80000046;
	[dreg:$0x1] =	wrdreg $0xFFFFFFFF  }
0xa7: {  	s28 =	simm.s32 $_size_execute0_lowered;
	s2 =	sadd.s32 s2, s4;
	[dreg:$0x0] =	wrdreg $0x0  }
0xa8: {  	s4 =	sshll.u32 s28, $0x1;
	[dreg:$0x2] =	wrdreg s2  }
0xa9: {  	[dreg:$0x3] =	wrdreg s4  }
0xaa: {  	[dreg:$0x4] =	wrdreg $0xC0  }
0xab: {  	_ =	task [dreg:s6], $0x5FFFF  }
0xac: {  	[dreg:$0x1] =	wrdreg $0xFFFFFFFF  }
0xad: {  	[dreg:$0x0] =	wrdreg $0x60  }
0xae: {  	[dreg:$0x2] =	wrdreg s24  }
0xaf: {  	[dreg:$0x3] =	wrdreg $0x9  }
0xb0: {  	_ =	task.clear_ibuf [dreg:s6], $0x4FFFF;
	_ =	strace $0x90000046  }
0xb1: {  	s29 =	simm.s32 $0x9;
	_ =	strace $0x80000048  }
0xb2: {  	_ =	swait.ge [sflag:s29], $0x1  }
0xb3: {  	[sflag:s29] =	ssyncadd.s32 $0xFFFFFFFF  }
0xb4: {  	_ =	strace $0x90000048  }
0xb5: {  	_ =	sfence  }
0xb6: {  	s30 =	sld [smem:$0x0];
	_ =	sdelay $0x2  }
0xb7: {  	s31 =	sshll.u32 s1, $0xD;
	s1 =	sshrl.u32 s1, $0x2  }
0xb8: {  	s3 =	sand.u32 $0x4000, s31;
	s1 =	sadd.s32 s1, s30  }
0xb9: {  	s0 =	sor.u32 s3, s0;
	s1 =	sshll.u32 s1, $0x11  }
0xba: {  	s0 =	sor.u32 s1, s0  }
0xbb: {  	s0 =	sadd.s32 $0x8F2B, s0  }
0xbc: {  	[sflag:s0] =	ssyncadd.remote.s32 $0x1  }
0xbd: {  	_ =	sfence.sel $0xFFFF  }
0xbe: {  	[dreg:$0x0] =	wrdreg $0xFFFFFFFF;
	(pc) =	sbr.abs _section_cstart, $3  }
0xbf: {  	[dreg:$0x1] =	wrdreg $0xFFFFFFFF  }
0xc0: {  	_ =	task.clear_ibuf [dreg:s6], $0x2FFFF;
	_ =	strace $0x9FFFFFFF  }
0xc1: {  	(tm) =	ssettm $0x7FFFFFFF  }
tec
execute0_lowered:
.L_overlay_start_1:
0x0: {  	(tag) =	ssettag $0x1  }
0x1: {  	s0 =	rddreg [dreg:$0x0];
	s1 =	simm.s32 $0x0;
	s2 =	srdreg.scid  }
0x2: {  	s28 =	stileid.u32;
	[smem:$0x7FF] =	sst s1;
	s2 =	sand.u32 $0x1, s2  }
0x3: {  	s3 =	sadd.s32 $0x27ADC00, s0;
	s4 =	sadd.s32 $0x1800, s0;
	s29 =	sshll.u32 s28, $0xA  }
0x4: {  	s0 =	sadd.s32 $0x27BDC00, s0;
	_ =	strace $0x80000047;
	s5 =	ssub.s32 $0x2, s2  }
0x5: {  	[dreg:$0x3] =	wrdreg s3;
	s2 =	sshll.u32 s2, $0x9;
	s6 =	sshrl.u32 s5, $0x1  }
0x6: {  	[dreg:$0x4] =	wrdreg s0;
	s30 =	sor.u32 s2, s29;
	s7 =	ssub.s32 s5, s6  }
0x7: {  	s11 =	simm.s32 $0x2;
	[dreg:$0x5] =	wrdreg s30;
	s31 =	smax.u32 s7, $0x1  }
0x8: {  	s12 =	simm.s32 $0x1;
	s2 =	simm.s32 $0x0;
	[dreg:$0x6] =	wrdreg s31  }
.LBB2_1:
0x9: {  	[dreg:$0x7] =	wrdreg s2;
	s14 =	simm.s32 $0x0  }
.LBB2_2:
0xa: {  	s0 =	sshll.u32 s14, $0x7;
	s2 =	rddreg [dreg:$0x5]  }
0xb: {  	s30 =	rddreg [dreg:$0x3];
	s7 =	simm.s32 $0x0;
	s0 =	sadd.s32 s2, s0  }
0xc: {  	s3 =	simm.s32 $0x400;
	s5 =	simm.s32 $0x20000;
	s2 =	sadd.s32 s30, s0  }
0xd: {  	[tilespmem:s7], [sflag:$0x2] =	stream.strided.gather [hbm4b:s2+s3], $0xC00, s5, s3, $0x38;
	[tilespmem:$0x1D000] =	vst v63  }
0xe: {  	s31 =	simm.s32 $0xC00;
	s2 =	sadd.s32 $0xC000, s2  }
0xf: {  	[tilespmem:s31], [sflag:$0x2] =	stream.linear.gather [hbm4b:s2+s7], $0x100, $0x38;
	[tilespmem:$0x1D000] =	vst v63  }
0x10: {  	_ =	swait.ge [sflag:s11], $0xD00  }
0x11: {  	[sflag:s11] =	ssyncset.done $0x0  }
0x12: {  	[sflag:s11] =	ssyncadd.s32 $0xFFFFF300  }
0x13: {  	v0 =	vld [tilespmem:s7+$0x0];
	_ =	sdelay $0x4  }
0x14: {  	v0 =	vshll.u32 v0, $0x4  }
0x15: {  	(v2sf) =	vpush v0, $0x0  }
0x16: {  	(v2sf) =	vpush v0, $0x1  }
0x17: {  	(v2sf) =	vpush v0, $0x2;
	_ =	sdelay $0x1  }
0x18: {  	(v2sf) =	vpush v0, $0x4;
	_ =	sdelay $0x1  }
0x19: {  	(v2sf) =	vpush v0, $0x3  }
0x1a: {  	(v2sf) =	vpush v0, $0x5  }
0x1b: {  	s13 =	simm.s32 $0x2000;
	s2 =	simm.s32 $0x0;
	(v2sf) =	vpush v0, $0x6  }
.LBB2_3:
0x1c: {  	p0 =	seq.s32 s13, $0x32000  }
0x1d: {  	s9 =	sadd.s32 $0x1080, s2;
	s17 =	sadd.s32 $0x1580, s2;
	s15 =	smov.u32 s13  }
0x1e: {  	s13 =	sadd.s32 $0x2000, s13;
	s20 =	sadd.s32 $0x1380, s2;
	s8 =	sadd.s32 $0x1600, s2;
	(v2sf) =	vpush v0, $0x7  }
0x1f: {  	s22 =	sadd.s32 $0x1280, s2;
	s19 =	sadd.s32 $0x1400, s2;
	s16 =	sadd.s32 $0x1680, s2  }
0x20: {  	s23 =	sadd.s32 $0x1000, s2;
	s24 =	sadd.s32 $0x1200, s2;
	(v2sf) =	vpush v0, $0x8  }
0x21: {  	s25 =	sadd.s32 $0x1300, s2;
	s7 =	sadd.s32 $0x80, s7  }
0x22: {  	s26 =	sadd.s32 $0x1100, s2;
	s18 =	sadd.s32 $0x1500, s2;
	s21 =	spop (v2sf);
	(v2sf) =	vpush v0, $0x9  }
0x23: {  	s28 =	sand.u32 $0x1FFFFF80, s21;
	s21 =	sadd.s32 $0x1480, s2;
	s29 =	spop (v2sf)  }
0x24: {  	s28 =	sadd.s32 s4, s28;
	s29 =	sand.u32 $0x1FFFFF80, s29;
	s30 =	spop (v2sf);
	(v2sf) =	vpush v0, $0xA  }
0x25: {  	[tilespmem:s23], [sflag:$0x1] =	stream.linear.gather [hbm4b:s28+s1], $0x80, $0x38;
	[tilespmem:$0x1D000] =	vst v63  }
0x26: {  	s23 =	sadd.s32 s4, s29;
	s28 =	sadd.s32 $0x1180, s2;
	s29 =	spop (v2sf);
	(v2sf) =	vpush v0, $0xB  }
0x27: {  	[tilespmem:s9], [sflag:$0x1] =	stream.linear.gather [hbm4b:s23+s1], $0x80, $0x38;
	[tilespmem:$0x1D000] =	vst v63  }
0x28: {  	s9 =	sand.u32 $0x1FFFFF80, s30;
	s23 =	sand.u32 $0x1FFFFF80, s29;
	s29 =	spop (v2sf);
	(v2sf) =	vpush v0, $0xC  }
0x29: {  	s9 =	sadd.s32 s4, s9;
	s29 =	sand.u32 $0x1FFFFF80, s29;
	s30 =	spop (v2sf)  }
0x2a: {  	[tilespmem:s26], [sflag:$0x1] =	stream.linear.gather [hbm4b:s9+s1], $0x80, $0x38;
	(v2sf) =	vpush v0, $0xD;
	[tilespmem:$0x1D000] =	vst v63  }
0x2b: {  	s9 =	sadd.s32 s4, s29;
	s26 =	sand.u32 $0x1FFFFF80, s30;
	s29 =	spop (v2sf)  }
0x2c: {  	[tilespmem:s28], [sflag:$0x1] =	stream.linear.gather [hbm4b:s9+s1], $0x80, $0x38;
	(v2sf) =	vpush v0, $0xE;
	[tilespmem:$0x1D000] =	vst v63  }
0x2d: {  	s9 =	sadd.s32 s4, s23;
	s23 =	sand.u32 $0x1FFFFF80, s29;
	s28 =	spop (v2sf)  }
0x2e: {  	[tilespmem:s24], [sflag:$0x1] =	stream.linear.gather [hbm4b:s9+s1], $0x80, $0x38;
	(v2sf) =	vpush v0, $0xF;
	[tilespmem:$0x1D000] =	vst v63  }
0x2f: {  	s9 =	sadd.s32 s4, s26;
	s24 =	sand.u32 $0x1FFFFF80, s28;
	s26 =	spop (v2sf)  }
0x30: {  	[tilespmem:s22], [sflag:$0x1] =	stream.linear.gather [hbm4b:s9+s1], $0x80, $0x38;
	[tilespmem:$0x1D000] =	vst v63  }
0x31: {  	s9 =	sadd.s32 s4, s23;
	s22 =	sand.u32 $0x1FFFFF80, s26;
	s23 =	spop (v2sf)  }
0x32: {  	[tilespmem:s25], [sflag:$0x1] =	stream.linear.gather [hbm4b:s9+s1], $0x80, $0x38;
	[tilespmem:$0x1D000] =	vst v63  }
0x33: {  	s9 =	sadd.s32 s4, s24;
	s23 =	sand.u32 $0x1FFFFF80, s23;
	s24 =	spop (v2sf)  }
0x34: {  	[tilespmem:s20], [sflag:$0x1] =	stream.linear.gather [hbm4b:s9+s1], $0x80, $0x38;
	[tilespmem:$0x1D000] =	vst v63  }
0x35: {  	s9 =	sadd.s32 s4, s22;
	s20 =	sand.u32 $0x1FFFFF80, s24;
	s22 =	spop (v2sf)  }
0x36: {  	[tilespmem:s19], [sflag:$0x1] =	stream.linear.gather [hbm4b:s9+s1], $0x80, $0x38;
	[tilespmem:$0x1D000] =	vst v63  }
0x37: {  	s9 =	sadd.s32 s4, s23;
	s19 =	sand.u32 $0x1FFFFF80, s22;
	s22 =	spop (v2sf)  }
0x38: {  	[tilespmem:s21], [sflag:$0x1] =	stream.linear.gather [hbm4b:s9+s1], $0x80, $0x38;
	[tilespmem:$0x1D000] =	vst v63  }
0x39: {  	s9 =	sadd.s32 s4, s20;
	s20 =	sand.u32 $0x1FFFFF80, s22;
	s21 =	spop (v2sf)  }
0x3a: {  	[tilespmem:s18], [sflag:$0x1] =	stream.linear.gather [hbm4b:s9+s1], $0x80, $0x38;
	[tilespmem:$0x1D000] =	vst v63  }
0x3b: {  	s9 =	sadd.s32 s4, s19;
	s18 =	sand.u32 $0x1FFFFF80, s21;
	s19 =	spop (v2sf)  }
0x3c: {  	[tilespmem:s17], [sflag:$0x1] =	stream.linear.gather [hbm4b:s9+s1], $0x80, $0x38;
	[tilespmem:$0x1D000] =	vst v63  }
0x3d: {  	s9 =	sadd.s32 s4, s20;
	s17 =	sand.u32 $0x1FFFFF80, s19;
	s19 =	spop (v2sf)  }
0x3e: {  	[tilespmem:s8], [sflag:$0x1] =	stream.linear.gather [hbm4b:s9+s1], $0x80, $0x38;
	[tilespmem:$0x1D000] =	vst v63  }
0x3f: {  	s8 =	sadd.s32 s4, s18;
	s9 =	sand.u32 $0x1FFFFF80, s19  }
0x40: {  	[tilespmem:s16], [sflag:$0x1] =	stream.linear.gather [hbm4b:s8+s1], $0x80, $0x38;
	[tilespmem:$0x1D000] =	vst v63  }
0x41: {  	s8 =	sadd.s32 $0x1700, s2;
	s16 =	sadd.s32 s4, s17  }
0x42: {  	[tilespmem:s8], [sflag:$0x1] =	stream.linear.gather [hbm4b:s16+s1], $0x80, $0x38;
	[tilespmem:$0x1D000] =	vst v63  }
0x43: {  	s2 =	sadd.s32 $0x1780, s2;
	s8 =	sadd.s32 s4, s9  }
0x44: {  	[tilespmem:s2], [sflag:$0x1] =	stream.linear.gather [hbm4b:s8+s1], $0x80, $0x38;
	[tilespmem:$0x1D000] =	vst v63  }
0x45: {  	v0 =	vld [tilespmem:s7+$0x0];
	_ =	sdelay $0x4  }
0x46: {  	v0 =	vshll.u32 v0, $0x4  }
0x47: {  	(v2sf) =	vpush v0, $0x0  }
0x48: {  	(v2sf) =	vpush v0, $0x1  }
0x49: {  	(v2sf) =	vpush v0, $0x2;
	_ =	sdelay $0x1  }
0x4a: {  	(v2sf) =	vpush v0, $0x4  }
.Ltmp0:
0x4b: {  	(pc) =	sbr.rel @!p0 .LBB2_3-.Ltmp0, $3  }
0x4c: {  	(v2sf) =	vpush v0, $0x3  }
0x4d: {  	(v2sf) =	vpush v0, $0x5;
	_ =	sdelay $0x1  }
0x4e: {  	s2 =	sshra.s32 s15, $0x2;
	(v2sf) =	vpush v0, $0x6  }
0x4f: {  	_ =	sdelay $0x1  }
0x50: {  	s9 =	sadd.s32 $0x1080, s2;
	s13 =	sadd.s32 $0x1580, s2;
	s15 =	sadd.s32 $0x1380, s2;
	(v2sf) =	vpush v0, $0x7  }
0x51: {  	s7 =	sadd.s32 $0x1600, s2;
	s16 =	sadd.s32 $0x1280, s2;
	s17 =	sadd.s32 $0x1400, s2  }
0x52: {  	s8 =	sadd.s32 $0x1680, s2;
	s18 =	sadd.s32 $0x1000, s2;
	s19 =	sadd.s32 $0x1200, s2  }
0x53: {  	s20 =	sadd.s32 $0x1300, s2;
	s22 =	sadd.s32 $0x1100, s2;
	s21 =	spop (v2sf)  }
0x54: {  	s25 =	sadd.s32 $0x1180, s2;
	(v2sf) =	vpush v0, $0x8;
	s21 =	sand.u32 $0x1FFFFF80, s21;
	s23 =	spop (v2sf)  }
0x55: {  	s21 =	sadd.s32 s4, s21;
	s23 =	sand.u32 $0x1FFFFF80, s23;
	s24 =	spop (v2sf)  }
0x56: {  	(v2sf) =	vpush v0, $0x9;
	[tilespmem:s18], [sflag:$0x1] =	stream.linear.gather [hbm4b:s21+s1], $0x80, $0x38;
	[tilespmem:$0x1D000] =	vst v63  }
0x57: {  	s0 =	sshll.u32 s0, $0x4;
	s30 =	sadd.s32 s4, s23;
	s31 =	spop (v2sf)  }
0x58: {  	(v2sf) =	vpush v0, $0xA;
	[tilespmem:s9], [sflag:$0x1] =	stream.linear.gather [hbm4b:s30+s1], $0x80, $0x38;
	[tilespmem:$0x1D000] =	vst v63  }
0x59: {  	p0 =	por $0x1, $0x1;
	s3 =	sand.u32 $0x1FFFFF80, s24;
	s5 =	spop (v2sf)  }
0x5a: {  	p1 =	por $0x0, $0x0;
	s21 =	sadd.s32 s4, s3;
	s24 =	sand.u32 $0x1FFFFF80, s5  }
0x5b: {  	(v2sf) =	vpush v0, $0xB;
	[tilespmem:s22], [sflag:$0x1] =	stream.linear.gather [hbm4b:s21+s1], $0x80, $0x38;
	[tilespmem:$0x1D000] =	vst v63  }
0x5c: {  	s18 =	sadd.s32 $0x1500, s2;
	s10 =	spop (v2sf);
	s24 =	sadd.s32 s4, s24  }
0x5d: {  	(v2sf) =	vpush v0, $0xC;
	[tilespmem:s25], [sflag:$0x1] =	stream.linear.gather [hbm4b:s24+s1], $0x80, $0x38;
	[tilespmem:$0x1D000] =	vst v63  }
0x5e: {  	s9 =	sadd.s32 $0x1480, s2;
	s6 =	sand.u32 $0x1FFFFF80, s31;
	s25 =	spop (v2sf)  }
0x5f: {  	(v2sf) =	vpush v0, $0xD;
	s21 =	sadd.s32 s4, s6;
	s22 =	sand.u32 $0x1FFFFF80, s10;
	s28 =	spop (v2sf)  }
0x60: {  	[tilespmem:s19], [sflag:$0x1] =	stream.linear.gather [hbm4b:s21+s1], $0x80, $0x38;
	[tilespmem:$0x1D000] =	vst v63  }
0x61: {  	(v2sf) =	vpush v0, $0xE;
	s22 =	sadd.s32 s4, s22;
	s26 =	sand.u32 $0x1FFFFF80, s25;
	s29 =	sand.u32 $0x1FFFFF80, s28  }
0x62: {  	[tilespmem:s16], [sflag:$0x1] =	stream.linear.gather [hbm4b:s22+s1], $0x80, $0x38;
	[tilespmem:$0x1D000] =	vst v63  }
0x63: {  	(v2sf) =	vpush v0, $0xF;
	s30 =	spop (v2sf);
	s19 =	sadd.s32 s4, s26;
	s28 =	sadd.s32 $0x1700, s2  }
0x64: {  	[tilespmem:s20], [sflag:$0x1] =	stream.linear.gather [hbm4b:s19+s1], $0x80, $0x38;
	[tilespmem:$0x1D000] =	vst v63  }
0x65: {  	s31 =	sand.u32 $0x1FFFFF80, s30;
	s16 =	sadd.s32 s4, s29;
	s3 =	spop (v2sf)  }
0x66: {  	[tilespmem:s15], [sflag:$0x1] =	stream.linear.gather [hbm4b:s16+s1], $0x80, $0x38;
	[tilespmem:$0x1D000] =	vst v63  }
0x67: {  	s29 =	sadd.s32 $0x1780, s2;
	s19 =	sadd.s32 s4, s31;
	s6 =	spop (v2sf)  }
0x68: {  	s31 =	rddreg [dreg:$0x4];
	s5 =	sand.u32 $0x1FFFFF80, s3;
	s16 =	sand.u32 $0x1FFFFF80, s6  }
0x69: {  	[tilespmem:s17], [sflag:$0x1] =	stream.linear.gather [hbm4b:s19+s1], $0x80, $0x38;
	[tilespmem:$0x1D000] =	vst v63  }
0x6a: {  	s15 =	sadd.s32 s4, s5;
	s10 =	spop (v2sf);
	s16 =	sadd.s32 s4, s16  }
0x6b: {  	[tilespmem:s9], [sflag:$0x1] =	stream.linear.gather [hbm4b:s15+s1], $0x80, $0x38;
	[tilespmem:$0x1D000] =	vst v63  }
0x6c: {  	s17 =	simm.s32 $0x10;
	s19 =	sand.u32 $0x1FFFFF80, s10;
	s20 =	spop (v2sf)  }
0x6d: {  	[tilespmem:s18], [sflag:$0x1] =	stream.linear.gather [hbm4b:s16+s1], $0x80, $0x38;
	[tilespmem:$0x1D000] =	vst v63  }
0x6e: {  	s9 =	sadd.s32 s4, s19;
	s15 =	sand.u32 $0x1FFFFF80, s20;
	s21 =	spop (v2sf)  }
0x6f: {  	[tilespmem:s13], [sflag:$0x1] =	stream.linear.gather [hbm4b:s9+s1], $0x80, $0x38;
	[tilespmem:$0x1D000] =	vst v63  }
0x70: {  	s22 =	sand.u32 $0x1FFFFF80, s21;
	s15 =	sadd.s32 s4, s15;
	s23 =	spop (v2sf)  }
0x71: {  	[tilespmem:s7], [sflag:$0x1] =	stream.linear.gather [hbm4b:s15+s1], $0x80, $0x38;
	[tilespmem:$0x1D000] =	vst v63  }
0x72: {  	s24 =	sand.u32 $0x1FFFFF80, s23;
	s25 =	spop (v2sf);
	s9 =	sadd.s32 s4, s22  }
0x73: {  	[tilespmem:s8], [sflag:$0x1] =	stream.linear.gather [hbm4b:s9+s1], $0x80, $0x38;
	[tilespmem:$0x1D000] =	vst v63  }
0x74: {  	s16 =	simm.s32 $0x0;
	s26 =	sand.u32 $0x1FFFFF80, s25;
	s7 =	sadd.s32 s4, s24  }
0x75: {  	[tilespmem:s28], [sflag:$0x1] =	stream.linear.gather [hbm4b:s7+s1], $0x80, $0x38;
	[tilespmem:$0x1D000] =	vst v63  }
0x76: {  	s18 =	simm.s32 $0x1;
	s30 =	sadd.s32 s4, s26;
	s15 =	sadd.s32 s31, s0  }
0x77: {  	[tilespmem:s29], [sflag:$0x1] =	stream.linear.gather [hbm4b:s30+s1], $0x80, $0x38;
	[tilespmem:$0x1D000] =	vst v63  }
.LBB2_5:
0x78: {  	p2 =	seq.s32 s16, $0x7  }
.Ltmp1:
0x79: {  	_ = 	snop;
	(pc) =	sbr.rel @p2 .LBB2_9-.Ltmp1, $4  }
0x7a: {  	_ = 	snop  }
0x7b: {  	_ =	swait.ge [sflag:s12], $0xD000  }
0x7c: {  	[sflag:s12] =	ssyncset.done $0x0  }
0x7d: {  	[sflag:s12] =	ssyncadd.s32 $0xFFFF3000  }
0x7e: {  	s0 =	sshll.u32 s17, $0x2;
	s2 =	sand.u32 $0x7, s18  }
0x7f: {  	s0 =	sand.u32 $0xFFFFFE00, s0;
	s2 =	sshll.u32 s2, $0x6  }
0x80: {  	s0 =	sor.u32 s2, s0  }
0x81: {  	s2 =	sshrl.u32 s0, $0x2  }
0x82: {  	v0 =	vld [tilespmem:s2+$0x0];
	_ =	sdelay $0x2  }
0x83: {  	s0 =	simm.s32 $0x1  }
0x84: {  	s0 =	simm.s32 @!p0 $0x0  }
0x85: {  	s0 =	smul.u32 $0x34000, s0;
	v0 =	vshll.u32 v0, $0x4  }
0x86: {  	(v2sf) =	vpush v0, $0x0  }
0x87: {  	s0 =	sshrl.u32 s0, $0x2;
	(v2sf) =	vpush v0, $0x2  }
0x88: {  	s13 =	simm.s32 $0x4000;
	s0 =	sadd.s32 $0x1000, s0;
	(v2sf) =	vpush v0, $0x1  }
0x89: {  	s19 =	simm.s32 $0x0;
	s7 =	sadd.s32 $0x80, s2;
	[dreg:$0x2] =	wrdreg s0;
	(v2sf) =	vpush v0, $0x3  }
0x8a: {  	s2 =	smov.u32 s7;
	s0 =	simm.s32 $0x2000;
	s8 =	rddreg [dreg:$0x2];
	(v2sf) =	vpush v0, $0x4  }
.LBB2_7:
0x8b: {  	_ =	sdelay $0x3  }
0x8c: {  	(v2sf) =	vpush v0, $0x5  }
0x8d: {  	s20 =	sshra.s32 s19, $0x2  }
0x8e: {  	s9 =	smov.u32 s13;
	s20 =	sadd.s32 s20, s8;
	(v2sf) =	vpush v0, $0x6  }
0x8f: {  	s19 =	smov.u32 s0;
	s0 =	smov.u32 s9;
	s9 =	sadd.s32 $0x80, s20  }
0x90: {  	s22 =	sadd.s32 $0x580, s20;
	s21 =	sadd.s32 $0x600, s20;
	s8 =	sadd.s32 $0x680, s20;
	(v2sf) =	vpush v0, $0x7  }
0x91: {  	s25 =	sadd.s32 $0x400, s20;
	s24 =	sadd.s32 $0x480, s20;
	s23 =	sadd.s32 $0x500, s20  }
0x92: {  	s28 =	sadd.s32 $0x300, s20;
	s26 =	sadd.s32 $0x380, s20;
	s29 =	spop (v2sf);
	(v2sf) =	vpush v0, $0x8  }
0x93: {  	s30 =	sadd.s32 $0x100, s20;
	s29 =	sand.u32 $0x1FFFFF80, s29;
	s31 =	spop (v2sf)  }
0x94: {  	s10 =	sadd.s32 $0x280, s20;
	s29 =	sadd.s32 s4, s29;
	s3 =	spop (v2sf);
	(v2sf) =	vpush v0, $0x9  }
0x95: {  	[tilespmem:s20], [sflag:$0x1] =	stream.linear.gather [hbm4b:s29+s1], $0x80, $0x38;
	[tilespmem:$0x1D000] =	vst v63  }
0x96: {  	s3 =	sand.u32 $0x1FFFFF80, s3;
	s29 =	sand.u32 $0x1FFFFF80, s31;
	s31 =	spop (v2sf);
	(v2sf) =	vpush v0, $0xA  }
0x97: {  	s5 =	sadd.s32 $0x200, s20;
	s3 =	sadd.s32 s4, s3;
	s6 =	spop (v2sf)  }
0x98: {  	(v2sf) =	vpush v0, $0xB;
	[tilespmem:s9], [sflag:$0x1] =	stream.linear.gather [hbm4b:s3+s1], $0x80, $0x38;
	[tilespmem:$0x1D000] =	vst v63  }
0x99: {  	s9 =	sadd.s32 s4, s29;
	s29 =	sand.u32 $0x1FFFFF80, s31;
	s6 =	sand.u32 $0x1FFFFF80, s6  }
0x9a: {  	(v2sf) =	vpush v0, $0xC;
	[tilespmem:s30], [sflag:$0x1] =	stream.linear.gather [hbm4b:s9+s1], $0x80, $0x38;
	[tilespmem:$0x1D000] =	vst v63  }
0x9b: {  	s31 =	spop (v2sf);
	s30 =	sadd.s32 $0x180, s20;
	s9 =	sadd.s32 s4, s29  }
0x9c: {  	(v2sf) =	vpush v0, $0xD;
	[tilespmem:s30], [sflag:$0x1] =	stream.linear.gather [hbm4b:s9+s1], $0x80, $0x38;
	[tilespmem:$0x1D000] =	vst v63  }
0x9d: {  	s9 =	sadd.s32 s4, s6;
	s30 =	sand.u32 $0x1FFFFF80, s31;
	s31 =	spop (v2sf)  }
0x9e: {  	(v2sf) =	vpush v0, $0xE;
	[tilespmem:s5], [sflag:$0x1] =	stream.linear.gather [hbm4b:s9+s1], $0x80, $0x38;
	[tilespmem:$0x1D000] =	vst v63  }
0x9f: {  	s29 =	sadd.s32 s4, s30;
	s30 =	sand.u32 $0x1FFFFF80, s31;
	s31 =	spop (v2sf)  }
0xa0: {  	(v2sf) =	vpush v0, $0xF;
	[tilespmem:s10], [sflag:$0x1] =	stream.linear.gather [hbm4b:s29+s1], $0x80, $0x38;
	[tilespmem:$0x1D000] =	vst v63  }
0xa1: {  	s5 =	sadd.s32 s4, s30;
	s9 =	sand.u32 $0x1FFFFF80, s31;
	s10 =	spop (v2sf)  }
0xa2: {  	[tilespmem:s28], [sflag:$0x1] =	stream.linear.gather [hbm4b:s5+s1], $0x80, $0x38;
	[tilespmem:$0x1D000] =	vst v63  }
0xa3: {  	s29 =	sadd.s32 s4, s9;
	s30 =	sand.u32 $0x1FFFFF80, s10;
	s31 =	spop (v2sf)  }
0xa4: {  	[tilespmem:s26], [sflag:$0x1] =	stream.linear.gather [hbm4b:s29+s1], $0x80, $0x38;
	[tilespmem:$0x1D000] =	vst v63  }
0xa5: {  	s5 =	sadd.s32 s4, s30;
	s9 =	sand.u32 $0x1FFFFF80, s31;
	s10 =	spop (v2sf)  }
0xa6: {  	[tilespmem:s25], [sflag:$0x1] =	stream.linear.gather [hbm4b:s5+s1], $0x80, $0x38;
	[tilespmem:$0x1D000] =	vst v63  }
0xa7: {  	s25 =	sadd.s32 s4, s9;
	s26 =	sand.u32 $0x1FFFFF80, s10;
	s28 =	spop (v2sf)  }
0xa8: {  	[tilespmem:s24], [sflag:$0x1] =	stream.linear.gather [hbm4b:s25+s1], $0x80, $0x38;
	[tilespmem:$0x1D000] =	vst v63  }
0xa9: {  	s29 =	sadd.s32 s4, s26;
	s30 =	sand.u32 $0x1FFFFF80, s28;
	s31 =	spop (v2sf)  }
0xaa: {  	[tilespmem:s23], [sflag:$0x1] =	stream.linear.gather [hbm4b:s29+s1], $0x80, $0x38;
	[tilespmem:$0x1D000] =	vst v63  }
0xab: {  	s5 =	sadd.s32 s4, s30;
	s9 =	sand.u32 $0x1FFFFF80, s31;
	s10 =	spop (v2sf)  }
0xac: {  	[tilespmem:s22], [sflag:$0x1] =	stream.linear.gather [hbm4b:s5+s1], $0x80, $0x38;
	[tilespmem:$0x1D000] =	vst v63  }
0xad: {  	s23 =	sand.u32 $0x1FFFFF80, s10;
	s24 =	spop (v2sf);
	s22 =	sadd.s32 s4, s9  }
0xae: {  	[tilespmem:s21], [sflag:$0x1] =	stream.linear.gather [hbm4b:s22+s1], $0x80, $0x38;
	[tilespmem:$0x1D000] =	vst v63  }
0xaf: {  	s25 =	sadd.s32 s4, s23;
	s26 =	sand.u32 $0x1FFFFF80, s24;
	s28 =	spop (v2sf)  }
0xb0: {  	[tilespmem:s8], [sflag:$0x1] =	stream.linear.gather [hbm4b:s25+s1], $0x80, $0x38;
	[tilespmem:$0x1D000] =	vst v63  }
0xb1: {  	s29 =	sadd.s32 $0x700, s20;
	s5 =	sadd.s32 s4, s26;
	s6 =	sand.u32 $0x1FFFFF80, s28  }
0xb2: {  	[tilespmem:s29], [sflag:$0x1] =	stream.linear.gather [hbm4b:s5+s1], $0x80, $0x38;
	[tilespmem:$0x1D000] =	vst v63  }
0xb3: {  	s30 =	sadd.s32 $0x780, s20;
	s31 =	sadd.s32 s4, s6  }
0xb4: {  	[tilespmem:s30], [sflag:$0x1] =	stream.linear.gather [hbm4b:s31+s1], $0x80, $0x38;
	[tilespmem:$0x1D000] =	vst v63  }
0xb5: {  	v0 =	vld [tilespmem:s2+$0x0];
	_ =	sdelay $0x4  }
0xb6: {  	p2 =	sne.s32 s13, $0x32000;
	v0 =	vshll.u32 v0, $0x4  }
.Ltmp2:
0xb7: {  	(v2sf) =	vpush v0, $0x0;
	(pc) =	sbr.rel @p2 .LBB2_7-.Ltmp2, $4  }
0xb8: {  	(v2sf) =	vpush v0, $0x2  }
0xb9: {  	(v2sf) =	vpush v0, $0x1  }
0xba: {  	s7 =	sadd.s32 $0x80, s7;
	(v2sf) =	vpush v0, $0x3  }
0xbb: {  	s13 =	sadd.s32 $0x2000, s13;
	s8 =	rddreg [dreg:$0x2];
	s2 =	smov.u32 s7;
	(v2sf) =	vpush v0, $0x4  }
0xbc: {  	_ =	sdelay $0x3  }
0xbd: {  	(v2sf) =	vpush v0, $0x5  }
0xbe: {  	s3 =	sshra.s32 s19, $0x2  }
0xbf: {  	s7 =	sadd.s32 s3, s8;
	(v2sf) =	vpush v0, $0x6  }
0xc0: {  	s3 =	sadd.s32 $0x80, s7  }
0xc1: {  	s19 =	sadd.s32 $0x580, s7;
	s13 =	sadd.s32 $0x600, s7;
	s8 =	sadd.s32 $0x680, s7;
	(v2sf) =	vpush v0, $0x7  }
0xc2: {  	s5 =	sadd.s32 $0x400, s7;
	s6 =	sadd.s32 $0x480, s7;
	s9 =	sadd.s32 $0x500, s7  }
0xc3: {  	s10 =	sadd.s32 $0x300, s7;
	s20 =	sadd.s32 $0x380, s7;
	s21 =	spop (v2sf);
	(v2sf) =	vpush v0, $0x8  }
0xc4: {  	s22 =	sadd.s32 $0x100, s7;
	s21 =	sand.u32 $0x1FFFFF80, s21;
	s23 =	spop (v2sf)  }
0xc5: {  	s24 =	sadd.s32 $0x280, s7;
	s21 =	sadd.s32 s4, s21;
	s25 =	spop (v2sf);
	(v2sf) =	vpush v0, $0x9  }
0xc6: {  	[tilespmem:s7], [sflag:$0x1] =	stream.linear.gather [hbm4b:s21+s1], $0x80, $0x38;
	[tilespmem:$0x1D000] =	vst v63  }
0xc7: {  	s26 =	sadd.s32 $0x200, s7;
	s30 =	sand.u32 $0x1FFFFF80, s25;
	s31 =	spop (v2sf);
	(v2sf) =	vpush v0, $0xA  }
0xc8: {  	s23 =	sand.u32 $0x1FFFFF80, s23;
	s21 =	sadd.s32 s4, s30;
	s28 =	spop (v2sf)  }
0xc9: {  	(v2sf) =	vpush v0, $0xB;
	[tilespmem:s3], [sflag:$0x1] =	stream.linear.gather [hbm4b:s21+s1], $0x80, $0x38;
	[tilespmem:$0x1D000] =	vst v63  }
0xca: {  	s29 =	sadd.s32 s4, s23;
	s25 =	sadd.s32 $0x180, s7;
	s30 =	sand.u32 $0x1FFFFF80, s31  }
0xcb: {  	(v2sf) =	vpush v0, $0xC;
	[tilespmem:s22], [sflag:$0x1] =	stream.linear.gather [hbm4b:s29+s1], $0x80, $0x38;
	[tilespmem:$0x1D000] =	vst v63  }
0xcc: {  	s31 =	sand.u32 $0x1FFFFF80, s28;
	s21 =	sadd.s32 s4, s30;
	s28 =	spop (v2sf)  }
0xcd: {  	(v2sf) =	vpush v0, $0xD;
	[tilespmem:s25], [sflag:$0x1] =	stream.linear.gather [hbm4b:s21+s1], $0x80, $0x38;
	[tilespmem:$0x1D000] =	vst v63  }
0xce: {  	s30 =	sand.u32 $0x1FFFFF80, s28;
	s29 =	sadd.s32 s4, s31;
	s31 =	spop (v2sf)  }
0xcf: {  	(v2sf) =	vpush v0, $0xE;
	[tilespmem:s26], [sflag:$0x1] =	stream.linear.gather [hbm4b:s29+s1], $0x80, $0x38;
	[tilespmem:$0x1D000] =	vst v63  }
0xd0: {  	s22 =	sand.u32 $0x1FFFFF80, s31;
	s23 =	spop (v2sf);
	s21 =	sadd.s32 s4, s30  }
0xd1: {  	(v2sf) =	vpush v0, $0xF;
	[tilespmem:s24], [sflag:$0x1] =	stream.linear.gather [hbm4b:s21+s1], $0x80, $0x38;
	[tilespmem:$0x1D000] =	vst v63  }
0xd2: {  	s25 =	sadd.s32 s4, s22;
	s26 =	sand.u32 $0x1FFFFF80, s23;
	s28 =	spop (v2sf)  }
0xd3: {  	[tilespmem:s10], [sflag:$0x1] =	stream.linear.gather [hbm4b:s25+s1], $0x80, $0x38;
	[tilespmem:$0x1D000] =	vst v63  }
0xd4: {  	s29 =	sadd.s32 s4, s26;
	s30 =	sand.u32 $0x1FFFFF80, s28;
	s31 =	spop (v2sf)  }
0xd5: {  	[tilespmem:s20], [sflag:$0x1] =	stream.linear.gather [hbm4b:s29+s1], $0x80, $0x38;
	[tilespmem:$0x1D000] =	vst v63  }
0xd6: {  	s22 =	sadd.s32 s4, s30;
	s23 =	sand.u32 $0x1FFFFF80, s31;
	s24 =	spop (v2sf)  }
0xd7: {  	[tilespmem:s5], [sflag:$0x1] =	stream.linear.gather [hbm4b:s22+s1], $0x80, $0x38;
	[tilespmem:$0x1D000] =	vst v63  }
0xd8: {  	s25 =	sadd.s32 s4, s23;
	s26 =	sand.u32 $0x1FFFFF80, s24;
	s28 =	spop (v2sf)  }
0xd9: {  	[tilespmem:s6], [sflag:$0x1] =	stream.linear.gather [hbm4b:s25+s1], $0x80, $0x38;
	[tilespmem:$0x1D000] =	vst v63  }
0xda: {  	s29 =	sadd.s32 s4, s26;
	s30 =	sand.u32 $0x1FFFFF80, s28;
	s31 =	spop (v2sf)  }
0xdb: {  	[tilespmem:s9], [sflag:$0x1] =	stream.linear.gather [hbm4b:s29+s1], $0x80, $0x38;
	[tilespmem:$0x1D000] =	vst v63  }
0xdc: {  	s5 =	sadd.s32 s4, s30;
	s6 =	sand.u32 $0x1FFFFF80, s31;
	s9 =	spop (v2sf)  }
0xdd: {  	[tilespmem:s19], [sflag:$0x1] =	stream.linear.gather [hbm4b:s5+s1], $0x80, $0x38;
	[tilespmem:$0x1D000] =	vst v63  }
0xde: {  	s10 =	sadd.s32 s4, s6;
	s20 =	spop (v2sf);
	s19 =	sand.u32 $0x1FFFFF80, s9  }
0xdf: {  	[tilespmem:s13], [sflag:$0x1] =	stream.linear.gather [hbm4b:s10+s1], $0x80, $0x38;
	[tilespmem:$0x1D000] =	vst v63  }
0xe0: {  	s22 =	sand.u32 $0x1FFFFF80, s20;
	s23 =	spop (v2sf);
	s21 =	sadd.s32 s4, s19  }
0xe1: {  	[tilespmem:s8], [sflag:$0x1] =	stream.linear.gather [hbm4b:s21+s1], $0x80, $0x38;
	[tilespmem:$0x1D000] =	vst v63  }
0xe2: {  	s24 =	sadd.s32 $0x700, s7;
	s5 =	sadd.s32 s4, s22;
	s6 =	sand.u32 $0x1FFFFF80, s23  }
0xe3: {  	[tilespmem:s24], [sflag:$0x1] =	stream.linear.gather [hbm4b:s5+s1], $0x80, $0x38;
	[tilespmem:$0x1D000] =	vst v63  }
0xe4: {  	s25 =	sadd.s32 $0x780, s7;
	s26 =	sadd.s32 s4, s6  }
0xe5: {  	[tilespmem:s25], [sflag:$0x1] =	stream.linear.gather [hbm4b:s26+s1], $0x80, $0x38;
	[tilespmem:$0x1D000] =	vst v63  }
0xe6: {  	v63 =	vld [tilespmem:s2+$0x0];
	_ =	sdelay $0x4  }
0xe7: {  	v0 =	vshll.u32 v63, $0x4  }
0xe8: {  	(v2sf) =	vpush v0, $0x0  }
0xe9: {  	(v2sf) =	vpush v0, $0x2  }
0xea: {  	(v2sf) =	vpush v0, $0x1;
	_ =	sdelay $0x1  }
0xeb: {  	(v2sf) =	vpush v0, $0x3  }
0xec: {  	(v2sf) =	vpush v0, $0x4;
	_ =	sdelay $0x3  }
0xed: {  	(v2sf) =	vpush v0, $0x5  }
0xee: {  	s0 =	sshra.s32 s0, $0x2;
	s28 =	rddreg [dreg:$0x2]  }
0xef: {  	s0 =	sadd.s32 s0, s28;
	(v2sf) =	vpush v0, $0x6  }
0xf0: {  	s7 =	sadd.s32 $0x600, s0  }
0xf1: {  	s29 =	sadd.s32 $0x80, s0;
	s9 =	sadd.s32 $0x500, s0;
	s20 =	sadd.s32 $0x100, s0;
	(v2sf) =	vpush v0, $0x7  }
0xf2: {  	s22 =	sadd.s32 $0x280, s0;
	s6 =	sadd.s32 $0x480, s0;
	s10 =	sadd.s32 $0x300, s0  }
0xf3: {  	s13 =	sadd.s32 $0x380, s0;
	s8 =	sadd.s32 $0x580, s0;
	s30 =	spop (v2sf);
	(v2sf) =	vpush v0, $0x8  }
0xf4: {  	s5 =	sadd.s32 $0x400, s0;
	s19 =	sand.u32 $0x1FFFFF80, s30;
	s31 =	spop (v2sf)  }
0xf5: {  	s2 =	sadd.s32 $0x680, s0;
	(v2sf) =	vpush v0, $0x9;
	s19 =	sadd.s32 s4, s19;
	s24 =	spop (v2sf)  }
0xf6: {  	[tilespmem:s0], [sflag:$0x1] =	stream.linear.gather [hbm4b:s19+s1], $0x80, $0x38;
	[tilespmem:$0x1D000] =	vst v63  }
0xf7: {  	s21 =	sand.u32 $0x1FFFFF80, s31;
	(v2sf) =	vpush v0, $0xA;
	s25 =	sand.u32 $0x1FFFFF80, s24;
	s26 =	spop (v2sf)  }
0xf8: {  	s24 =	sadd.s32 $0x200, s0;
	s19 =	sadd.s32 s4, s25;
	s28 =	spop (v2sf)  }
0xf9: {  	(v2sf) =	vpush v0, $0xB;
	[tilespmem:s29], [sflag:$0x1] =	stream.linear.gather [hbm4b:s19+s1], $0x80, $0x38;
	[tilespmem:$0x1D000] =	vst v63  }
0xfa: {  	s30 =	sand.u32 $0x1FFFFF80, s26;
	s29 =	sadd.s32 s4, s21;
	s31 =	sand.u32 $0x1FFFFF80, s28  }
0xfb: {  	(v2sf) =	vpush v0, $0xC;
	[tilespmem:s20], [sflag:$0x1] =	stream.linear.gather [hbm4b:s29+s1], $0x80, $0x38;
	[tilespmem:$0x1D000] =	vst v63  }
0xfc: {  	s19 =	sadd.s32 s4, s30;
	s23 =	spop (v2sf);
	s20 =	sadd.s32 $0x180, s0  }
0xfd: {  	(v2sf) =	vpush v0, $0xD;
	[tilespmem:s20], [sflag:$0x1] =	stream.linear.gather [hbm4b:s19+s1], $0x80, $0x38;
	[tilespmem:$0x1D000] =	vst v63  }
0xfe: {  	s25 =	sadd.s32 s4, s31;
	s26 =	sand.u32 $0x1FFFFF80, s23;
	s28 =	spop (v2sf)  }
0xff: {  	(v2sf) =	vpush v0, $0xE;
	[tilespmem:s24], [sflag:$0x1] =	stream.linear.gather [hbm4b:s25+s1], $0x80, $0x38;
	[tilespmem:$0x1D000] =	vst v63  }
0x100: {  	s29 =	sadd.s32 s4, s26;
	s30 =	sand.u32 $0x1FFFFF80, s28;
	s31 =	spop (v2sf)  }
0x101: {  	(v2sf) =	vpush v0, $0xF;
	[tilespmem:s22], [sflag:$0x1] =	stream.linear.gather [hbm4b:s29+s1], $0x80, $0x38;
	[tilespmem:$0x1D000] =	vst v63  }
0x102: {  	s19 =	sadd.s32 s4, s30;
	s20 =	sand.u32 $0x1FFFFF80, s31;
	s21 =	spop (v2sf)  }
0x103: {  	[tilespmem:s10], [sflag:$0x1] =	stream.linear.gather [hbm4b:s19+s1], $0x80, $0x38;
	[tilespmem:$0x1D000] =	vst v63  }
0x104: {  	s22 =	sadd.s32 s4, s20;
	s23 =	sand.u32 $0x1FFFFF80, s21;
	s24 =	spop (v2sf)  }
0x105: {  	[tilespmem:s13], [sflag:$0x1] =	stream.linear.gather [hbm4b:s22+s1], $0x80, $0x38;
	[tilespmem:$0x1D000] =	vst v63  }
0x106: {  	s25 =	sadd.s32 s4, s23;
	s26 =	sand.u32 $0x1FFFFF80, s24;
	s28 =	spop (v2sf)  }
0x107: {  	[tilespmem:s5], [sflag:$0x1] =	stream.linear.gather [hbm4b:s25+s1], $0x80, $0x38;
	[tilespmem:$0x1D000] =	vst v63  }
0x108: {  	s29 =	sadd.s32 s4, s26;
	s30 =	sand.u32 $0x1FFFFF80, s28;
	s31 =	spop (v2sf)  }
0x109: {  	[tilespmem:s6], [sflag:$0x1] =	stream.linear.gather [hbm4b:s29+s1], $0x80, $0x38;
	[tilespmem:$0x1D000] =	vst v63  }
0x10a: {  	s5 =	sadd.s32 s4, s30;
	s10 =	spop (v2sf);
	s6 =	sand.u32 $0x1FFFFF80, s31  }
0x10b: {  	[tilespmem:s9], [sflag:$0x1] =	stream.linear.gather [hbm4b:s5+s1], $0x80, $0x38;
	[tilespmem:$0x1D000] =	vst v63  }
0x10c: {  	s19 =	sand.u32 $0x1FFFFF80, s10;
	s20 =	spop (v2sf);
	s13 =	sadd.s32 s4, s6  }
0x10d: {  	[tilespmem:s8], [sflag:$0x1] =	stream.linear.gather [hbm4b:s13+s1], $0x80, $0x38;
	[tilespmem:$0x1D000] =	vst v63  }
0x10e: {  	s21 =	sadd.s32 s4, s19;
	s22 =	sand.u32 $0x1FFFFF80, s20;
	s23 =	spop (v2sf)  }
0x10f: {  	[tilespmem:s7], [sflag:$0x1] =	stream.linear.gather [hbm4b:s21+s1], $0x80, $0x38;
	[tilespmem:$0x1D000] =	vst v63  }
0x110: {  	s24 =	sadd.s32 s4, s22;
	s25 =	sand.u32 $0x1FFFFF80, s23;
	s26 =	spop (v2sf)  }
0x111: {  	[tilespmem:s2], [sflag:$0x1] =	stream.linear.gather [hbm4b:s24+s1], $0x80, $0x38;
	[tilespmem:$0x1D000] =	vst v63  }
0x112: {  	s28 =	sadd.s32 $0x700, s0;
	s29 =	sadd.s32 s4, s25;
	s30 =	sand.u32 $0x1FFFFF80, s26  }
0x113: {  	[tilespmem:s28], [sflag:$0x1] =	stream.linear.gather [hbm4b:s29+s1], $0x80, $0x38;
	[tilespmem:$0x1D000] =	vst v63  }
0x114: {  	s0 =	sadd.s32 $0x780, s0;
	s31 =	sadd.s32 s4, s30  }
0x115: {  	[tilespmem:s0], [sflag:$0x1] =	stream.linear.gather [hbm4b:s31+s1], $0x80, $0x38;
	[tilespmem:$0x1D000] =	vst v63  }
.LBB2_9:
0x116: {  	s0 =	simm.s32 $0x1  }
0x117: {  	s0 =	simm.s32 @!p1 $0x0  }
0x118: {  	s0 =	smul.u32 $0x34000, s0;
	_ =	sdelay $0x1  }
0x119: {  	s3 =	sshrl.u32 s0, $0x2  }
0x11a: {  	s0 =	sadd.s32 $0x1800, s3  }
0x11b: {  	v0 =	vld [tilespmem:s0+$0x0]  }
0x11c: {  	v1 =	vld [tilespmem:s0+$0x20]  }
0x11d: {  	v9 =	vld [tilespmem:s0+$0x30]  }
0x11e: {  	v8 =	vld [tilespmem:s0+$0xFFFFF800]  }
0x11f: {  	v12 =	vld [tilespmem:s0+$0xFFFFF820]  }
0x120: {  	v7 =	vld [tilespmem:s0+$0xFFFFF830]  }
0x121: {  	v13 =	vld [tilespmem:s0+$0xFFFFF810]  }
0x122: {  	v2 =	vld [tilespmem:s0+$0x10];
	s5 =	sadd.s32 $0x1000, s0  }
0x123: {  	v5 =	vld [tilespmem:s5+$0x0];
	v18 =	vmul.f32 v0, v0  }
0x124: {  	v16 =	vimm.f32 $0.0e+00;
	v3 =	vld [tilespmem:s5+$0x20];
	v4 =	vmul.f32 v9, v9;
	v19 =	vmul.f32 v12, v12  }
0x125: {  	s20 =	simm.s32 $0x2;
	s19 =	sadd.s32 $0x1F80, s3;
	v6 =	vld [tilespmem:s5+$0x10];
	v15 =	vmul.f32 v8, v8;
	v14 =	vadd.f32 v7, v16;
	v17 =	vmul.f32 v7, v7  }
0x126: {  	s22 =	sadd.s32 $0x1F00, s3;
	s23 =	sadd.s32 $0x1E80, s3;
	s24 =	sadd.s32 $0x1E00, s3;
	v7 =	vld [tilespmem:s5+$0x30];
	v11 =	vadd.f32 v8, v16;
	v20 =	vmul.f32 v13, v13;
	v19 =	vadd.f32 v19, v16  }
0x127: {  	s25 =	sadd.s32 $0x1D80, s3;
	s26 =	sadd.s32 $0x1D00, s3;
	s28 =	sadd.s32 $0x1C80, s3;
	v10 =	vadd.f32 v12, v16;
	v8 =	vld [tilespmem:s5+$0xFFFFF800];
	v12 =	vadd.f32 v13, v16;
	v25 =	vmul.f32 v1, v1  }
0x128: {  	s29 =	sadd.s32 $0x1C00, s3;
	s30 =	sadd.s32 $0x1B80, s3;
	s31 =	sadd.s32 $0x1B00, s3;
	v23 =	vmul.f32 v2, v2;
	v13 =	vadd.f32 v9, v14;
	v14 =	vld [tilespmem:s5+$0xFFFFF830];
	v24 =	vadd.f32 v15, v16  }
0x129: {  	s2 =	sadd.s32 $0x1A00, s3;
	s7 =	sadd.s32 $0x1980, s3;
	s13 =	sadd.s32 $0x1900, s3;
	v15 =	vld [tilespmem:s5+$0xFFFFF820];
	v22 =	vadd.f32 v20, v16;
	v21 =	vadd.f32 v17, v16;
	v9 =	vmul.f32 v5, v5  }
0x12a: {  	s8 =	sadd.s32 $0x1880, s3;
	s0 =	sadd.s32 $0x1A80, s3;
	s21 =	sadd.s32 $0x1000, s5;
	v17 =	vld [tilespmem:s5+$0xFFFFF810];
	v16 =	vadd.f32 v18, v24;
	v18 =	vadd.f32 v25, v19;
	v20 =	vmovc v6;
	v19 =	vmov v3  }
.LBB2_10:
0x12b: {  	v24 =	vmov v6;
	v25 =	vmov v3  }
0x12c: {  	s20 =	sadd.s32 $0x2, s20;
	v22 =	vadd.f32 v23, v22;
	v21 =	vadd.f32 v4, v21;
	v4 =	vmul.f32 v7, v7;
	v23 =	vmovc v7;
	v26 =	vld [tilespmem:s21+$0x0]  }
0x12d: {  	v11 =	vadd.f32 v0, v11;
	v10 =	vadd.f32 v1, v10;
	v0 =	vmovc v5;
	p2 =	slt.u32 s20, $0x18;
	v27 =	vmul.f32 v8, v8;
	v3 =	vld [tilespmem:s21+$0x20]  }
0x12e: {  	v12 =	vadd.f32 v2, v12;
	v1 =	vmovc v19;
	v29 =	vadd.f32 v14, v13;
	v28 =	vmul.f32 v14, v14;
	v6 =	vld [tilespmem:s21+$0x10]  }
.Ltmp3:
0x12f: {  	v2 =	vmovc v20;
	v11 =	vadd.f32 v8, v11;
	v10 =	vadd.f32 v15, v10;
	v15 =	vmul.f32 v15, v15;
	v7 =	vld [tilespmem:s21+$0x30];
	(pc) =	sbr.rel @p2 .LBB2_10-.Ltmp3, $4  }
0x130: {  	v12 =	vadd.f32 v17, v12;
	v17 =	vmul.f32 v17, v17;
	v13 =	vadd.f32 v23, v29;
	v8 =	vld [tilespmem:s21+$0xFFFFF800]  }
0x131: {  	v25 =	vmul.f32 v25, v1;
	v16 =	vadd.f32 v27, v16;
	v18 =	vadd.f32 v15, v18;
	v14 =	vld [tilespmem:s21+$0xFFFFF830];
	v5 =	vmovc v26  }
0x132: {  	v21 =	vadd.f32 v28, v21;
	v23 =	vmul.f32 v24, v2;
	v22 =	vadd.f32 v17, v22;
	v15 =	vld [tilespmem:s21+$0xFFFFF820];
	v19 =	vmovc v3  }
0x133: {  	v16 =	vadd.f32 v9, v16;
	v9 =	vmul.f32 v26, v5;
	v18 =	vadd.f32 v25, v18;
	v17 =	vld [tilespmem:s21+$0xFFFFF810];
	s21 =	sadd.s32 $0x1000, s21;
	v20 =	vmovc v6  }
0x134: {  	v22 =	vadd.f32 v23, v22  }
0x135: {  	v23 =	vmul.f32 v7, v7;
	v4 =	vadd.f32 v4, v21;
	v0 =	vadd.f32 v0, v11  }
0x136: {  	v1 =	vadd.f32 v1, v10;
	v2 =	vadd.f32 v2, v12;
	v3 =	vmul.f32 v3, v19  }
0x137: {  	v11 =	vmul.f32 v8, v8;
	v10 =	vadd.f32 v14, v13;
	v0 =	vadd.f32 v8, v0  }
0x138: {  	v1 =	vadd.f32 v15, v1;
	v8 =	vmul.f32 v15, v15;
	v2 =	vadd.f32 v17, v2  }
0x139: {  	v13 =	vmul.f32 v17, v17;
	v7 =	vadd.f32 v7, v10;
	v10 =	vadd.f32 v11, v16  }
0x13a: {  	v6 =	vmul.f32 v6, v20;
	v0 =	vadd.f32 v5, v0;
	v8 =	vadd.f32 v8, v18  }
0x13b: {  	v12 =	vmul.f32 v14, v14;
	v5 =	vadd.f32 v13, v22;
	v2 =	vadd.f32 v20, v2  }
0x13c: {  	v1 =	vadd.f32 v19, v1;
	v9 =	vadd.f32 v9, v10;
	v0 =	vmul.f32 v0, v0  }
0x13d: {  	v4 =	vadd.f32 v12, v4;
	v5 =	vadd.f32 v6, v5;
	v2 =	vmul.f32 v2, v2  }
0x13e: {  	v3 =	vadd.f32 v3, v8;
	v1 =	vmul.f32 v1, v1;
	v0 =	vsub.f32 v0, v9  }
0x13f: {  	v4 =	vadd.f32 v23, v4;
	v2 =	vsub.f32 v2, v5;
	v5 =	vmul.f32 v7, v7  }
0x140: {  	s21 =	sand.u32 $0x3, s16;
	v1 =	vsub.f32 v1, v3;
	v0 =	vmul.f32 $5.000000000e-01, v0  }
0x141: {  	s20 =	sshll.u32 s21, $0xB;
	v2 =	vmul.f32 $5.000000000e-01, v2;
	v3 =	vsub.f32 v5, v4  }
0x142: {  	[tilespmem:s20+$0x1B000] =	vst v0;
	v0 =	vmul.f32 $5.000000000e-01, v1  }
0x143: {  	[tilespmem:s20+$0x1B010] =	vst v2;
	v1 =	vmul.f32 $5.000000000e-01, v3  }
0x144: {  	[tilespmem:s20+$0x1B020] =	vst v0  }
0x145: {  	[tilespmem:s20+$0x1B030] =	vst v1  }
0x146: {  	v0 =	vld [tilespmem:s8+$0x0]  }
0x147: {  	v1 =	vld [tilespmem:s8+$0x20]  }
0x148: {  	v7 =	vld [tilespmem:s8+$0x30]  }
0x149: {  	v8 =	vld [tilespmem:s8+$0xFFFFF800]  }
0x14a: {  	v12 =	vld [tilespmem:s8+$0xFFFFF820]  }
0x14b: {  	v9 =	vld [tilespmem:s8+$0xFFFFF830]  }
0x14c: {  	v13 =	vld [tilespmem:s8+$0xFFFFF810]  }
0x14d: {  	s3 =	sadd.s32 $0x1000, s8;
	v2 =	vld [tilespmem:s8+$0x10]  }
0x14e: {  	v6 =	vld [tilespmem:s3+$0x0];
	v18 =	vmul.f32 v0, v0  }
0x14f: {  	v16 =	vimm.f32 $0.0e+00;
	v3 =	vld [tilespmem:s3+$0x20];
	v4 =	vmul.f32 v7, v7;
	v19 =	vmul.f32 v12, v12  }
0x150: {  	v5 =	vld [tilespmem:s3+$0x10];
	v15 =	vmul.f32 v8, v8;
	v14 =	vadd.f32 v9, v16;
	v17 =	vmul.f32 v9, v9  }
0x151: {  	v9 =	vld [tilespmem:s3+$0x30];
	v11 =	vadd.f32 v8, v16;
	v20 =	vmul.f32 v13, v13;
	v19 =	vadd.f32 v19, v16  }
0x152: {  	v10 =	vadd.f32 v12, v16;
	v8 =	vld [tilespmem:s3+$0xFFFFF800];
	v12 =	vadd.f32 v13, v16;
	v25 =	vmul.f32 v1, v1  }
0x153: {  	v23 =	vmul.f32 v2, v2;
	v13 =	vadd.f32 v7, v14;
	v14 =	vld [tilespmem:s3+$0xFFFFF830];
	v24 =	vadd.f32 v15, v16  }
0x154: {  	v15 =	vld [tilespmem:s3+$0xFFFFF820];
	v22 =	vadd.f32 v20, v16;
	v21 =	vadd.f32 v17, v16;
	v7 =	vmul.f32 v6, v6  }
0x155: {  	s9 =	sadd.s32 $0x1000, s3;
	s8 =	simm.s32 $0x2;
	v17 =	vld [tilespmem:s3+$0xFFFFF810];
	v16 =	vadd.f32 v18, v24;
	v18 =	vadd.f32 v25, v19;
	v20 =	vmovc v5;
	v19 =	vmov v3  }
.LBB2_12:
0x156: {  	v24 =	vmov v5;
	v25 =	vmov v3  }
0x157: {  	s8 =	sadd.s32 $0x2, s8;
	v22 =	vadd.f32 v23, v22;
	v21 =	vadd.f32 v4, v21;
	v4 =	vmul.f32 v9, v9;
	v23 =	vmovc v9;
	v26 =	vld [tilespmem:s9+$0x0]  }
0x158: {  	v11 =	vadd.f32 v0, v11;
	v10 =	vadd.f32 v1, v10;
	v0 =	vmovc v6;
	p2 =	slt.u32 s8, $0x18;
	v27 =	vmul.f32 v8, v8;
	v3 =	vld [tilespmem:s9+$0x20]  }
0x159: {  	v12 =	vadd.f32 v2, v12;
	v1 =	vmovc v19;
	v29 =	vadd.f32 v14, v13;
	v28 =	vmul.f32 v14, v14;
	v5 =	vld [tilespmem:s9+$0x10]  }
.Ltmp4:
0x15a: {  	v2 =	vmovc v20;
	v11 =	vadd.f32 v8, v11;
	v10 =	vadd.f32 v15, v10;
	v15 =	vmul.f32 v15, v15;
	v9 =	vld [tilespmem:s9+$0x30];
	(pc) =	sbr.rel @p2 .LBB2_12-.Ltmp4, $4  }
0x15b: {  	v12 =	vadd.f32 v17, v12;
	v17 =	vmul.f32 v17, v17;
	v13 =	vadd.f32 v23, v29;
	v8 =	vld [tilespmem:s9+$0xFFFFF800]  }
0x15c: {  	v25 =	vmul.f32 v25, v1;
	v16 =	vadd.f32 v27, v16;
	v18 =	vadd.f32 v15, v18;
	v14 =	vld [tilespmem:s9+$0xFFFFF830];
	v6 =	vmovc v26  }
0x15d: {  	v21 =	vadd.f32 v28, v21;
	v23 =	vmul.f32 v24, v2;
	v22 =	vadd.f32 v17, v22;
	v15 =	vld [tilespmem:s9+$0xFFFFF820];
	v19 =	vmovc v3  }
0x15e: {  	v16 =	vadd.f32 v7, v16;
	v7 =	vmul.f32 v26, v6;
	v18 =	vadd.f32 v25, v18;
	v17 =	vld [tilespmem:s9+$0xFFFFF810];
	s9 =	sadd.s32 $0x1000, s9;
	v20 =	vmovc v5  }
0x15f: {  	v22 =	vadd.f32 v23, v22  }
0x160: {  	v23 =	vmul.f32 v9, v9;
	v4 =	vadd.f32 v4, v21;
	v0 =	vadd.f32 v0, v11  }
0x161: {  	v1 =	vadd.f32 v1, v10;
	v2 =	vadd.f32 v2, v12;
	v3 =	vmul.f32 v3, v19  }
0x162: {  	v11 =	vmul.f32 v8, v8;
	v10 =	vadd.f32 v14, v13;
	v0 =	vadd.f32 v8, v0  }
0x163: {  	v1 =	vadd.f32 v15, v1;
	v8 =	vmul.f32 v15, v15;
	v2 =	vadd.f32 v17, v2  }
0x164: {  	v13 =	vmul.f32 v17, v17;
	v9 =	vadd.f32 v9, v10;
	v10 =	vadd.f32 v11, v16  }
0x165: {  	v5 =	vmul.f32 v5, v20;
	v0 =	vadd.f32 v6, v0;
	v8 =	vadd.f32 v8, v18  }
0x166: {  	v12 =	vmul.f32 v14, v14;
	v6 =	vadd.f32 v13, v22;
	v2 =	vadd.f32 v20, v2  }
0x167: {  	v1 =	vadd.f32 v19, v1;
	v7 =	vadd.f32 v7, v10;
	v0 =	vmul.f32 v0, v0  }
0x168: {  	v4 =	vadd.f32 v12, v4;
	v5 =	vadd.f32 v5, v6;
	v2 =	vmul.f32 v2, v2  }
0x169: {  	v3 =	vadd.f32 v3, v8;
	v1 =	vmul.f32 v1, v1;
	v0 =	vsub.f32 v0, v7  }
0x16a: {  	v4 =	vadd.f32 v23, v4;
	v2 =	vsub.f32 v2, v5;
	v5 =	vmul.f32 v9, v9  }
0x16b: {  	v1 =	vsub.f32 v1, v3;
	v0 =	vmul.f32 $5.000000000e-01, v0  }
0x16c: {  	v2 =	vmul.f32 $5.000000000e-01, v2;
	v3 =	vsub.f32 v5, v4  }
0x16d: {  	[tilespmem:s20+$0x1B080] =	vst v0;
	v0 =	vmul.f32 $5.000000000e-01, v1  }
0x16e: {  	[tilespmem:s20+$0x1B090] =	vst v2;
	v1 =	vmul.f32 $5.000000000e-01, v3  }
0x16f: {  	[tilespmem:s20+$0x1B0A0] =	vst v0  }
0x170: {  	[tilespmem:s20+$0x1B0B0] =	vst v1  }
0x171: {  	v0 =	vld [tilespmem:s13+$0x0]  }
0x172: {  	v1 =	vld [tilespmem:s13+$0x20]  }
0x173: {  	v7 =	vld [tilespmem:s13+$0x30]  }
0x174: {  	v8 =	vld [tilespmem:s13+$0xFFFFF800]  }
0x175: {  	v12 =	vld [tilespmem:s13+$0xFFFFF820]  }
0x176: {  	v9 =	vld [tilespmem:s13+$0xFFFFF830]  }
0x177: {  	v13 =	vld [tilespmem:s13+$0xFFFFF810]  }
0x178: {  	s3 =	sadd.s32 $0x1000, s13;
	v2 =	vld [tilespmem:s13+$0x10]  }
0x179: {  	v6 =	vld [tilespmem:s3+$0x0];
	v18 =	vmul.f32 v0, v0  }
0x17a: {  	v16 =	vimm.f32 $0.0e+00;
	v3 =	vld [tilespmem:s3+$0x20];
	v4 =	vmul.f32 v7, v7;
	v19 =	vmul.f32 v12, v12  }
0x17b: {  	v5 =	vld [tilespmem:s3+$0x10];
	v15 =	vmul.f32 v8, v8;
	v14 =	vadd.f32 v9, v16;
	v17 =	vmul.f32 v9, v9  }
0x17c: {  	v9 =	vld [tilespmem:s3+$0x30];
	v11 =	vadd.f32 v8, v16;
	v20 =	vmul.f32 v13, v13;
	v19 =	vadd.f32 v19, v16  }
0x17d: {  	v10 =	vadd.f32 v12, v16;
	v8 =	vld [tilespmem:s3+$0xFFFFF800];
	v12 =	vadd.f32 v13, v16;
	v25 =	vmul.f32 v1, v1  }
0x17e: {  	v23 =	vmul.f32 v2, v2;
	v13 =	vadd.f32 v7, v14;
	v14 =	vld [tilespmem:s3+$0xFFFFF830];
	v24 =	vadd.f32 v15, v16  }
0x17f: {  	v15 =	vld [tilespmem:s3+$0xFFFFF820];
	v22 =	vadd.f32 v20, v16;
	v21 =	vadd.f32 v17, v16;
	v7 =	vmul.f32 v6, v6  }
0x180: {  	s8 =	simm.s32 $0x2;
	s9 =	sadd.s32 $0x1000, s3;
	v17 =	vld [tilespmem:s3+$0xFFFFF810];
	v16 =	vadd.f32 v18, v24;
	v18 =	vadd.f32 v25, v19;
	v20 =	vmovc v5;
	v19 =	vmov v3  }
.LBB2_14:
0x181: {  	v24 =	vmov v5;
	v25 =	vmov v3  }
0x182: {  	s8 =	sadd.s32 $0x2, s8;
	v22 =	vadd.f32 v23, v22;
	v21 =	vadd.f32 v4, v21;
	v4 =	vmul.f32 v9, v9;
	v23 =	vmovc v9;
	v26 =	vld [tilespmem:s9+$0x0]  }
0x183: {  	v11 =	vadd.f32 v0, v11;
	v10 =	vadd.f32 v1, v10;
	v0 =	vmovc v6;
	p2 =	slt.u32 s8, $0x18;
	v27 =	vmul.f32 v8, v8;
	v3 =	vld [tilespmem:s9+$0x20]  }
0x184: {  	v12 =	vadd.f32 v2, v12;
	v1 =	vmovc v19;
	v29 =	vadd.f32 v14, v13;
	v28 =	vmul.f32 v14, v14;
	v5 =	vld [tilespmem:s9+$0x10]  }
.Ltmp5:
0x185: {  	v2 =	vmovc v20;
	v11 =	vadd.f32 v8, v11;
	v10 =	vadd.f32 v15, v10;
	v15 =	vmul.f32 v15, v15;
	v9 =	vld [tilespmem:s9+$0x30];
	(pc) =	sbr.rel @p2 .LBB2_14-.Ltmp5, $4  }
0x186: {  	v12 =	vadd.f32 v17, v12;
	v17 =	vmul.f32 v17, v17;
	v13 =	vadd.f32 v23, v29;
	v8 =	vld [tilespmem:s9+$0xFFFFF800]  }
0x187: {  	v25 =	vmul.f32 v25, v1;
	v16 =	vadd.f32 v27, v16;
	v18 =	vadd.f32 v15, v18;
	v14 =	vld [tilespmem:s9+$0xFFFFF830];
	v6 =	vmovc v26  }
0x188: {  	v21 =	vadd.f32 v28, v21;
	v23 =	vmul.f32 v24, v2;
	v22 =	vadd.f32 v17, v22;
	v15 =	vld [tilespmem:s9+$0xFFFFF820];
	v19 =	vmovc v3  }
0x189: {  	v16 =	vadd.f32 v7, v16;
	v7 =	vmul.f32 v26, v6;
	v18 =	vadd.f32 v25, v18;
	v17 =	vld [tilespmem:s9+$0xFFFFF810];
	s9 =	sadd.s32 $0x1000, s9;
	v20 =	vmovc v5  }
0x18a: {  	v22 =	vadd.f32 v23, v22  }
0x18b: {  	v23 =	vmul.f32 v9, v9;
	v4 =	vadd.f32 v4, v21;
	v0 =	vadd.f32 v0, v11  }
0x18c: {  	v1 =	vadd.f32 v1, v10;
	v2 =	vadd.f32 v2, v12;
	v3 =	vmul.f32 v3, v19  }
0x18d: {  	v11 =	vmul.f32 v8, v8;
	v10 =	vadd.f32 v14, v13;
	v0 =	vadd.f32 v8, v0  }
0x18e: {  	v1 =	vadd.f32 v15, v1;
	v8 =	vmul.f32 v15, v15;
	v2 =	vadd.f32 v17, v2  }
0x18f: {  	v13 =	vmul.f32 v17, v17;
	v9 =	vadd.f32 v9, v10;
	v10 =	vadd.f32 v11, v16  }
0x190: {  	v5 =	vmul.f32 v5, v20;
	v0 =	vadd.f32 v6, v0;
	v8 =	vadd.f32 v8, v18  }
0x191: {  	v12 =	vmul.f32 v14, v14;
	v6 =	vadd.f32 v13, v22;
	v2 =	vadd.f32 v20, v2  }
0x192: {  	v1 =	vadd.f32 v19, v1;
	v7 =	vadd.f32 v7, v10;
	v0 =	vmul.f32 v0, v0  }
0x193: {  	v4 =	vadd.f32 v12, v4;
	v5 =	vadd.f32 v5, v6;
	v2 =	vmul.f32 v2, v2  }
0x194: {  	v3 =	vadd.f32 v3, v8;
	v1 =	vmul.f32 v1, v1;
	v0 =	vsub.f32 v0, v7  }
0x195: {  	v4 =	vadd.f32 v23, v4;
	v2 =	vsub.f32 v2, v5;
	v5 =	vmul.f32 v9, v9  }
0x196: {  	v1 =	vsub.f32 v1, v3;
	v0 =	vmul.f32 $5.000000000e-01, v0  }
0x197: {  	v2 =	vmul.f32 $5.000000000e-01, v2;
	v3 =	vsub.f32 v5, v4  }
0x198: {  	[tilespmem:s20+$0x1B100] =	vst v0;
	v0 =	vmul.f32 $5.000000000e-01, v1  }
0x199: {  	[tilespmem:s20+$0x1B110] =	vst v2;
	v1 =	vmul.f32 $5.000000000e-01, v3  }
0x19a: {  	[tilespmem:s20+$0x1B120] =	vst v0  }
0x19b: {  	[tilespmem:s20+$0x1B130] =	vst v1  }
0x19c: {  	v0 =	vld [tilespmem:s7+$0x0]  }
0x19d: {  	v1 =	vld [tilespmem:s7+$0x20]  }
0x19e: {  	v7 =	vld [tilespmem:s7+$0x30]  }
0x19f: {  	v8 =	vld [tilespmem:s7+$0xFFFFF800]  }
0x1a0: {  	v12 =	vld [tilespmem:s7+$0xFFFFF820]  }
0x1a1: {  	v9 =	vld [tilespmem:s7+$0xFFFFF830]  }
0x1a2: {  	v13 =	vld [tilespmem:s7+$0xFFFFF810]  }
0x1a3: {  	s3 =	sadd.s32 $0x1000, s7;
	v2 =	vld [tilespmem:s7+$0x10]  }
0x1a4: {  	v6 =	vld [tilespmem:s3+$0x0];
	v18 =	vmul.f32 v0, v0  }
0x1a5: {  	v16 =	vimm.f32 $0.0e+00;
	v3 =	vld [tilespmem:s3+$0x20];
	v4 =	vmul.f32 v7, v7;
	v19 =	vmul.f32 v12, v12  }
0x1a6: {  	v5 =	vld [tilespmem:s3+$0x10];
	v15 =	vmul.f32 v8, v8;
	v14 =	vadd.f32 v9, v16;
	v17 =	vmul.f32 v9, v9  }
0x1a7: {  	v9 =	vld [tilespmem:s3+$0x30];
	v11 =	vadd.f32 v8, v16;
	v20 =	vmul.f32 v13, v13;
	v19 =	vadd.f32 v19, v16  }
0x1a8: {  	v10 =	vadd.f32 v12, v16;
	v8 =	vld [tilespmem:s3+$0xFFFFF800];
	v12 =	vadd.f32 v13, v16;
	v25 =	vmul.f32 v1, v1  }
0x1a9: {  	v23 =	vmul.f32 v2, v2;
	v13 =	vadd.f32 v7, v14;
	v14 =	vld [tilespmem:s3+$0xFFFFF830];
	v24 =	vadd.f32 v15, v16  }
0x1aa: {  	v15 =	vld [tilespmem:s3+$0xFFFFF820];
	v22 =	vadd.f32 v20, v16;
	v21 =	vadd.f32 v17, v16;
	v7 =	vmul.f32 v6, v6  }
0x1ab: {  	s8 =	sadd.s32 $0x1000, s3;
	s7 =	simm.s32 $0x2;
	v17 =	vld [tilespmem:s3+$0xFFFFF810];
	v16 =	vadd.f32 v18, v24;
	v18 =	vadd.f32 v25, v19;
	v20 =	vmovc v5;
	v19 =	vmov v3  }
.LBB2_16:
0x1ac: {  	v24 =	vmov v5;
	v25 =	vmov v3  }
0x1ad: {  	s7 =	sadd.s32 $0x2, s7;
	v22 =	vadd.f32 v23, v22;
	v21 =	vadd.f32 v4, v21;
	v4 =	vmul.f32 v9, v9;
	v23 =	vmovc v9;
	v26 =	vld [tilespmem:s8+$0x0]  }
0x1ae: {  	v11 =	vadd.f32 v0, v11;
	v10 =	vadd.f32 v1, v10;
	v0 =	vmovc v6;
	p2 =	slt.u32 s7, $0x18;
	v27 =	vmul.f32 v8, v8;
	v3 =	vld [tilespmem:s8+$0x20]  }
0x1af: {  	v12 =	vadd.f32 v2, v12;
	v1 =	vmovc v19;
	v29 =	vadd.f32 v14, v13;
	v28 =	vmul.f32 v14, v14;
	v5 =	vld [tilespmem:s8+$0x10]  }
.Ltmp6:
0x1b0: {  	v2 =	vmovc v20;
	v11 =	vadd.f32 v8, v11;
	v10 =	vadd.f32 v15, v10;
	v15 =	vmul.f32 v15, v15;
	v9 =	vld [tilespmem:s8+$0x30];
	(pc) =	sbr.rel @p2 .LBB2_16-.Ltmp6, $4  }
0x1b1: {  	v12 =	vadd.f32 v17, v12;
	v17 =	vmul.f32 v17, v17;
	v13 =	vadd.f32 v23, v29;
	v8 =	vld [tilespmem:s8+$0xFFFFF800]  }
0x1b2: {  	v25 =	vmul.f32 v25, v1;
	v16 =	vadd.f32 v27, v16;
	v18 =	vadd.f32 v15, v18;
	v14 =	vld [tilespmem:s8+$0xFFFFF830];
	v6 =	vmovc v26  }
0x1b3: {  	v21 =	vadd.f32 v28, v21;
	v23 =	vmul.f32 v24, v2;
	v22 =	vadd.f32 v17, v22;
	v15 =	vld [tilespmem:s8+$0xFFFFF820];
	v19 =	vmovc v3  }
0x1b4: {  	v16 =	vadd.f32 v7, v16;
	v7 =	vmul.f32 v26, v6;
	v18 =	vadd.f32 v25, v18;
	v17 =	vld [tilespmem:s8+$0xFFFFF810];
	s8 =	sadd.s32 $0x1000, s8;
	v20 =	vmovc v5  }
0x1b5: {  	v22 =	vadd.f32 v23, v22  }
0x1b6: {  	v23 =	vmul.f32 v9, v9;
	v4 =	vadd.f32 v4, v21;
	v0 =	vadd.f32 v0, v11  }
0x1b7: {  	v1 =	vadd.f32 v1, v10;
	v2 =	vadd.f32 v2, v12;
	v3 =	vmul.f32 v3, v19  }
0x1b8: {  	v11 =	vmul.f32 v8, v8;
	v10 =	vadd.f32 v14, v13;
	v0 =	vadd.f32 v8, v0  }
0x1b9: {  	v1 =	vadd.f32 v15, v1;
	v8 =	vmul.f32 v15, v15;
	v2 =	vadd.f32 v17, v2  }
0x1ba: {  	v13 =	vmul.f32 v17, v17;
	v9 =	vadd.f32 v9, v10;
	v10 =	vadd.f32 v11, v16  }
0x1bb: {  	v5 =	vmul.f32 v5, v20;
	v0 =	vadd.f32 v6, v0;
	v8 =	vadd.f32 v8, v18  }
0x1bc: {  	v12 =	vmul.f32 v14, v14;
	v6 =	vadd.f32 v13, v22;
	v2 =	vadd.f32 v20, v2  }
0x1bd: {  	v1 =	vadd.f32 v19, v1;
	v7 =	vadd.f32 v7, v10;
	v0 =	vmul.f32 v0, v0  }
0x1be: {  	v4 =	vadd.f32 v12, v4;
	v5 =	vadd.f32 v5, v6;
	v2 =	vmul.f32 v2, v2  }
0x1bf: {  	v3 =	vadd.f32 v3, v8;
	v1 =	vmul.f32 v1, v1;
	v0 =	vsub.f32 v0, v7  }
0x1c0: {  	v4 =	vadd.f32 v23, v4;
	v2 =	vsub.f32 v2, v5;
	v5 =	vmul.f32 v9, v9  }
0x1c1: {  	v1 =	vsub.f32 v1, v3;
	v0 =	vmul.f32 $5.000000000e-01, v0  }
0x1c2: {  	v2 =	vmul.f32 $5.000000000e-01, v2;
	v3 =	vsub.f32 v5, v4  }
0x1c3: {  	[tilespmem:s20+$0x1B180] =	vst v0;
	v0 =	vmul.f32 $5.000000000e-01, v1  }
0x1c4: {  	[tilespmem:s20+$0x1B190] =	vst v2;
	v1 =	vmul.f32 $5.000000000e-01, v3  }
0x1c5: {  	[tilespmem:s20+$0x1B1A0] =	vst v0  }
0x1c6: {  	[tilespmem:s20+$0x1B1B0] =	vst v1  }
0x1c7: {  	v0 =	vld [tilespmem:s2+$0x0]  }
0x1c8: {  	v1 =	vld [tilespmem:s2+$0x20]  }
0x1c9: {  	v7 =	vld [tilespmem:s2+$0x30]  }
0x1ca: {  	v8 =	vld [tilespmem:s2+$0xFFFFF800]  }
0x1cb: {  	v12 =	vld [tilespmem:s2+$0xFFFFF820]  }
0x1cc: {  	v9 =	vld [tilespmem:s2+$0xFFFFF830]  }
0x1cd: {  	v13 =	vld [tilespmem:s2+$0xFFFFF810]  }
0x1ce: {  	s3 =	sadd.s32 $0x1000, s2;
	v2 =	vld [tilespmem:s2+$0x10]  }
0x1cf: {  	v6 =	vld [tilespmem:s3+$0x0];
	v18 =	vmul.f32 v0, v0  }
0x1d0: {  	v16 =	vimm.f32 $0.0e+00;
	v3 =	vld [tilespmem:s3+$0x20];
	v4 =	vmul.f32 v7, v7;
	v19 =	vmul.f32 v12, v12  }
0x1d1: {  	v5 =	vld [tilespmem:s3+$0x10];
	v15 =	vmul.f32 v8, v8;
	v14 =	vadd.f32 v9, v16;
	v17 =	vmul.f32 v9, v9  }
0x1d2: {  	v9 =	vld [tilespmem:s3+$0x30];
	v11 =	vadd.f32 v8, v16;
	v20 =	vmul.f32 v13, v13;
	v19 =	vadd.f32 v19, v16  }
0x1d3: {  	v10 =	vadd.f32 v12, v16;
	v8 =	vld [tilespmem:s3+$0xFFFFF800];
	v12 =	vadd.f32 v13, v16;
	v25 =	vmul.f32 v1, v1  }
0x1d4: {  	v23 =	vmul.f32 v2, v2;
	v13 =	vadd.f32 v7, v14;
	v14 =	vld [tilespmem:s3+$0xFFFFF830];
	v24 =	vadd.f32 v15, v16  }
0x1d5: {  	v15 =	vld [tilespmem:s3+$0xFFFFF820];
	v22 =	vadd.f32 v20, v16;
	v21 =	vadd.f32 v17, v16;
	v7 =	vmul.f32 v6, v6  }
0x1d6: {  	s7 =	sadd.s32 $0x1000, s3;
	s2 =	simm.s32 $0x2;
	v17 =	vld [tilespmem:s3+$0xFFFFF810];
	v16 =	vadd.f32 v18, v24;
	v18 =	vadd.f32 v25, v19;
	v20 =	vmovc v5;
	v19 =	vmov v3  }
.LBB2_18:
0x1d7: {  	v24 =	vmov v5;
	v25 =	vmov v3  }
0x1d8: {  	s2 =	sadd.s32 $0x2, s2;
	v22 =	vadd.f32 v23, v22;
	v21 =	vadd.f32 v4, v21;
	v4 =	vmul.f32 v9, v9;
	v23 =	vmovc v9;
	v26 =	vld [tilespmem:s7+$0x0]  }
0x1d9: {  	v11 =	vadd.f32 v0, v11;
	v10 =	vadd.f32 v1, v10;
	v0 =	vmovc v6;
	p2 =	slt.u32 s2, $0x18;
	v27 =	vmul.f32 v8, v8;
	v3 =	vld [tilespmem:s7+$0x20]  }
0x1da: {  	v12 =	vadd.f32 v2, v12;
	v1 =	vmovc v19;
	v29 =	vadd.f32 v14, v13;
	v28 =	vmul.f32 v14, v14;
	v5 =	vld [tilespmem:s7+$0x10]  }
.Ltmp7:
0x1db: {  	v2 =	vmovc v20;
	v11 =	vadd.f32 v8, v11;
	v10 =	vadd.f32 v15, v10;
	v15 =	vmul.f32 v15, v15;
	v9 =	vld [tilespmem:s7+$0x30];
	(pc) =	sbr.rel @p2 .LBB2_18-.Ltmp7, $4  }
0x1dc: {  	v12 =	vadd.f32 v17, v12;
	v17 =	vmul.f32 v17, v17;
	v13 =	vadd.f32 v23, v29;
	v8 =	vld [tilespmem:s7+$0xFFFFF800]  }
0x1dd: {  	v25 =	vmul.f32 v25, v1;
	v16 =	vadd.f32 v27, v16;
	v18 =	vadd.f32 v15, v18;
	v14 =	vld [tilespmem:s7+$0xFFFFF830];
	v6 =	vmovc v26  }
0x1de: {  	v21 =	vadd.f32 v28, v21;
	v23 =	vmul.f32 v24, v2;
	v22 =	vadd.f32 v17, v22;
	v15 =	vld [tilespmem:s7+$0xFFFFF820];
	v19 =	vmovc v3  }
0x1df: {  	v16 =	vadd.f32 v7, v16;
	v7 =	vmul.f32 v26, v6;
	v18 =	vadd.f32 v25, v18;
	v17 =	vld [tilespmem:s7+$0xFFFFF810];
	s7 =	sadd.s32 $0x1000, s7;
	v20 =	vmovc v5  }
0x1e0: {  	v22 =	vadd.f32 v23, v22  }
0x1e1: {  	v23 =	vmul.f32 v9, v9;
	v4 =	vadd.f32 v4, v21;
	v0 =	vadd.f32 v0, v11  }
0x1e2: {  	v1 =	vadd.f32 v1, v10;
	v2 =	vadd.f32 v2, v12;
	v3 =	vmul.f32 v3, v19  }
0x1e3: {  	v11 =	vmul.f32 v8, v8;
	v10 =	vadd.f32 v14, v13;
	v0 =	vadd.f32 v8, v0  }
0x1e4: {  	v1 =	vadd.f32 v15, v1;
	v8 =	vmul.f32 v15, v15;
	v2 =	vadd.f32 v17, v2  }
0x1e5: {  	v13 =	vmul.f32 v17, v17;
	v9 =	vadd.f32 v9, v10;
	v10 =	vadd.f32 v11, v16  }
0x1e6: {  	v5 =	vmul.f32 v5, v20;
	v0 =	vadd.f32 v6, v0;
	v8 =	vadd.f32 v8, v18  }
0x1e7: {  	v12 =	vmul.f32 v14, v14;
	v6 =	vadd.f32 v13, v22;
	v2 =	vadd.f32 v20, v2  }
0x1e8: {  	v1 =	vadd.f32 v19, v1;
	v7 =	vadd.f32 v7, v10;
	v0 =	vmul.f32 v0, v0  }
0x1e9: {  	v4 =	vadd.f32 v12, v4;
	v5 =	vadd.f32 v5, v6;
	v2 =	vmul.f32 v2, v2  }
0x1ea: {  	v3 =	vadd.f32 v3, v8;
	v1 =	vmul.f32 v1, v1;
	v0 =	vsub.f32 v0, v7  }
0x1eb: {  	v4 =	vadd.f32 v23, v4;
	v2 =	vsub.f32 v2, v5;
	v5 =	vmul.f32 v9, v9  }
0x1ec: {  	v1 =	vsub.f32 v1, v3;
	v0 =	vmul.f32 $5.000000000e-01, v0  }
0x1ed: {  	v2 =	vmul.f32 $5.000000000e-01, v2;
	v3 =	vsub.f32 v5, v4  }
0x1ee: {  	[tilespmem:s20+$0x1B200] =	vst v0;
	v0 =	vmul.f32 $5.000000000e-01, v1  }
0x1ef: {  	[tilespmem:s20+$0x1B210] =	vst v2;
	v1 =	vmul.f32 $5.000000000e-01, v3  }
0x1f0: {  	[tilespmem:s20+$0x1B220] =	vst v0  }
0x1f1: {  	[tilespmem:s20+$0x1B230] =	vst v1  }
0x1f2: {  	v0 =	vld [tilespmem:s0+$0x0]  }
0x1f3: {  	v1 =	vld [tilespmem:s0+$0x20]  }
0x1f4: {  	v7 =	vld [tilespmem:s0+$0x30]  }
0x1f5: {  	v8 =	vld [tilespmem:s0+$0xFFFFF800]  }
0x1f6: {  	v12 =	vld [tilespmem:s0+$0xFFFFF820]  }
0x1f7: {  	v9 =	vld [tilespmem:s0+$0xFFFFF830]  }
0x1f8: {  	v13 =	vld [tilespmem:s0+$0xFFFFF810]  }
0x1f9: {  	s2 =	sadd.s32 $0x1000, s0;
	v2 =	vld [tilespmem:s0+$0x10]  }
0x1fa: {  	v6 =	vld [tilespmem:s2+$0x0];
	v18 =	vmul.f32 v0, v0  }
0x1fb: {  	v16 =	vimm.f32 $0.0e+00;
	v3 =	vld [tilespmem:s2+$0x20];
	v4 =	vmul.f32 v7, v7;
	v19 =	vmul.f32 v12, v12  }
0x1fc: {  	v5 =	vld [tilespmem:s2+$0x10];
	v15 =	vmul.f32 v8, v8;
	v14 =	vadd.f32 v9, v16;
	v17 =	vmul.f32 v9, v9  }
0x1fd: {  	v9 =	vld [tilespmem:s2+$0x30];
	v11 =	vadd.f32 v8, v16;
	v20 =	vmul.f32 v13, v13;
	v19 =	vadd.f32 v19, v16  }
0x1fe: {  	v10 =	vadd.f32 v12, v16;
	v8 =	vld [tilespmem:s2+$0xFFFFF800];
	v12 =	vadd.f32 v13, v16;
	v25 =	vmul.f32 v1, v1  }
0x1ff: {  	v23 =	vmul.f32 v2, v2;
	v13 =	vadd.f32 v7, v14;
	v14 =	vld [tilespmem:s2+$0xFFFFF830];
	v24 =	vadd.f32 v15, v16  }
0x200: {  	v15 =	vld [tilespmem:s2+$0xFFFFF820];
	v22 =	vadd.f32 v20, v16;
	v21 =	vadd.f32 v17, v16;
	v7 =	vmul.f32 v6, v6  }
0x201: {  	s0 =	simm.s32 $0x2;
	v17 =	vld [tilespmem:s2+$0xFFFFF810];
	s2 =	sadd.s32 $0x1000, s2;
	v16 =	vadd.f32 v18, v24;
	v18 =	vadd.f32 v25, v19;
	v20 =	vmovc v5;
	v19 =	vmov v3  }
.LBB2_20:
0x202: {  	v24 =	vmov v5;
	v25 =	vmov v3  }
0x203: {  	s0 =	sadd.s32 $0x2, s0;
	v22 =	vadd.f32 v23, v22;
	v21 =	vadd.f32 v4, v21;
	v4 =	vmul.f32 v9, v9;
	v23 =	vmovc v9;
	v26 =	vld [tilespmem:s2+$0x0]  }
0x204: {  	v11 =	vadd.f32 v0, v11;
	v10 =	vadd.f32 v1, v10;
	v0 =	vmovc v6;
	p2 =	slt.u32 s0, $0x18;
	v27 =	vmul.f32 v8, v8;
	v3 =	vld [tilespmem:s2+$0x20]  }
0x205: {  	v12 =	vadd.f32 v2, v12;
	v1 =	vmovc v19;
	v29 =	vadd.f32 v14, v13;
	v28 =	vmul.f32 v14, v14;
	v5 =	vld [tilespmem:s2+$0x10]  }
.Ltmp8:
0x206: {  	v2 =	vmovc v20;
	v11 =	vadd.f32 v8, v11;
	v10 =	vadd.f32 v15, v10;
	v15 =	vmul.f32 v15, v15;
	v9 =	vld [tilespmem:s2+$0x30];
	(pc) =	sbr.rel @p2 .LBB2_20-.Ltmp8, $4  }
0x207: {  	v12 =	vadd.f32 v17, v12;
	v17 =	vmul.f32 v17, v17;
	v13 =	vadd.f32 v23, v29;
	v8 =	vld [tilespmem:s2+$0xFFFFF800]  }
0x208: {  	v25 =	vmul.f32 v25, v1;
	v16 =	vadd.f32 v27, v16;
	v18 =	vadd.f32 v15, v18;
	v14 =	vld [tilespmem:s2+$0xFFFFF830];
	v6 =	vmovc v26  }
0x209: {  	v21 =	vadd.f32 v28, v21;
	v23 =	vmul.f32 v24, v2;
	v22 =	vadd.f32 v17, v22;
	v15 =	vld [tilespmem:s2+$0xFFFFF820];
	v19 =	vmovc v3  }
0x20a: {  	v16 =	vadd.f32 v7, v16;
	v7 =	vmul.f32 v26, v6;
	v18 =	vadd.f32 v25, v18;
	v17 =	vld [tilespmem:s2+$0xFFFFF810];
	s2 =	sadd.s32 $0x1000, s2;
	v20 =	vmovc v5  }
0x20b: {  	v22 =	vadd.f32 v23, v22  }
0x20c: {  	v23 =	vmul.f32 v9, v9;
	v4 =	vadd.f32 v4, v21;
	v0 =	vadd.f32 v0, v11  }
0x20d: {  	v1 =	vadd.f32 v1, v10;
	v2 =	vadd.f32 v2, v12;
	v3 =	vmul.f32 v3, v19  }
0x20e: {  	v11 =	vmul.f32 v8, v8;
	v10 =	vadd.f32 v14, v13;
	v0 =	vadd.f32 v8, v0  }
0x20f: {  	v1 =	vadd.f32 v15, v1;
	v8 =	vmul.f32 v15, v15;
	v2 =	vadd.f32 v17, v2  }
0x210: {  	v13 =	vmul.f32 v17, v17;
	v9 =	vadd.f32 v9, v10;
	v10 =	vadd.f32 v11, v16  }
0x211: {  	v5 =	vmul.f32 v5, v20;
	v0 =	vadd.f32 v6, v0;
	v8 =	vadd.f32 v8, v18  }
0x212: {  	v12 =	vmul.f32 v14, v14;
	v6 =	vadd.f32 v13, v22;
	v2 =	vadd.f32 v20, v2  }
0x213: {  	v1 =	vadd.f32 v19, v1;
	v7 =	vadd.f32 v7, v10;
	v0 =	vmul.f32 v0, v0  }
0x214: {  	v4 =	vadd.f32 v12, v4;
	v5 =	vadd.f32 v5, v6;
	v2 =	vmul.f32 v2, v2  }
0x215: {  	v3 =	vadd.f32 v3, v8;
	v1 =	vmul.f32 v1, v1;
	v0 =	vsub.f32 v0, v7  }
0x216: {  	v4 =	vadd.f32 v23, v4;
	v2 =	vsub.f32 v2, v5;
	v5 =	vmul.f32 v9, v9  }
0x217: {  	v1 =	vsub.f32 v1, v3;
	v0 =	vmul.f32 $5.000000000e-01, v0  }
0x218: {  	v2 =	vmul.f32 $5.000000000e-01, v2;
	v3 =	vsub.f32 v5, v4  }
0x219: {  	[tilespmem:s20+$0x1B280] =	vst v0;
	v0 =	vmul.f32 $5.000000000e-01, v1  }
0x21a: {  	[tilespmem:s20+$0x1B290] =	vst v2;
	v1 =	vmul.f32 $5.000000000e-01, v3  }
0x21b: {  	[tilespmem:s20+$0x1B2A0] =	vst v0  }
0x21c: {  	[tilespmem:s20+$0x1B2B0] =	vst v1  }
0x21d: {  	v0 =	vld [tilespmem:s31+$0x0]  }
0x21e: {  	v1 =	vld [tilespmem:s31+$0x20]  }
0x21f: {  	v7 =	vld [tilespmem:s31+$0x30]  }
0x220: {  	v8 =	vld [tilespmem:s31+$0xFFFFF800]  }
0x221: {  	v12 =	vld [tilespmem:s31+$0xFFFFF820]  }
0x222: {  	v9 =	vld [tilespmem:s31+$0xFFFFF830]  }
0x223: {  	v13 =	vld [tilespmem:s31+$0xFFFFF810]  }
0x224: {  	s2 =	sadd.s32 $0x1000, s31;
	v2 =	vld [tilespmem:s31+$0x10]  }
0x225: {  	v6 =	vld [tilespmem:s2+$0x0];
	v18 =	vmul.f32 v0, v0  }
0x226: {  	v16 =	vimm.f32 $0.0e+00;
	v3 =	vld [tilespmem:s2+$0x20];
	v4 =	vmul.f32 v7, v7;
	v19 =	vmul.f32 v12, v12  }
0x227: {  	v5 =	vld [tilespmem:s2+$0x10];
	v15 =	vmul.f32 v8, v8;
	v14 =	vadd.f32 v9, v16;
	v17 =	vmul.f32 v9, v9  }
0x228: {  	v9 =	vld [tilespmem:s2+$0x30];
	v11 =	vadd.f32 v8, v16;
	v20 =	vmul.f32 v13, v13;
	v19 =	vadd.f32 v19, v16  }
0x229: {  	v10 =	vadd.f32 v12, v16;
	v8 =	vld [tilespmem:s2+$0xFFFFF800];
	v12 =	vadd.f32 v13, v16;
	v25 =	vmul.f32 v1, v1  }
0x22a: {  	v23 =	vmul.f32 v2, v2;
	v13 =	vadd.f32 v7, v14;
	v14 =	vld [tilespmem:s2+$0xFFFFF830];
	v24 =	vadd.f32 v15, v16  }
0x22b: {  	v15 =	vld [tilespmem:s2+$0xFFFFF820];
	v22 =	vadd.f32 v20, v16;
	v21 =	vadd.f32 v17, v16;
	v7 =	vmul.f32 v6, v6  }
0x22c: {  	s0 =	simm.s32 $0x2;
	v17 =	vld [tilespmem:s2+$0xFFFFF810];
	s2 =	sadd.s32 $0x1000, s2;
	v16 =	vadd.f32 v18, v24;
	v18 =	vadd.f32 v25, v19;
	v20 =	vmovc v5;
	v19 =	vmov v3  }
.LBB2_22:
0x22d: {  	v24 =	vmov v5;
	v25 =	vmov v3  }
0x22e: {  	s0 =	sadd.s32 $0x2, s0;
	v22 =	vadd.f32 v23, v22;
	v21 =	vadd.f32 v4, v21;
	v4 =	vmul.f32 v9, v9;
	v23 =	vmovc v9;
	v26 =	vld [tilespmem:s2+$0x0]  }
0x22f: {  	v11 =	vadd.f32 v0, v11;
	v10 =	vadd.f32 v1, v10;
	v0 =	vmovc v6;
	p2 =	slt.u32 s0, $0x18;
	v27 =	vmul.f32 v8, v8;
	v3 =	vld [tilespmem:s2+$0x20]  }
0x230: {  	v12 =	vadd.f32 v2, v12;
	v1 =	vmovc v19;
	v29 =	vadd.f32 v14, v13;
	v28 =	vmul.f32 v14, v14;
	v5 =	vld [tilespmem:s2+$0x10]  }
.Ltmp9:
0x231: {  	v2 =	vmovc v20;
	v11 =	vadd.f32 v8, v11;
	v10 =	vadd.f32 v15, v10;
	v15 =	vmul.f32 v15, v15;
	v9 =	vld [tilespmem:s2+$0x30];
	(pc) =	sbr.rel @p2 .LBB2_22-.Ltmp9, $4  }
0x232: {  	v12 =	vadd.f32 v17, v12;
	v17 =	vmul.f32 v17, v17;
	v13 =	vadd.f32 v23, v29;
	v8 =	vld [tilespmem:s2+$0xFFFFF800]  }
0x233: {  	v25 =	vmul.f32 v25, v1;
	v16 =	vadd.f32 v27, v16;
	v18 =	vadd.f32 v15, v18;
	v14 =	vld [tilespmem:s2+$0xFFFFF830];
	v6 =	vmovc v26  }
0x234: {  	v21 =	vadd.f32 v28, v21;
	v23 =	vmul.f32 v24, v2;
	v22 =	vadd.f32 v17, v22;
	v15 =	vld [tilespmem:s2+$0xFFFFF820];
	v19 =	vmovc v3  }
0x235: {  	v16 =	vadd.f32 v7, v16;
	v7 =	vmul.f32 v26, v6;
	v18 =	vadd.f32 v25, v18;
	v17 =	vld [tilespmem:s2+$0xFFFFF810];
	s2 =	sadd.s32 $0x1000, s2;
	v20 =	vmovc v5  }
0x236: {  	v22 =	vadd.f32 v23, v22  }
0x237: {  	v23 =	vmul.f32 v9, v9;
	v4 =	vadd.f32 v4, v21;
	v0 =	vadd.f32 v0, v11  }
0x238: {  	v1 =	vadd.f32 v1, v10;
	v2 =	vadd.f32 v2, v12;
	v3 =	vmul.f32 v3, v19  }
0x239: {  	v11 =	vmul.f32 v8, v8;
	v10 =	vadd.f32 v14, v13;
	v0 =	vadd.f32 v8, v0  }
0x23a: {  	v1 =	vadd.f32 v15, v1;
	v8 =	vmul.f32 v15, v15;
	v2 =	vadd.f32 v17, v2  }
0x23b: {  	v13 =	vmul.f32 v17, v17;
	v9 =	vadd.f32 v9, v10;
	v10 =	vadd.f32 v11, v16  }
0x23c: {  	v5 =	vmul.f32 v5, v20;
	v0 =	vadd.f32 v6, v0;
	v8 =	vadd.f32 v8, v18  }
0x23d: {  	v12 =	vmul.f32 v14, v14;
	v6 =	vadd.f32 v13, v22;
	v2 =	vadd.f32 v20, v2  }
0x23e: {  	v1 =	vadd.f32 v19, v1;
	v7 =	vadd.f32 v7, v10;
	v0 =	vmul.f32 v0, v0  }
0x23f: {  	v4 =	vadd.f32 v12, v4;
	v5 =	vadd.f32 v5, v6;
	v2 =	vmul.f32 v2, v2  }
0x240: {  	v3 =	vadd.f32 v3, v8;
	v1 =	vmul.f32 v1, v1;
	v0 =	vsub.f32 v0, v7  }
0x241: {  	v4 =	vadd.f32 v23, v4;
	v2 =	vsub.f32 v2, v5;
	v5 =	vmul.f32 v9, v9  }
0x242: {  	v1 =	vsub.f32 v1, v3;
	v0 =	vmul.f32 $5.000000000e-01, v0  }
0x243: {  	v2 =	vmul.f32 $5.000000000e-01, v2;
	v3 =	vsub.f32 v5, v4  }
0x244: {  	[tilespmem:s20+$0x1B300] =	vst v0;
	v0 =	vmul.f32 $5.000000000e-01, v1  }
0x245: {  	[tilespmem:s20+$0x1B310] =	vst v2;
	v1 =	vmul.f32 $5.000000000e-01, v3  }
0x246: {  	[tilespmem:s20+$0x1B320] =	vst v0  }
0x247: {  	[tilespmem:s20+$0x1B330] =	vst v1  }
0x248: {  	v0 =	vld [tilespmem:s30+$0x0]  }
0x249: {  	v1 =	vld [tilespmem:s30+$0x20]  }
0x24a: {  	v7 =	vld [tilespmem:s30+$0x30]  }
0x24b: {  	v8 =	vld [tilespmem:s30+$0xFFFFF800]  }
0x24c: {  	v12 =	vld [tilespmem:s30+$0xFFFFF820]  }
0x24d: {  	v9 =	vld [tilespmem:s30+$0xFFFFF830]  }
0x24e: {  	v13 =	vld [tilespmem:s30+$0xFFFFF810]  }
0x24f: {  	s2 =	sadd.s32 $0x1000, s30;
	v2 =	vld [tilespmem:s30+$0x10]  }
0x250: {  	v6 =	vld [tilespmem:s2+$0x0];
	v18 =	vmul.f32 v0, v0  }
0x251: {  	v16 =	vimm.f32 $0.0e+00;
	v3 =	vld [tilespmem:s2+$0x20];
	v4 =	vmul.f32 v7, v7;
	v19 =	vmul.f32 v12, v12  }
0x252: {  	v5 =	vld [tilespmem:s2+$0x10];
	v15 =	vmul.f32 v8, v8;
	v14 =	vadd.f32 v9, v16;
	v17 =	vmul.f32 v9, v9  }
0x253: {  	v9 =	vld [tilespmem:s2+$0x30];
	v11 =	vadd.f32 v8, v16;
	v20 =	vmul.f32 v13, v13;
	v19 =	vadd.f32 v19, v16  }
0x254: {  	v10 =	vadd.f32 v12, v16;
	v8 =	vld [tilespmem:s2+$0xFFFFF800];
	v12 =	vadd.f32 v13, v16;
	v25 =	vmul.f32 v1, v1  }
0x255: {  	v23 =	vmul.f32 v2, v2;
	v13 =	vadd.f32 v7, v14;
	v14 =	vld [tilespmem:s2+$0xFFFFF830];
	v24 =	vadd.f32 v15, v16  }
0x256: {  	v15 =	vld [tilespmem:s2+$0xFFFFF820];
	v22 =	vadd.f32 v20, v16;
	v21 =	vadd.f32 v17, v16;
	v7 =	vmul.f32 v6, v6  }
0x257: {  	s0 =	simm.s32 $0x2;
	v17 =	vld [tilespmem:s2+$0xFFFFF810];
	s2 =	sadd.s32 $0x1000, s2;
	v16 =	vadd.f32 v18, v24;
	v18 =	vadd.f32 v25, v19;
	v20 =	vmovc v5;
	v19 =	vmov v3  }
.LBB2_24:
0x258: {  	v24 =	vmov v5;
	v25 =	vmov v3  }
0x259: {  	s0 =	sadd.s32 $0x2, s0;
	v22 =	vadd.f32 v23, v22;
	v21 =	vadd.f32 v4, v21;
	v4 =	vmul.f32 v9, v9;
	v23 =	vmovc v9;
	v26 =	vld [tilespmem:s2+$0x0]  }
0x25a: {  	v11 =	vadd.f32 v0, v11;
	v10 =	vadd.f32 v1, v10;
	v0 =	vmovc v6;
	p2 =	slt.u32 s0, $0x18;
	v27 =	vmul.f32 v8, v8;
	v3 =	vld [tilespmem:s2+$0x20]  }
0x25b: {  	v12 =	vadd.f32 v2, v12;
	v1 =	vmovc v19;
	v29 =	vadd.f32 v14, v13;
	v28 =	vmul.f32 v14, v14;
	v5 =	vld [tilespmem:s2+$0x10]  }
.Ltmp10:
0x25c: {  	v2 =	vmovc v20;
	v11 =	vadd.f32 v8, v11;
	v10 =	vadd.f32 v15, v10;
	v15 =	vmul.f32 v15, v15;
	v9 =	vld [tilespmem:s2+$0x30];
	(pc) =	sbr.rel @p2 .LBB2_24-.Ltmp10, $4  }
0x25d: {  	v12 =	vadd.f32 v17, v12;
	v17 =	vmul.f32 v17, v17;
	v13 =	vadd.f32 v23, v29;
	v8 =	vld [tilespmem:s2+$0xFFFFF800]  }
0x25e: {  	v25 =	vmul.f32 v25, v1;
	v16 =	vadd.f32 v27, v16;
	v18 =	vadd.f32 v15, v18;
	v14 =	vld [tilespmem:s2+$0xFFFFF830];
	v6 =	vmovc v26  }
0x25f: {  	v21 =	vadd.f32 v28, v21;
	v23 =	vmul.f32 v24, v2;
	v22 =	vadd.f32 v17, v22;
	v15 =	vld [tilespmem:s2+$0xFFFFF820];
	v19 =	vmovc v3  }
0x260: {  	v16 =	vadd.f32 v7, v16;
	v7 =	vmul.f32 v26, v6;
	v18 =	vadd.f32 v25, v18;
	v17 =	vld [tilespmem:s2+$0xFFFFF810];
	s2 =	sadd.s32 $0x1000, s2;
	v20 =	vmovc v5  }
0x261: {  	v22 =	vadd.f32 v23, v22  }
0x262: {  	v23 =	vmul.f32 v9, v9;
	v4 =	vadd.f32 v4, v21;
	v0 =	vadd.f32 v0, v11  }
0x263: {  	v1 =	vadd.f32 v1, v10;
	v2 =	vadd.f32 v2, v12;
	v3 =	vmul.f32 v3, v19  }
0x264: {  	v11 =	vmul.f32 v8, v8;
	v10 =	vadd.f32 v14, v13;
	v0 =	vadd.f32 v8, v0  }
0x265: {  	v1 =	vadd.f32 v15, v1;
	v8 =	vmul.f32 v15, v15;
	v2 =	vadd.f32 v17, v2  }
0x266: {  	v13 =	vmul.f32 v17, v17;
	v9 =	vadd.f32 v9, v10;
	v10 =	vadd.f32 v11, v16  }
0x267: {  	v5 =	vmul.f32 v5, v20;
	v0 =	vadd.f32 v6, v0;
	v8 =	vadd.f32 v8, v18  }
0x268: {  	v12 =	vmul.f32 v14, v14;
	v6 =	vadd.f32 v13, v22;
	v2 =	vadd.f32 v20, v2  }
0x269: {  	v1 =	vadd.f32 v19, v1;
	v7 =	vadd.f32 v7, v10;
	v0 =	vmul.f32 v0, v0  }
0x26a: {  	v4 =	vadd.f32 v12, v4;
	v5 =	vadd.f32 v5, v6;
	v2 =	vmul.f32 v2, v2  }
0x26b: {  	v3 =	vadd.f32 v3, v8;
	v1 =	vmul.f32 v1, v1;
	v0 =	vsub.f32 v0, v7  }
0x26c: {  	v4 =	vadd.f32 v23, v4;
	v2 =	vsub.f32 v2, v5;
	v5 =	vmul.f32 v9, v9  }
0x26d: {  	v1 =	vsub.f32 v1, v3;
	v0 =	vmul.f32 $5.000000000e-01, v0  }
0x26e: {  	v2 =	vmul.f32 $5.000000000e-01, v2;
	v3 =	vsub.f32 v5, v4  }
0x26f: {  	[tilespmem:s20+$0x1B380] =	vst v0;
	v0 =	vmul.f32 $5.000000000e-01, v1  }
0x270: {  	[tilespmem:s20+$0x1B390] =	vst v2;
	v1 =	vmul.f32 $5.000000000e-01, v3  }
0x271: {  	[tilespmem:s20+$0x1B3A0] =	vst v0  }
0x272: {  	[tilespmem:s20+$0x1B3B0] =	vst v1  }
0x273: {  	v0 =	vld [tilespmem:s29+$0x0]  }
0x274: {  	v1 =	vld [tilespmem:s29+$0x20]  }
0x275: {  	v7 =	vld [tilespmem:s29+$0x30]  }
0x276: {  	v8 =	vld [tilespmem:s29+$0xFFFFF800]  }
0x277: {  	v12 =	vld [tilespmem:s29+$0xFFFFF820]  }
0x278: {  	v9 =	vld [tilespmem:s29+$0xFFFFF830]  }
0x279: {  	v13 =	vld [tilespmem:s29+$0xFFFFF810]  }
0x27a: {  	s2 =	sadd.s32 $0x1000, s29;
	v2 =	vld [tilespmem:s29+$0x10]  }
0x27b: {  	v6 =	vld [tilespmem:s2+$0x0];
	v18 =	vmul.f32 v0, v0  }
0x27c: {  	v16 =	vimm.f32 $0.0e+00;
	v3 =	vld [tilespmem:s2+$0x20];
	v4 =	vmul.f32 v7, v7;
	v19 =	vmul.f32 v12, v12  }
0x27d: {  	v5 =	vld [tilespmem:s2+$0x10];
	v15 =	vmul.f32 v8, v8;
	v14 =	vadd.f32 v9, v16;
	v17 =	vmul.f32 v9, v9  }
0x27e: {  	v9 =	vld [tilespmem:s2+$0x30];
	v11 =	vadd.f32 v8, v16;
	v20 =	vmul.f32 v13, v13;
	v19 =	vadd.f32 v19, v16  }
0x27f: {  	v10 =	vadd.f32 v12, v16;
	v8 =	vld [tilespmem:s2+$0xFFFFF800];
	v12 =	vadd.f32 v13, v16;
	v25 =	vmul.f32 v1, v1  }
0x280: {  	v23 =	vmul.f32 v2, v2;
	v13 =	vadd.f32 v7, v14;
	v14 =	vld [tilespmem:s2+$0xFFFFF830];
	v24 =	vadd.f32 v15, v16  }
0x281: {  	v15 =	vld [tilespmem:s2+$0xFFFFF820];
	v22 =	vadd.f32 v20, v16;
	v21 =	vadd.f32 v17, v16;
	v7 =	vmul.f32 v6, v6  }
0x282: {  	s0 =	simm.s32 $0x2;
	v17 =	vld [tilespmem:s2+$0xFFFFF810];
	s2 =	sadd.s32 $0x1000, s2;
	v16 =	vadd.f32 v18, v24;
	v18 =	vadd.f32 v25, v19;
	v20 =	vmovc v5;
	v19 =	vmov v3  }
.LBB2_26:
0x283: {  	v24 =	vmov v5;
	v25 =	vmov v3  }
0x284: {  	s0 =	sadd.s32 $0x2, s0;
	v22 =	vadd.f32 v23, v22;
	v21 =	vadd.f32 v4, v21;
	v4 =	vmul.f32 v9, v9;
	v23 =	vmovc v9;
	v26 =	vld [tilespmem:s2+$0x0]  }
0x285: {  	v11 =	vadd.f32 v0, v11;
	v10 =	vadd.f32 v1, v10;
	v0 =	vmovc v6;
	p2 =	slt.u32 s0, $0x18;
	v27 =	vmul.f32 v8, v8;
	v3 =	vld [tilespmem:s2+$0x20]  }
0x286: {  	v12 =	vadd.f32 v2, v12;
	v1 =	vmovc v19;
	v29 =	vadd.f32 v14, v13;
	v28 =	vmul.f32 v14, v14;
	v5 =	vld [tilespmem:s2+$0x10]  }
.Ltmp11:
0x287: {  	v2 =	vmovc v20;
	v11 =	vadd.f32 v8, v11;
	v10 =	vadd.f32 v15, v10;
	v15 =	vmul.f32 v15, v15;
	v9 =	vld [tilespmem:s2+$0x30];
	(pc) =	sbr.rel @p2 .LBB2_26-.Ltmp11, $4  }
0x288: {  	v12 =	vadd.f32 v17, v12;
	v17 =	vmul.f32 v17, v17;
	v13 =	vadd.f32 v23, v29;
	v8 =	vld [tilespmem:s2+$0xFFFFF800]  }
0x289: {  	v25 =	vmul.f32 v25, v1;
	v16 =	vadd.f32 v27, v16;
	v18 =	vadd.f32 v15, v18;
	v14 =	vld [tilespmem:s2+$0xFFFFF830];
	v6 =	vmovc v26  }
0x28a: {  	v21 =	vadd.f32 v28, v21;
	v23 =	vmul.f32 v24, v2;
	v22 =	vadd.f32 v17, v22;
	v15 =	vld [tilespmem:s2+$0xFFFFF820];
	v19 =	vmovc v3  }
0x28b: {  	v16 =	vadd.f32 v7, v16;
	v7 =	vmul.f32 v26, v6;
	v18 =	vadd.f32 v25, v18;
	v17 =	vld [tilespmem:s2+$0xFFFFF810];
	s2 =	sadd.s32 $0x1000, s2;
	v20 =	vmovc v5  }
0x28c: {  	v22 =	vadd.f32 v23, v22  }
0x28d: {  	v23 =	vmul.f32 v9, v9;
	v4 =	vadd.f32 v4, v21;
	v0 =	vadd.f32 v0, v11  }
0x28e: {  	v1 =	vadd.f32 v1, v10;
	v2 =	vadd.f32 v2, v12;
	v3 =	vmul.f32 v3, v19  }
0x28f: {  	v11 =	vmul.f32 v8, v8;
	v10 =	vadd.f32 v14, v13;
	v0 =	vadd.f32 v8, v0  }
0x290: {  	v1 =	vadd.f32 v15, v1;
	v8 =	vmul.f32 v15, v15;
	v2 =	vadd.f32 v17, v2  }
0x291: {  	v13 =	vmul.f32 v17, v17;
	v9 =	vadd.f32 v9, v10;
	v10 =	vadd.f32 v11, v16  }
0x292: {  	v5 =	vmul.f32 v5, v20;
	v0 =	vadd.f32 v6, v0;
	v8 =	vadd.f32 v8, v18  }
0x293: {  	v12 =	vmul.f32 v14, v14;
	v6 =	vadd.f32 v13, v22;
	v2 =	vadd.f32 v20, v2  }
0x294: {  	v1 =	vadd.f32 v19, v1;
	v7 =	vadd.f32 v7, v10;
	v0 =	vmul.f32 v0, v0  }
0x295: {  	v4 =	vadd.f32 v12, v4;
	v5 =	vadd.f32 v5, v6;
	v2 =	vmul.f32 v2, v2  }
0x296: {  	v3 =	vadd.f32 v3, v8;
	v1 =	vmul.f32 v1, v1;
	v0 =	vsub.f32 v0, v7  }
0x297: {  	v4 =	vadd.f32 v23, v4;
	v2 =	vsub.f32 v2, v5;
	v5 =	vmul.f32 v9, v9  }
0x298: {  	v1 =	vsub.f32 v1, v3;
	v0 =	vmul.f32 $5.000000000e-01, v0  }
0x299: {  	v2 =	vmul.f32 $5.000000000e-01, v2;
	v3 =	vsub.f32 v5, v4  }
0x29a: {  	[tilespmem:s20+$0x1B400] =	vst v0;
	v0 =	vmul.f32 $5.000000000e-01, v1  }
0x29b: {  	[tilespmem:s20+$0x1B410] =	vst v2;
	v1 =	vmul.f32 $5.000000000e-01, v3  }
0x29c: {  	[tilespmem:s20+$0x1B420] =	vst v0  }
0x29d: {  	[tilespmem:s20+$0x1B430] =	vst v1  }
0x29e: {  	v0 =	vld [tilespmem:s28+$0x0]  }
0x29f: {  	v1 =	vld [tilespmem:s28+$0x20]  }
0x2a0: {  	v7 =	vld [tilespmem:s28+$0x30]  }
0x2a1: {  	v8 =	vld [tilespmem:s28+$0xFFFFF800]  }
0x2a2: {  	v12 =	vld [tilespmem:s28+$0xFFFFF820]  }
0x2a3: {  	v9 =	vld [tilespmem:s28+$0xFFFFF830]  }
0x2a4: {  	v13 =	vld [tilespmem:s28+$0xFFFFF810]  }
0x2a5: {  	s2 =	sadd.s32 $0x1000, s28;
	v2 =	vld [tilespmem:s28+$0x10]  }
0x2a6: {  	v6 =	vld [tilespmem:s2+$0x0];
	v18 =	vmul.f32 v0, v0  }
0x2a7: {  	v16 =	vimm.f32 $0.0e+00;
	v3 =	vld [tilespmem:s2+$0x20];
	v4 =	vmul.f32 v7, v7;
	v19 =	vmul.f32 v12, v12  }
0x2a8: {  	v5 =	vld [tilespmem:s2+$0x10];
	v15 =	vmul.f32 v8, v8;
	v14 =	vadd.f32 v9, v16;
	v17 =	vmul.f32 v9, v9  }
0x2a9: {  	v9 =	vld [tilespmem:s2+$0x30];
	v11 =	vadd.f32 v8, v16;
	v20 =	vmul.f32 v13, v13;
	v19 =	vadd.f32 v19, v16  }
0x2aa: {  	v10 =	vadd.f32 v12, v16;
	v8 =	vld [tilespmem:s2+$0xFFFFF800];
	v12 =	vadd.f32 v13, v16;
	v25 =	vmul.f32 v1, v1  }
0x2ab: {  	v23 =	vmul.f32 v2, v2;
	v13 =	vadd.f32 v7, v14;
	v14 =	vld [tilespmem:s2+$0xFFFFF830];
	v24 =	vadd.f32 v15, v16  }
0x2ac: {  	v15 =	vld [tilespmem:s2+$0xFFFFF820];
	v22 =	vadd.f32 v20, v16;
	v21 =	vadd.f32 v17, v16;
	v7 =	vmul.f32 v6, v6  }
0x2ad: {  	s0 =	simm.s32 $0x2;
	v17 =	vld [tilespmem:s2+$0xFFFFF810];
	s2 =	sadd.s32 $0x1000, s2;
	v16 =	vadd.f32 v18, v24;
	v18 =	vadd.f32 v25, v19;
	v20 =	vmovc v5;
	v19 =	vmov v3  }
.LBB2_28:
0x2ae: {  	v24 =	vmov v5;
	v25 =	vmov v3  }
0x2af: {  	s0 =	sadd.s32 $0x2, s0;
	v22 =	vadd.f32 v23, v22;
	v21 =	vadd.f32 v4, v21;
	v4 =	vmul.f32 v9, v9;
	v23 =	vmovc v9;
	v26 =	vld [tilespmem:s2+$0x0]  }
0x2b0: {  	v11 =	vadd.f32 v0, v11;
	v10 =	vadd.f32 v1, v10;
	v0 =	vmovc v6;
	p2 =	slt.u32 s0, $0x18;
	v27 =	vmul.f32 v8, v8;
	v3 =	vld [tilespmem:s2+$0x20]  }
0x2b1: {  	v12 =	vadd.f32 v2, v12;
	v1 =	vmovc v19;
	v29 =	vadd.f32 v14, v13;
	v28 =	vmul.f32 v14, v14;
	v5 =	vld [tilespmem:s2+$0x10]  }
.Ltmp12:
0x2b2: {  	v2 =	vmovc v20;
	v11 =	vadd.f32 v8, v11;
	v10 =	vadd.f32 v15, v10;
	v15 =	vmul.f32 v15, v15;
	v9 =	vld [tilespmem:s2+$0x30];
	(pc) =	sbr.rel @p2 .LBB2_28-.Ltmp12, $4  }
0x2b3: {  	v12 =	vadd.f32 v17, v12;
	v17 =	vmul.f32 v17, v17;
	v13 =	vadd.f32 v23, v29;
	v8 =	vld [tilespmem:s2+$0xFFFFF800]  }
0x2b4: {  	v25 =	vmul.f32 v25, v1;
	v16 =	vadd.f32 v27, v16;
	v18 =	vadd.f32 v15, v18;
	v14 =	vld [tilespmem:s2+$0xFFFFF830];
	v6 =	vmovc v26  }
0x2b5: {  	v21 =	vadd.f32 v28, v21;
	v23 =	vmul.f32 v24, v2;
	v22 =	vadd.f32 v17, v22;
	v15 =	vld [tilespmem:s2+$0xFFFFF820];
	v19 =	vmovc v3  }
0x2b6: {  	v16 =	vadd.f32 v7, v16;
	v7 =	vmul.f32 v26, v6;
	v18 =	vadd.f32 v25, v18;
	v17 =	vld [tilespmem:s2+$0xFFFFF810];
	s2 =	sadd.s32 $0x1000, s2;
	v20 =	vmovc v5  }
0x2b7: {  	v22 =	vadd.f32 v23, v22  }
0x2b8: {  	v23 =	vmul.f32 v9, v9;
	v4 =	vadd.f32 v4, v21;
	v0 =	vadd.f32 v0, v11  }
0x2b9: {  	v1 =	vadd.f32 v1, v10;
	v2 =	vadd.f32 v2, v12;
	v3 =	vmul.f32 v3, v19  }
0x2ba: {  	v11 =	vmul.f32 v8, v8;
	v10 =	vadd.f32 v14, v13;
	v0 =	vadd.f32 v8, v0  }
0x2bb: {  	v1 =	vadd.f32 v15, v1;
	v8 =	vmul.f32 v15, v15;
	v2 =	vadd.f32 v17, v2  }
0x2bc: {  	v13 =	vmul.f32 v17, v17;
	v9 =	vadd.f32 v9, v10;
	v10 =	vadd.f32 v11, v16  }
0x2bd: {  	v5 =	vmul.f32 v5, v20;
	v0 =	vadd.f32 v6, v0;
	v8 =	vadd.f32 v8, v18  }
0x2be: {  	v12 =	vmul.f32 v14, v14;
	v6 =	vadd.f32 v13, v22;
	v2 =	vadd.f32 v20, v2  }
0x2bf: {  	v1 =	vadd.f32 v19, v1;
	v7 =	vadd.f32 v7, v10;
	v0 =	vmul.f32 v0, v0  }
0x2c0: {  	v4 =	vadd.f32 v12, v4;
	v5 =	vadd.f32 v5, v6;
	v2 =	vmul.f32 v2, v2  }
0x2c1: {  	v3 =	vadd.f32 v3, v8;
	v1 =	vmul.f32 v1, v1;
	v0 =	vsub.f32 v0, v7  }
0x2c2: {  	v4 =	vadd.f32 v23, v4;
	v2 =	vsub.f32 v2, v5;
	v5 =	vmul.f32 v9, v9  }
0x2c3: {  	v1 =	vsub.f32 v1, v3;
	v0 =	vmul.f32 $5.000000000e-01, v0  }
0x2c4: {  	v2 =	vmul.f32 $5.000000000e-01, v2;
	v3 =	vsub.f32 v5, v4  }
0x2c5: {  	[tilespmem:s20+$0x1B480] =	vst v0;
	v0 =	vmul.f32 $5.000000000e-01, v1  }
0x2c6: {  	[tilespmem:s20+$0x1B490] =	vst v2;
	v1 =	vmul.f32 $5.000000000e-01, v3  }
0x2c7: {  	[tilespmem:s20+$0x1B4A0] =	vst v0  }
0x2c8: {  	[tilespmem:s20+$0x1B4B0] =	vst v1  }
0x2c9: {  	v0 =	vld [tilespmem:s26+$0x0]  }
0x2ca: {  	v1 =	vld [tilespmem:s26+$0x20]  }
0x2cb: {  	v7 =	vld [tilespmem:s26+$0x30]  }
0x2cc: {  	v8 =	vld [tilespmem:s26+$0xFFFFF800]  }
0x2cd: {  	v12 =	vld [tilespmem:s26+$0xFFFFF820]  }
0x2ce: {  	v9 =	vld [tilespmem:s26+$0xFFFFF830]  }
0x2cf: {  	v13 =	vld [tilespmem:s26+$0xFFFFF810]  }
0x2d0: {  	s2 =	sadd.s32 $0x1000, s26;
	v2 =	vld [tilespmem:s26+$0x10]  }
0x2d1: {  	v6 =	vld [tilespmem:s2+$0x0];
	v18 =	vmul.f32 v0, v0  }
0x2d2: {  	v16 =	vimm.f32 $0.0e+00;
	v3 =	vld [tilespmem:s2+$0x20];
	v4 =	vmul.f32 v7, v7;
	v19 =	vmul.f32 v12, v12  }
0x2d3: {  	v5 =	vld [tilespmem:s2+$0x10];
	v15 =	vmul.f32 v8, v8;
	v14 =	vadd.f32 v9, v16;
	v17 =	vmul.f32 v9, v9  }
0x2d4: {  	v9 =	vld [tilespmem:s2+$0x30];
	v11 =	vadd.f32 v8, v16;
	v20 =	vmul.f32 v13, v13;
	v19 =	vadd.f32 v19, v16  }
0x2d5: {  	v10 =	vadd.f32 v12, v16;
	v8 =	vld [tilespmem:s2+$0xFFFFF800];
	v12 =	vadd.f32 v13, v16;
	v25 =	vmul.f32 v1, v1  }
0x2d6: {  	v23 =	vmul.f32 v2, v2;
	v13 =	vadd.f32 v7, v14;
	v14 =	vld [tilespmem:s2+$0xFFFFF830];
	v24 =	vadd.f32 v15, v16  }
0x2d7: {  	v15 =	vld [tilespmem:s2+$0xFFFFF820];
	v22 =	vadd.f32 v20, v16;
	v21 =	vadd.f32 v17, v16;
	v7 =	vmul.f32 v6, v6  }
0x2d8: {  	s0 =	simm.s32 $0x2;
	v17 =	vld [tilespmem:s2+$0xFFFFF810];
	s2 =	sadd.s32 $0x1000, s2;
	v16 =	vadd.f32 v18, v24;
	v18 =	vadd.f32 v25, v19;
	v20 =	vmovc v5;
	v19 =	vmov v3  }
.LBB2_30:
0x2d9: {  	v24 =	vmov v5;
	v25 =	vmov v3  }
0x2da: {  	s0 =	sadd.s32 $0x2, s0;
	v22 =	vadd.f32 v23, v22;
	v21 =	vadd.f32 v4, v21;
	v4 =	vmul.f32 v9, v9;
	v23 =	vmovc v9;
	v26 =	vld [tilespmem:s2+$0x0]  }
0x2db: {  	v11 =	vadd.f32 v0, v11;
	v10 =	vadd.f32 v1, v10;
	v0 =	vmovc v6;
	p2 =	slt.u32 s0, $0x18;
	v27 =	vmul.f32 v8, v8;
	v3 =	vld [tilespmem:s2+$0x20]  }
0x2dc: {  	v12 =	vadd.f32 v2, v12;
	v1 =	vmovc v19;
	v29 =	vadd.f32 v14, v13;
	v28 =	vmul.f32 v14, v14;
	v5 =	vld [tilespmem:s2+$0x10]  }
.Ltmp13:
0x2dd: {  	v2 =	vmovc v20;
	v11 =	vadd.f32 v8, v11;
	v10 =	vadd.f32 v15, v10;
	v15 =	vmul.f32 v15, v15;
	v9 =	vld [tilespmem:s2+$0x30];
	(pc) =	sbr.rel @p2 .LBB2_30-.Ltmp13, $4  }
0x2de: {  	v12 =	vadd.f32 v17, v12;
	v17 =	vmul.f32 v17, v17;
	v13 =	vadd.f32 v23, v29;
	v8 =	vld [tilespmem:s2+$0xFFFFF800]  }
0x2df: {  	v25 =	vmul.f32 v25, v1;
	v16 =	vadd.f32 v27, v16;
	v18 =	vadd.f32 v15, v18;
	v14 =	vld [tilespmem:s2+$0xFFFFF830];
	v6 =	vmovc v26  }
0x2e0: {  	v21 =	vadd.f32 v28, v21;
	v23 =	vmul.f32 v24, v2;
	v22 =	vadd.f32 v17, v22;
	v15 =	vld [tilespmem:s2+$0xFFFFF820];
	v19 =	vmovc v3  }
0x2e1: {  	v16 =	vadd.f32 v7, v16;
	v7 =	vmul.f32 v26, v6;
	v18 =	vadd.f32 v25, v18;
	v17 =	vld [tilespmem:s2+$0xFFFFF810];
	s2 =	sadd.s32 $0x1000, s2;
	v20 =	vmovc v5  }
0x2e2: {  	v22 =	vadd.f32 v23, v22  }
0x2e3: {  	v23 =	vmul.f32 v9, v9;
	v4 =	vadd.f32 v4, v21;
	v0 =	vadd.f32 v0, v11  }
0x2e4: {  	v1 =	vadd.f32 v1, v10;
	v2 =	vadd.f32 v2, v12;
	v3 =	vmul.f32 v3, v19  }
0x2e5: {  	v11 =	vmul.f32 v8, v8;
	v10 =	vadd.f32 v14, v13;
	v0 =	vadd.f32 v8, v0  }
0x2e6: {  	v1 =	vadd.f32 v15, v1;
	v8 =	vmul.f32 v15, v15;
	v2 =	vadd.f32 v17, v2  }
0x2e7: {  	v13 =	vmul.f32 v17, v17;
	v9 =	vadd.f32 v9, v10;
	v10 =	vadd.f32 v11, v16  }
0x2e8: {  	v5 =	vmul.f32 v5, v20;
	v0 =	vadd.f32 v6, v0;
	v8 =	vadd.f32 v8, v18  }
0x2e9: {  	v12 =	vmul.f32 v14, v14;
	v6 =	vadd.f32 v13, v22;
	v2 =	vadd.f32 v20, v2  }
0x2ea: {  	v1 =	vadd.f32 v19, v1;
	v7 =	vadd.f32 v7, v10;
	v0 =	vmul.f32 v0, v0  }
0x2eb: {  	v4 =	vadd.f32 v12, v4;
	v5 =	vadd.f32 v5, v6;
	v2 =	vmul.f32 v2, v2  }
0x2ec: {  	v3 =	vadd.f32 v3, v8;
	v1 =	vmul.f32 v1, v1;
	v0 =	vsub.f32 v0, v7  }
0x2ed: {  	v4 =	vadd.f32 v23, v4;
	v2 =	vsub.f32 v2, v5;
	v5 =	vmul.f32 v9, v9  }
0x2ee: {  	v1 =	vsub.f32 v1, v3;
	v0 =	vmul.f32 $5.000000000e-01, v0  }
0x2ef: {  	v2 =	vmul.f32 $5.000000000e-01, v2;
	v3 =	vsub.f32 v5, v4  }
0x2f0: {  	[tilespmem:s20+$0x1B500] =	vst v0;
	v0 =	vmul.f32 $5.000000000e-01, v1  }
0x2f1: {  	[tilespmem:s20+$0x1B510] =	vst v2;
	v1 =	vmul.f32 $5.000000000e-01, v3  }
0x2f2: {  	[tilespmem:s20+$0x1B520] =	vst v0  }
0x2f3: {  	[tilespmem:s20+$0x1B530] =	vst v1  }
0x2f4: {  	v0 =	vld [tilespmem:s25+$0x0]  }
0x2f5: {  	v1 =	vld [tilespmem:s25+$0x20]  }
0x2f6: {  	v7 =	vld [tilespmem:s25+$0x30]  }
0x2f7: {  	v8 =	vld [tilespmem:s25+$0xFFFFF800]  }
0x2f8: {  	v12 =	vld [tilespmem:s25+$0xFFFFF820]  }
0x2f9: {  	v9 =	vld [tilespmem:s25+$0xFFFFF830]  }
0x2fa: {  	v13 =	vld [tilespmem:s25+$0xFFFFF810]  }
0x2fb: {  	s2 =	sadd.s32 $0x1000, s25;
	v2 =	vld [tilespmem:s25+$0x10]  }
0x2fc: {  	v6 =	vld [tilespmem:s2+$0x0];
	v18 =	vmul.f32 v0, v0  }
0x2fd: {  	v16 =	vimm.f32 $0.0e+00;
	v3 =	vld [tilespmem:s2+$0x20];
	v4 =	vmul.f32 v7, v7;
	v19 =	vmul.f32 v12, v12  }
0x2fe: {  	v5 =	vld [tilespmem:s2+$0x10];
	v15 =	vmul.f32 v8, v8;
	v14 =	vadd.f32 v9, v16;
	v17 =	vmul.f32 v9, v9  }
0x2ff: {  	v9 =	vld [tilespmem:s2+$0x30];
	v11 =	vadd.f32 v8, v16;
	v20 =	vmul.f32 v13, v13;
	v19 =	vadd.f32 v19, v16  }
0x300: {  	v10 =	vadd.f32 v12, v16;
	v8 =	vld [tilespmem:s2+$0xFFFFF800];
	v12 =	vadd.f32 v13, v16;
	v25 =	vmul.f32 v1, v1  }
0x301: {  	v23 =	vmul.f32 v2, v2;
	v13 =	vadd.f32 v7, v14;
	v14 =	vld [tilespmem:s2+$0xFFFFF830];
	v24 =	vadd.f32 v15, v16  }
0x302: {  	v15 =	vld [tilespmem:s2+$0xFFFFF820];
	v22 =	vadd.f32 v20, v16;
	v21 =	vadd.f32 v17, v16;
	v7 =	vmul.f32 v6, v6  }
0x303: {  	s0 =	simm.s32 $0x2;
	v17 =	vld [tilespmem:s2+$0xFFFFF810];
	s2 =	sadd.s32 $0x1000, s2;
	v16 =	vadd.f32 v18, v24;
	v18 =	vadd.f32 v25, v19;
	v20 =	vmovc v5;
	v19 =	vmov v3  }
.LBB2_32:
0x304: {  	v24 =	vmov v5;
	v25 =	vmov v3  }
0x305: {  	s0 =	sadd.s32 $0x2, s0;
	v22 =	vadd.f32 v23, v22;
	v21 =	vadd.f32 v4, v21;
	v4 =	vmul.f32 v9, v9;
	v23 =	vmovc v9;
	v26 =	vld [tilespmem:s2+$0x0]  }
0x306: {  	v11 =	vadd.f32 v0, v11;
	v10 =	vadd.f32 v1, v10;
	v0 =	vmovc v6;
	p2 =	slt.u32 s0, $0x18;
	v27 =	vmul.f32 v8, v8;
	v3 =	vld [tilespmem:s2+$0x20]  }
0x307: {  	v12 =	vadd.f32 v2, v12;
	v1 =	vmovc v19;
	v29 =	vadd.f32 v14, v13;
	v28 =	vmul.f32 v14, v14;
	v5 =	vld [tilespmem:s2+$0x10]  }
.Ltmp14:
0x308: {  	v2 =	vmovc v20;
	v11 =	vadd.f32 v8, v11;
	v10 =	vadd.f32 v15, v10;
	v15 =	vmul.f32 v15, v15;
	v9 =	vld [tilespmem:s2+$0x30];
	(pc) =	sbr.rel @p2 .LBB2_32-.Ltmp14, $4  }
0x309: {  	v12 =	vadd.f32 v17, v12;
	v17 =	vmul.f32 v17, v17;
	v13 =	vadd.f32 v23, v29;
	v8 =	vld [tilespmem:s2+$0xFFFFF800]  }
0x30a: {  	v25 =	vmul.f32 v25, v1;
	v16 =	vadd.f32 v27, v16;
	v18 =	vadd.f32 v15, v18;
	v14 =	vld [tilespmem:s2+$0xFFFFF830];
	v6 =	vmovc v26  }
0x30b: {  	v21 =	vadd.f32 v28, v21;
	v23 =	vmul.f32 v24, v2;
	v22 =	vadd.f32 v17, v22;
	v15 =	vld [tilespmem:s2+$0xFFFFF820];
	v19 =	vmovc v3  }
0x30c: {  	v16 =	vadd.f32 v7, v16;
	v7 =	vmul.f32 v26, v6;
	v18 =	vadd.f32 v25, v18;
	v17 =	vld [tilespmem:s2+$0xFFFFF810];
	s2 =	sadd.s32 $0x1000, s2;
	v20 =	vmovc v5  }
0x30d: {  	v22 =	vadd.f32 v23, v22  }
0x30e: {  	v23 =	vmul.f32 v9, v9;
	v4 =	vadd.f32 v4, v21;
	v0 =	vadd.f32 v0, v11  }
0x30f: {  	v1 =	vadd.f32 v1, v10;
	v2 =	vadd.f32 v2, v12;
	v3 =	vmul.f32 v3, v19  }
0x310: {  	v11 =	vmul.f32 v8, v8;
	v10 =	vadd.f32 v14, v13;
	v0 =	vadd.f32 v8, v0  }
0x311: {  	v1 =	vadd.f32 v15, v1;
	v8 =	vmul.f32 v15, v15;
	v2 =	vadd.f32 v17, v2  }
0x312: {  	v13 =	vmul.f32 v17, v17;
	v9 =	vadd.f32 v9, v10;
	v10 =	vadd.f32 v11, v16  }
0x313: {  	v5 =	vmul.f32 v5, v20;
	v0 =	vadd.f32 v6, v0;
	v8 =	vadd.f32 v8, v18  }
0x314: {  	v12 =	vmul.f32 v14, v14;
	v6 =	vadd.f32 v13, v22;
	v2 =	vadd.f32 v20, v2  }
0x315: {  	v1 =	vadd.f32 v19, v1;
	v7 =	vadd.f32 v7, v10;
	v0 =	vmul.f32 v0, v0  }
0x316: {  	v4 =	vadd.f32 v12, v4;
	v5 =	vadd.f32 v5, v6;
	v2 =	vmul.f32 v2, v2  }
0x317: {  	v3 =	vadd.f32 v3, v8;
	v1 =	vmul.f32 v1, v1;
	v0 =	vsub.f32 v0, v7  }
0x318: {  	v4 =	vadd.f32 v23, v4;
	v2 =	vsub.f32 v2, v5;
	v5 =	vmul.f32 v9, v9  }
0x319: {  	v1 =	vsub.f32 v1, v3;
	v0 =	vmul.f32 $5.000000000e-01, v0  }
0x31a: {  	v2 =	vmul.f32 $5.000000000e-01, v2;
	v3 =	vsub.f32 v5, v4  }
0x31b: {  	[tilespmem:s20+$0x1B580] =	vst v0;
	v0 =	vmul.f32 $5.000000000e-01, v1  }
0x31c: {  	[tilespmem:s20+$0x1B590] =	vst v2;
	v1 =	vmul.f32 $5.000000000e-01, v3  }
0x31d: {  	[tilespmem:s20+$0x1B5A0] =	vst v0  }
0x31e: {  	[tilespmem:s20+$0x1B5B0] =	vst v1  }
0x31f: {  	v0 =	vld [tilespmem:s24+$0x0]  }
0x320: {  	v1 =	vld [tilespmem:s24+$0x20]  }
0x321: {  	v7 =	vld [tilespmem:s24+$0x30]  }
0x322: {  	v8 =	vld [tilespmem:s24+$0xFFFFF800]  }
0x323: {  	v12 =	vld [tilespmem:s24+$0xFFFFF820]  }
0x324: {  	v9 =	vld [tilespmem:s24+$0xFFFFF830]  }
0x325: {  	v13 =	vld [tilespmem:s24+$0xFFFFF810]  }
0x326: {  	s2 =	sadd.s32 $0x1000, s24;
	v2 =	vld [tilespmem:s24+$0x10]  }
0x327: {  	v6 =	vld [tilespmem:s2+$0x0];
	v18 =	vmul.f32 v0, v0  }
0x328: {  	v16 =	vimm.f32 $0.0e+00;
	v3 =	vld [tilespmem:s2+$0x20];
	v4 =	vmul.f32 v7, v7;
	v19 =	vmul.f32 v12, v12  }
0x329: {  	v5 =	vld [tilespmem:s2+$0x10];
	v15 =	vmul.f32 v8, v8;
	v14 =	vadd.f32 v9, v16;
	v17 =	vmul.f32 v9, v9  }
0x32a: {  	v9 =	vld [tilespmem:s2+$0x30];
	v11 =	vadd.f32 v8, v16;
	v20 =	vmul.f32 v13, v13;
	v19 =	vadd.f32 v19, v16  }
0x32b: {  	v10 =	vadd.f32 v12, v16;
	v8 =	vld [tilespmem:s2+$0xFFFFF800];
	v12 =	vadd.f32 v13, v16;
	v25 =	vmul.f32 v1, v1  }
0x32c: {  	v23 =	vmul.f32 v2, v2;
	v13 =	vadd.f32 v7, v14;
	v14 =	vld [tilespmem:s2+$0xFFFFF830];
	v24 =	vadd.f32 v15, v16  }
0x32d: {  	v15 =	vld [tilespmem:s2+$0xFFFFF820];
	v22 =	vadd.f32 v20, v16;
	v21 =	vadd.f32 v17, v16;
	v7 =	vmul.f32 v6, v6  }
0x32e: {  	s0 =	simm.s32 $0x2;
	v17 =	vld [tilespmem:s2+$0xFFFFF810];
	s2 =	sadd.s32 $0x1000, s2;
	v16 =	vadd.f32 v18, v24;
	v18 =	vadd.f32 v25, v19;
	v20 =	vmovc v5;
	v19 =	vmov v3  }
.LBB2_34:
0x32f: {  	v24 =	vmov v5;
	v25 =	vmov v3  }
0x330: {  	s0 =	sadd.s32 $0x2, s0;
	v22 =	vadd.f32 v23, v22;
	v21 =	vadd.f32 v4, v21;
	v4 =	vmul.f32 v9, v9;
	v23 =	vmovc v9;
	v26 =	vld [tilespmem:s2+$0x0]  }
0x331: {  	v11 =	vadd.f32 v0, v11;
	v10 =	vadd.f32 v1, v10;
	v0 =	vmovc v6;
	p2 =	slt.u32 s0, $0x18;
	v27 =	vmul.f32 v8, v8;
	v3 =	vld [tilespmem:s2+$0x20]  }
0x332: {  	v12 =	vadd.f32 v2, v12;
	v1 =	vmovc v19;
	v29 =	vadd.f32 v14, v13;
	v28 =	vmul.f32 v14, v14;
	v5 =	vld [tilespmem:s2+$0x10]  }
.Ltmp15:
0x333: {  	v2 =	vmovc v20;
	v11 =	vadd.f32 v8, v11;
	v10 =	vadd.f32 v15, v10;
	v15 =	vmul.f32 v15, v15;
	v9 =	vld [tilespmem:s2+$0x30];
	(pc) =	sbr.rel @p2 .LBB2_34-.Ltmp15, $4  }
0x334: {  	v12 =	vadd.f32 v17, v12;
	v17 =	vmul.f32 v17, v17;
	v13 =	vadd.f32 v23, v29;
	v8 =	vld [tilespmem:s2+$0xFFFFF800]  }
0x335: {  	v25 =	vmul.f32 v25, v1;
	v16 =	vadd.f32 v27, v16;
	v18 =	vadd.f32 v15, v18;
	v14 =	vld [tilespmem:s2+$0xFFFFF830];
	v6 =	vmovc v26  }
0x336: {  	v21 =	vadd.f32 v28, v21;
	v23 =	vmul.f32 v24, v2;
	v22 =	vadd.f32 v17, v22;
	v15 =	vld [tilespmem:s2+$0xFFFFF820];
	v19 =	vmovc v3  }
0x337: {  	v16 =	vadd.f32 v7, v16;
	v7 =	vmul.f32 v26, v6;
	v18 =	vadd.f32 v25, v18;
	v17 =	vld [tilespmem:s2+$0xFFFFF810];
	s2 =	sadd.s32 $0x1000, s2;
	v20 =	vmovc v5  }
0x338: {  	v22 =	vadd.f32 v23, v22  }
0x339: {  	v23 =	vmul.f32 v9, v9;
	v4 =	vadd.f32 v4, v21;
	v0 =	vadd.f32 v0, v11  }
0x33a: {  	v1 =	vadd.f32 v1, v10;
	v2 =	vadd.f32 v2, v12;
	v3 =	vmul.f32 v3, v19  }
0x33b: {  	v11 =	vmul.f32 v8, v8;
	v10 =	vadd.f32 v14, v13;
	v0 =	vadd.f32 v8, v0  }
0x33c: {  	v1 =	vadd.f32 v15, v1;
	v8 =	vmul.f32 v15, v15;
	v2 =	vadd.f32 v17, v2  }
0x33d: {  	v13 =	vmul.f32 v17, v17;
	v9 =	vadd.f32 v9, v10;
	v10 =	vadd.f32 v11, v16  }
0x33e: {  	v5 =	vmul.f32 v5, v20;
	v0 =	vadd.f32 v6, v0;
	v8 =	vadd.f32 v8, v18  }
0x33f: {  	v12 =	vmul.f32 v14, v14;
	v6 =	vadd.f32 v13, v22;
	v2 =	vadd.f32 v20, v2  }
0x340: {  	v1 =	vadd.f32 v19, v1;
	v7 =	vadd.f32 v7, v10;
	v0 =	vmul.f32 v0, v0  }
0x341: {  	v4 =	vadd.f32 v12, v4;
	v5 =	vadd.f32 v5, v6;
	v2 =	vmul.f32 v2, v2  }
0x342: {  	v3 =	vadd.f32 v3, v8;
	v1 =	vmul.f32 v1, v1;
	v0 =	vsub.f32 v0, v7  }
0x343: {  	v4 =	vadd.f32 v23, v4;
	v2 =	vsub.f32 v2, v5;
	v5 =	vmul.f32 v9, v9  }
0x344: {  	v1 =	vsub.f32 v1, v3;
	v0 =	vmul.f32 $5.000000000e-01, v0  }
0x345: {  	v2 =	vmul.f32 $5.000000000e-01, v2;
	v3 =	vsub.f32 v5, v4  }
0x346: {  	[tilespmem:s20+$0x1B600] =	vst v0;
	v0 =	vmul.f32 $5.000000000e-01, v1  }
0x347: {  	[tilespmem:s20+$0x1B610] =	vst v2;
	v1 =	vmul.f32 $5.000000000e-01, v3  }
0x348: {  	[tilespmem:s20+$0x1B620] =	vst v0  }
0x349: {  	[tilespmem:s20+$0x1B630] =	vst v1  }
0x34a: {  	v0 =	vld [tilespmem:s23+$0x0]  }
0x34b: {  	v1 =	vld [tilespmem:s23+$0x20]  }
0x34c: {  	v7 =	vld [tilespmem:s23+$0x30]  }
0x34d: {  	v8 =	vld [tilespmem:s23+$0xFFFFF800]  }
0x34e: {  	v12 =	vld [tilespmem:s23+$0xFFFFF820]  }
0x34f: {  	v9 =	vld [tilespmem:s23+$0xFFFFF830]  }
0x350: {  	v13 =	vld [tilespmem:s23+$0xFFFFF810]  }
0x351: {  	s2 =	sadd.s32 $0x1000, s23;
	v2 =	vld [tilespmem:s23+$0x10]  }
0x352: {  	v6 =	vld [tilespmem:s2+$0x0];
	v18 =	vmul.f32 v0, v0  }
0x353: {  	v16 =	vimm.f32 $0.0e+00;
	v3 =	vld [tilespmem:s2+$0x20];
	v4 =	vmul.f32 v7, v7;
	v19 =	vmul.f32 v12, v12  }
0x354: {  	v5 =	vld [tilespmem:s2+$0x10];
	v15 =	vmul.f32 v8, v8;
	v14 =	vadd.f32 v9, v16;
	v17 =	vmul.f32 v9, v9  }
0x355: {  	v9 =	vld [tilespmem:s2+$0x30];
	v11 =	vadd.f32 v8, v16;
	v20 =	vmul.f32 v13, v13;
	v19 =	vadd.f32 v19, v16  }
0x356: {  	v10 =	vadd.f32 v12, v16;
	v8 =	vld [tilespmem:s2+$0xFFFFF800];
	v12 =	vadd.f32 v13, v16;
	v25 =	vmul.f32 v1, v1  }
0x357: {  	v23 =	vmul.f32 v2, v2;
	v13 =	vadd.f32 v7, v14;
	v14 =	vld [tilespmem:s2+$0xFFFFF830];
	v24 =	vadd.f32 v15, v16  }
0x358: {  	v15 =	vld [tilespmem:s2+$0xFFFFF820];
	v22 =	vadd.f32 v20, v16;
	v21 =	vadd.f32 v17, v16;
	v7 =	vmul.f32 v6, v6  }
0x359: {  	s0 =	simm.s32 $0x2;
	v17 =	vld [tilespmem:s2+$0xFFFFF810];
	s2 =	sadd.s32 $0x1000, s2;
	v16 =	vadd.f32 v18, v24;
	v18 =	vadd.f32 v25, v19;
	v20 =	vmovc v5;
	v19 =	vmov v3  }
.LBB2_36:
0x35a: {  	v24 =	vmov v5;
	v25 =	vmov v3  }
0x35b: {  	s0 =	sadd.s32 $0x2, s0;
	v22 =	vadd.f32 v23, v22;
	v21 =	vadd.f32 v4, v21;
	v4 =	vmul.f32 v9, v9;
	v23 =	vmovc v9;
	v26 =	vld [tilespmem:s2+$0x0]  }
0x35c: {  	v11 =	vadd.f32 v0, v11;
	v10 =	vadd.f32 v1, v10;
	v0 =	vmovc v6;
	p2 =	slt.u32 s0, $0x18;
	v27 =	vmul.f32 v8, v8;
	v3 =	vld [tilespmem:s2+$0x20]  }
0x35d: {  	v12 =	vadd.f32 v2, v12;
	v1 =	vmovc v19;
	v29 =	vadd.f32 v14, v13;
	v28 =	vmul.f32 v14, v14;
	v5 =	vld [tilespmem:s2+$0x10]  }
.Ltmp16:
0x35e: {  	v2 =	vmovc v20;
	v11 =	vadd.f32 v8, v11;
	v10 =	vadd.f32 v15, v10;
	v15 =	vmul.f32 v15, v15;
	v9 =	vld [tilespmem:s2+$0x30];
	(pc) =	sbr.rel @p2 .LBB2_36-.Ltmp16, $4  }
0x35f: {  	v12 =	vadd.f32 v17, v12;
	v17 =	vmul.f32 v17, v17;
	v13 =	vadd.f32 v23, v29;
	v8 =	vld [tilespmem:s2+$0xFFFFF800]  }
0x360: {  	v25 =	vmul.f32 v25, v1;
	v16 =	vadd.f32 v27, v16;
	v18 =	vadd.f32 v15, v18;
	v14 =	vld [tilespmem:s2+$0xFFFFF830];
	v6 =	vmovc v26  }
0x361: {  	v21 =	vadd.f32 v28, v21;
	v23 =	vmul.f32 v24, v2;
	v22 =	vadd.f32 v17, v22;
	v15 =	vld [tilespmem:s2+$0xFFFFF820];
	v19 =	vmovc v3  }
0x362: {  	v16 =	vadd.f32 v7, v16;
	v7 =	vmul.f32 v26, v6;
	v18 =	vadd.f32 v25, v18;
	v17 =	vld [tilespmem:s2+$0xFFFFF810];
	s2 =	sadd.s32 $0x1000, s2;
	v20 =	vmovc v5  }
0x363: {  	v22 =	vadd.f32 v23, v22  }
0x364: {  	v23 =	vmul.f32 v9, v9;
	v4 =	vadd.f32 v4, v21;
	v0 =	vadd.f32 v0, v11  }
0x365: {  	v1 =	vadd.f32 v1, v10;
	v2 =	vadd.f32 v2, v12;
	v3 =	vmul.f32 v3, v19  }
0x366: {  	v11 =	vmul.f32 v8, v8;
	v10 =	vadd.f32 v14, v13;
	v0 =	vadd.f32 v8, v0  }
0x367: {  	v1 =	vadd.f32 v15, v1;
	v8 =	vmul.f32 v15, v15;
	v2 =	vadd.f32 v17, v2  }
0x368: {  	v13 =	vmul.f32 v17, v17;
	v9 =	vadd.f32 v9, v10;
	v10 =	vadd.f32 v11, v16  }
0x369: {  	v5 =	vmul.f32 v5, v20;
	v0 =	vadd.f32 v6, v0;
	v8 =	vadd.f32 v8, v18  }
0x36a: {  	v12 =	vmul.f32 v14, v14;
	v6 =	vadd.f32 v13, v22;
	v2 =	vadd.f32 v20, v2  }
0x36b: {  	v1 =	vadd.f32 v19, v1;
	v7 =	vadd.f32 v7, v10;
	v0 =	vmul.f32 v0, v0  }
0x36c: {  	v4 =	vadd.f32 v12, v4;
	v5 =	vadd.f32 v5, v6;
	v2 =	vmul.f32 v2, v2  }
0x36d: {  	v3 =	vadd.f32 v3, v8;
	v1 =	vmul.f32 v1, v1;
	v0 =	vsub.f32 v0, v7  }
0x36e: {  	v4 =	vadd.f32 v23, v4;
	v2 =	vsub.f32 v2, v5;
	v5 =	vmul.f32 v9, v9  }
0x36f: {  	v1 =	vsub.f32 v1, v3;
	v0 =	vmul.f32 $5.000000000e-01, v0  }
0x370: {  	v2 =	vmul.f32 $5.000000000e-01, v2;
	v3 =	vsub.f32 v5, v4  }
0x371: {  	[tilespmem:s20+$0x1B680] =	vst v0;
	v0 =	vmul.f32 $5.000000000e-01, v1  }
0x372: {  	[tilespmem:s20+$0x1B690] =	vst v2;
	v1 =	vmul.f32 $5.000000000e-01, v3  }
0x373: {  	[tilespmem:s20+$0x1B6A0] =	vst v0  }
0x374: {  	[tilespmem:s20+$0x1B6B0] =	vst v1  }
0x375: {  	v0 =	vld [tilespmem:s22+$0x0]  }
0x376: {  	v1 =	vld [tilespmem:s22+$0x20]  }
0x377: {  	v7 =	vld [tilespmem:s22+$0x30]  }
0x378: {  	v8 =	vld [tilespmem:s22+$0xFFFFF800]  }
0x379: {  	v12 =	vld [tilespmem:s22+$0xFFFFF820]  }
0x37a: {  	v9 =	vld [tilespmem:s22+$0xFFFFF830]  }
0x37b: {  	v13 =	vld [tilespmem:s22+$0xFFFFF810]  }
0x37c: {  	s2 =	sadd.s32 $0x1000, s22;
	v2 =	vld [tilespmem:s22+$0x10]  }
0x37d: {  	v6 =	vld [tilespmem:s2+$0x0];
	v18 =	vmul.f32 v0, v0  }
0x37e: {  	v16 =	vimm.f32 $0.0e+00;
	v3 =	vld [tilespmem:s2+$0x20];
	v4 =	vmul.f32 v7, v7;
	v19 =	vmul.f32 v12, v12  }
0x37f: {  	v5 =	vld [tilespmem:s2+$0x10];
	v15 =	vmul.f32 v8, v8;
	v14 =	vadd.f32 v9, v16;
	v17 =	vmul.f32 v9, v9  }
0x380: {  	v9 =	vld [tilespmem:s2+$0x30];
	v11 =	vadd.f32 v8, v16;
	v20 =	vmul.f32 v13, v13;
	v19 =	vadd.f32 v19, v16  }
0x381: {  	v10 =	vadd.f32 v12, v16;
	v8 =	vld [tilespmem:s2+$0xFFFFF800];
	v12 =	vadd.f32 v13, v16;
	v25 =	vmul.f32 v1, v1  }
0x382: {  	v23 =	vmul.f32 v2, v2;
	v13 =	vadd.f32 v7, v14;
	v14 =	vld [tilespmem:s2+$0xFFFFF830];
	v24 =	vadd.f32 v15, v16  }
0x383: {  	v15 =	vld [tilespmem:s2+$0xFFFFF820];
	v22 =	vadd.f32 v20, v16;
	v21 =	vadd.f32 v17, v16;
	v7 =	vmul.f32 v6, v6  }
0x384: {  	s0 =	simm.s32 $0x2;
	v17 =	vld [tilespmem:s2+$0xFFFFF810];
	s2 =	sadd.s32 $0x1000, s2;
	v16 =	vadd.f32 v18, v24;
	v18 =	vadd.f32 v25, v19;
	v20 =	vmovc v5;
	v19 =	vmov v3  }
.LBB2_38:
0x385: {  	v24 =	vmov v5;
	v25 =	vmov v3  }
0x386: {  	s0 =	sadd.s32 $0x2, s0;
	v22 =	vadd.f32 v23, v22;
	v21 =	vadd.f32 v4, v21;
	v4 =	vmul.f32 v9, v9;
	v23 =	vmovc v9;
	v26 =	vld [tilespmem:s2+$0x0]  }
0x387: {  	v11 =	vadd.f32 v0, v11;
	v10 =	vadd.f32 v1, v10;
	v0 =	vmovc v6;
	p2 =	slt.u32 s0, $0x18;
	v27 =	vmul.f32 v8, v8;
	v3 =	vld [tilespmem:s2+$0x20]  }
0x388: {  	v12 =	vadd.f32 v2, v12;
	v1 =	vmovc v19;
	v29 =	vadd.f32 v14, v13;
	v28 =	vmul.f32 v14, v14;
	v5 =	vld [tilespmem:s2+$0x10]  }
.Ltmp17:
0x389: {  	v2 =	vmovc v20;
	v11 =	vadd.f32 v8, v11;
	v10 =	vadd.f32 v15, v10;
	v15 =	vmul.f32 v15, v15;
	v9 =	vld [tilespmem:s2+$0x30];
	(pc) =	sbr.rel @p2 .LBB2_38-.Ltmp17, $4  }
0x38a: {  	v12 =	vadd.f32 v17, v12;
	v17 =	vmul.f32 v17, v17;
	v13 =	vadd.f32 v23, v29;
	v8 =	vld [tilespmem:s2+$0xFFFFF800]  }
0x38b: {  	v25 =	vmul.f32 v25, v1;
	v16 =	vadd.f32 v27, v16;
	v18 =	vadd.f32 v15, v18;
	v14 =	vld [tilespmem:s2+$0xFFFFF830];
	v6 =	vmovc v26  }
0x38c: {  	v21 =	vadd.f32 v28, v21;
	v23 =	vmul.f32 v24, v2;
	v22 =	vadd.f32 v17, v22;
	v15 =	vld [tilespmem:s2+$0xFFFFF820];
	v19 =	vmovc v3  }
0x38d: {  	v16 =	vadd.f32 v7, v16;
	v7 =	vmul.f32 v26, v6;
	v18 =	vadd.f32 v25, v18;
	v17 =	vld [tilespmem:s2+$0xFFFFF810];
	s2 =	sadd.s32 $0x1000, s2;
	v20 =	vmovc v5  }
0x38e: {  	v22 =	vadd.f32 v23, v22  }
0x38f: {  	v23 =	vmul.f32 v9, v9;
	v4 =	vadd.f32 v4, v21;
	v0 =	vadd.f32 v0, v11  }
0x390: {  	v1 =	vadd.f32 v1, v10;
	v2 =	vadd.f32 v2, v12;
	v3 =	vmul.f32 v3, v19  }
0x391: {  	v11 =	vmul.f32 v8, v8;
	v10 =	vadd.f32 v14, v13;
	v0 =	vadd.f32 v8, v0  }
0x392: {  	v1 =	vadd.f32 v15, v1;
	v8 =	vmul.f32 v15, v15;
	v2 =	vadd.f32 v17, v2  }
0x393: {  	v13 =	vmul.f32 v17, v17;
	v9 =	vadd.f32 v9, v10;
	v10 =	vadd.f32 v11, v16  }
0x394: {  	v5 =	vmul.f32 v5, v20;
	v0 =	vadd.f32 v6, v0;
	v8 =	vadd.f32 v8, v18  }
0x395: {  	v12 =	vmul.f32 v14, v14;
	v6 =	vadd.f32 v13, v22;
	v2 =	vadd.f32 v20, v2  }
0x396: {  	v1 =	vadd.f32 v19, v1;
	v7 =	vadd.f32 v7, v10;
	v0 =	vmul.f32 v0, v0  }
0x397: {  	v4 =	vadd.f32 v12, v4;
	v5 =	vadd.f32 v5, v6;
	v2 =	vmul.f32 v2, v2  }
0x398: {  	v3 =	vadd.f32 v3, v8;
	v1 =	vmul.f32 v1, v1;
	v0 =	vsub.f32 v0, v7  }
0x399: {  	v4 =	vadd.f32 v23, v4;
	v2 =	vsub.f32 v2, v5;
	v5 =	vmul.f32 v9, v9  }
0x39a: {  	v1 =	vsub.f32 v1, v3;
	v0 =	vmul.f32 $5.000000000e-01, v0  }
0x39b: {  	v2 =	vmul.f32 $5.000000000e-01, v2;
	v3 =	vsub.f32 v5, v4  }
0x39c: {  	[tilespmem:s20+$0x1B700] =	vst v0;
	v0 =	vmul.f32 $5.000000000e-01, v1  }
0x39d: {  	[tilespmem:s20+$0x1B710] =	vst v2;
	v1 =	vmul.f32 $5.000000000e-01, v3  }
0x39e: {  	[tilespmem:s20+$0x1B720] =	vst v0  }
0x39f: {  	[tilespmem:s20+$0x1B730] =	vst v1  }
0x3a0: {  	v0 =	vld [tilespmem:s19+$0x0]  }
0x3a1: {  	v1 =	vld [tilespmem:s19+$0x20]  }
0x3a2: {  	v7 =	vld [tilespmem:s19+$0x30]  }
0x3a3: {  	v8 =	vld [tilespmem:s19+$0xFFFFF800]  }
0x3a4: {  	v12 =	vld [tilespmem:s19+$0xFFFFF820]  }
0x3a5: {  	v9 =	vld [tilespmem:s19+$0xFFFFF830]  }
0x3a6: {  	v13 =	vld [tilespmem:s19+$0xFFFFF810]  }
0x3a7: {  	s2 =	sadd.s32 $0x1000, s19;
	v2 =	vld [tilespmem:s19+$0x10]  }
0x3a8: {  	v6 =	vld [tilespmem:s2+$0x0];
	v18 =	vmul.f32 v0, v0  }
0x3a9: {  	v16 =	vimm.f32 $0.0e+00;
	v3 =	vld [tilespmem:s2+$0x20];
	v4 =	vmul.f32 v7, v7;
	v19 =	vmul.f32 v12, v12  }
0x3aa: {  	v5 =	vld [tilespmem:s2+$0x10];
	v15 =	vmul.f32 v8, v8;
	v14 =	vadd.f32 v9, v16;
	v17 =	vmul.f32 v9, v9  }
0x3ab: {  	v9 =	vld [tilespmem:s2+$0x30];
	v11 =	vadd.f32 v8, v16;
	v20 =	vmul.f32 v13, v13;
	v19 =	vadd.f32 v19, v16  }
0x3ac: {  	v10 =	vadd.f32 v12, v16;
	v8 =	vld [tilespmem:s2+$0xFFFFF800];
	v12 =	vadd.f32 v13, v16;
	v25 =	vmul.f32 v1, v1  }
0x3ad: {  	v23 =	vmul.f32 v2, v2;
	v13 =	vadd.f32 v7, v14;
	v14 =	vld [tilespmem:s2+$0xFFFFF830];
	v24 =	vadd.f32 v15, v16  }
0x3ae: {  	v15 =	vld [tilespmem:s2+$0xFFFFF820];
	v22 =	vadd.f32 v20, v16;
	v21 =	vadd.f32 v17, v16;
	v7 =	vmul.f32 v6, v6  }
0x3af: {  	s0 =	simm.s32 $0x2;
	v17 =	vld [tilespmem:s2+$0xFFFFF810];
	s2 =	sadd.s32 $0x1000, s2;
	v16 =	vadd.f32 v18, v24;
	v18 =	vadd.f32 v25, v19;
	v20 =	vmovc v5;
	v19 =	vmov v3  }
.LBB2_40:
0x3b0: {  	v24 =	vmov v5;
	v25 =	vmov v3  }
0x3b1: {  	s0 =	sadd.s32 $0x2, s0;
	v22 =	vadd.f32 v23, v22;
	v21 =	vadd.f32 v4, v21;
	v4 =	vmul.f32 v9, v9;
	v23 =	vmovc v9;
	v26 =	vld [tilespmem:s2+$0x0]  }
0x3b2: {  	v11 =	vadd.f32 v0, v11;
	v10 =	vadd.f32 v1, v10;
	v0 =	vmovc v6;
	p2 =	slt.u32 s0, $0x18;
	v27 =	vmul.f32 v8, v8;
	v3 =	vld [tilespmem:s2+$0x20]  }
0x3b3: {  	v12 =	vadd.f32 v2, v12;
	v1 =	vmovc v19;
	v29 =	vadd.f32 v14, v13;
	v28 =	vmul.f32 v14, v14;
	v5 =	vld [tilespmem:s2+$0x10]  }
.Ltmp18:
0x3b4: {  	v2 =	vmovc v20;
	v11 =	vadd.f32 v8, v11;
	v10 =	vadd.f32 v15, v10;
	v15 =	vmul.f32 v15, v15;
	v9 =	vld [tilespmem:s2+$0x30];
	(pc) =	sbr.rel @p2 .LBB2_40-.Ltmp18, $4  }
0x3b5: {  	v12 =	vadd.f32 v17, v12;
	v17 =	vmul.f32 v17, v17;
	v13 =	vadd.f32 v23, v29;
	v8 =	vld [tilespmem:s2+$0xFFFFF800]  }
0x3b6: {  	v25 =	vmul.f32 v25, v1;
	v16 =	vadd.f32 v27, v16;
	v18 =	vadd.f32 v15, v18;
	v14 =	vld [tilespmem:s2+$0xFFFFF830];
	v6 =	vmovc v26  }
0x3b7: {  	v21 =	vadd.f32 v28, v21;
	v23 =	vmul.f32 v24, v2;
	v22 =	vadd.f32 v17, v22;
	v15 =	vld [tilespmem:s2+$0xFFFFF820];
	v19 =	vmovc v3  }
0x3b8: {  	v16 =	vadd.f32 v7, v16;
	v7 =	vmul.f32 v26, v6;
	v18 =	vadd.f32 v25, v18;
	v17 =	vld [tilespmem:s2+$0xFFFFF810];
	s2 =	sadd.s32 $0x1000, s2;
	v20 =	vmovc v5  }
0x3b9: {  	v22 =	vadd.f32 v23, v22  }
0x3ba: {  	v51 =	vmul.f32 v9, v9;
	v4 =	vadd.f32 v4, v21;
	v0 =	vadd.f32 v0, v11  }
0x3bb: {  	v1 =	vadd.f32 v1, v10;
	v2 =	vadd.f32 v2, v12;
	v52 =	vmul.f32 v8, v8  }
0x3bc: {  	v3 =	vmul.f32 v3, v19;
	v53 =	vadd.f32 v14, v13;
	v0 =	vadd.f32 v8, v0  }
0x3bd: {  	v54 =	vmul.f32 v14, v14;
	v1 =	vadd.f32 v15, v1;
	v58 =	vadd.f32 v52, v16  }
0x3be: {  	v55 =	vmul.f32 v15, v15;
	v2 =	vadd.f32 v17, v2;
	v57 =	vadd.f32 v9, v53  }
0x3bf: {  	v56 =	vmul.f32 v17, v17;
	v0 =	vadd.f32 v6, v0;
	v4 =	vadd.f32 v54, v4  }
0x3c0: {  	v5 =	vmul.f32 v5, v20;
	v8 =	vadd.f32 v55, v18;
	v7 =	vadd.f32 v7, v58  }
0x3c1: {  	v1 =	vadd.f32 v19, v1;
	v59 =	vadd.f32 v56, v22;
	v0 =	vmul.f32 v0, v0  }
0x3c2: {  	v2 =	vadd.f32 v20, v2;
	v4 =	vadd.f32 v51, v4;
	v60 =	vmul.f32 v57, v57  }
0x3c3: {  	v3 =	vadd.f32 v3, v8;
	v1 =	vmul.f32 v1, v1;
	v0 =	vsub.f32 v0, v7  }
0x3c4: {  	v5 =	vadd.f32 v5, v59;
	v2 =	vmul.f32 v2, v2;
	v61 =	vsub.f32 v60, v4  }
0x3c5: {  	v1 =	vsub.f32 v1, v3;
	v0 =	vmul.f32 $5.000000000e-01, v0  }
0x3c6: {  	v2 =	vsub.f32 v2, v5;
	v63 =	vmul.f32 $5.000000000e-01, v61  }
0x3c7: {  	p2 =	sne.s32 s21, $0x3;
	v62 =	vmul.f32 $5.000000000e-01, v1;
	[tilespmem:s20+$0x1B780] =	vst v0  }
0x3c8: {  	s0 =	sshll.u32 @!p2 s16, $0x8;
	v2 =	vmul.f32 $5.000000000e-01, v2;
	[tilespmem:s20+$0x1B7B0] =	vst v63  }
0x3c9: {  	s0 =	sand.u32 @!p2 $0x400, s0;
	[tilespmem:s20+$0x1B7A0] =	vst v62  }
0x3ca: {  	s2 =	simm.s32 @!p2 $0x0;
	s3 =	simm.s32 @!p2 $0x1B000;
	s0 =	sadd.s32 @!p2 s0, s15;
	[tilespmem:s20+$0x1B790] =	vst v2  }
0x3cb: {  	[hbm4b:s0+s2] =	stream.linear.scatter @!p2 [tilespmem:s3], [sflag:$0x2], $0x2000, $0x38;
	[tilespmem:$0x1D000] =	vst v63  }
0x3cc: {  	s0 =	simm.s32 @!p2 $0x2  }
0x3cd: {  	_ =	swait.ge @!p2 [sflag:s0], $0x2000  }
0x3ce: {  	s16 =	sadd.s32 $0x1, s16;
	[sflag:s0] =	ssyncset.done @!p2 $0x0  }
0x3cf: {  	[sflag:s0] =	ssyncadd.s32 @!p2 $0xFFFFE000;
	p2 =	sne.s32 s16, $0x8  }
.Ltmp19:
0x3d0: {  	_ = 	snop;
	(pc) =	sbr.rel @p2 .LBB2_5-.Ltmp19, $3  }
0x3d1: {  	_ =	sdelay $0x1  }
0x3d2: {  	p0 =	por !p0, !p0  }
0x3d3: {  	s17 =	sadd.s32 $0x10, s17;
	s18 =	sadd.s32 $0x1, s18;
	p1 =	por !p1, !p1  }
0x3d4: {  	s14 =	sadd.s32 $0x1, s14  }
0x3d5: {  	p0 =	sne.s32 s14, $0x4  }
.Ltmp20:
0x3d6: {  	_ = 	snop;
	(pc) =	sbr.rel @p0 .LBB2_2-.Ltmp20, $1  }
0x3d7: {  	_ =	sdelay $0x3  }
0x3d8: {  	s2 =	rddreg [dreg:$0x7]  }
0x3d9: {  	s0 =	rddreg [dreg:$0x6];
	s2 =	sadd.s32 $0x1, s2  }
0x3da: {  	p0 =	sne.s32 s2, s0  }
.Ltmp21:
0x3db: {  	_ = 	snop;
	(pc) =	sbr.rel @p0 .LBB2_1-.Ltmp21, $1  }
0x3dc: {  	_ =	sdelay $0x3  }
0x3dd: {  	_ =	sfence.sel $0x180000  }
0x3de: {  	[bflag:$0x0] =	sbarrier.arrive $0xFFFF  }
0x3df: {  	_ =	strace $0x90000047  }
0x3e0: {  	s0 =	stileid.u32;
	[bflag:$0x2] =	sbarrier.arrive $0xFFFF  }
0x3e1: {  	p0 =	sne.s32 s0, $0x0;
	s0 =	rddreg [dreg:$0x1]  }
0x3e2: {  	s0 =	sadd.s32 @!p0 $0x100000, s0  }
0x3e3: {  	[sflag:s0] =	ssyncadd.tile.s32 @!p0 $0x1;
	_ =	shalt  }
.Lfunc_end2:
_tile_overlayer_lowered:
.L_overlay_start_2:
0x3e4: {  	(tag) =	ssettag $0x2  }
0x3e5: {  	s0 =	rddreg [dreg:$0x0];
	s2 =	stileid.u32  }
0x3e6: {  	s1 =	rddreg [dreg:$0x1];
	p0 =	sne.s32 s2, $0x0  }
0x3e7: {  	s3 =	rddreg [dreg:$0x2];
	[bflag:$0x3] =	sbarrier.arrive $0xFFFF;
	s2 =	simm.s32 @!p0 $0x1C02  }
0x3e8: {  	[timem:s3], [sflag:s2] =	dma.local @!p0 [hbm:s0], s1  }
0x3e9: {  	s0 =	simm.s32 @!p0 $0x2  }
0x3ea: {  	_ =	swait.ge @!p0 [sflag:s0], s1  }
0x3eb: {  	s1 =	ssub.s32 @!p0 $0x0, s1;
	[sflag:s0] =	ssyncset.done @!p0 $0x0  }
0x3ec: {  	[sflag:s0] =	ssyncadd.s32 @!p0 s1  }
0x3ed: {  	[bflag:$0x3] =	sbarrier.arrive $0xFFFF  }
0x3ee: {  	_ =	shalt  }

</sc_bundles>
